<compile_context>
chip_gen: v7x
topology: tpu7x:2x2x1
jax: 0.10.2.dev20260603
libtpu: 0.0.44.dev20260713+nightly
codegen_flags: <defaults>
</compile_context>

<pallas_src>
import functools

import jax
import jax.numpy as jnp
from jax import lax
from jax.experimental import pallas as pl
from jax.experimental.pallas import tpu as pltpu
from jax.experimental.pallas import tpu_sc as plsc

_K = 16
_L = 16
_B, _C, _H, _W = 8, 192, 224, 224
_ROWS = _B * _C
_N = _H * _W
_NW = 32
_RPW = _ROWS // _NW
_NV = _N // _L
_GV = 16
_NG = _NV // _GV
_QC = _N // 4
_NQ = _NG // 4


def _sort_desc(v):
    return plsc.sort_key_val(v, v, descending=True)[0]


def _sort_asc(v):
    return plsc.sort_key_val(v, v, descending=False)[0]


def _merge_topk(t_desc, v):
    return _sort_desc(jnp.maximum(t_desc, _sort_asc(v)))


@functools.partial(
    pl.kernel,
    out_type=jax.ShapeDtypeStruct((_ROWS * _K,), jnp.float32),
    mesh=plsc.VectorSubcoreMesh(core_axis_name="c", subcore_axis_name="s"),
    compiler_params=pltpu.CompilerParams(needs_layout_passes=False),
    scratch_types=[
        pltpu.VMEM((_N,), jnp.float32),
        pltpu.VMEM((_N,), jnp.float32),
        pltpu.VMEM((_NG * _L,), jnp.float32),
        pltpu.VMEM((_NQ * _L,), jnp.float32),
        pltpu.VMEM((_RPW * _K,), jnp.float32),
        pltpu.SemaphoreType.DMA,
        pltpu.SemaphoreType.DMA,
    ],
)
def _topk_rows(x_hbm, out_hbm, buf_a, buf_b, m_ref, m4_ref, out_v, sem_a,
               sem_b):
    cid = lax.axis_index("c")
    sid = lax.axis_index("s")
    wid = sid * 2 + cid
    base = wid * _RPW
    neg = jnp.full((_L,), -jnp.inf, dtype=jnp.float32)

    def issue_row(i, buf, sem):
        for q in range(4):
            pltpu.async_copy(
                x_hbm.at[pl.ds((base + i) * _N + q * _QC, _QC)],
                buf.at[pl.ds(q * _QC, _QC)], sem)

    def process(i, buf, sem, nbuf, nsem):
        @pl.when(i + 1 < _RPW)
        def _():
            issue_row(i + 1, nbuf, nsem)

        for q in range(4):
            pltpu.make_async_copy(
                x_hbm.at[pl.ds((base + i) * _N + q * _QC, _QC)],
                buf.at[pl.ds(q * _QC, _QC)], sem).wait()

        @plsc.parallel_loop(0, _NQ, 1, unroll=2, carry=(neg, neg, neg, neg))
        def ph_a(qd, carry):
            q0, q1, q2, q3 = carry
            ms = []
            for k in range(4):
                b0 = (qd * 4 + k) * (_GV * _L)
                v = [buf[pl.ds(b0 + j * _L, _L)] for j in range(_GV)]
                a0 = jnp.maximum(jnp.maximum(v[0], v[1]),
                                 jnp.maximum(v[2], v[3]))
                a1 = jnp.maximum(jnp.maximum(v[4], v[5]),
                                 jnp.maximum(v[6], v[7]))
                a2 = jnp.maximum(jnp.maximum(v[8], v[9]),
                                 jnp.maximum(v[10], v[11]))
                a3 = jnp.maximum(jnp.maximum(v[12], v[13]),
                                 jnp.maximum(v[14], v[15]))
                m = jnp.maximum(jnp.maximum(a0, a1), jnp.maximum(a2, a3))
                m_ref[pl.ds((qd * 4 + k) * _L, _L)] = m
                ms.append(m)
                q0 = jnp.maximum(q0, a0)
                q1 = jnp.maximum(q1, a1)
                q2 = jnp.maximum(q2, a2)
                q3 = jnp.maximum(q3, a3)
            m4_ref[pl.ds(qd * _L, _L)] = jnp.maximum(
                jnp.maximum(ms[0], ms[1]), jnp.maximum(ms[2], ms[3]))
            return (q0, q1, q2, q3)

        q0, q1, q2, q3 = ph_a

        t_acc = _sort_desc(q0)
        t_acc = _merge_topk(t_acc, q1)
        t_acc = _merge_topk(t_acc, q2)
        t_acc = _merge_topk(t_acc, q3)
        t0 = jnp.min(t_acc)

        def merge_group(goff, t_in):
            t = t_in
            for j in range(_GV):
                t = _merge_topk(t, buf[pl.ds(goff + j * _L, _L)])
            return t

        def ph_b(qd, t_run):
            m4 = m4_ref[pl.ds(qd * _L, _L)]

            def scan_quad(t_in):
                t = t_in
                for k in range(4):
                    mv = m_ref[pl.ds(qd * (4 * _L) + k * _L, _L)]
                    t = lax.cond(
                        jnp.any(mv >= t0),
                        lambda tt, kk=k: merge_group(
                            qd * (4 * _GV * _L) + kk * (_GV * _L), tt),
                        lambda tt: tt,
                        t)
                return t

            return lax.cond(jnp.any(m4 >= t0), scan_quad, lambda tt: tt,
                            t_run)

        top = lax.fori_loop(0, _NQ, ph_b, neg)
        out_v[pl.ds(i * _K, _K)] = top

    def pair_body(p, carry):
        process(2 * p, buf_a, sem_a, buf_b, sem_b)
        process(2 * p + 1, buf_b, sem_b, buf_a, sem_a)
        return carry

    issue_row(0, buf_a, sem_a)
    lax.fori_loop(0, _RPW // 2, pair_body, 0)

    pltpu.sync_copy(out_v, out_hbm.at[pl.ds(base * _K, _RPW * _K)])


def kernel(x):
    b, c, h, w = x.shape
    out = _topk_rows(x.reshape(b * c * h * w))
    return out.reshape(b, c, _K)

# --- scband reference (transcript-rebuilt; emitter-appended) ---
"""Pipeline reference for scband-top-kpooling-20796231647786 (READ-ONLY COPY).

The authoritative reference and input builder live on the scoring server;
editing this copy changes nothing except your own understanding.
"""

import jax, jax.numpy as jnp
import numpy as np

K = 16

def setup_inputs(seed: int = 0) -> dict:
    key = jax.random.key(seed)
    x = jax.random.normal(key, (8, 192, 224, 224), dtype=jnp.float32)
    return {"x": x}

def reference(x):
    b, c, h, w = x.shape
    x_flat = x.reshape(b, c, h * w)
    # descending=True -> largest=True -> lax.top_k (returns sorted descending)
    topk_values, topk_indices = jax.lax.top_k(x_flat, K)
    # dropout=False and eval mode: no rank-based dropout applied
    return topk_values

if __name__ == "__main__":
    import jax
    _d = setup_inputs()
    print(jax.jit(kernel)(*tuple(_d.values())))

</pallas_src>

<mosaic_0001>
#map = affine_map<(d0, d1) -> (0)>
module attributes {stable_mosaic.version = 14 : i64} {
  func.func @_topk_rows(%arg0: i32, %arg1: i32, %arg2: memref<77070336xf32, #tpu.memory_space<hbm>>, %arg3: memref<24576xf32, #tpu.memory_space<hbm>>, %arg4: memref<50176xf32, #tpu.memory_space<vmem>>, %arg5: memref<50176xf32, #tpu.memory_space<vmem>>, %arg6: memref<3136xf32, #tpu.memory_space<vmem>>, %arg7: memref<784xf32, #tpu.memory_space<vmem>>, %arg8: memref<768xf32, #tpu.memory_space<vmem>>, %arg9: memref<!tpu.dma_semaphore, #tpu.memory_space<semaphore_mem>>, %arg10: memref<!tpu.dma_semaphore, #tpu.memory_space<semaphore_mem>>) attributes {dimension_semantics = [#tpu.dimension_semantics<core_parallel>, #tpu.dimension_semantics<subcore_parallel>], iteration_bounds = array<i64: 2, 16>, scalar_prefetch = 0 : i64, scratch_operands = 7 : i64, tpu.core_type = #tpu.core_type<sc_vector_subcore>, window_params = [{transform_indices = #map}, {transform_indices = #map}]} {
    %mul3A = arith.constant 2 : i32
    %mul3A_0 = arith.muli %arg1, %mul3A : i32
    %add3A = arith.addi %mul3A_0, %arg0 : i32
    %mul3A_1 = arith.constant 48 : i32
    %mul3A_2 = arith.muli %add3A, %mul3A_1 : i32
    %broadcast_in_dim3A = arith.constant 0xFF800000 : f32
    %broadcast_in_dim3A_3 = vector.broadcast %broadcast_in_dim3A : f32 to vector<16xf32>
    %add3A_4 = arith.constant 0 : i32
    %add3A_5 = arith.addi %mul3A_2, %add3A_4 : i32
    %mul3A_6 = arith.constant 50176 : i32
    %mul3A_7 = arith.muli %add3A_5, %mul3A_6 : i32
    %add3A_8 = arith.constant 0 : i32
    %add3A_9 = arith.addi %mul3A_7, %add3A_8 : i32
    %dma_start3A = arith.constant 0 : i32
    %dma_start3A_10 = tpu.memref_slice %arg4[%dma_start3A] : memref<50176xf32, #tpu.memory_space<vmem>> -> memref<12544xf32, #tpu.memory_space<vmem>>
    %dma_start3A_11 = tpu.memref_slice %arg2[%add3A_9] : memref<77070336xf32, #tpu.memory_space<hbm>> -> memref<12544xf32, #tpu.memory_space<hbm>>
    %dma_start3A_12 = arith.constant 0 : i32
    %dma_start3A_13 = tpu.memref_slice %arg4[%dma_start3A_12] : memref<50176xf32, #tpu.memory_space<vmem>> -> memref<12544xf32, #tpu.memory_space<vmem>>
    %dma_start3A_14 = tpu.memref_slice %arg2[%add3A_9] : memref<77070336xf32, #tpu.memory_space<hbm>> -> memref<12544xf32, #tpu.memory_space<hbm>>
    tpu.enqueue_dma source(%dma_start3A_14 : memref<12544xf32, #tpu.memory_space<hbm>>) target(%dma_start3A_13 : memref<12544xf32, #tpu.memory_space<vmem>>) target_semaphore(%arg9 : memref<!tpu.dma_semaphore, #tpu.memory_space<semaphore_mem>>)
    %add3A_15 = arith.constant 0 : i32
    %add3A_16 = arith.addi %mul3A_2, %add3A_15 : i32
    %mul3A_17 = arith.constant 50176 : i32
    %mul3A_18 = arith.muli %add3A_16, %mul3A_17 : i32
    %add3A_19 = arith.constant 12544 : i32
    %add3A_20 = arith.addi %mul3A_18, %add3A_19 : i32
    %dma_start3A_21 = arith.constant 12544 : i32
    %dma_start3A_22 = tpu.memref_slice %arg4[%dma_start3A_21] : memref<50176xf32, #tpu.memory_space<vmem>> -> memref<12544xf32, #tpu.memory_space<vmem>>
    %dma_start3A_23 = tpu.memref_slice %arg2[%add3A_20] : memref<77070336xf32, #tpu.memory_space<hbm>> -> memref<12544xf32, #tpu.memory_space<hbm>>
    %dma_start3A_24 = arith.constant 12544 : i32
    %dma_start3A_25 = tpu.memref_slice %arg4[%dma_start3A_24] : memref<50176xf32, #tpu.memory_space<vmem>> -> memref<12544xf32, #tpu.memory_space<vmem>>
    %dma_start3A_26 = tpu.memref_slice %arg2[%add3A_20] : memref<77070336xf32, #tpu.memory_space<hbm>> -> memref<12544xf32, #tpu.memory_space<hbm>>
    tpu.enqueue_dma source(%dma_start3A_26 : memref<12544xf32, #tpu.memory_space<hbm>>) target(%dma_start3A_25 : memref<12544xf32, #tpu.memory_space<vmem>>) target_semaphore(%arg9 : memref<!tpu.dma_semaphore, #tpu.memory_space<semaphore_mem>>)
    %add3A_27 = arith.constant 0 : i32
    %add3A_28 = arith.addi %mul3A_2, %add3A_27 : i32
    %mul3A_29 = arith.constant 50176 : i32
    %mul3A_30 = arith.muli %add3A_28, %mul3A_29 : i32
    %add3A_31 = arith.constant 25088 : i32
    %add3A_32 = arith.addi %mul3A_30, %add3A_31 : i32
    %dma_start3A_33 = arith.constant 25088 : i32
    %dma_start3A_34 = tpu.memref_slice %arg4[%dma_start3A_33] : memref<50176xf32, #tpu.memory_space<vmem>> -> memref<12544xf32, #tpu.memory_space<vmem>>
    %dma_start3A_35 = tpu.memref_slice %arg2[%add3A_32] : memref<77070336xf32, #tpu.memory_space<hbm>> -> memref<12544xf32, #tpu.memory_space<hbm>>
    %dma_start3A_36 = arith.constant 25088 : i32
    %dma_start3A_37 = tpu.memref_slice %arg4[%dma_start3A_36] : memref<50176xf32, #tpu.memory_space<vmem>> -> memref<12544xf32, #tpu.memory_space<vmem>>
    %dma_start3A_38 = tpu.memref_slice %arg2[%add3A_32] : memref<77070336xf32, #tpu.memory_space<hbm>> -> memref<12544xf32, #tpu.memory_space<hbm>>
    tpu.enqueue_dma source(%dma_start3A_38 : memref<12544xf32, #tpu.memory_space<hbm>>) target(%dma_start3A_37 : memref<12544xf32, #tpu.memory_space<vmem>>) target_semaphore(%arg9 : memref<!tpu.dma_semaphore, #tpu.memory_space<semaphore_mem>>)
    %add3A_39 = arith.constant 0 : i32
    %add3A_40 = arith.addi %mul3A_2, %add3A_39 : i32
    %mul3A_41 = arith.constant 50176 : i32
    %mul3A_42 = arith.muli %add3A_40, %mul3A_41 : i32
    %add3A_43 = arith.constant 37632 : i32
    %add3A_44 = arith.addi %mul3A_42, %add3A_43 : i32
    %dma_start3A_45 = arith.constant 37632 : i32
    %dma_start3A_46 = tpu.memref_slice %arg4[%dma_start3A_45] : memref<50176xf32, #tpu.memory_space<vmem>> -> memref<12544xf32, #tpu.memory_space<vmem>>
    %dma_start3A_47 = tpu.memref_slice %arg2[%add3A_44] : memref<77070336xf32, #tpu.memory_space<hbm>> -> memref<12544xf32, #tpu.memory_space<hbm>>
    %dma_start3A_48 = arith.constant 37632 : i32
    %dma_start3A_49 = tpu.memref_slice %arg4[%dma_start3A_48] : memref<50176xf32, #tpu.memory_space<vmem>> -> memref<12544xf32, #tpu.memory_space<vmem>>
    %dma_start3A_50 = tpu.memref_slice %arg2[%add3A_44] : memref<77070336xf32, #tpu.memory_space<hbm>> -> memref<12544xf32, #tpu.memory_space<hbm>>
    tpu.enqueue_dma source(%dma_start3A_50 : memref<12544xf32, #tpu.memory_space<hbm>>) target(%dma_start3A_49 : memref<12544xf32, #tpu.memory_space<vmem>>) target_semaphore(%arg9 : memref<!tpu.dma_semaphore, #tpu.memory_space<semaphore_mem>>)
    %scan3A = arith.constant 0 : i32
    %scan3A_51 = arith.constant 0 : i32
    %scan3A_52 = arith.constant 24 : i32
    %scan3A_53 = arith.addi %scan3A_51, %scan3A_52 : i32
    %scan3A_54 = arith.constant 1 : i32
    scf.for %scan3A_58 = %scan3A_51 to %scan3A_53 step %scan3A_54  : i32 {
      %mul3A_59 = arith.constant 2 : i32
      %mul3A_60 = arith.muli %mul3A_59, %scan3A_58 : i32
      %add3A_61 = arith.constant 1 : i32
      %add3A_62 = arith.addi %mul3A_60, %add3A_61 : i32
      %lt3A = arith.constant 48 : i32
      %lt3A_63 = arith.cmpi slt, %add3A_62, %lt3A : i32
      %convert_element_type3A = arith.extui %lt3A_63 : i1 to i32
      %cond3A = arith.constant 0 : i32
      %cond3A_64 = arith.cmpi ne, %convert_element_type3A, %cond3A : i32
      scf.if %cond3A_64 {
        %add3A_256 = arith.constant 1 : i32
        %add3A_257 = arith.addi %mul3A_60, %add3A_256 : i32
        %add3A_258 = arith.addi %mul3A_2, %add3A_257 : i32
        %mul3A_259 = arith.constant 50176 : i32
        %mul3A_260 = arith.muli %add3A_258, %mul3A_259 : i32
        %add3A_261 = arith.constant 0 : i32
        %add3A_262 = arith.addi %mul3A_260, %add3A_261 : i32
        %dma_start3A_263 = arith.constant 0 : i32
        %dma_start3A_264 = tpu.memref_slice %arg5[%dma_start3A_263] : memref<50176xf32, #tpu.memory_space<vmem>> -> memref<12544xf32, #tpu.memory_space<vmem>>
        %dma_start3A_265 = tpu.memref_slice %arg2[%add3A_262] : memref<77070336xf32, #tpu.memory_space<hbm>> -> memref<12544xf32, #tpu.memory_space<hbm>>
        %dma_start3A_266 = arith.constant 0 : i32
        %dma_start3A_267 = tpu.memref_slice %arg5[%dma_start3A_266] : memref<50176xf32, #tpu.memory_space<vmem>> -> memref<12544xf32, #tpu.memory_space<vmem>>
        %dma_start3A_268 = tpu.memref_slice %arg2[%add3A_262] : memref<77070336xf32, #tpu.memory_space<hbm>> -> memref<12544xf32, #tpu.memory_space<hbm>>
        tpu.enqueue_dma source(%dma_start3A_268 : memref<12544xf32, #tpu.memory_space<hbm>>) target(%dma_start3A_267 : memref<12544xf32, #tpu.memory_space<vmem>>) target_semaphore(%arg10 : memref<!tpu.dma_semaphore, #tpu.memory_space<semaphore_mem>>)
        %add3A_269 = arith.addi %mul3A_2, %add3A_257 : i32
        %mul3A_270 = arith.constant 50176 : i32
        %mul3A_271 = arith.muli %add3A_269, %mul3A_270 : i32
        %add3A_272 = arith.constant 12544 : i32
        %add3A_273 = arith.addi %mul3A_271, %add3A_272 : i32
        %dma_start3A_274 = arith.constant 12544 : i32
        %dma_start3A_275 = tpu.memref_slice %arg5[%dma_start3A_274] : memref<50176xf32, #tpu.memory_space<vmem>> -> memref<12544xf32, #tpu.memory_space<vmem>>
        %dma_start3A_276 = tpu.memref_slice %arg2[%add3A_273] : memref<77070336xf32, #tpu.memory_space<hbm>> -> memref<12544xf32, #tpu.memory_space<hbm>>
        %dma_start3A_277 = arith.constant 12544 : i32
        %dma_start3A_278 = tpu.memref_slice %arg5[%dma_start3A_277] : memref<50176xf32, #tpu.memory_space<vmem>> -> memref<12544xf32, #tpu.memory_space<vmem>>
        %dma_start3A_279 = tpu.memref_slice %arg2[%add3A_273] : memref<77070336xf32, #tpu.memory_space<hbm>> -> memref<12544xf32, #tpu.memory_space<hbm>>
        tpu.enqueue_dma source(%dma_start3A_279 : memref<12544xf32, #tpu.memory_space<hbm>>) target(%dma_start3A_278 : memref<12544xf32, #tpu.memory_space<vmem>>) target_semaphore(%arg10 : memref<!tpu.dma_semaphore, #tpu.memory_space<semaphore_mem>>)
        %add3A_280 = arith.addi %mul3A_2, %add3A_257 : i32
        %mul3A_281 = arith.constant 50176 : i32
        %mul3A_282 = arith.muli %add3A_280, %mul3A_281 : i32
        %add3A_283 = arith.constant 25088 : i32
        %add3A_284 = arith.addi %mul3A_282, %add3A_283 : i32
        %dma_start3A_285 = arith.constant 25088 : i32
        %dma_start3A_286 = tpu.memref_slice %arg5[%dma_start3A_285] : memref<50176xf32, #tpu.memory_space<vmem>> -> memref<12544xf32, #tpu.memory_space<vmem>>
        %dma_start3A_287 = tpu.memref_slice %arg2[%add3A_284] : memref<77070336xf32, #tpu.memory_space<hbm>> -> memref<12544xf32, #tpu.memory_space<hbm>>
        %dma_start3A_288 = arith.constant 25088 : i32
        %dma_start3A_289 = tpu.memref_slice %arg5[%dma_start3A_288] : memref<50176xf32, #tpu.memory_space<vmem>> -> memref<12544xf32, #tpu.memory_space<vmem>>
        %dma_start3A_290 = tpu.memref_slice %arg2[%add3A_284] : memref<77070336xf32, #tpu.memory_space<hbm>> -> memref<12544xf32, #tpu.memory_space<hbm>>
        tpu.enqueue_dma source(%dma_start3A_290 : memref<12544xf32, #tpu.memory_space<hbm>>) target(%dma_start3A_289 : memref<12544xf32, #tpu.memory_space<vmem>>) target_semaphore(%arg10 : memref<!tpu.dma_semaphore, #tpu.memory_space<semaphore_mem>>)
        %add3A_291 = arith.addi %mul3A_2, %add3A_257 : i32
        %mul3A_292 = arith.constant 50176 : i32
        %mul3A_293 = arith.muli %add3A_291, %mul3A_292 : i32
        %add3A_294 = arith.constant 37632 : i32
        %add3A_295 = arith.addi %mul3A_293, %add3A_294 : i32
        %dma_start3A_296 = arith.constant 37632 : i32
        %dma_start3A_297 = tpu.memref_slice %arg5[%dma_start3A_296] : memref<50176xf32, #tpu.memory_space<vmem>> -> memref<12544xf32, #tpu.memory_space<vmem>>
        %dma_start3A_298 = tpu.memref_slice %arg2[%add3A_295] : memref<77070336xf32, #tpu.memory_space<hbm>> -> memref<12544xf32, #tpu.memory_space<hbm>>
        %dma_start3A_299 = arith.constant 37632 : i32
        %dma_start3A_300 = tpu.memref_slice %arg5[%dma_start3A_299] : memref<50176xf32, #tpu.memory_space<vmem>> -> memref<12544xf32, #tpu.memory_space<vmem>>
        %dma_start3A_301 = tpu.memref_slice %arg2[%add3A_295] : memref<77070336xf32, #tpu.memory_space<hbm>> -> memref<12544xf32, #tpu.memory_space<hbm>>
        tpu.enqueue_dma source(%dma_start3A_301 : memref<12544xf32, #tpu.memory_space<hbm>>) target(%dma_start3A_300 : memref<12544xf32, #tpu.memory_space<vmem>>) target_semaphore(%arg10 : memref<!tpu.dma_semaphore, #tpu.memory_space<semaphore_mem>>)
      } else {
      }
      %add3A_65 = arith.addi %mul3A_2, %mul3A_60 : i32
      %mul3A_66 = arith.constant 50176 : i32
      %mul3A_67 = arith.muli %add3A_65, %mul3A_66 : i32
      %add3A_68 = arith.constant 0 : i32
      %add3A_69 = arith.addi %mul3A_67, %add3A_68 : i32
      %dma_wait3A = arith.constant 0 : i32
      %dma_wait3A_70 = tpu.memref_slice %arg4[%dma_wait3A] : memref<50176xf32, #tpu.memory_space<vmem>> -> memref<12544xf32, #tpu.memory_space<vmem>>
      %dma_wait3A_71 = tpu.memref_slice %arg2[%add3A_69] : memref<77070336xf32, #tpu.memory_space<hbm>> -> memref<12544xf32, #tpu.memory_space<hbm>>
      %dma_wait3A_72 = arith.constant 0 : i32
      %dma_wait3A_73 = tpu.memref_slice %arg4[%dma_wait3A_72] : memref<50176xf32, #tpu.memory_space<vmem>> -> memref<12544xf32, #tpu.memory_space<vmem>>
      %dma_wait3A_74 = tpu.memref_slice %arg2[%add3A_69] : memref<77070336xf32, #tpu.memory_space<hbm>> -> memref<12544xf32, #tpu.memory_space<hbm>>
      tpu.wait_dma2 semaphore(%arg9 : memref<!tpu.dma_semaphore, #tpu.memory_space<semaphore_mem>>) src(%dma_wait3A_74 : memref<12544xf32, #tpu.memory_space<hbm>>) dst(%dma_wait3A_73 : memref<12544xf32, #tpu.memory_space<vmem>>)
      %add3A_75 = arith.addi %mul3A_2, %mul3A_60 : i32
      %mul3A_76 = arith.constant 50176 : i32
      %mul3A_77 = arith.muli %add3A_75, %mul3A_76 : i32
      %add3A_78 = arith.constant 12544 : i32
      %add3A_79 = arith.addi %mul3A_77, %add3A_78 : i32
      %dma_wait3A_80 = arith.constant 12544 : i32
      %dma_wait3A_81 = tpu.memref_slice %arg4[%dma_wait3A_80] : memref<50176xf32, #tpu.memory_space<vmem>> -> memref<12544xf32, #tpu.memory_space<vmem>>
      %dma_wait3A_82 = tpu.memref_slice %arg2[%add3A_79] : memref<77070336xf32, #tpu.memory_space<hbm>> -> memref<12544xf32, #tpu.memory_space<hbm>>
      %dma_wait3A_83 = arith.constant 12544 : i32
      %dma_wait3A_84 = tpu.memref_slice %arg4[%dma_wait3A_83] : memref<50176xf32, #tpu.memory_space<vmem>> -> memref<12544xf32, #tpu.memory_space<vmem>>
      %dma_wait3A_85 = tpu.memref_slice %arg2[%add3A_79] : memref<77070336xf32, #tpu.memory_space<hbm>> -> memref<12544xf32, #tpu.memory_space<hbm>>
      tpu.wait_dma2 semaphore(%arg9 : memref<!tpu.dma_semaphore, #tpu.memory_space<semaphore_mem>>) src(%dma_wait3A_85 : memref<12544xf32, #tpu.memory_space<hbm>>) dst(%dma_wait3A_84 : memref<12544xf32, #tpu.memory_space<vmem>>)
      %add3A_86 = arith.addi %mul3A_2, %mul3A_60 : i32
      %mul3A_87 = arith.constant 50176 : i32
      %mul3A_88 = arith.muli %add3A_86, %mul3A_87 : i32
      %add3A_89 = arith.constant 25088 : i32
      %add3A_90 = arith.addi %mul3A_88, %add3A_89 : i32
      %dma_wait3A_91 = arith.constant 25088 : i32
      %dma_wait3A_92 = tpu.memref_slice %arg4[%dma_wait3A_91] : memref<50176xf32, #tpu.memory_space<vmem>> -> memref<12544xf32, #tpu.memory_space<vmem>>
      %dma_wait3A_93 = tpu.memref_slice %arg2[%add3A_90] : memref<77070336xf32, #tpu.memory_space<hbm>> -> memref<12544xf32, #tpu.memory_space<hbm>>
      %dma_wait3A_94 = arith.constant 25088 : i32
      %dma_wait3A_95 = tpu.memref_slice %arg4[%dma_wait3A_94] : memref<50176xf32, #tpu.memory_space<vmem>> -> memref<12544xf32, #tpu.memory_space<vmem>>
      %dma_wait3A_96 = tpu.memref_slice %arg2[%add3A_90] : memref<77070336xf32, #tpu.memory_space<hbm>> -> memref<12544xf32, #tpu.memory_space<hbm>>
      tpu.wait_dma2 semaphore(%arg9 : memref<!tpu.dma_semaphore, #tpu.memory_space<semaphore_mem>>) src(%dma_wait3A_96 : memref<12544xf32, #tpu.memory_space<hbm>>) dst(%dma_wait3A_95 : memref<12544xf32, #tpu.memory_space<vmem>>)
      %add3A_97 = arith.addi %mul3A_2, %mul3A_60 : i32
      %mul3A_98 = arith.constant 50176 : i32
      %mul3A_99 = arith.muli %add3A_97, %mul3A_98 : i32
      %add3A_100 = arith.constant 37632 : i32
      %add3A_101 = arith.addi %mul3A_99, %add3A_100 : i32
      %dma_wait3A_102 = arith.constant 37632 : i32
      %dma_wait3A_103 = tpu.memref_slice %arg4[%dma_wait3A_102] : memref<50176xf32, #tpu.memory_space<vmem>> -> memref<12544xf32, #tpu.memory_space<vmem>>
      %dma_wait3A_104 = tpu.memref_slice %arg2[%add3A_101] : memref<77070336xf32, #tpu.memory_space<hbm>> -> memref<12544xf32, #tpu.memory_space<hbm>>
      %dma_wait3A_105 = arith.constant 37632 : i32
      %dma_wait3A_106 = tpu.memref_slice %arg4[%dma_wait3A_105] : memref<50176xf32, #tpu.memory_space<vmem>> -> memref<12544xf32, #tpu.memory_space<vmem>>
      %dma_wait3A_107 = tpu.memref_slice %arg2[%add3A_101] : memref<77070336xf32, #tpu.memory_space<hbm>> -> memref<12544xf32, #tpu.memory_space<hbm>>
      tpu.wait_dma2 semaphore(%arg9 : memref<!tpu.dma_semaphore, #tpu.memory_space<semaphore_mem>>) src(%dma_wait3A_107 : memref<12544xf32, #tpu.memory_space<hbm>>) dst(%dma_wait3A_106 : memref<12544xf32, #tpu.memory_space<vmem>>)
      %parallel_loop3A = arith.constant 0 : i32
      %parallel_loop3A_108 = arith.constant 49 : i32
      %parallel_loop3A_109 = arith.constant 1 : i32
      %parallel_loop3A_110:4 = scf.for %parallel_loop3A_256 = %parallel_loop3A to %parallel_loop3A_108 step %parallel_loop3A_109 iter_args(%parallel_loop3A_257 = %broadcast_in_dim3A_3, %parallel_loop3A_258 = %broadcast_in_dim3A_3, %parallel_loop3A_259 = %broadcast_in_dim3A_3, %parallel_loop3A_260 = %broadcast_in_dim3A_3) -> (vector<16xf32>, vector<16xf32>, vector<16xf32>, vector<16xf32>)  : i32 {
        %parallel_loop3A_261 = arith.constant 4 : i32
        %parallel_loop3A_262 = arith.muli %parallel_loop3A_256, %parallel_loop3A_261 : i32
        %parallel_loop3A_263 = arith.constant 0 : i32
        %parallel_loop3A_264 = arith.addi %parallel_loop3A_262, %parallel_loop3A_263 : i32
        %parallel_loop3A_265 = arith.constant 256 : i32
        %parallel_loop3A_266 = arith.muli %parallel_loop3A_264, %parallel_loop3A_265 : i32
        %parallel_loop3A_267 = arith.constant 0 : i32
        %parallel_loop3A_268 = arith.addi %parallel_loop3A_266, %parallel_loop3A_267 : i32
        %parallel_loop3A_269 = arith.index_cast %parallel_loop3A_268 : i32 to index
        %parallel_loop3A_270 = tpu.vector_load %arg4[%parallel_loop3A_269] {strides = array<i32>} : memref<50176xf32, #tpu.memory_space<vmem>>, vector<16xf32>,
        %parallel_loop3A_271 = arith.constant 16 : i32
        %parallel_loop3A_272 = arith.addi %parallel_loop3A_266, %parallel_loop3A_271 : i32
        %parallel_loop3A_273 = arith.index_cast %parallel_loop3A_272 : i32 to index
        %parallel_loop3A_274 = tpu.vector_load %arg4[%parallel_loop3A_273] {strides = array<i32>} : memref<50176xf32, #tpu.memory_space<vmem>>, vector<16xf32>,
        %parallel_loop3A_275 = arith.constant 32 : i32
        %parallel_loop3A_276 = arith.addi %parallel_loop3A_266, %parallel_loop3A_275 : i32
        %parallel_loop3A_277 = arith.index_cast %parallel_loop3A_276 : i32 to index
        %parallel_loop3A_278 = tpu.vector_load %arg4[%parallel_loop3A_277] {strides = array<i32>} : memref<50176xf32, #tpu.memory_space<vmem>>, vector<16xf32>,
        %parallel_loop3A_279 = arith.constant 48 : i32
        %parallel_loop3A_280 = arith.addi %parallel_loop3A_266, %parallel_loop3A_279 : i32
        %parallel_loop3A_281 = arith.index_cast %parallel_loop3A_280 : i32 to index
        %parallel_loop3A_282 = tpu.vector_load %arg4[%parallel_loop3A_281] {strides = array<i32>} : memref<50176xf32, #tpu.memory_space<vmem>>, vector<16xf32>,
        %parallel_loop3A_283 = arith.constant 64 : i32
        %parallel_loop3A_284 = arith.addi %parallel_loop3A_266, %parallel_loop3A_283 : i32
        %parallel_loop3A_285 = arith.index_cast %parallel_loop3A_284 : i32 to index
        %parallel_loop3A_286 = tpu.vector_load %arg4[%parallel_loop3A_285] {strides = array<i32>} : memref<50176xf32, #tpu.memory_space<vmem>>, vector<16xf32>,
        %parallel_loop3A_287 = arith.constant 80 : i32
        %parallel_loop3A_288 = arith.addi %parallel_loop3A_266, %parallel_loop3A_287 : i32
        %parallel_loop3A_289 = arith.index_cast %parallel_loop3A_288 : i32 to index
        %parallel_loop3A_290 = tpu.vector_load %arg4[%parallel_loop3A_289] {strides = array<i32>} : memref<50176xf32, #tpu.memory_space<vmem>>, vector<16xf32>,
        %parallel_loop3A_291 = arith.constant 96 : i32
        %parallel_loop3A_292 = arith.addi %parallel_loop3A_266, %parallel_loop3A_291 : i32
        %parallel_loop3A_293 = arith.index_cast %parallel_loop3A_292 : i32 to index
        %parallel_loop3A_294 = tpu.vector_load %arg4[%parallel_loop3A_293] {strides = array<i32>} : memref<50176xf32, #tpu.memory_space<vmem>>, vector<16xf32>,
        %parallel_loop3A_295 = arith.constant 112 : i32
        %parallel_loop3A_296 = arith.addi %parallel_loop3A_266, %parallel_loop3A_295 : i32
        %parallel_loop3A_297 = arith.index_cast %parallel_loop3A_296 : i32 to index
        %parallel_loop3A_298 = tpu.vector_load %arg4[%parallel_loop3A_297] {strides = array<i32>} : memref<50176xf32, #tpu.memory_space<vmem>>, vector<16xf32>,
        %parallel_loop3A_299 = arith.constant 128 : i32
        %parallel_loop3A_300 = arith.addi %parallel_loop3A_266, %parallel_loop3A_299 : i32
        %parallel_loop3A_301 = arith.index_cast %parallel_loop3A_300 : i32 to index
        %parallel_loop3A_302 = tpu.vector_load %arg4[%parallel_loop3A_301] {strides = array<i32>} : memref<50176xf32, #tpu.memory_space<vmem>>, vector<16xf32>,
        %parallel_loop3A_303 = arith.constant 144 : i32
        %parallel_loop3A_304 = arith.addi %parallel_loop3A_266, %parallel_loop3A_303 : i32
        %parallel_loop3A_305 = arith.index_cast %parallel_loop3A_304 : i32 to index
        %parallel_loop3A_306 = tpu.vector_load %arg4[%parallel_loop3A_305] {strides = array<i32>} : memref<50176xf32, #tpu.memory_space<vmem>>, vector<16xf32>,
        %parallel_loop3A_307 = arith.constant 160 : i32
        %parallel_loop3A_308 = arith.addi %parallel_loop3A_266, %parallel_loop3A_307 : i32
        %parallel_loop3A_309 = arith.index_cast %parallel_loop3A_308 : i32 to index
        %parallel_loop3A_310 = tpu.vector_load %arg4[%parallel_loop3A_309] {strides = array<i32>} : memref<50176xf32, #tpu.memory_space<vmem>>, vector<16xf32>,
        %parallel_loop3A_311 = arith.constant 176 : i32
        %parallel_loop3A_312 = arith.addi %parallel_loop3A_266, %parallel_loop3A_311 : i32
        %parallel_loop3A_313 = arith.index_cast %parallel_loop3A_312 : i32 to index
        %parallel_loop3A_314 = tpu.vector_load %arg4[%parallel_loop3A_313] {strides = array<i32>} : memref<50176xf32, #tpu.memory_space<vmem>>, vector<16xf32>,
        %parallel_loop3A_315 = arith.constant 192 : i32
        %parallel_loop3A_316 = arith.addi %parallel_loop3A_266, %parallel_loop3A_315 : i32
        %parallel_loop3A_317 = arith.index_cast %parallel_loop3A_316 : i32 to index
        %parallel_loop3A_318 = tpu.vector_load %arg4[%parallel_loop3A_317] {strides = array<i32>} : memref<50176xf32, #tpu.memory_space<vmem>>, vector<16xf32>,
        %parallel_loop3A_319 = arith.constant 208 : i32
        %parallel_loop3A_320 = arith.addi %parallel_loop3A_266, %parallel_loop3A_319 : i32
        %parallel_loop3A_321 = arith.index_cast %parallel_loop3A_320 : i32 to index
        %parallel_loop3A_322 = tpu.vector_load %arg4[%parallel_loop3A_321] {strides = array<i32>} : memref<50176xf32, #tpu.memory_space<vmem>>, vector<16xf32>,
        %parallel_loop3A_323 = arith.constant 224 : i32
        %parallel_loop3A_324 = arith.addi %parallel_loop3A_266, %parallel_loop3A_323 : i32
        %parallel_loop3A_325 = arith.index_cast %parallel_loop3A_324 : i32 to index
        %parallel_loop3A_326 = tpu.vector_load %arg4[%parallel_loop3A_325] {strides = array<i32>} : memref<50176xf32, #tpu.memory_space<vmem>>, vector<16xf32>,
        %parallel_loop3A_327 = arith.constant 240 : i32
        %parallel_loop3A_328 = arith.addi %parallel_loop3A_266, %parallel_loop3A_327 : i32
        %parallel_loop3A_329 = arith.index_cast %parallel_loop3A_328 : i32 to index
        %parallel_loop3A_330 = tpu.vector_load %arg4[%parallel_loop3A_329] {strides = array<i32>} : memref<50176xf32, #tpu.memory_space<vmem>>, vector<16xf32>,
        %parallel_loop3A_331 = arith.maximumf %parallel_loop3A_270, %parallel_loop3A_274 : vector<16xf32>
        %parallel_loop3A_332 = arith.maximumf %parallel_loop3A_278, %parallel_loop3A_282 : vector<16xf32>
        %parallel_loop3A_333 = arith.maximumf %parallel_loop3A_331, %parallel_loop3A_332 : vector<16xf32>
        %parallel_loop3A_334 = arith.maximumf %parallel_loop3A_286, %parallel_loop3A_290 : vector<16xf32>
        %parallel_loop3A_335 = arith.maximumf %parallel_loop3A_294, %parallel_loop3A_298 : vector<16xf32>
        %parallel_loop3A_336 = arith.maximumf %parallel_loop3A_334, %parallel_loop3A_335 : vector<16xf32>
        %parallel_loop3A_337 = arith.maximumf %parallel_loop3A_302, %parallel_loop3A_306 : vector<16xf32>
        %parallel_loop3A_338 = arith.maximumf %parallel_loop3A_310, %parallel_loop3A_314 : vector<16xf32>
        %parallel_loop3A_339 = arith.maximumf %parallel_loop3A_337, %parallel_loop3A_338 : vector<16xf32>
        %parallel_loop3A_340 = arith.maximumf %parallel_loop3A_318, %parallel_loop3A_322 : vector<16xf32>
        %parallel_loop3A_341 = arith.maximumf %parallel_loop3A_326, %parallel_loop3A_330 : vector<16xf32>
        %parallel_loop3A_342 = arith.maximumf %parallel_loop3A_340, %parallel_loop3A_341 : vector<16xf32>
        %parallel_loop3A_343 = arith.maximumf %parallel_loop3A_333, %parallel_loop3A_336 : vector<16xf32>
        %parallel_loop3A_344 = arith.maximumf %parallel_loop3A_339, %parallel_loop3A_342 : vector<16xf32>
        %parallel_loop3A_345 = arith.maximumf %parallel_loop3A_343, %parallel_loop3A_344 : vector<16xf32>
        %parallel_loop3A_346 = arith.constant 4 : i32
        %parallel_loop3A_347 = arith.muli %parallel_loop3A_256, %parallel_loop3A_346 : i32
        %parallel_loop3A_348 = arith.constant 0 : i32
        %parallel_loop3A_349 = arith.addi %parallel_loop3A_347, %parallel_loop3A_348 : i32
        %parallel_loop3A_350 = arith.constant 16 : i32
        %parallel_loop3A_351 = arith.muli %parallel_loop3A_349, %parallel_loop3A_350 : i32
        %parallel_loop3A_352 = arith.index_cast %parallel_loop3A_351 : i32 to index
        %parallel_loop3A_353 = tpu.vector_load %arg6[%parallel_loop3A_352] {strides = array<i32>} : memref<3136xf32, #tpu.memory_space<vmem>>, vector<16xf32>,
        tpu.vector_store %arg6[%parallel_loop3A_352], %parallel_loop3A_345 {strides = array<i32>} : memref<3136xf32, #tpu.memory_space<vmem>>, vector<16xf32>,
        %parallel_loop3A_354 = arith.maximumf %parallel_loop3A_257, %parallel_loop3A_333 : vector<16xf32>
        %parallel_loop3A_355 = arith.maximumf %parallel_loop3A_258, %parallel_loop3A_336 : vector<16xf32>
        %parallel_loop3A_356 = arith.maximumf %parallel_loop3A_259, %parallel_loop3A_339 : vector<16xf32>
        %parallel_loop3A_357 = arith.maximumf %parallel_loop3A_260, %parallel_loop3A_342 : vector<16xf32>
        %parallel_loop3A_358 = arith.constant 4 : i32
        %parallel_loop3A_359 = arith.muli %parallel_loop3A_256, %parallel_loop3A_358 : i32
        %parallel_loop3A_360 = arith.constant 1 : i32
        %parallel_loop3A_361 = arith.addi %parallel_loop3A_359, %parallel_loop3A_360 : i32
        %parallel_loop3A_362 = arith.constant 256 : i32
        %parallel_loop3A_363 = arith.muli %parallel_loop3A_361, %parallel_loop3A_362 : i32
        %parallel_loop3A_364 = arith.constant 0 : i32
        %parallel_loop3A_365 = arith.addi %parallel_loop3A_363, %parallel_loop3A_364 : i32
        %parallel_loop3A_366 = arith.index_cast %parallel_loop3A_365 : i32 to index
        %parallel_loop3A_367 = tpu.vector_load %arg4[%parallel_loop3A_366] {strides = array<i32>} : memref<50176xf32, #tpu.memory_space<vmem>>, vector<16xf32>,
        %parallel_loop3A_368 = arith.constant 16 : i32
        %parallel_loop3A_369 = arith.addi %parallel_loop3A_363, %parallel_loop3A_368 : i32
        %parallel_loop3A_370 = arith.index_cast %parallel_loop3A_369 : i32 to index
        %parallel_loop3A_371 = tpu.vector_load %arg4[%parallel_loop3A_370] {strides = array<i32>} : memref<50176xf32, #tpu.memory_space<vmem>>, vector<16xf32>,
        %parallel_loop3A_372 = arith.constant 32 : i32
        %parallel_loop3A_373 = arith.addi %parallel_loop3A_363, %parallel_loop3A_372 : i32
        %parallel_loop3A_374 = arith.index_cast %parallel_loop3A_373 : i32 to index
        %parallel_loop3A_375 = tpu.vector_load %arg4[%parallel_loop3A_374] {strides = array<i32>} : memref<50176xf32, #tpu.memory_space<vmem>>, vector<16xf32>,
        %parallel_loop3A_376 = arith.constant 48 : i32
        %parallel_loop3A_377 = arith.addi %parallel_loop3A_363, %parallel_loop3A_376 : i32
        %parallel_loop3A_378 = arith.index_cast %parallel_loop3A_377 : i32 to index
        %parallel_loop3A_379 = tpu.vector_load %arg4[%parallel_loop3A_378] {strides = array<i32>} : memref<50176xf32, #tpu.memory_space<vmem>>, vector<16xf32>,
        %parallel_loop3A_380 = arith.constant 64 : i32
        %parallel_loop3A_381 = arith.addi %parallel_loop3A_363, %parallel_loop3A_380 : i32
        %parallel_loop3A_382 = arith.index_cast %parallel_loop3A_381 : i32 to index
        %parallel_loop3A_383 = tpu.vector_load %arg4[%parallel_loop3A_382] {strides = array<i32>} : memref<50176xf32, #tpu.memory_space<vmem>>, vector<16xf32>,
        %parallel_loop3A_384 = arith.constant 80 : i32
        %parallel_loop3A_385 = arith.addi %parallel_loop3A_363, %parallel_loop3A_384 : i32
        %parallel_loop3A_386 = arith.index_cast %parallel_loop3A_385 : i32 to index
        %parallel_loop3A_387 = tpu.vector_load %arg4[%parallel_loop3A_386] {strides = array<i32>} : memref<50176xf32, #tpu.memory_space<vmem>>, vector<16xf32>,
        %parallel_loop3A_388 = arith.constant 96 : i32
        %parallel_loop3A_389 = arith.addi %parallel_loop3A_363, %parallel_loop3A_388 : i32
        %parallel_loop3A_390 = arith.index_cast %parallel_loop3A_389 : i32 to index
        %parallel_loop3A_391 = tpu.vector_load %arg4[%parallel_loop3A_390] {strides = array<i32>} : memref<50176xf32, #tpu.memory_space<vmem>>, vector<16xf32>,
        %parallel_loop3A_392 = arith.constant 112 : i32
        %parallel_loop3A_393 = arith.addi %parallel_loop3A_363, %parallel_loop3A_392 : i32
        %parallel_loop3A_394 = arith.index_cast %parallel_loop3A_393 : i32 to index
        %parallel_loop3A_395 = tpu.vector_load %arg4[%parallel_loop3A_394] {strides = array<i32>} : memref<50176xf32, #tpu.memory_space<vmem>>, vector<16xf32>,
        %parallel_loop3A_396 = arith.constant 128 : i32
        %parallel_loop3A_397 = arith.addi %parallel_loop3A_363, %parallel_loop3A_396 : i32
        %parallel_loop3A_398 = arith.index_cast %parallel_loop3A_397 : i32 to index
        %parallel_loop3A_399 = tpu.vector_load %arg4[%parallel_loop3A_398] {strides = array<i32>} : memref<50176xf32, #tpu.memory_space<vmem>>, vector<16xf32>,
        %parallel_loop3A_400 = arith.constant 144 : i32
        %parallel_loop3A_401 = arith.addi %parallel_loop3A_363, %parallel_loop3A_400 : i32
        %parallel_loop3A_402 = arith.index_cast %parallel_loop3A_401 : i32 to index
        %parallel_loop3A_403 = tpu.vector_load %arg4[%parallel_loop3A_402] {strides = array<i32>} : memref<50176xf32, #tpu.memory_space<vmem>>, vector<16xf32>,
        %parallel_loop3A_404 = arith.constant 160 : i32
        %parallel_loop3A_405 = arith.addi %parallel_loop3A_363, %parallel_loop3A_404 : i32
        %parallel_loop3A_406 = arith.index_cast %parallel_loop3A_405 : i32 to index
        %parallel_loop3A_407 = tpu.vector_load %arg4[%parallel_loop3A_406] {strides = array<i32>} : memref<50176xf32, #tpu.memory_space<vmem>>, vector<16xf32>,
        %parallel_loop3A_408 = arith.constant 176 : i32
        %parallel_loop3A_409 = arith.addi %parallel_loop3A_363, %parallel_loop3A_408 : i32
        %parallel_loop3A_410 = arith.index_cast %parallel_loop3A_409 : i32 to index
        %parallel_loop3A_411 = tpu.vector_load %arg4[%parallel_loop3A_410] {strides = array<i32>} : memref<50176xf32, #tpu.memory_space<vmem>>, vector<16xf32>,
        %parallel_loop3A_412 = arith.constant 192 : i32
        %parallel_loop3A_413 = arith.addi %parallel_loop3A_363, %parallel_loop3A_412 : i32
        %parallel_loop3A_414 = arith.index_cast %parallel_loop3A_413 : i32 to index
        %parallel_loop3A_415 = tpu.vector_load %arg4[%parallel_loop3A_414] {strides = array<i32>} : memref<50176xf32, #tpu.memory_space<vmem>>, vector<16xf32>,
        %parallel_loop3A_416 = arith.constant 208 : i32
        %parallel_loop3A_417 = arith.addi %parallel_loop3A_363, %parallel_loop3A_416 : i32
        %parallel_loop3A_418 = arith.index_cast %parallel_loop3A_417 : i32 to index
        %parallel_loop3A_419 = tpu.vector_load %arg4[%parallel_loop3A_418] {strides = array<i32>} : memref<50176xf32, #tpu.memory_space<vmem>>, vector<16xf32>,
        %parallel_loop3A_420 = arith.constant 224 : i32
        %parallel_loop3A_421 = arith.addi %parallel_loop3A_363, %parallel_loop3A_420 : i32
        %parallel_loop3A_422 = arith.index_cast %parallel_loop3A_421 : i32 to index
        %parallel_loop3A_423 = tpu.vector_load %arg4[%parallel_loop3A_422] {strides = array<i32>} : memref<50176xf32, #tpu.memory_space<vmem>>, vector<16xf32>,
        %parallel_loop3A_424 = arith.constant 240 : i32
        %parallel_loop3A_425 = arith.addi %parallel_loop3A_363, %parallel_loop3A_424 : i32
        %parallel_loop3A_426 = arith.index_cast %parallel_loop3A_425 : i32 to index
        %parallel_loop3A_427 = tpu.vector_load %arg4[%parallel_loop3A_426] {strides = array<i32>} : memref<50176xf32, #tpu.memory_space<vmem>>, vector<16xf32>,
        %parallel_loop3A_428 = arith.maximumf %parallel_loop3A_367, %parallel_loop3A_371 : vector<16xf32>
        %parallel_loop3A_429 = arith.maximumf %parallel_loop3A_375, %parallel_loop3A_379 : vector<16xf32>
        %parallel_loop3A_430 = arith.maximumf %parallel_loop3A_428, %parallel_loop3A_429 : vector<16xf32>
        %parallel_loop3A_431 = arith.maximumf %parallel_loop3A_383, %parallel_loop3A_387 : vector<16xf32>
        %parallel_loop3A_432 = arith.maximumf %parallel_loop3A_391, %parallel_loop3A_395 : vector<16xf32>
        %parallel_loop3A_433 = arith.maximumf %parallel_loop3A_431, %parallel_loop3A_432 : vector<16xf32>
        %parallel_loop3A_434 = arith.maximumf %parallel_loop3A_399, %parallel_loop3A_403 : vector<16xf32>
        %parallel_loop3A_435 = arith.maximumf %parallel_loop3A_407, %parallel_loop3A_411 : vector<16xf32>
        %parallel_loop3A_436 = arith.maximumf %parallel_loop3A_434, %parallel_loop3A_435 : vector<16xf32>
        %parallel_loop3A_437 = arith.maximumf %parallel_loop3A_415, %parallel_loop3A_419 : vector<16xf32>
        %parallel_loop3A_438 = arith.maximumf %parallel_loop3A_423, %parallel_loop3A_427 : vector<16xf32>
        %parallel_loop3A_439 = arith.maximumf %parallel_loop3A_437, %parallel_loop3A_438 : vector<16xf32>
        %parallel_loop3A_440 = arith.maximumf %parallel_loop3A_430, %parallel_loop3A_433 : vector<16xf32>
        %parallel_loop3A_441 = arith.maximumf %parallel_loop3A_436, %parallel_loop3A_439 : vector<16xf32>
        %parallel_loop3A_442 = arith.maximumf %parallel_loop3A_440, %parallel_loop3A_441 : vector<16xf32>
        %parallel_loop3A_443 = arith.constant 4 : i32
        %parallel_loop3A_444 = arith.muli %parallel_loop3A_256, %parallel_loop3A_443 : i32
        %parallel_loop3A_445 = arith.constant 1 : i32
        %parallel_loop3A_446 = arith.addi %parallel_loop3A_444, %parallel_loop3A_445 : i32
        %parallel_loop3A_447 = arith.constant 16 : i32
        %parallel_loop3A_448 = arith.muli %parallel_loop3A_446, %parallel_loop3A_447 : i32
        %parallel_loop3A_449 = arith.index_cast %parallel_loop3A_448 : i32 to index
        %parallel_loop3A_450 = tpu.vector_load %arg6[%parallel_loop3A_449] {strides = array<i32>} : memref<3136xf32, #tpu.memory_space<vmem>>, vector<16xf32>,
        tpu.vector_store %arg6[%parallel_loop3A_449], %parallel_loop3A_442 {strides = array<i32>} : memref<3136xf32, #tpu.memory_space<vmem>>, vector<16xf32>,
        %parallel_loop3A_451 = arith.maximumf %parallel_loop3A_354, %parallel_loop3A_430 : vector<16xf32>
        %parallel_loop3A_452 = arith.maximumf %parallel_loop3A_355, %parallel_loop3A_433 : vector<16xf32>
        %parallel_loop3A_453 = arith.maximumf %parallel_loop3A_356, %parallel_loop3A_436 : vector<16xf32>
        %parallel_loop3A_454 = arith.maximumf %parallel_loop3A_357, %parallel_loop3A_439 : vector<16xf32>
        %parallel_loop3A_455 = arith.constant 4 : i32
        %parallel_loop3A_456 = arith.muli %parallel_loop3A_256, %parallel_loop3A_455 : i32
        %parallel_loop3A_457 = arith.constant 2 : i32
        %parallel_loop3A_458 = arith.addi %parallel_loop3A_456, %parallel_loop3A_457 : i32
        %parallel_loop3A_459 = arith.constant 256 : i32
        %parallel_loop3A_460 = arith.muli %parallel_loop3A_458, %parallel_loop3A_459 : i32
        %parallel_loop3A_461 = arith.constant 0 : i32
        %parallel_loop3A_462 = arith.addi %parallel_loop3A_460, %parallel_loop3A_461 : i32
        %parallel_loop3A_463 = arith.index_cast %parallel_loop3A_462 : i32 to index
        %parallel_loop3A_464 = tpu.vector_load %arg4[%parallel_loop3A_463] {strides = array<i32>} : memref<50176xf32, #tpu.memory_space<vmem>>, vector<16xf32>,
        %parallel_loop3A_465 = arith.constant 16 : i32
        %parallel_loop3A_466 = arith.addi %parallel_loop3A_460, %parallel_loop3A_465 : i32
        %parallel_loop3A_467 = arith.index_cast %parallel_loop3A_466 : i32 to index
        %parallel_loop3A_468 = tpu.vector_load %arg4[%parallel_loop3A_467] {strides = array<i32>} : memref<50176xf32, #tpu.memory_space<vmem>>, vector<16xf32>,
        %parallel_loop3A_469 = arith.constant 32 : i32
        %parallel_loop3A_470 = arith.addi %parallel_loop3A_460, %parallel_loop3A_469 : i32
        %parallel_loop3A_471 = arith.index_cast %parallel_loop3A_470 : i32 to index
        %parallel_loop3A_472 = tpu.vector_load %arg4[%parallel_loop3A_471] {strides = array<i32>} : memref<50176xf32, #tpu.memory_space<vmem>>, vector<16xf32>,
        %parallel_loop3A_473 = arith.constant 48 : i32
        %parallel_loop3A_474 = arith.addi %parallel_loop3A_460, %parallel_loop3A_473 : i32
        %parallel_loop3A_475 = arith.index_cast %parallel_loop3A_474 : i32 to index
        %parallel_loop3A_476 = tpu.vector_load %arg4[%parallel_loop3A_475] {strides = array<i32>} : memref<50176xf32, #tpu.memory_space<vmem>>, vector<16xf32>,
        %parallel_loop3A_477 = arith.constant 64 : i32
        %parallel_loop3A_478 = arith.addi %parallel_loop3A_460, %parallel_loop3A_477 : i32
        %parallel_loop3A_479 = arith.index_cast %parallel_loop3A_478 : i32 to index
        %parallel_loop3A_480 = tpu.vector_load %arg4[%parallel_loop3A_479] {strides = array<i32>} : memref<50176xf32, #tpu.memory_space<vmem>>, vector<16xf32>,
        %parallel_loop3A_481 = arith.constant 80 : i32
        %parallel_loop3A_482 = arith.addi %parallel_loop3A_460, %parallel_loop3A_481 : i32
        %parallel_loop3A_483 = arith.index_cast %parallel_loop3A_482 : i32 to index
        %parallel_loop3A_484 = tpu.vector_load %arg4[%parallel_loop3A_483] {strides = array<i32>} : memref<50176xf32, #tpu.memory_space<vmem>>, vector<16xf32>,
        %parallel_loop3A_485 = arith.constant 96 : i32
        %parallel_loop3A_486 = arith.addi %parallel_loop3A_460, %parallel_loop3A_485 : i32
        %parallel_loop3A_487 = arith.index_cast %parallel_loop3A_486 : i32 to index
        %parallel_loop3A_488 = tpu.vector_load %arg4[%parallel_loop3A_487] {strides = array<i32>} : memref<50176xf32, #tpu.memory_space<vmem>>, vector<16xf32>,
        %parallel_loop3A_489 = arith.constant 112 : i32
        %parallel_loop3A_490 = arith.addi %parallel_loop3A_460, %parallel_loop3A_489 : i32
        %parallel_loop3A_491 = arith.index_cast %parallel_loop3A_490 : i32 to index
        %parallel_loop3A_492 = tpu.vector_load %arg4[%parallel_loop3A_491] {strides = array<i32>} : memref<50176xf32, #tpu.memory_space<vmem>>, vector<16xf32>,
        %parallel_loop3A_493 = arith.constant 128 : i32
        %parallel_loop3A_494 = arith.addi %parallel_loop3A_460, %parallel_loop3A_493 : i32
        %parallel_loop3A_495 = arith.index_cast %parallel_loop3A_494 : i32 to index
        %parallel_loop3A_496 = tpu.vector_load %arg4[%parallel_loop3A_495] {strides = array<i32>} : memref<50176xf32, #tpu.memory_space<vmem>>, vector<16xf32>,
        %parallel_loop3A_497 = arith.constant 144 : i32
        %parallel_loop3A_498 = arith.addi %parallel_loop3A_460, %parallel_loop3A_497 : i32
        %parallel_loop3A_499 = arith.index_cast %parallel_loop3A_498 : i32 to index
        %parallel_loop3A_500 = tpu.vector_load %arg4[%parallel_loop3A_499] {strides = array<i32>} : memref<50176xf32, #tpu.memory_space<vmem>>, vector<16xf32>,
        %parallel_loop3A_501 = arith.constant 160 : i32
        %parallel_loop3A_502 = arith.addi %parallel_loop3A_460, %parallel_loop3A_501 : i32
        %parallel_loop3A_503 = arith.index_cast %parallel_loop3A_502 : i32 to index
        %parallel_loop3A_504 = tpu.vector_load %arg4[%parallel_loop3A_503] {strides = array<i32>} : memref<50176xf32, #tpu.memory_space<vmem>>, vector<16xf32>,
        %parallel_loop3A_505 = arith.constant 176 : i32
        %parallel_loop3A_506 = arith.addi %parallel_loop3A_460, %parallel_loop3A_505 : i32
        %parallel_loop3A_507 = arith.index_cast %parallel_loop3A_506 : i32 to index
        %parallel_loop3A_508 = tpu.vector_load %arg4[%parallel_loop3A_507] {strides = array<i32>} : memref<50176xf32, #tpu.memory_space<vmem>>, vector<16xf32>,
        %parallel_loop3A_509 = arith.constant 192 : i32
        %parallel_loop3A_510 = arith.addi %parallel_loop3A_460, %parallel_loop3A_509 : i32
        %parallel_loop3A_511 = arith.index_cast %parallel_loop3A_510 : i32 to index
        %parallel_loop3A_512 = tpu.vector_load %arg4[%parallel_loop3A_511] {strides = array<i32>} : memref<50176xf32, #tpu.memory_space<vmem>>, vector<16xf32>,
        %parallel_loop3A_513 = arith.constant 208 : i32
        %parallel_loop3A_514 = arith.addi %parallel_loop3A_460, %parallel_loop3A_513 : i32
        %parallel_loop3A_515 = arith.index_cast %parallel_loop3A_514 : i32 to index
        %parallel_loop3A_516 = tpu.vector_load %arg4[%parallel_loop3A_515] {strides = array<i32>} : memref<50176xf32, #tpu.memory_space<vmem>>, vector<16xf32>,
        %parallel_loop3A_517 = arith.constant 224 : i32
        %parallel_loop3A_518 = arith.addi %parallel_loop3A_460, %parallel_loop3A_517 : i32
        %parallel_loop3A_519 = arith.index_cast %parallel_loop3A_518 : i32 to index
        %parallel_loop3A_520 = tpu.vector_load %arg4[%parallel_loop3A_519] {strides = array<i32>} : memref<50176xf32, #tpu.memory_space<vmem>>, vector<16xf32>,
        %parallel_loop3A_521 = arith.constant 240 : i32
        %parallel_loop3A_522 = arith.addi %parallel_loop3A_460, %parallel_loop3A_521 : i32
        %parallel_loop3A_523 = arith.index_cast %parallel_loop3A_522 : i32 to index
        %parallel_loop3A_524 = tpu.vector_load %arg4[%parallel_loop3A_523] {strides = array<i32>} : memref<50176xf32, #tpu.memory_space<vmem>>, vector<16xf32>,
        %parallel_loop3A_525 = arith.maximumf %parallel_loop3A_464, %parallel_loop3A_468 : vector<16xf32>
        %parallel_loop3A_526 = arith.maximumf %parallel_loop3A_472, %parallel_loop3A_476 : vector<16xf32>
        %parallel_loop3A_527 = arith.maximumf %parallel_loop3A_525, %parallel_loop3A_526 : vector<16xf32>
        %parallel_loop3A_528 = arith.maximumf %parallel_loop3A_480, %parallel_loop3A_484 : vector<16xf32>
        %parallel_loop3A_529 = arith.maximumf %parallel_loop3A_488, %parallel_loop3A_492 : vector<16xf32>
        %parallel_loop3A_530 = arith.maximumf %parallel_loop3A_528, %parallel_loop3A_529 : vector<16xf32>
        %parallel_loop3A_531 = arith.maximumf %parallel_loop3A_496, %parallel_loop3A_500 : vector<16xf32>
        %parallel_loop3A_532 = arith.maximumf %parallel_loop3A_504, %parallel_loop3A_508 : vector<16xf32>
        %parallel_loop3A_533 = arith.maximumf %parallel_loop3A_531, %parallel_loop3A_532 : vector<16xf32>
        %parallel_loop3A_534 = arith.maximumf %parallel_loop3A_512, %parallel_loop3A_516 : vector<16xf32>
        %parallel_loop3A_535 = arith.maximumf %parallel_loop3A_520, %parallel_loop3A_524 : vector<16xf32>
        %parallel_loop3A_536 = arith.maximumf %parallel_loop3A_534, %parallel_loop3A_535 : vector<16xf32>
        %parallel_loop3A_537 = arith.maximumf %parallel_loop3A_527, %parallel_loop3A_530 : vector<16xf32>
        %parallel_loop3A_538 = arith.maximumf %parallel_loop3A_533, %parallel_loop3A_536 : vector<16xf32>
        %parallel_loop3A_539 = arith.maximumf %parallel_loop3A_537, %parallel_loop3A_538 : vector<16xf32>
        %parallel_loop3A_540 = arith.constant 4 : i32
        %parallel_loop3A_541 = arith.muli %parallel_loop3A_256, %parallel_loop3A_540 : i32
        %parallel_loop3A_542 = arith.constant 2 : i32
        %parallel_loop3A_543 = arith.addi %parallel_loop3A_541, %parallel_loop3A_542 : i32
        %parallel_loop3A_544 = arith.constant 16 : i32
        %parallel_loop3A_545 = arith.muli %parallel_loop3A_543, %parallel_loop3A_544 : i32
        %parallel_loop3A_546 = arith.index_cast %parallel_loop3A_545 : i32 to index
        %parallel_loop3A_547 = tpu.vector_load %arg6[%parallel_loop3A_546] {strides = array<i32>} : memref<3136xf32, #tpu.memory_space<vmem>>, vector<16xf32>,
        tpu.vector_store %arg6[%parallel_loop3A_546], %parallel_loop3A_539 {strides = array<i32>} : memref<3136xf32, #tpu.memory_space<vmem>>, vector<16xf32>,
        %parallel_loop3A_548 = arith.maximumf %parallel_loop3A_451, %parallel_loop3A_527 : vector<16xf32>
        %parallel_loop3A_549 = arith.maximumf %parallel_loop3A_452, %parallel_loop3A_530 : vector<16xf32>
        %parallel_loop3A_550 = arith.maximumf %parallel_loop3A_453, %parallel_loop3A_533 : vector<16xf32>
        %parallel_loop3A_551 = arith.maximumf %parallel_loop3A_454, %parallel_loop3A_536 : vector<16xf32>
        %parallel_loop3A_552 = arith.constant 4 : i32
        %parallel_loop3A_553 = arith.muli %parallel_loop3A_256, %parallel_loop3A_552 : i32
        %parallel_loop3A_554 = arith.constant 3 : i32
        %parallel_loop3A_555 = arith.addi %parallel_loop3A_553, %parallel_loop3A_554 : i32
        %parallel_loop3A_556 = arith.constant 256 : i32
        %parallel_loop3A_557 = arith.muli %parallel_loop3A_555, %parallel_loop3A_556 : i32
        %parallel_loop3A_558 = arith.constant 0 : i32
        %parallel_loop3A_559 = arith.addi %parallel_loop3A_557, %parallel_loop3A_558 : i32
        %parallel_loop3A_560 = arith.index_cast %parallel_loop3A_559 : i32 to index
        %parallel_loop3A_561 = tpu.vector_load %arg4[%parallel_loop3A_560] {strides = array<i32>} : memref<50176xf32, #tpu.memory_space<vmem>>, vector<16xf32>,
        %parallel_loop3A_562 = arith.constant 16 : i32
        %parallel_loop3A_563 = arith.addi %parallel_loop3A_557, %parallel_loop3A_562 : i32
        %parallel_loop3A_564 = arith.index_cast %parallel_loop3A_563 : i32 to index
        %parallel_loop3A_565 = tpu.vector_load %arg4[%parallel_loop3A_564] {strides = array<i32>} : memref<50176xf32, #tpu.memory_space<vmem>>, vector<16xf32>,
        %parallel_loop3A_566 = arith.constant 32 : i32
        %parallel_loop3A_567 = arith.addi %parallel_loop3A_557, %parallel_loop3A_566 : i32
        %parallel_loop3A_568 = arith.index_cast %parallel_loop3A_567 : i32 to index
        %parallel_loop3A_569 = tpu.vector_load %arg4[%parallel_loop3A_568] {strides = array<i32>} : memref<50176xf32, #tpu.memory_space<vmem>>, vector<16xf32>,
        %parallel_loop3A_570 = arith.constant 48 : i32
        %parallel_loop3A_571 = arith.addi %parallel_loop3A_557, %parallel_loop3A_570 : i32
        %parallel_loop3A_572 = arith.index_cast %parallel_loop3A_571 : i32 to index
        %parallel_loop3A_573 = tpu.vector_load %arg4[%parallel_loop3A_572] {strides = array<i32>} : memref<50176xf32, #tpu.memory_space<vmem>>, vector<16xf32>,
        %parallel_loop3A_574 = arith.constant 64 : i32
        %parallel_loop3A_575 = arith.addi %parallel_loop3A_557, %parallel_loop3A_574 : i32
        %parallel_loop3A_576 = arith.index_cast %parallel_loop3A_575 : i32 to index
        %parallel_loop3A_577 = tpu.vector_load %arg4[%parallel_loop3A_576] {strides = array<i32>} : memref<50176xf32, #tpu.memory_space<vmem>>, vector<16xf32>,
        %parallel_loop3A_578 = arith.constant 80 : i32
        %parallel_loop3A_579 = arith.addi %parallel_loop3A_557, %parallel_loop3A_578 : i32
        %parallel_loop3A_580 = arith.index_cast %parallel_loop3A_579 : i32 to index
        %parallel_loop3A_581 = tpu.vector_load %arg4[%parallel_loop3A_580] {strides = array<i32>} : memref<50176xf32, #tpu.memory_space<vmem>>, vector<16xf32>,
        %parallel_loop3A_582 = arith.constant 96 : i32
        %parallel_loop3A_583 = arith.addi %parallel_loop3A_557, %parallel_loop3A_582 : i32
        %parallel_loop3A_584 = arith.index_cast %parallel_loop3A_583 : i32 to index
        %parallel_loop3A_585 = tpu.vector_load %arg4[%parallel_loop3A_584] {strides = array<i32>} : memref<50176xf32, #tpu.memory_space<vmem>>, vector<16xf32>,
        %parallel_loop3A_586 = arith.constant 112 : i32
        %parallel_loop3A_587 = arith.addi %parallel_loop3A_557, %parallel_loop3A_586 : i32
        %parallel_loop3A_588 = arith.index_cast %parallel_loop3A_587 : i32 to index
        %parallel_loop3A_589 = tpu.vector_load %arg4[%parallel_loop3A_588] {strides = array<i32>} : memref<50176xf32, #tpu.memory_space<vmem>>, vector<16xf32>,
        %parallel_loop3A_590 = arith.constant 128 : i32
        %parallel_loop3A_591 = arith.addi %parallel_loop3A_557, %parallel_loop3A_590 : i32
        %parallel_loop3A_592 = arith.index_cast %parallel_loop3A_591 : i32 to index
        %parallel_loop3A_593 = tpu.vector_load %arg4[%parallel_loop3A_592] {strides = array<i32>} : memref<50176xf32, #tpu.memory_space<vmem>>, vector<16xf32>,
        %parallel_loop3A_594 = arith.constant 144 : i32
        %parallel_loop3A_595 = arith.addi %parallel_loop3A_557, %parallel_loop3A_594 : i32
        %parallel_loop3A_596 = arith.index_cast %parallel_loop3A_595 : i32 to index
        %parallel_loop3A_597 = tpu.vector_load %arg4[%parallel_loop3A_596] {strides = array<i32>} : memref<50176xf32, #tpu.memory_space<vmem>>, vector<16xf32>,
        %parallel_loop3A_598 = arith.constant 160 : i32
        %parallel_loop3A_599 = arith.addi %parallel_loop3A_557, %parallel_loop3A_598 : i32
        %parallel_loop3A_600 = arith.index_cast %parallel_loop3A_599 : i32 to index
        %parallel_loop3A_601 = tpu.vector_load %arg4[%parallel_loop3A_600] {strides = array<i32>} : memref<50176xf32, #tpu.memory_space<vmem>>, vector<16xf32>,
        %parallel_loop3A_602 = arith.constant 176 : i32
        %parallel_loop3A_603 = arith.addi %parallel_loop3A_557, %parallel_loop3A_602 : i32
        %parallel_loop3A_604 = arith.index_cast %parallel_loop3A_603 : i32 to index
        %parallel_loop3A_605 = tpu.vector_load %arg4[%parallel_loop3A_604] {strides = array<i32>} : memref<50176xf32, #tpu.memory_space<vmem>>, vector<16xf32>,
        %parallel_loop3A_606 = arith.constant 192 : i32
        %parallel_loop3A_607 = arith.addi %parallel_loop3A_557, %parallel_loop3A_606 : i32
        %parallel_loop3A_608 = arith.index_cast %parallel_loop3A_607 : i32 to index
        %parallel_loop3A_609 = tpu.vector_load %arg4[%parallel_loop3A_608] {strides = array<i32>} : memref<50176xf32, #tpu.memory_space<vmem>>, vector<16xf32>,
        %parallel_loop3A_610 = arith.constant 208 : i32
        %parallel_loop3A_611 = arith.addi %parallel_loop3A_557, %parallel_loop3A_610 : i32
        %parallel_loop3A_612 = arith.index_cast %parallel_loop3A_611 : i32 to index
        %parallel_loop3A_613 = tpu.vector_load %arg4[%parallel_loop3A_612] {strides = array<i32>} : memref<50176xf32, #tpu.memory_space<vmem>>, vector<16xf32>,
        %parallel_loop3A_614 = arith.constant 224 : i32
        %parallel_loop3A_615 = arith.addi %parallel_loop3A_557, %parallel_loop3A_614 : i32
        %parallel_loop3A_616 = arith.index_cast %parallel_loop3A_615 : i32 to index
        %parallel_loop3A_617 = tpu.vector_load %arg4[%parallel_loop3A_616] {strides = array<i32>} : memref<50176xf32, #tpu.memory_space<vmem>>, vector<16xf32>,
        %parallel_loop3A_618 = arith.constant 240 : i32
        %parallel_loop3A_619 = arith.addi %parallel_loop3A_557, %parallel_loop3A_618 : i32
        %parallel_loop3A_620 = arith.index_cast %parallel_loop3A_619 : i32 to index
        %parallel_loop3A_621 = tpu.vector_load %arg4[%parallel_loop3A_620] {strides = array<i32>} : memref<50176xf32, #tpu.memory_space<vmem>>, vector<16xf32>,
        %parallel_loop3A_622 = arith.maximumf %parallel_loop3A_561, %parallel_loop3A_565 : vector<16xf32>
        %parallel_loop3A_623 = arith.maximumf %parallel_loop3A_569, %parallel_loop3A_573 : vector<16xf32>
        %parallel_loop3A_624 = arith.maximumf %parallel_loop3A_622, %parallel_loop3A_623 : vector<16xf32>
        %parallel_loop3A_625 = arith.maximumf %parallel_loop3A_577, %parallel_loop3A_581 : vector<16xf32>
        %parallel_loop3A_626 = arith.maximumf %parallel_loop3A_585, %parallel_loop3A_589 : vector<16xf32>
        %parallel_loop3A_627 = arith.maximumf %parallel_loop3A_625, %parallel_loop3A_626 : vector<16xf32>
        %parallel_loop3A_628 = arith.maximumf %parallel_loop3A_593, %parallel_loop3A_597 : vector<16xf32>
        %parallel_loop3A_629 = arith.maximumf %parallel_loop3A_601, %parallel_loop3A_605 : vector<16xf32>
        %parallel_loop3A_630 = arith.maximumf %parallel_loop3A_628, %parallel_loop3A_629 : vector<16xf32>
        %parallel_loop3A_631 = arith.maximumf %parallel_loop3A_609, %parallel_loop3A_613 : vector<16xf32>
        %parallel_loop3A_632 = arith.maximumf %parallel_loop3A_617, %parallel_loop3A_621 : vector<16xf32>
        %parallel_loop3A_633 = arith.maximumf %parallel_loop3A_631, %parallel_loop3A_632 : vector<16xf32>
        %parallel_loop3A_634 = arith.maximumf %parallel_loop3A_624, %parallel_loop3A_627 : vector<16xf32>
        %parallel_loop3A_635 = arith.maximumf %parallel_loop3A_630, %parallel_loop3A_633 : vector<16xf32>
        %parallel_loop3A_636 = arith.maximumf %parallel_loop3A_634, %parallel_loop3A_635 : vector<16xf32>
        %parallel_loop3A_637 = arith.constant 4 : i32
        %parallel_loop3A_638 = arith.muli %parallel_loop3A_256, %parallel_loop3A_637 : i32
        %parallel_loop3A_639 = arith.constant 3 : i32
        %parallel_loop3A_640 = arith.addi %parallel_loop3A_638, %parallel_loop3A_639 : i32
        %parallel_loop3A_641 = arith.constant 16 : i32
        %parallel_loop3A_642 = arith.muli %parallel_loop3A_640, %parallel_loop3A_641 : i32
        %parallel_loop3A_643 = arith.index_cast %parallel_loop3A_642 : i32 to index
        %parallel_loop3A_644 = tpu.vector_load %arg6[%parallel_loop3A_643] {strides = array<i32>} : memref<3136xf32, #tpu.memory_space<vmem>>, vector<16xf32>,
        tpu.vector_store %arg6[%parallel_loop3A_643], %parallel_loop3A_636 {strides = array<i32>} : memref<3136xf32, #tpu.memory_space<vmem>>, vector<16xf32>,
        %parallel_loop3A_645 = arith.maximumf %parallel_loop3A_548, %parallel_loop3A_624 : vector<16xf32>
        %parallel_loop3A_646 = arith.maximumf %parallel_loop3A_549, %parallel_loop3A_627 : vector<16xf32>
        %parallel_loop3A_647 = arith.maximumf %parallel_loop3A_550, %parallel_loop3A_630 : vector<16xf32>
        %parallel_loop3A_648 = arith.maximumf %parallel_loop3A_551, %parallel_loop3A_633 : vector<16xf32>
        %parallel_loop3A_649 = arith.maximumf %parallel_loop3A_345, %parallel_loop3A_442 : vector<16xf32>
        %parallel_loop3A_650 = arith.maximumf %parallel_loop3A_539, %parallel_loop3A_636 : vector<16xf32>
        %parallel_loop3A_651 = arith.maximumf %parallel_loop3A_649, %parallel_loop3A_650 : vector<16xf32>
        %parallel_loop3A_652 = arith.constant 16 : i32
        %parallel_loop3A_653 = arith.muli %parallel_loop3A_256, %parallel_loop3A_652 : i32
        %parallel_loop3A_654 = arith.index_cast %parallel_loop3A_653 : i32 to index
        %parallel_loop3A_655 = tpu.vector_load %arg7[%parallel_loop3A_654] {strides = array<i32>} : memref<784xf32, #tpu.memory_space<vmem>>, vector<16xf32>,
        tpu.vector_store %arg7[%parallel_loop3A_654], %parallel_loop3A_651 {strides = array<i32>} : memref<784xf32, #tpu.memory_space<vmem>>, vector<16xf32>,
        scf.yield %parallel_loop3A_645, %parallel_loop3A_646, %parallel_loop3A_647, %parallel_loop3A_648 : vector<16xf32>, vector<16xf32>, vector<16xf32>, vector<16xf32>
      } {sc.loop_unroll_factor = 2 : i64, sc.parallel_access}
      %masked_sort3A = arith.constant dense<true> : vector<16xi1>
      %masked_sort3A_111, %masked_sort3A_112, %masked_sort3A_113 = tpu.sort %parallel_loop3A_110#0, %parallel_loop3A_110#0 masked %masked_sort3A {descending = true} : (vector<16xf32>, vector<16xf32>, vector<16xi1>) -> (vector<16xi1>, vector<16xf32>, vector<16xf32>)
      %masked_sort3A_114 = arith.constant dense<true> : vector<16xi1>
      %masked_sort3A_115, %masked_sort3A_116, %masked_sort3A_117 = tpu.sort %parallel_loop3A_110#1, %parallel_loop3A_110#1 masked %masked_sort3A_114 : (vector<16xf32>, vector<16xf32>, vector<16xi1>) -> (vector<16xi1>, vector<16xf32>, vector<16xf32>)
      %max3A = arith.maximumf %masked_sort3A_112, %masked_sort3A_116 : vector<16xf32>
      %masked_sort3A_118 = arith.constant dense<true> : vector<16xi1>
      %masked_sort3A_119, %masked_sort3A_120, %masked_sort3A_121 = tpu.sort %max3A, %max3A masked %masked_sort3A_118 {descending = true} : (vector<16xf32>, vector<16xf32>, vector<16xi1>) -> (vector<16xi1>, vector<16xf32>, vector<16xf32>)
      %masked_sort3A_122 = arith.constant dense<true> : vector<16xi1>
      %masked_sort3A_123, %masked_sort3A_124, %masked_sort3A_125 = tpu.sort %parallel_loop3A_110#2, %parallel_loop3A_110#2 masked %masked_sort3A_122 : (vector<16xf32>, vector<16xf32>, vector<16xi1>) -> (vector<16xi1>, vector<16xf32>, vector<16xf32>)
      %max3A_126 = arith.maximumf %masked_sort3A_120, %masked_sort3A_124 : vector<16xf32>
      %masked_sort3A_127 = arith.constant dense<true> : vector<16xi1>
      %masked_sort3A_128, %masked_sort3A_129, %masked_sort3A_130 = tpu.sort %max3A_126, %max3A_126 masked %masked_sort3A_127 {descending = true} : (vector<16xf32>, vector<16xf32>, vector<16xi1>) -> (vector<16xi1>, vector<16xf32>, vector<16xf32>)
      %masked_sort3A_131 = arith.constant dense<true> : vector<16xi1>
      %masked_sort3A_132, %masked_sort3A_133, %masked_sort3A_134 = tpu.sort %parallel_loop3A_110#3, %parallel_loop3A_110#3 masked %masked_sort3A_131 : (vector<16xf32>, vector<16xf32>, vector<16xi1>) -> (vector<16xi1>, vector<16xf32>, vector<16xf32>)
      %max3A_135 = arith.maximumf %masked_sort3A_129, %masked_sort3A_133 : vector<16xf32>
      %masked_sort3A_136 = arith.constant dense<true> : vector<16xi1>
      %masked_sort3A_137, %masked_sort3A_138, %masked_sort3A_139 = tpu.sort %max3A_135, %max3A_135 masked %masked_sort3A_136 {descending = true} : (vector<16xf32>, vector<16xf32>, vector<16xi1>) -> (vector<16xi1>, vector<16xf32>, vector<16xf32>)
      %reduce_min3A = arith.constant true
      %reduce_min3A_140 = vector.broadcast %reduce_min3A : i1 to vector<16xi1>
      %reduce_min3A_141 = tpu.scan <min>, %masked_sort3A_138 masked %reduce_min3A_140 : vector<16xf32>, vector<16xi1> -> vector<16xf32>
      %reduce_min3A_142 = vector.extract %reduce_min3A_141[15] : f32 from vector<16xf32>
      %scan3A_143 = arith.constant 0 : i32
      %scan3A_144 = arith.constant 49 : i32
      %scan3A_145 = arith.addi %scan3A_143, %scan3A_144 : i32
      %scan3A_146 = arith.constant 1 : i32
      %scan3A_147 = scf.for %scan3A_256 = %scan3A_143 to %scan3A_145 step %scan3A_146 iter_args(%scan3A_257 = %broadcast_in_dim3A_3) -> (vector<16xf32>)  : i32 {
        %mul3A_258 = arith.constant 16 : i32
        %mul3A_259 = arith.muli %scan3A_256, %mul3A_258 : i32
        %get3A = arith.index_cast %mul3A_259 : i32 to index
        %get3A_260 = tpu.vector_load %arg7[%get3A] {strides = array<i32>} : memref<784xf32, #tpu.memory_space<vmem>>, vector<16xf32>,
        %ge3A = vector.broadcast %reduce_min3A_142 : f32 to vector<16xf32>
        %ge3A_261 = arith.cmpf oge, %get3A_260, %ge3A : vector<16xf32>
        %reduce_or3A = arith.constant 1.000000e+00 : f32
        %reduce_or3A_262 = arith.constant 0.000000e+00 : f32
        %reduce_or3A_263 = vector.broadcast %reduce_or3A : f32 to vector<16xf32>
        %reduce_or3A_264 = vector.broadcast %reduce_or3A_262 : f32 to vector<16xf32>
        %reduce_or3A_265 = arith.select %ge3A_261, %reduce_or3A_263, %reduce_or3A_264 : vector<16xi1>, vector<16xf32>
        %reduce_or3A_266 = arith.constant true
        %reduce_or3A_267 = vector.broadcast %reduce_or3A_266 : i1 to vector<16xi1>
        %reduce_or3A_268 = tpu.scan <max>, %reduce_or3A_265 masked %reduce_or3A_267 : vector<16xf32>, vector<16xi1> -> vector<16xf32>
        %reduce_or3A_269 = vector.extract %reduce_or3A_268[15] : f32 from vector<16xf32>
        %reduce_or3A_270 = arith.constant 0.000000e+00 : f32
        %reduce_or3A_271 = arith.cmpf ogt, %reduce_or3A_269, %reduce_or3A_270 : f32
        %convert_element_type3A_272 = arith.extui %reduce_or3A_271 : i1 to i32
        %cond3A_273 = arith.constant 0 : i32
        %cond3A_274 = arith.cmpi ne, %convert_element_type3A_272, %cond3A_273 : i32
        %cond3A_275 = scf.if %cond3A_274 -> (vector<16xf32>) {
          %mul3A_276 = arith.constant 64 : i32
          %mul3A_277 = arith.muli %scan3A_256, %mul3A_276 : i32
          %add3A_278 = arith.constant 0 : i32
          %add3A_279 = arith.addi %mul3A_277, %add3A_278 : i32
          %get3A_280 = arith.index_cast %add3A_279 : i32 to index
          %get3A_281 = tpu.vector_load %arg6[%get3A_280] {strides = array<i32>} : memref<3136xf32, #tpu.memory_space<vmem>>, vector<16xf32>,
          %ge3A_282 = vector.broadcast %reduce_min3A_142 : f32 to vector<16xf32>
          %ge3A_283 = arith.cmpf oge, %get3A_281, %ge3A_282 : vector<16xf32>
          %reduce_or3A_284 = arith.constant 1.000000e+00 : f32
          %reduce_or3A_285 = arith.constant 0.000000e+00 : f32
          %reduce_or3A_286 = vector.broadcast %reduce_or3A_284 : f32 to vector<16xf32>
          %reduce_or3A_287 = vector.broadcast %reduce_or3A_285 : f32 to vector<16xf32>
          %reduce_or3A_288 = arith.select %ge3A_283, %reduce_or3A_286, %reduce_or3A_287 : vector<16xi1>, vector<16xf32>
          %reduce_or3A_289 = arith.constant true
          %reduce_or3A_290 = vector.broadcast %reduce_or3A_289 : i1 to vector<16xi1>
          %reduce_or3A_291 = tpu.scan <max>, %reduce_or3A_288 masked %reduce_or3A_290 : vector<16xf32>, vector<16xi1> -> vector<16xf32>
          %reduce_or3A_292 = vector.extract %reduce_or3A_291[15] : f32 from vector<16xf32>
          %reduce_or3A_293 = arith.constant 0.000000e+00 : f32
          %reduce_or3A_294 = arith.cmpf ogt, %reduce_or3A_292, %reduce_or3A_293 : f32
          %convert_element_type3A_295 = arith.extui %reduce_or3A_294 : i1 to i32
          %cond3A_296 = arith.constant 0 : i32
          %cond3A_297 = arith.cmpi ne, %convert_element_type3A_295, %cond3A_296 : i32
          %cond3A_298 = scf.if %cond3A_297 -> (vector<16xf32>) {
            %mul3A_368 = arith.constant 1024 : i32
            %mul3A_369 = arith.muli %scan3A_256, %mul3A_368 : i32
            %add3A_370 = arith.constant 0 : i32
            %add3A_371 = arith.addi %mul3A_369, %add3A_370 : i32
            %add3A_372 = arith.constant 0 : i32
            %add3A_373 = arith.addi %add3A_371, %add3A_372 : i32
            %get3A_374 = arith.index_cast %add3A_373 : i32 to index
            %get3A_375 = tpu.vector_load %arg4[%get3A_374] {strides = array<i32>} : memref<50176xf32, #tpu.memory_space<vmem>>, vector<16xf32>,
            %masked_sort3A_376 = arith.constant dense<true> : vector<16xi1>
            %masked_sort3A_377, %masked_sort3A_378, %masked_sort3A_379 = tpu.sort %get3A_375, %get3A_375 masked %masked_sort3A_376 : (vector<16xf32>, vector<16xf32>, vector<16xi1>) -> (vector<16xi1>, vector<16xf32>, vector<16xf32>)
            %max3A_380 = arith.maximumf %scan3A_257, %masked_sort3A_378 : vector<16xf32>
            %masked_sort3A_381 = arith.constant dense<true> : vector<16xi1>
            %masked_sort3A_382, %masked_sort3A_383, %masked_sort3A_384 = tpu.sort %max3A_380, %max3A_380 masked %masked_sort3A_381 {descending = true} : (vector<16xf32>, vector<16xf32>, vector<16xi1>) -> (vector<16xi1>, vector<16xf32>, vector<16xf32>)
            %add3A_385 = arith.constant 16 : i32
            %add3A_386 = arith.addi %add3A_371, %add3A_385 : i32
            %get3A_387 = arith.index_cast %add3A_386 : i32 to index
            %get3A_388 = tpu.vector_load %arg4[%get3A_387] {strides = array<i32>} : memref<50176xf32, #tpu.memory_space<vmem>>, vector<16xf32>,
            %masked_sort3A_389 = arith.constant dense<true> : vector<16xi1>
            %masked_sort3A_390, %masked_sort3A_391, %masked_sort3A_392 = tpu.sort %get3A_388, %get3A_388 masked %masked_sort3A_389 : (vector<16xf32>, vector<16xf32>, vector<16xi1>) -> (vector<16xi1>, vector<16xf32>, vector<16xf32>)
            %max3A_393 = arith.maximumf %masked_sort3A_383, %masked_sort3A_391 : vector<16xf32>
            %masked_sort3A_394 = arith.constant dense<true> : vector<16xi1>
            %masked_sort3A_395, %masked_sort3A_396, %masked_sort3A_397 = tpu.sort %max3A_393, %max3A_393 masked %masked_sort3A_394 {descending = true} : (vector<16xf32>, vector<16xf32>, vector<16xi1>) -> (vector<16xi1>, vector<16xf32>, vector<16xf32>)
            %add3A_398 = arith.constant 32 : i32
            %add3A_399 = arith.addi %add3A_371, %add3A_398 : i32
            %get3A_400 = arith.index_cast %add3A_399 : i32 to index
            %get3A_401 = tpu.vector_load %arg4[%get3A_400] {strides = array<i32>} : memref<50176xf32, #tpu.memory_space<vmem>>, vector<16xf32>,
            %masked_sort3A_402 = arith.constant dense<true> : vector<16xi1>
            %masked_sort3A_403, %masked_sort3A_404, %masked_sort3A_405 = tpu.sort %get3A_401, %get3A_401 masked %masked_sort3A_402 : (vector<16xf32>, vector<16xf32>, vector<16xi1>) -> (vector<16xi1>, vector<16xf32>, vector<16xf32>)
            %max3A_406 = arith.maximumf %masked_sort3A_396, %masked_sort3A_404 : vector<16xf32>
            %masked_sort3A_407 = arith.constant dense<true> : vector<16xi1>
            %masked_sort3A_408, %masked_sort3A_409, %masked_sort3A_410 = tpu.sort %max3A_406, %max3A_406 masked %masked_sort3A_407 {descending = true} : (vector<16xf32>, vector<16xf32>, vector<16xi1>) -> (vector<16xi1>, vector<16xf32>, vector<16xf32>)
            %add3A_411 = arith.constant 48 : i32
            %add3A_412 = arith.addi %add3A_371, %add3A_411 : i32
            %get3A_413 = arith.index_cast %add3A_412 : i32 to index
            %get3A_414 = tpu.vector_load %arg4[%get3A_413] {strides = array<i32>} : memref<50176xf32, #tpu.memory_space<vmem>>, vector<16xf32>,
            %masked_sort3A_415 = arith.constant dense<true> : vector<16xi1>
            %masked_sort3A_416, %masked_sort3A_417, %masked_sort3A_418 = tpu.sort %get3A_414, %get3A_414 masked %masked_sort3A_415 : (vector<16xf32>, vector<16xf32>, vector<16xi1>) -> (vector<16xi1>, vector<16xf32>, vector<16xf32>)
            %max3A_419 = arith.maximumf %masked_sort3A_409, %masked_sort3A_417 : vector<16xf32>
            %masked_sort3A_420 = arith.constant dense<true> : vector<16xi1>
            %masked_sort3A_421, %masked_sort3A_422, %masked_sort3A_423 = tpu.sort %max3A_419, %max3A_419 masked %masked_sort3A_420 {descending = true} : (vector<16xf32>, vector<16xf32>, vector<16xi1>) -> (vector<16xi1>, vector<16xf32>, vector<16xf32>)
            %add3A_424 = arith.constant 64 : i32
            %add3A_425 = arith.addi %add3A_371, %add3A_424 : i32
            %get3A_426 = arith.index_cast %add3A_425 : i32 to index
            %get3A_427 = tpu.vector_load %arg4[%get3A_426] {strides = array<i32>} : memref<50176xf32, #tpu.memory_space<vmem>>, vector<16xf32>,
            %masked_sort3A_428 = arith.constant dense<true> : vector<16xi1>
            %masked_sort3A_429, %masked_sort3A_430, %masked_sort3A_431 = tpu.sort %get3A_427, %get3A_427 masked %masked_sort3A_428 : (vector<16xf32>, vector<16xf32>, vector<16xi1>) -> (vector<16xi1>, vector<16xf32>, vector<16xf32>)
            %max3A_432 = arith.maximumf %masked_sort3A_422, %masked_sort3A_430 : vector<16xf32>
            %masked_sort3A_433 = arith.constant dense<true> : vector<16xi1>
            %masked_sort3A_434, %masked_sort3A_435, %masked_sort3A_436 = tpu.sort %max3A_432, %max3A_432 masked %masked_sort3A_433 {descending = true} : (vector<16xf32>, vector<16xf32>, vector<16xi1>) -> (vector<16xi1>, vector<16xf32>, vector<16xf32>)
            %add3A_437 = arith.constant 80 : i32
            %add3A_438 = arith.addi %add3A_371, %add3A_437 : i32
            %get3A_439 = arith.index_cast %add3A_438 : i32 to index
            %get3A_440 = tpu.vector_load %arg4[%get3A_439] {strides = array<i32>} : memref<50176xf32, #tpu.memory_space<vmem>>, vector<16xf32>,
            %masked_sort3A_441 = arith.constant dense<true> : vector<16xi1>
            %masked_sort3A_442, %masked_sort3A_443, %masked_sort3A_444 = tpu.sort %get3A_440, %get3A_440 masked %masked_sort3A_441 : (vector<16xf32>, vector<16xf32>, vector<16xi1>) -> (vector<16xi1>, vector<16xf32>, vector<16xf32>)
            %max3A_445 = arith.maximumf %masked_sort3A_435, %masked_sort3A_443 : vector<16xf32>
            %masked_sort3A_446 = arith.constant dense<true> : vector<16xi1>
            %masked_sort3A_447, %masked_sort3A_448, %masked_sort3A_449 = tpu.sort %max3A_445, %max3A_445 masked %masked_sort3A_446 {descending = true} : (vector<16xf32>, vector<16xf32>, vector<16xi1>) -> (vector<16xi1>, vector<16xf32>, vector<16xf32>)
            %add3A_450 = arith.constant 96 : i32
            %add3A_451 = arith.addi %add3A_371, %add3A_450 : i32
            %get3A_452 = arith.index_cast %add3A_451 : i32 to index
            %get3A_453 = tpu.vector_load %arg4[%get3A_452] {strides = array<i32>} : memref<50176xf32, #tpu.memory_space<vmem>>, vector<16xf32>,
            %masked_sort3A_454 = arith.constant dense<true> : vector<16xi1>
            %masked_sort3A_455, %masked_sort3A_456, %masked_sort3A_457 = tpu.sort %get3A_453, %get3A_453 masked %masked_sort3A_454 : (vector<16xf32>, vector<16xf32>, vector<16xi1>) -> (vector<16xi1>, vector<16xf32>, vector<16xf32>)
            %max3A_458 = arith.maximumf %masked_sort3A_448, %masked_sort3A_456 : vector<16xf32>
            %masked_sort3A_459 = arith.constant dense<true> : vector<16xi1>
            %masked_sort3A_460, %masked_sort3A_461, %masked_sort3A_462 = tpu.sort %max3A_458, %max3A_458 masked %masked_sort3A_459 {descending = true} : (vector<16xf32>, vector<16xf32>, vector<16xi1>) -> (vector<16xi1>, vector<16xf32>, vector<16xf32>)
            %add3A_463 = arith.constant 112 : i32
            %add3A_464 = arith.addi %add3A_371, %add3A_463 : i32
            %get3A_465 = arith.index_cast %add3A_464 : i32 to index
            %get3A_466 = tpu.vector_load %arg4[%get3A_465] {strides = array<i32>} : memref<50176xf32, #tpu.memory_space<vmem>>, vector<16xf32>,
            %masked_sort3A_467 = arith.constant dense<true> : vector<16xi1>
            %masked_sort3A_468, %masked_sort3A_469, %masked_sort3A_470 = tpu.sort %get3A_466, %get3A_466 masked %masked_sort3A_467 : (vector<16xf32>, vector<16xf32>, vector<16xi1>) -> (vector<16xi1>, vector<16xf32>, vector<16xf32>)
            %max3A_471 = arith.maximumf %masked_sort3A_461, %masked_sort3A_469 : vector<16xf32>
            %masked_sort3A_472 = arith.constant dense<true> : vector<16xi1>
            %masked_sort3A_473, %masked_sort3A_474, %masked_sort3A_475 = tpu.sort %max3A_471, %max3A_471 masked %masked_sort3A_472 {descending = true} : (vector<16xf32>, vector<16xf32>, vector<16xi1>) -> (vector<16xi1>, vector<16xf32>, vector<16xf32>)
            %add3A_476 = arith.constant 128 : i32
            %add3A_477 = arith.addi %add3A_371, %add3A_476 : i32
            %get3A_478 = arith.index_cast %add3A_477 : i32 to index
            %get3A_479 = tpu.vector_load %arg4[%get3A_478] {strides = array<i32>} : memref<50176xf32, #tpu.memory_space<vmem>>, vector<16xf32>,
            %masked_sort3A_480 = arith.constant dense<true> : vector<16xi1>
            %masked_sort3A_481, %masked_sort3A_482, %masked_sort3A_483 = tpu.sort %get3A_479, %get3A_479 masked %masked_sort3A_480 : (vector<16xf32>, vector<16xf32>, vector<16xi1>) -> (vector<16xi1>, vector<16xf32>, vector<16xf32>)
            %max3A_484 = arith.maximumf %masked_sort3A_474, %masked_sort3A_482 : vector<16xf32>
            %masked_sort3A_485 = arith.constant dense<true> : vector<16xi1>
            %masked_sort3A_486, %masked_sort3A_487, %masked_sort3A_488 = tpu.sort %max3A_484, %max3A_484 masked %masked_sort3A_485 {descending = true} : (vector<16xf32>, vector<16xf32>, vector<16xi1>) -> (vector<16xi1>, vector<16xf32>, vector<16xf32>)
            %add3A_489 = arith.constant 144 : i32
            %add3A_490 = arith.addi %add3A_371, %add3A_489 : i32
            %get3A_491 = arith.index_cast %add3A_490 : i32 to index
            %get3A_492 = tpu.vector_load %arg4[%get3A_491] {strides = array<i32>} : memref<50176xf32, #tpu.memory_space<vmem>>, vector<16xf32>,
            %masked_sort3A_493 = arith.constant dense<true> : vector<16xi1>
            %masked_sort3A_494, %masked_sort3A_495, %masked_sort3A_496 = tpu.sort %get3A_492, %get3A_492 masked %masked_sort3A_493 : (vector<16xf32>, vector<16xf32>, vector<16xi1>) -> (vector<16xi1>, vector<16xf32>, vector<16xf32>)
            %max3A_497 = arith.maximumf %masked_sort3A_487, %masked_sort3A_495 : vector<16xf32>
            %masked_sort3A_498 = arith.constant dense<true> : vector<16xi1>
            %masked_sort3A_499, %masked_sort3A_500, %masked_sort3A_501 = tpu.sort %max3A_497, %max3A_497 masked %masked_sort3A_498 {descending = true} : (vector<16xf32>, vector<16xf32>, vector<16xi1>) -> (vector<16xi1>, vector<16xf32>, vector<16xf32>)
            %add3A_502 = arith.constant 160 : i32
            %add3A_503 = arith.addi %add3A_371, %add3A_502 : i32
            %get3A_504 = arith.index_cast %add3A_503 : i32 to index
            %get3A_505 = tpu.vector_load %arg4[%get3A_504] {strides = array<i32>} : memref<50176xf32, #tpu.memory_space<vmem>>, vector<16xf32>,
            %masked_sort3A_506 = arith.constant dense<true> : vector<16xi1>
            %masked_sort3A_507, %masked_sort3A_508, %masked_sort3A_509 = tpu.sort %get3A_505, %get3A_505 masked %masked_sort3A_506 : (vector<16xf32>, vector<16xf32>, vector<16xi1>) -> (vector<16xi1>, vector<16xf32>, vector<16xf32>)
            %max3A_510 = arith.maximumf %masked_sort3A_500, %masked_sort3A_508 : vector<16xf32>
            %masked_sort3A_511 = arith.constant dense<true> : vector<16xi1>
            %masked_sort3A_512, %masked_sort3A_513, %masked_sort3A_514 = tpu.sort %max3A_510, %max3A_510 masked %masked_sort3A_511 {descending = true} : (vector<16xf32>, vector<16xf32>, vector<16xi1>) -> (vector<16xi1>, vector<16xf32>, vector<16xf32>)
            %add3A_515 = arith.constant 176 : i32
            %add3A_516 = arith.addi %add3A_371, %add3A_515 : i32
            %get3A_517 = arith.index_cast %add3A_516 : i32 to index
            %get3A_518 = tpu.vector_load %arg4[%get3A_517] {strides = array<i32>} : memref<50176xf32, #tpu.memory_space<vmem>>, vector<16xf32>,
            %masked_sort3A_519 = arith.constant dense<true> : vector<16xi1>
            %masked_sort3A_520, %masked_sort3A_521, %masked_sort3A_522 = tpu.sort %get3A_518, %get3A_518 masked %masked_sort3A_519 : (vector<16xf32>, vector<16xf32>, vector<16xi1>) -> (vector<16xi1>, vector<16xf32>, vector<16xf32>)
            %max3A_523 = arith.maximumf %masked_sort3A_513, %masked_sort3A_521 : vector<16xf32>
            %masked_sort3A_524 = arith.constant dense<true> : vector<16xi1>
            %masked_sort3A_525, %masked_sort3A_526, %masked_sort3A_527 = tpu.sort %max3A_523, %max3A_523 masked %masked_sort3A_524 {descending = true} : (vector<16xf32>, vector<16xf32>, vector<16xi1>) -> (vector<16xi1>, vector<16xf32>, vector<16xf32>)
            %add3A_528 = arith.constant 192 : i32
            %add3A_529 = arith.addi %add3A_371, %add3A_528 : i32
            %get3A_530 = arith.index_cast %add3A_529 : i32 to index
            %get3A_531 = tpu.vector_load %arg4[%get3A_530] {strides = array<i32>} : memref<50176xf32, #tpu.memory_space<vmem>>, vector<16xf32>,
            %masked_sort3A_532 = arith.constant dense<true> : vector<16xi1>
            %masked_sort3A_533, %masked_sort3A_534, %masked_sort3A_535 = tpu.sort %get3A_531, %get3A_531 masked %masked_sort3A_532 : (vector<16xf32>, vector<16xf32>, vector<16xi1>) -> (vector<16xi1>, vector<16xf32>, vector<16xf32>)
            %max3A_536 = arith.maximumf %masked_sort3A_526, %masked_sort3A_534 : vector<16xf32>
            %masked_sort3A_537 = arith.constant dense<true> : vector<16xi1>
            %masked_sort3A_538, %masked_sort3A_539, %masked_sort3A_540 = tpu.sort %max3A_536, %max3A_536 masked %masked_sort3A_537 {descending = true} : (vector<16xf32>, vector<16xf32>, vector<16xi1>) -> (vector<16xi1>, vector<16xf32>, vector<16xf32>)
            %add3A_541 = arith.constant 208 : i32
            %add3A_542 = arith.addi %add3A_371, %add3A_541 : i32
            %get3A_543 = arith.index_cast %add3A_542 : i32 to index
            %get3A_544 = tpu.vector_load %arg4[%get3A_543] {strides = array<i32>} : memref<50176xf32, #tpu.memory_space<vmem>>, vector<16xf32>,
            %masked_sort3A_545 = arith.constant dense<true> : vector<16xi1>
            %masked_sort3A_546, %masked_sort3A_547, %masked_sort3A_548 = tpu.sort %get3A_544, %get3A_544 masked %masked_sort3A_545 : (vector<16xf32>, vector<16xf32>, vector<16xi1>) -> (vector<16xi1>, vector<16xf32>, vector<16xf32>)
            %max3A_549 = arith.maximumf %masked_sort3A_539, %masked_sort3A_547 : vector<16xf32>
            %masked_sort3A_550 = arith.constant dense<true> : vector<16xi1>
            %masked_sort3A_551, %masked_sort3A_552, %masked_sort3A_553 = tpu.sort %max3A_549, %max3A_549 masked %masked_sort3A_550 {descending = true} : (vector<16xf32>, vector<16xf32>, vector<16xi1>) -> (vector<16xi1>, vector<16xf32>, vector<16xf32>)
            %add3A_554 = arith.constant 224 : i32
            %add3A_555 = arith.addi %add3A_371, %add3A_554 : i32
            %get3A_556 = arith.index_cast %add3A_555 : i32 to index
            %get3A_557 = tpu.vector_load %arg4[%get3A_556] {strides = array<i32>} : memref<50176xf32, #tpu.memory_space<vmem>>, vector<16xf32>,
            %masked_sort3A_558 = arith.constant dense<true> : vector<16xi1>
            %masked_sort3A_559, %masked_sort3A_560, %masked_sort3A_561 = tpu.sort %get3A_557, %get3A_557 masked %masked_sort3A_558 : (vector<16xf32>, vector<16xf32>, vector<16xi1>) -> (vector<16xi1>, vector<16xf32>, vector<16xf32>)
            %max3A_562 = arith.maximumf %masked_sort3A_552, %masked_sort3A_560 : vector<16xf32>
            %masked_sort3A_563 = arith.constant dense<true> : vector<16xi1>
            %masked_sort3A_564, %masked_sort3A_565, %masked_sort3A_566 = tpu.sort %max3A_562, %max3A_562 masked %masked_sort3A_563 {descending = true} : (vector<16xf32>, vector<16xf32>, vector<16xi1>) -> (vector<16xi1>, vector<16xf32>, vector<16xf32>)
            %add3A_567 = arith.constant 240 : i32
            %add3A_568 = arith.addi %add3A_371, %add3A_567 : i32
            %get3A_569 = arith.index_cast %add3A_568 : i32 to index
            %get3A_570 = tpu.vector_load %arg4[%get3A_569] {strides = array<i32>} : memref<50176xf32, #tpu.memory_space<vmem>>, vector<16xf32>,
            %masked_sort3A_571 = arith.constant dense<true> : vector<16xi1>
            %masked_sort3A_572, %masked_sort3A_573, %masked_sort3A_574 = tpu.sort %get3A_570, %get3A_570 masked %masked_sort3A_571 : (vector<16xf32>, vector<16xf32>, vector<16xi1>) -> (vector<16xi1>, vector<16xf32>, vector<16xf32>)
            %max3A_575 = arith.maximumf %masked_sort3A_565, %masked_sort3A_573 : vector<16xf32>
            %masked_sort3A_576 = arith.constant dense<true> : vector<16xi1>
            %masked_sort3A_577, %masked_sort3A_578, %masked_sort3A_579 = tpu.sort %max3A_575, %max3A_575 masked %masked_sort3A_576 {descending = true} : (vector<16xf32>, vector<16xf32>, vector<16xi1>) -> (vector<16xi1>, vector<16xf32>, vector<16xf32>)
            scf.yield %masked_sort3A_578 : vector<16xf32>
          } else {
            scf.yield %scan3A_257 : vector<16xf32>
          }
          %mul3A_299 = arith.constant 64 : i32
          %mul3A_300 = arith.muli %scan3A_256, %mul3A_299 : i32
          %add3A_301 = arith.constant 16 : i32
          %add3A_302 = arith.addi %mul3A_300, %add3A_301 : i32
          %get3A_303 = arith.index_cast %add3A_302 : i32 to index
          %get3A_304 = tpu.vector_load %arg6[%get3A_303] {strides = array<i32>} : memref<3136xf32, #tpu.memory_space<vmem>>, vector<16xf32>,
          %ge3A_305 = vector.broadcast %reduce_min3A_142 : f32 to vector<16xf32>
          %ge3A_306 = arith.cmpf oge, %get3A_304, %ge3A_305 : vector<16xf32>
          %reduce_or3A_307 = arith.constant 1.000000e+00 : f32
          %reduce_or3A_308 = arith.constant 0.000000e+00 : f32
          %reduce_or3A_309 = vector.broadcast %reduce_or3A_307 : f32 to vector<16xf32>
          %reduce_or3A_310 = vector.broadcast %reduce_or3A_308 : f32 to vector<16xf32>
          %reduce_or3A_311 = arith.select %ge3A_306, %reduce_or3A_309, %reduce_or3A_310 : vector<16xi1>, vector<16xf32>
          %reduce_or3A_312 = arith.constant true
          %reduce_or3A_313 = vector.broadcast %reduce_or3A_312 : i1 to vector<16xi1>
          %reduce_or3A_314 = tpu.scan <max>, %reduce_or3A_311 masked %reduce_or3A_313 : vector<16xf32>, vector<16xi1> -> vector<16xf32>
          %reduce_or3A_315 = vector.extract %reduce_or3A_314[15] : f32 from vector<16xf32>
          %reduce_or3A_316 = arith.constant 0.000000e+00 : f32
          %reduce_or3A_317 = arith.cmpf ogt, %reduce_or3A_315, %reduce_or3A_316 : f32
          %convert_element_type3A_318 = arith.extui %reduce_or3A_317 : i1 to i32
          %cond3A_319 = arith.constant 0 : i32
          %cond3A_320 = arith.cmpi ne, %convert_element_type3A_318, %cond3A_319 : i32
          %cond3A_321 = scf.if %cond3A_320 -> (vector<16xf32>) {
            %mul3A_368 = arith.constant 1024 : i32
            %mul3A_369 = arith.muli %scan3A_256, %mul3A_368 : i32
            %add3A_370 = arith.constant 256 : i32
            %add3A_371 = arith.addi %mul3A_369, %add3A_370 : i32
            %add3A_372 = arith.constant 0 : i32
            %add3A_373 = arith.addi %add3A_371, %add3A_372 : i32
            %get3A_374 = arith.index_cast %add3A_373 : i32 to index
            %get3A_375 = tpu.vector_load %arg4[%get3A_374] {strides = array<i32>} : memref<50176xf32, #tpu.memory_space<vmem>>, vector<16xf32>,
            %masked_sort3A_376 = arith.constant dense<true> : vector<16xi1>
            %masked_sort3A_377, %masked_sort3A_378, %masked_sort3A_379 = tpu.sort %get3A_375, %get3A_375 masked %masked_sort3A_376 : (vector<16xf32>, vector<16xf32>, vector<16xi1>) -> (vector<16xi1>, vector<16xf32>, vector<16xf32>)
            %max3A_380 = arith.maximumf %cond3A_298, %masked_sort3A_378 : vector<16xf32>
            %masked_sort3A_381 = arith.constant dense<true> : vector<16xi1>
            %masked_sort3A_382, %masked_sort3A_383, %masked_sort3A_384 = tpu.sort %max3A_380, %max3A_380 masked %masked_sort3A_381 {descending = true} : (vector<16xf32>, vector<16xf32>, vector<16xi1>) -> (vector<16xi1>, vector<16xf32>, vector<16xf32>)
            %add3A_385 = arith.constant 16 : i32
            %add3A_386 = arith.addi %add3A_371, %add3A_385 : i32
            %get3A_387 = arith.index_cast %add3A_386 : i32 to index
            %get3A_388 = tpu.vector_load %arg4[%get3A_387] {strides = array<i32>} : memref<50176xf32, #tpu.memory_space<vmem>>, vector<16xf32>,
            %masked_sort3A_389 = arith.constant dense<true> : vector<16xi1>
            %masked_sort3A_390, %masked_sort3A_391, %masked_sort3A_392 = tpu.sort %get3A_388, %get3A_388 masked %masked_sort3A_389 : (vector<16xf32>, vector<16xf32>, vector<16xi1>) -> (vector<16xi1>, vector<16xf32>, vector<16xf32>)
            %max3A_393 = arith.maximumf %masked_sort3A_383, %masked_sort3A_391 : vector<16xf32>
            %masked_sort3A_394 = arith.constant dense<true> : vector<16xi1>
            %masked_sort3A_395, %masked_sort3A_396, %masked_sort3A_397 = tpu.sort %max3A_393, %max3A_393 masked %masked_sort3A_394 {descending = true} : (vector<16xf32>, vector<16xf32>, vector<16xi1>) -> (vector<16xi1>, vector<16xf32>, vector<16xf32>)
            %add3A_398 = arith.constant 32 : i32
            %add3A_399 = arith.addi %add3A_371, %add3A_398 : i32
            %get3A_400 = arith.index_cast %add3A_399 : i32 to index
            %get3A_401 = tpu.vector_load %arg4[%get3A_400] {strides = array<i32>} : memref<50176xf32, #tpu.memory_space<vmem>>, vector<16xf32>,
            %masked_sort3A_402 = arith.constant dense<true> : vector<16xi1>
            %masked_sort3A_403, %masked_sort3A_404, %masked_sort3A_405 = tpu.sort %get3A_401, %get3A_401 masked %masked_sort3A_402 : (vector<16xf32>, vector<16xf32>, vector<16xi1>) -> (vector<16xi1>, vector<16xf32>, vector<16xf32>)
            %max3A_406 = arith.maximumf %masked_sort3A_396, %masked_sort3A_404 : vector<16xf32>
            %masked_sort3A_407 = arith.constant dense<true> : vector<16xi1>
            %masked_sort3A_408, %masked_sort3A_409, %masked_sort3A_410 = tpu.sort %max3A_406, %max3A_406 masked %masked_sort3A_407 {descending = true} : (vector<16xf32>, vector<16xf32>, vector<16xi1>) -> (vector<16xi1>, vector<16xf32>, vector<16xf32>)
            %add3A_411 = arith.constant 48 : i32
            %add3A_412 = arith.addi %add3A_371, %add3A_411 : i32
            %get3A_413 = arith.index_cast %add3A_412 : i32 to index
            %get3A_414 = tpu.vector_load %arg4[%get3A_413] {strides = array<i32>} : memref<50176xf32, #tpu.memory_space<vmem>>, vector<16xf32>,
            %masked_sort3A_415 = arith.constant dense<true> : vector<16xi1>
            %masked_sort3A_416, %masked_sort3A_417, %masked_sort3A_418 = tpu.sort %get3A_414, %get3A_414 masked %masked_sort3A_415 : (vector<16xf32>, vector<16xf32>, vector<16xi1>) -> (vector<16xi1>, vector<16xf32>, vector<16xf32>)
            %max3A_419 = arith.maximumf %masked_sort3A_409, %masked_sort3A_417 : vector<16xf32>
            %masked_sort3A_420 = arith.constant dense<true> : vector<16xi1>
            %masked_sort3A_421, %masked_sort3A_422, %masked_sort3A_423 = tpu.sort %max3A_419, %max3A_419 masked %masked_sort3A_420 {descending = true} : (vector<16xf32>, vector<16xf32>, vector<16xi1>) -> (vector<16xi1>, vector<16xf32>, vector<16xf32>)
            %add3A_424 = arith.constant 64 : i32
            %add3A_425 = arith.addi %add3A_371, %add3A_424 : i32
            %get3A_426 = arith.index_cast %add3A_425 : i32 to index
            %get3A_427 = tpu.vector_load %arg4[%get3A_426] {strides = array<i32>} : memref<50176xf32, #tpu.memory_space<vmem>>, vector<16xf32>,
            %masked_sort3A_428 = arith.constant dense<true> : vector<16xi1>
            %masked_sort3A_429, %masked_sort3A_430, %masked_sort3A_431 = tpu.sort %get3A_427, %get3A_427 masked %masked_sort3A_428 : (vector<16xf32>, vector<16xf32>, vector<16xi1>) -> (vector<16xi1>, vector<16xf32>, vector<16xf32>)
            %max3A_432 = arith.maximumf %masked_sort3A_422, %masked_sort3A_430 : vector<16xf32>
            %masked_sort3A_433 = arith.constant dense<true> : vector<16xi1>
            %masked_sort3A_434, %masked_sort3A_435, %masked_sort3A_436 = tpu.sort %max3A_432, %max3A_432 masked %masked_sort3A_433 {descending = true} : (vector<16xf32>, vector<16xf32>, vector<16xi1>) -> (vector<16xi1>, vector<16xf32>, vector<16xf32>)
            %add3A_437 = arith.constant 80 : i32
            %add3A_438 = arith.addi %add3A_371, %add3A_437 : i32
            %get3A_439 = arith.index_cast %add3A_438 : i32 to index
            %get3A_440 = tpu.vector_load %arg4[%get3A_439] {strides = array<i32>} : memref<50176xf32, #tpu.memory_space<vmem>>, vector<16xf32>,
            %masked_sort3A_441 = arith.constant dense<true> : vector<16xi1>
            %masked_sort3A_442, %masked_sort3A_443, %masked_sort3A_444 = tpu.sort %get3A_440, %get3A_440 masked %masked_sort3A_441 : (vector<16xf32>, vector<16xf32>, vector<16xi1>) -> (vector<16xi1>, vector<16xf32>, vector<16xf32>)
            %max3A_445 = arith.maximumf %masked_sort3A_435, %masked_sort3A_443 : vector<16xf32>
            %masked_sort3A_446 = arith.constant dense<true> : vector<16xi1>
            %masked_sort3A_447, %masked_sort3A_448, %masked_sort3A_449 = tpu.sort %max3A_445, %max3A_445 masked %masked_sort3A_446 {descending = true} : (vector<16xf32>, vector<16xf32>, vector<16xi1>) -> (vector<16xi1>, vector<16xf32>, vector<16xf32>)
            %add3A_450 = arith.constant 96 : i32
            %add3A_451 = arith.addi %add3A_371, %add3A_450 : i32
            %get3A_452 = arith.index_cast %add3A_451 : i32 to index
            %get3A_453 = tpu.vector_load %arg4[%get3A_452] {strides = array<i32>} : memref<50176xf32, #tpu.memory_space<vmem>>, vector<16xf32>,
            %masked_sort3A_454 = arith.constant dense<true> : vector<16xi1>
            %masked_sort3A_455, %masked_sort3A_456, %masked_sort3A_457 = tpu.sort %get3A_453, %get3A_453 masked %masked_sort3A_454 : (vector<16xf32>, vector<16xf32>, vector<16xi1>) -> (vector<16xi1>, vector<16xf32>, vector<16xf32>)
            %max3A_458 = arith.maximumf %masked_sort3A_448, %masked_sort3A_456 : vector<16xf32>
            %masked_sort3A_459 = arith.constant dense<true> : vector<16xi1>
            %masked_sort3A_460, %masked_sort3A_461, %masked_sort3A_462 = tpu.sort %max3A_458, %max3A_458 masked %masked_sort3A_459 {descending = true} : (vector<16xf32>, vector<16xf32>, vector<16xi1>) -> (vector<16xi1>, vector<16xf32>, vector<16xf32>)
            %add3A_463 = arith.constant 112 : i32
            %add3A_464 = arith.addi %add3A_371, %add3A_463 : i32
            %get3A_465 = arith.index_cast %add3A_464 : i32 to index
            %get3A_466 = tpu.vector_load %arg4[%get3A_465] {strides = array<i32>} : memref<50176xf32, #tpu.memory_space<vmem>>, vector<16xf32>,
            %masked_sort3A_467 = arith.constant dense<true> : vector<16xi1>
            %masked_sort3A_468, %masked_sort3A_469, %masked_sort3A_470 = tpu.sort %get3A_466, %get3A_466 masked %masked_sort3A_467 : (vector<16xf32>, vector<16xf32>, vector<16xi1>) -> (vector<16xi1>, vector<16xf32>, vector<16xf32>)
            %max3A_471 = arith.maximumf %masked_sort3A_461, %masked_sort3A_469 : vector<16xf32>
            %masked_sort3A_472 = arith.constant dense<true> : vector<16xi1>
            %masked_sort3A_473, %masked_sort3A_474, %masked_sort3A_475 = tpu.sort %max3A_471, %max3A_471 masked %masked_sort3A_472 {descending = true} : (vector<16xf32>, vector<16xf32>, vector<16xi1>) -> (vector<16xi1>, vector<16xf32>, vector<16xf32>)
            %add3A_476 = arith.constant 128 : i32
            %add3A_477 = arith.addi %add3A_371, %add3A_476 : i32
            %get3A_478 = arith.index_cast %add3A_477 : i32 to index
            %get3A_479 = tpu.vector_load %arg4[%get3A_478] {strides = array<i32>} : memref<50176xf32, #tpu.memory_space<vmem>>, vector<16xf32>,
            %masked_sort3A_480 = arith.constant dense<true> : vector<16xi1>
            %masked_sort3A_481, %masked_sort3A_482, %masked_sort3A_483 = tpu.sort %get3A_479, %get3A_479 masked %masked_sort3A_480 : (vector<16xf32>, vector<16xf32>, vector<16xi1>) -> (vector<16xi1>, vector<16xf32>, vector<16xf32>)
            %max3A_484 = arith.maximumf %masked_sort3A_474, %masked_sort3A_482 : vector<16xf32>
            %masked_sort3A_485 = arith.constant dense<true> : vector<16xi1>
            %masked_sort3A_486, %masked_sort3A_487, %masked_sort3A_488 = tpu.sort %max3A_484, %max3A_484 masked %masked_sort3A_485 {descending = true} : (vector<16xf32>, vector<16xf32>, vector<16xi1>) -> (vector<16xi1>, vector<16xf32>, vector<16xf32>)
            %add3A_489 = arith.constant 144 : i32
            %add3A_490 = arith.addi %add3A_371, %add3A_489 : i32
            %get3A_491 = arith.index_cast %add3A_490 : i32 to index
            %get3A_492 = tpu.vector_load %arg4[%get3A_491] {strides = array<i32>} : memref<50176xf32, #tpu.memory_space<vmem>>, vector<16xf32>,
            %masked_sort3A_493 = arith.constant dense<true> : vector<16xi1>
            %masked_sort3A_494, %masked_sort3A_495, %masked_sort3A_496 = tpu.sort %get3A_492, %get3A_492 masked %masked_sort3A_493 : (vector<16xf32>, vector<16xf32>, vector<16xi1>) -> (vector<16xi1>, vector<16xf32>, vector<16xf32>)
            %max3A_497 = arith.maximumf %masked_sort3A_487, %masked_sort3A_495 : vector<16xf32>
            %masked_sort3A_498 = arith.constant dense<true> : vector<16xi1>
            %masked_sort3A_499, %masked_sort3A_500, %masked_sort3A_501 = tpu.sort %max3A_497, %max3A_497 masked %masked_sort3A_498 {descending = true} : (vector<16xf32>, vector<16xf32>, vector<16xi1>) -> (vector<16xi1>, vector<16xf32>, vector<16xf32>)
            %add3A_502 = arith.constant 160 : i32
            %add3A_503 = arith.addi %add3A_371, %add3A_502 : i32
            %get3A_504 = arith.index_cast %add3A_503 : i32 to index
            %get3A_505 = tpu.vector_load %arg4[%get3A_504] {strides = array<i32>} : memref<50176xf32, #tpu.memory_space<vmem>>, vector<16xf32>,
            %masked_sort3A_506 = arith.constant dense<true> : vector<16xi1>
            %masked_sort3A_507, %masked_sort3A_508, %masked_sort3A_509 = tpu.sort %get3A_505, %get3A_505 masked %masked_sort3A_506 : (vector<16xf32>, vector<16xf32>, vector<16xi1>) -> (vector<16xi1>, vector<16xf32>, vector<16xf32>)
            %max3A_510 = arith.maximumf %masked_sort3A_500, %masked_sort3A_508 : vector<16xf32>
            %masked_sort3A_511 = arith.constant dense<true> : vector<16xi1>
            %masked_sort3A_512, %masked_sort3A_513, %masked_sort3A_514 = tpu.sort %max3A_510, %max3A_510 masked %masked_sort3A_511 {descending = true} : (vector<16xf32>, vector<16xf32>, vector<16xi1>) -> (vector<16xi1>, vector<16xf32>, vector<16xf32>)
            %add3A_515 = arith.constant 176 : i32
            %add3A_516 = arith.addi %add3A_371, %add3A_515 : i32
            %get3A_517 = arith.index_cast %add3A_516 : i32 to index
            %get3A_518 = tpu.vector_load %arg4[%get3A_517] {strides = array<i32>} : memref<50176xf32, #tpu.memory_space<vmem>>, vector<16xf32>,
            %masked_sort3A_519 = arith.constant dense<true> : vector<16xi1>
            %masked_sort3A_520, %masked_sort3A_521, %masked_sort3A_522 = tpu.sort %get3A_518, %get3A_518 masked %masked_sort3A_519 : (vector<16xf32>, vector<16xf32>, vector<16xi1>) -> (vector<16xi1>, vector<16xf32>, vector<16xf32>)
            %max3A_523 = arith.maximumf %masked_sort3A_513, %masked_sort3A_521 : vector<16xf32>
            %masked_sort3A_524 = arith.constant dense<true> : vector<16xi1>
            %masked_sort3A_525, %masked_sort3A_526, %masked_sort3A_527 = tpu.sort %max3A_523, %max3A_523 masked %masked_sort3A_524 {descending = true} : (vector<16xf32>, vector<16xf32>, vector<16xi1>) -> (vector<16xi1>, vector<16xf32>, vector<16xf32>)
            %add3A_528 = arith.constant 192 : i32
            %add3A_529 = arith.addi %add3A_371, %add3A_528 : i32
            %get3A_530 = arith.index_cast %add3A_529 : i32 to index
            %get3A_531 = tpu.vector_load %arg4[%get3A_530] {strides = array<i32>} : memref<50176xf32, #tpu.memory_space<vmem>>, vector<16xf32>,
            %masked_sort3A_532 = arith.constant dense<true> : vector<16xi1>
            %masked_sort3A_533, %masked_sort3A_534, %masked_sort3A_535 = tpu.sort %get3A_531, %get3A_531 masked %masked_sort3A_532 : (vector<16xf32>, vector<16xf32>, vector<16xi1>) -> (vector<16xi1>, vector<16xf32>, vector<16xf32>)
            %max3A_536 = arith.maximumf %masked_sort3A_526, %masked_sort3A_534 : vector<16xf32>
            %masked_sort3A_537 = arith.constant dense<true> : vector<16xi1>
            %masked_sort3A_538, %masked_sort3A_539, %masked_sort3A_540 = tpu.sort %max3A_536, %max3A_536 masked %masked_sort3A_537 {descending = true} : (vector<16xf32>, vector<16xf32>, vector<16xi1>) -> (vector<16xi1>, vector<16xf32>, vector<16xf32>)
            %add3A_541 = arith.constant 208 : i32
            %add3A_542 = arith.addi %add3A_371, %add3A_541 : i32
            %get3A_543 = arith.index_cast %add3A_542 : i32 to index
            %get3A_544 = tpu.vector_load %arg4[%get3A_543] {strides = array<i32>} : memref<50176xf32, #tpu.memory_space<vmem>>, vector<16xf32>,
            %masked_sort3A_545 = arith.constant dense<true> : vector<16xi1>
            %masked_sort3A_546, %masked_sort3A_547, %masked_sort3A_548 = tpu.sort %get3A_544, %get3A_544 masked %masked_sort3A_545 : (vector<16xf32>, vector<16xf32>, vector<16xi1>) -> (vector<16xi1>, vector<16xf32>, vector<16xf32>)
            %max3A_549 = arith.maximumf %masked_sort3A_539, %masked_sort3A_547 : vector<16xf32>
            %masked_sort3A_550 = arith.constant dense<true> : vector<16xi1>
            %masked_sort3A_551, %masked_sort3A_552, %masked_sort3A_553 = tpu.sort %max3A_549, %max3A_549 masked %masked_sort3A_550 {descending = true} : (vector<16xf32>, vector<16xf32>, vector<16xi1>) -> (vector<16xi1>, vector<16xf32>, vector<16xf32>)
            %add3A_554 = arith.constant 224 : i32
            %add3A_555 = arith.addi %add3A_371, %add3A_554 : i32
            %get3A_556 = arith.index_cast %add3A_555 : i32 to index
            %get3A_557 = tpu.vector_load %arg4[%get3A_556] {strides = array<i32>} : memref<50176xf32, #tpu.memory_space<vmem>>, vector<16xf32>,
            %masked_sort3A_558 = arith.constant dense<true> : vector<16xi1>
            %masked_sort3A_559, %masked_sort3A_560, %masked_sort3A_561 = tpu.sort %get3A_557, %get3A_557 masked %masked_sort3A_558 : (vector<16xf32>, vector<16xf32>, vector<16xi1>) -> (vector<16xi1>, vector<16xf32>, vector<16xf32>)
            %max3A_562 = arith.maximumf %masked_sort3A_552, %masked_sort3A_560 : vector<16xf32>
            %masked_sort3A_563 = arith.constant dense<true> : vector<16xi1>
            %masked_sort3A_564, %masked_sort3A_565, %masked_sort3A_566 = tpu.sort %max3A_562, %max3A_562 masked %masked_sort3A_563 {descending = true} : (vector<16xf32>, vector<16xf32>, vector<16xi1>) -> (vector<16xi1>, vector<16xf32>, vector<16xf32>)
            %add3A_567 = arith.constant 240 : i32
            %add3A_568 = arith.addi %add3A_371, %add3A_567 : i32
            %get3A_569 = arith.index_cast %add3A_568 : i32 to index
            %get3A_570 = tpu.vector_load %arg4[%get3A_569] {strides = array<i32>} : memref<50176xf32, #tpu.memory_space<vmem>>, vector<16xf32>,
            %masked_sort3A_571 = arith.constant dense<true> : vector<16xi1>
            %masked_sort3A_572, %masked_sort3A_573, %masked_sort3A_574 = tpu.sort %get3A_570, %get3A_570 masked %masked_sort3A_571 : (vector<16xf32>, vector<16xf32>, vector<16xi1>) -> (vector<16xi1>, vector<16xf32>, vector<16xf32>)
            %max3A_575 = arith.maximumf %masked_sort3A_565, %masked_sort3A_573 : vector<16xf32>
            %masked_sort3A_576 = arith.constant dense<true> : vector<16xi1>
            %masked_sort3A_577, %masked_sort3A_578, %masked_sort3A_579 = tpu.sort %max3A_575, %max3A_575 masked %masked_sort3A_576 {descending = true} : (vector<16xf32>, vector<16xf32>, vector<16xi1>) -> (vector<16xi1>, vector<16xf32>, vector<16xf32>)
            scf.yield %masked_sort3A_578 : vector<16xf32>
          } else {
            scf.yield %cond3A_298 : vector<16xf32>
          }
          %mul3A_322 = arith.constant 64 : i32
          %mul3A_323 = arith.muli %scan3A_256, %mul3A_322 : i32
          %add3A_324 = arith.constant 32 : i32
          %add3A_325 = arith.addi %mul3A_323, %add3A_324 : i32
          %get3A_326 = arith.index_cast %add3A_325 : i32 to index
          %get3A_327 = tpu.vector_load %arg6[%get3A_326] {strides = array<i32>} : memref<3136xf32, #tpu.memory_space<vmem>>, vector<16xf32>,
          %ge3A_328 = vector.broadcast %reduce_min3A_142 : f32 to vector<16xf32>
          %ge3A_329 = arith.cmpf oge, %get3A_327, %ge3A_328 : vector<16xf32>
          %reduce_or3A_330 = arith.constant 1.000000e+00 : f32
          %reduce_or3A_331 = arith.constant 0.000000e+00 : f32
          %reduce_or3A_332 = vector.broadcast %reduce_or3A_330 : f32 to vector<16xf32>
          %reduce_or3A_333 = vector.broadcast %reduce_or3A_331 : f32 to vector<16xf32>
          %reduce_or3A_334 = arith.select %ge3A_329, %reduce_or3A_332, %reduce_or3A_333 : vector<16xi1>, vector<16xf32>
          %reduce_or3A_335 = arith.constant true
          %reduce_or3A_336 = vector.broadcast %reduce_or3A_335 : i1 to vector<16xi1>
          %reduce_or3A_337 = tpu.scan <max>, %reduce_or3A_334 masked %reduce_or3A_336 : vector<16xf32>, vector<16xi1> -> vector<16xf32>
          %reduce_or3A_338 = vector.extract %reduce_or3A_337[15] : f32 from vector<16xf32>
          %reduce_or3A_339 = arith.constant 0.000000e+00 : f32
          %reduce_or3A_340 = arith.cmpf ogt, %reduce_or3A_338, %reduce_or3A_339 : f32
          %convert_element_type3A_341 = arith.extui %reduce_or3A_340 : i1 to i32
          %cond3A_342 = arith.constant 0 : i32
          %cond3A_343 = arith.cmpi ne, %convert_element_type3A_341, %cond3A_342 : i32
          %cond3A_344 = scf.if %cond3A_343 -> (vector<16xf32>) {
            %mul3A_368 = arith.constant 1024 : i32
            %mul3A_369 = arith.muli %scan3A_256, %mul3A_368 : i32
            %add3A_370 = arith.constant 512 : i32
            %add3A_371 = arith.addi %mul3A_369, %add3A_370 : i32
            %add3A_372 = arith.constant 0 : i32
            %add3A_373 = arith.addi %add3A_371, %add3A_372 : i32
            %get3A_374 = arith.index_cast %add3A_373 : i32 to index
            %get3A_375 = tpu.vector_load %arg4[%get3A_374] {strides = array<i32>} : memref<50176xf32, #tpu.memory_space<vmem>>, vector<16xf32>,
            %masked_sort3A_376 = arith.constant dense<true> : vector<16xi1>
            %masked_sort3A_377, %masked_sort3A_378, %masked_sort3A_379 = tpu.sort %get3A_375, %get3A_375 masked %masked_sort3A_376 : (vector<16xf32>, vector<16xf32>, vector<16xi1>) -> (vector<16xi1>, vector<16xf32>, vector<16xf32>)
            %max3A_380 = arith.maximumf %cond3A_321, %masked_sort3A_378 : vector<16xf32>
            %masked_sort3A_381 = arith.constant dense<true> : vector<16xi1>
            %masked_sort3A_382, %masked_sort3A_383, %masked_sort3A_384 = tpu.sort %max3A_380, %max3A_380 masked %masked_sort3A_381 {descending = true} : (vector<16xf32>, vector<16xf32>, vector<16xi1>) -> (vector<16xi1>, vector<16xf32>, vector<16xf32>)
            %add3A_385 = arith.constant 16 : i32
            %add3A_386 = arith.addi %add3A_371, %add3A_385 : i32
            %get3A_387 = arith.index_cast %add3A_386 : i32 to index
            %get3A_388 = tpu.vector_load %arg4[%get3A_387] {strides = array<i32>} : memref<50176xf32, #tpu.memory_space<vmem>>, vector<16xf32>,
            %masked_sort3A_389 = arith.constant dense<true> : vector<16xi1>
            %masked_sort3A_390, %masked_sort3A_391, %masked_sort3A_392 = tpu.sort %get3A_388, %get3A_388 masked %masked_sort3A_389 : (vector<16xf32>, vector<16xf32>, vector<16xi1>) -> (vector<16xi1>, vector<16xf32>, vector<16xf32>)
            %max3A_393 = arith.maximumf %masked_sort3A_383, %masked_sort3A_391 : vector<16xf32>
            %masked_sort3A_394 = arith.constant dense<true> : vector<16xi1>
            %masked_sort3A_395, %masked_sort3A_396, %masked_sort3A_397 = tpu.sort %max3A_393, %max3A_393 masked %masked_sort3A_394 {descending = true} : (vector<16xf32>, vector<16xf32>, vector<16xi1>) -> (vector<16xi1>, vector<16xf32>, vector<16xf32>)
            %add3A_398 = arith.constant 32 : i32
            %add3A_399 = arith.addi %add3A_371, %add3A_398 : i32
            %get3A_400 = arith.index_cast %add3A_399 : i32 to index
            %get3A_401 = tpu.vector_load %arg4[%get3A_400] {strides = array<i32>} : memref<50176xf32, #tpu.memory_space<vmem>>, vector<16xf32>,
            %masked_sort3A_402 = arith.constant dense<true> : vector<16xi1>
            %masked_sort3A_403, %masked_sort3A_404, %masked_sort3A_405 = tpu.sort %get3A_401, %get3A_401 masked %masked_sort3A_402 : (vector<16xf32>, vector<16xf32>, vector<16xi1>) -> (vector<16xi1>, vector<16xf32>, vector<16xf32>)
            %max3A_406 = arith.maximumf %masked_sort3A_396, %masked_sort3A_404 : vector<16xf32>
            %masked_sort3A_407 = arith.constant dense<true> : vector<16xi1>
            %masked_sort3A_408, %masked_sort3A_409, %masked_sort3A_410 = tpu.sort %max3A_406, %max3A_406 masked %masked_sort3A_407 {descending = true} : (vector<16xf32>, vector<16xf32>, vector<16xi1>) -> (vector<16xi1>, vector<16xf32>, vector<16xf32>)
            %add3A_411 = arith.constant 48 : i32
            %add3A_412 = arith.addi %add3A_371, %add3A_411 : i32
            %get3A_413 = arith.index_cast %add3A_412 : i32 to index
            %get3A_414 = tpu.vector_load %arg4[%get3A_413] {strides = array<i32>} : memref<50176xf32, #tpu.memory_space<vmem>>, vector<16xf32>,
            %masked_sort3A_415 = arith.constant dense<true> : vector<16xi1>
            %masked_sort3A_416, %masked_sort3A_417, %masked_sort3A_418 = tpu.sort %get3A_414, %get3A_414 masked %masked_sort3A_415 : (vector<16xf32>, vector<16xf32>, vector<16xi1>) -> (vector<16xi1>, vector<16xf32>, vector<16xf32>)
            %max3A_419 = arith.maximumf %masked_sort3A_409, %masked_sort3A_417 : vector<16xf32>
            %masked_sort3A_420 = arith.constant dense<true> : vector<16xi1>
            %masked_sort3A_421, %masked_sort3A_422, %masked_sort3A_423 = tpu.sort %max3A_419, %max3A_419 masked %masked_sort3A_420 {descending = true} : (vector<16xf32>, vector<16xf32>, vector<16xi1>) -> (vector<16xi1>, vector<16xf32>, vector<16xf32>)
            %add3A_424 = arith.constant 64 : i32
            %add3A_425 = arith.addi %add3A_371, %add3A_424 : i32
            %get3A_426 = arith.index_cast %add3A_425 : i32 to index
            %get3A_427 = tpu.vector_load %arg4[%get3A_426] {strides = array<i32>} : memref<50176xf32, #tpu.memory_space<vmem>>, vector<16xf32>,
            %masked_sort3A_428 = arith.constant dense<true> : vector<16xi1>
            %masked_sort3A_429, %masked_sort3A_430, %masked_sort3A_431 = tpu.sort %get3A_427, %get3A_427 masked %masked_sort3A_428 : (vector<16xf32>, vector<16xf32>, vector<16xi1>) -> (vector<16xi1>, vector<16xf32>, vector<16xf32>)
            %max3A_432 = arith.maximumf %masked_sort3A_422, %masked_sort3A_430 : vector<16xf32>
            %masked_sort3A_433 = arith.constant dense<true> : vector<16xi1>
            %masked_sort3A_434, %masked_sort3A_435, %masked_sort3A_436 = tpu.sort %max3A_432, %max3A_432 masked %masked_sort3A_433 {descending = true} : (vector<16xf32>, vector<16xf32>, vector<16xi1>) -> (vector<16xi1>, vector<16xf32>, vector<16xf32>)
            %add3A_437 = arith.constant 80 : i32
            %add3A_438 = arith.addi %add3A_371, %add3A_437 : i32
            %get3A_439 = arith.index_cast %add3A_438 : i32 to index
            %get3A_440 = tpu.vector_load %arg4[%get3A_439] {strides = array<i32>} : memref<50176xf32, #tpu.memory_space<vmem>>, vector<16xf32>,
            %masked_sort3A_441 = arith.constant dense<true> : vector<16xi1>
            %masked_sort3A_442, %masked_sort3A_443, %masked_sort3A_444 = tpu.sort %get3A_440, %get3A_440 masked %masked_sort3A_441 : (vector<16xf32>, vector<16xf32>, vector<16xi1>) -> (vector<16xi1>, vector<16xf32>, vector<16xf32>)
            %max3A_445 = arith.maximumf %masked_sort3A_435, %masked_sort3A_443 : vector<16xf32>
            %masked_sort3A_446 = arith.constant dense<true> : vector<16xi1>
            %masked_sort3A_447, %masked_sort3A_448, %masked_sort3A_449 = tpu.sort %max3A_445, %max3A_445 masked %masked_sort3A_446 {descending = true} : (vector<16xf32>, vector<16xf32>, vector<16xi1>) -> (vector<16xi1>, vector<16xf32>, vector<16xf32>)
            %add3A_450 = arith.constant 96 : i32
            %add3A_451 = arith.addi %add3A_371, %add3A_450 : i32
            %get3A_452 = arith.index_cast %add3A_451 : i32 to index
            %get3A_453 = tpu.vector_load %arg4[%get3A_452] {strides = array<i32>} : memref<50176xf32, #tpu.memory_space<vmem>>, vector<16xf32>,
            %masked_sort3A_454 = arith.constant dense<true> : vector<16xi1>
            %masked_sort3A_455, %masked_sort3A_456, %masked_sort3A_457 = tpu.sort %get3A_453, %get3A_453 masked %masked_sort3A_454 : (vector<16xf32>, vector<16xf32>, vector<16xi1>) -> (vector<16xi1>, vector<16xf32>, vector<16xf32>)
            %max3A_458 = arith.maximumf %masked_sort3A_448, %masked_sort3A_456 : vector<16xf32>
            %masked_sort3A_459 = arith.constant dense<true> : vector<16xi1>
            %masked_sort3A_460, %masked_sort3A_461, %masked_sort3A_462 = tpu.sort %max3A_458, %max3A_458 masked %masked_sort3A_459 {descending = true} : (vector<16xf32>, vector<16xf32>, vector<16xi1>) -> (vector<16xi1>, vector<16xf32>, vector<16xf32>)
            %add3A_463 = arith.constant 112 : i32
            %add3A_464 = arith.addi %add3A_371, %add3A_463 : i32
            %get3A_465 = arith.index_cast %add3A_464 : i32 to index
            %get3A_466 = tpu.vector_load %arg4[%get3A_465] {strides = array<i32>} : memref<50176xf32, #tpu.memory_space<vmem>>, vector<16xf32>,
            %masked_sort3A_467 = arith.constant dense<true> : vector<16xi1>
            %masked_sort3A_468, %masked_sort3A_469, %masked_sort3A_470 = tpu.sort %get3A_466, %get3A_466 masked %masked_sort3A_467 : (vector<16xf32>, vector<16xf32>, vector<16xi1>) -> (vector<16xi1>, vector<16xf32>, vector<16xf32>)
            %max3A_471 = arith.maximumf %masked_sort3A_461, %masked_sort3A_469 : vector<16xf32>
            %masked_sort3A_472 = arith.constant dense<true> : vector<16xi1>
            %masked_sort3A_473, %masked_sort3A_474, %masked_sort3A_475 = tpu.sort %max3A_471, %max3A_471 masked %masked_sort3A_472 {descending = true} : (vector<16xf32>, vector<16xf32>, vector<16xi1>) -> (vector<16xi1>, vector<16xf32>, vector<16xf32>)
            %add3A_476 = arith.constant 128 : i32
            %add3A_477 = arith.addi %add3A_371, %add3A_476 : i32
            %get3A_478 = arith.index_cast %add3A_477 : i32 to index
            %get3A_479 = tpu.vector_load %arg4[%get3A_478] {strides = array<i32>} : memref<50176xf32, #tpu.memory_space<vmem>>, vector<16xf32>,
            %masked_sort3A_480 = arith.constant dense<true> : vector<16xi1>
            %masked_sort3A_481, %masked_sort3A_482, %masked_sort3A_483 = tpu.sort %get3A_479, %get3A_479 masked %masked_sort3A_480 : (vector<16xf32>, vector<16xf32>, vector<16xi1>) -> (vector<16xi1>, vector<16xf32>, vector<16xf32>)
            %max3A_484 = arith.maximumf %masked_sort3A_474, %masked_sort3A_482 : vector<16xf32>
            %masked_sort3A_485 = arith.constant dense<true> : vector<16xi1>
            %masked_sort3A_486, %masked_sort3A_487, %masked_sort3A_488 = tpu.sort %max3A_484, %max3A_484 masked %masked_sort3A_485 {descending = true} : (vector<16xf32>, vector<16xf32>, vector<16xi1>) -> (vector<16xi1>, vector<16xf32>, vector<16xf32>)
            %add3A_489 = arith.constant 144 : i32
            %add3A_490 = arith.addi %add3A_371, %add3A_489 : i32
            %get3A_491 = arith.index_cast %add3A_490 : i32 to index
            %get3A_492 = tpu.vector_load %arg4[%get3A_491] {strides = array<i32>} : memref<50176xf32, #tpu.memory_space<vmem>>, vector<16xf32>,
            %masked_sort3A_493 = arith.constant dense<true> : vector<16xi1>
            %masked_sort3A_494, %masked_sort3A_495, %masked_sort3A_496 = tpu.sort %get3A_492, %get3A_492 masked %masked_sort3A_493 : (vector<16xf32>, vector<16xf32>, vector<16xi1>) -> (vector<16xi1>, vector<16xf32>, vector<16xf32>)
            %max3A_497 = arith.maximumf %masked_sort3A_487, %masked_sort3A_495 : vector<16xf32>
            %masked_sort3A_498 = arith.constant dense<true> : vector<16xi1>
            %masked_sort3A_499, %masked_sort3A_500, %masked_sort3A_501 = tpu.sort %max3A_497, %max3A_497 masked %masked_sort3A_498 {descending = true} : (vector<16xf32>, vector<16xf32>, vector<16xi1>) -> (vector<16xi1>, vector<16xf32>, vector<16xf32>)
            %add3A_502 = arith.constant 160 : i32
            %add3A_503 = arith.addi %add3A_371, %add3A_502 : i32
            %get3A_504 = arith.index_cast %add3A_503 : i32 to index
            %get3A_505 = tpu.vector_load %arg4[%get3A_504] {strides = array<i32>} : memref<50176xf32, #tpu.memory_space<vmem>>, vector<16xf32>,
            %masked_sort3A_506 = arith.constant dense<true> : vector<16xi1>
            %masked_sort3A_507, %masked_sort3A_508, %masked_sort3A_509 = tpu.sort %get3A_505, %get3A_505 masked %masked_sort3A_506 : (vector<16xf32>, vector<16xf32>, vector<16xi1>) -> (vector<16xi1>, vector<16xf32>, vector<16xf32>)
            %max3A_510 = arith.maximumf %masked_sort3A_500, %masked_sort3A_508 : vector<16xf32>
            %masked_sort3A_511 = arith.constant dense<true> : vector<16xi1>
            %masked_sort3A_512, %masked_sort3A_513, %masked_sort3A_514 = tpu.sort %max3A_510, %max3A_510 masked %masked_sort3A_511 {descending = true} : (vector<16xf32>, vector<16xf32>, vector<16xi1>) -> (vector<16xi1>, vector<16xf32>, vector<16xf32>)
            %add3A_515 = arith.constant 176 : i32
            %add3A_516 = arith.addi %add3A_371, %add3A_515 : i32
            %get3A_517 = arith.index_cast %add3A_516 : i32 to index
            %get3A_518 = tpu.vector_load %arg4[%get3A_517] {strides = array<i32>} : memref<50176xf32, #tpu.memory_space<vmem>>, vector<16xf32>,
            %masked_sort3A_519 = arith.constant dense<true> : vector<16xi1>
            %masked_sort3A_520, %masked_sort3A_521, %masked_sort3A_522 = tpu.sort %get3A_518, %get3A_518 masked %masked_sort3A_519 : (vector<16xf32>, vector<16xf32>, vector<16xi1>) -> (vector<16xi1>, vector<16xf32>, vector<16xf32>)
            %max3A_523 = arith.maximumf %masked_sort3A_513, %masked_sort3A_521 : vector<16xf32>
            %masked_sort3A_524 = arith.constant dense<true> : vector<16xi1>
            %masked_sort3A_525, %masked_sort3A_526, %masked_sort3A_527 = tpu.sort %max3A_523, %max3A_523 masked %masked_sort3A_524 {descending = true} : (vector<16xf32>, vector<16xf32>, vector<16xi1>) -> (vector<16xi1>, vector<16xf32>, vector<16xf32>)
            %add3A_528 = arith.constant 192 : i32
            %add3A_529 = arith.addi %add3A_371, %add3A_528 : i32
            %get3A_530 = arith.index_cast %add3A_529 : i32 to index
            %get3A_531 = tpu.vector_load %arg4[%get3A_530] {strides = array<i32>} : memref<50176xf32, #tpu.memory_space<vmem>>, vector<16xf32>,
            %masked_sort3A_532 = arith.constant dense<true> : vector<16xi1>
            %masked_sort3A_533, %masked_sort3A_534, %masked_sort3A_535 = tpu.sort %get3A_531, %get3A_531 masked %masked_sort3A_532 : (vector<16xf32>, vector<16xf32>, vector<16xi1>) -> (vector<16xi1>, vector<16xf32>, vector<16xf32>)
            %max3A_536 = arith.maximumf %masked_sort3A_526, %masked_sort3A_534 : vector<16xf32>
            %masked_sort3A_537 = arith.constant dense<true> : vector<16xi1>
            %masked_sort3A_538, %masked_sort3A_539, %masked_sort3A_540 = tpu.sort %max3A_536, %max3A_536 masked %masked_sort3A_537 {descending = true} : (vector<16xf32>, vector<16xf32>, vector<16xi1>) -> (vector<16xi1>, vector<16xf32>, vector<16xf32>)
            %add3A_541 = arith.constant 208 : i32
            %add3A_542 = arith.addi %add3A_371, %add3A_541 : i32
            %get3A_543 = arith.index_cast %add3A_542 : i32 to index
            %get3A_544 = tpu.vector_load %arg4[%get3A_543] {strides = array<i32>} : memref<50176xf32, #tpu.memory_space<vmem>>, vector<16xf32>,
            %masked_sort3A_545 = arith.constant dense<true> : vector<16xi1>
            %masked_sort3A_546, %masked_sort3A_547, %masked_sort3A_548 = tpu.sort %get3A_544, %get3A_544 masked %masked_sort3A_545 : (vector<16xf32>, vector<16xf32>, vector<16xi1>) -> (vector<16xi1>, vector<16xf32>, vector<16xf32>)
            %max3A_549 = arith.maximumf %masked_sort3A_539, %masked_sort3A_547 : vector<16xf32>
            %masked_sort3A_550 = arith.constant dense<true> : vector<16xi1>
            %masked_sort3A_551, %masked_sort3A_552, %masked_sort3A_553 = tpu.sort %max3A_549, %max3A_549 masked %masked_sort3A_550 {descending = true} : (vector<16xf32>, vector<16xf32>, vector<16xi1>) -> (vector<16xi1>, vector<16xf32>, vector<16xf32>)
            %add3A_554 = arith.constant 224 : i32
            %add3A_555 = arith.addi %add3A_371, %add3A_554 : i32
            %get3A_556 = arith.index_cast %add3A_555 : i32 to index
            %get3A_557 = tpu.vector_load %arg4[%get3A_556] {strides = array<i32>} : memref<50176xf32, #tpu.memory_space<vmem>>, vector<16xf32>,
            %masked_sort3A_558 = arith.constant dense<true> : vector<16xi1>
            %masked_sort3A_559, %masked_sort3A_560, %masked_sort3A_561 = tpu.sort %get3A_557, %get3A_557 masked %masked_sort3A_558 : (vector<16xf32>, vector<16xf32>, vector<16xi1>) -> (vector<16xi1>, vector<16xf32>, vector<16xf32>)
            %max3A_562 = arith.maximumf %masked_sort3A_552, %masked_sort3A_560 : vector<16xf32>
            %masked_sort3A_563 = arith.constant dense<true> : vector<16xi1>
            %masked_sort3A_564, %masked_sort3A_565, %masked_sort3A_566 = tpu.sort %max3A_562, %max3A_562 masked %masked_sort3A_563 {descending = true} : (vector<16xf32>, vector<16xf32>, vector<16xi1>) -> (vector<16xi1>, vector<16xf32>, vector<16xf32>)
            %add3A_567 = arith.constant 240 : i32
            %add3A_568 = arith.addi %add3A_371, %add3A_567 : i32
            %get3A_569 = arith.index_cast %add3A_568 : i32 to index
            %get3A_570 = tpu.vector_load %arg4[%get3A_569] {strides = array<i32>} : memref<50176xf32, #tpu.memory_space<vmem>>, vector<16xf32>,
            %masked_sort3A_571 = arith.constant dense<true> : vector<16xi1>
            %masked_sort3A_572, %masked_sort3A_573, %masked_sort3A_574 = tpu.sort %get3A_570, %get3A_570 masked %masked_sort3A_571 : (vector<16xf32>, vector<16xf32>, vector<16xi1>) -> (vector<16xi1>, vector<16xf32>, vector<16xf32>)
            %max3A_575 = arith.maximumf %masked_sort3A_565, %masked_sort3A_573 : vector<16xf32>
            %masked_sort3A_576 = arith.constant dense<true> : vector<16xi1>
            %masked_sort3A_577, %masked_sort3A_578, %masked_sort3A_579 = tpu.sort %max3A_575, %max3A_575 masked %masked_sort3A_576 {descending = true} : (vector<16xf32>, vector<16xf32>, vector<16xi1>) -> (vector<16xi1>, vector<16xf32>, vector<16xf32>)
            scf.yield %masked_sort3A_578 : vector<16xf32>
          } else {
            scf.yield %cond3A_321 : vector<16xf32>
          }
          %mul3A_345 = arith.constant 64 : i32
          %mul3A_346 = arith.muli %scan3A_256, %mul3A_345 : i32
          %add3A_347 = arith.constant 48 : i32
          %add3A_348 = arith.addi %mul3A_346, %add3A_347 : i32
          %get3A_349 = arith.index_cast %add3A_348 : i32 to index
          %get3A_350 = tpu.vector_load %arg6[%get3A_349] {strides = array<i32>} : memref<3136xf32, #tpu.memory_space<vmem>>, vector<16xf32>,
          %ge3A_351 = vector.broadcast %reduce_min3A_142 : f32 to vector<16xf32>
          %ge3A_352 = arith.cmpf oge, %get3A_350, %ge3A_351 : vector<16xf32>
          %reduce_or3A_353 = arith.constant 1.000000e+00 : f32
          %reduce_or3A_354 = arith.constant 0.000000e+00 : f32
          %reduce_or3A_355 = vector.broadcast %reduce_or3A_353 : f32 to vector<16xf32>
          %reduce_or3A_356 = vector.broadcast %reduce_or3A_354 : f32 to vector<16xf32>
          %reduce_or3A_357 = arith.select %ge3A_352, %reduce_or3A_355, %reduce_or3A_356 : vector<16xi1>, vector<16xf32>
          %reduce_or3A_358 = arith.constant true
          %reduce_or3A_359 = vector.broadcast %reduce_or3A_358 : i1 to vector<16xi1>
          %reduce_or3A_360 = tpu.scan <max>, %reduce_or3A_357 masked %reduce_or3A_359 : vector<16xf32>, vector<16xi1> -> vector<16xf32>
          %reduce_or3A_361 = vector.extract %reduce_or3A_360[15] : f32 from vector<16xf32>
          %reduce_or3A_362 = arith.constant 0.000000e+00 : f32
          %reduce_or3A_363 = arith.cmpf ogt, %reduce_or3A_361, %reduce_or3A_362 : f32
          %convert_element_type3A_364 = arith.extui %reduce_or3A_363 : i1 to i32
          %cond3A_365 = arith.constant 0 : i32
          %cond3A_366 = arith.cmpi ne, %convert_element_type3A_364, %cond3A_365 : i32
          %cond3A_367 = scf.if %cond3A_366 -> (vector<16xf32>) {
            %mul3A_368 = arith.constant 1024 : i32
            %mul3A_369 = arith.muli %scan3A_256, %mul3A_368 : i32
            %add3A_370 = arith.constant 768 : i32
            %add3A_371 = arith.addi %mul3A_369, %add3A_370 : i32
            %add3A_372 = arith.constant 0 : i32
            %add3A_373 = arith.addi %add3A_371, %add3A_372 : i32
            %get3A_374 = arith.index_cast %add3A_373 : i32 to index
            %get3A_375 = tpu.vector_load %arg4[%get3A_374] {strides = array<i32>} : memref<50176xf32, #tpu.memory_space<vmem>>, vector<16xf32>,
            %masked_sort3A_376 = arith.constant dense<true> : vector<16xi1>
            %masked_sort3A_377, %masked_sort3A_378, %masked_sort3A_379 = tpu.sort %get3A_375, %get3A_375 masked %masked_sort3A_376 : (vector<16xf32>, vector<16xf32>, vector<16xi1>) -> (vector<16xi1>, vector<16xf32>, vector<16xf32>)
            %max3A_380 = arith.maximumf %cond3A_344, %masked_sort3A_378 : vector<16xf32>
            %masked_sort3A_381 = arith.constant dense<true> : vector<16xi1>
            %masked_sort3A_382, %masked_sort3A_383, %masked_sort3A_384 = tpu.sort %max3A_380, %max3A_380 masked %masked_sort3A_381 {descending = true} : (vector<16xf32>, vector<16xf32>, vector<16xi1>) -> (vector<16xi1>, vector<16xf32>, vector<16xf32>)
            %add3A_385 = arith.constant 16 : i32
            %add3A_386 = arith.addi %add3A_371, %add3A_385 : i32
            %get3A_387 = arith.index_cast %add3A_386 : i32 to index
            %get3A_388 = tpu.vector_load %arg4[%get3A_387] {strides = array<i32>} : memref<50176xf32, #tpu.memory_space<vmem>>, vector<16xf32>,
            %masked_sort3A_389 = arith.constant dense<true> : vector<16xi1>
            %masked_sort3A_390, %masked_sort3A_391, %masked_sort3A_392 = tpu.sort %get3A_388, %get3A_388 masked %masked_sort3A_389 : (vector<16xf32>, vector<16xf32>, vector<16xi1>) -> (vector<16xi1>, vector<16xf32>, vector<16xf32>)
            %max3A_393 = arith.maximumf %masked_sort3A_383, %masked_sort3A_391 : vector<16xf32>
            %masked_sort3A_394 = arith.constant dense<true> : vector<16xi1>
            %masked_sort3A_395, %masked_sort3A_396, %masked_sort3A_397 = tpu.sort %max3A_393, %max3A_393 masked %masked_sort3A_394 {descending = true} : (vector<16xf32>, vector<16xf32>, vector<16xi1>) -> (vector<16xi1>, vector<16xf32>, vector<16xf32>)
            %add3A_398 = arith.constant 32 : i32
            %add3A_399 = arith.addi %add3A_371, %add3A_398 : i32
            %get3A_400 = arith.index_cast %add3A_399 : i32 to index
            %get3A_401 = tpu.vector_load %arg4[%get3A_400] {strides = array<i32>} : memref<50176xf32, #tpu.memory_space<vmem>>, vector<16xf32>,
            %masked_sort3A_402 = arith.constant dense<true> : vector<16xi1>
            %masked_sort3A_403, %masked_sort3A_404, %masked_sort3A_405 = tpu.sort %get3A_401, %get3A_401 masked %masked_sort3A_402 : (vector<16xf32>, vector<16xf32>, vector<16xi1>) -> (vector<16xi1>, vector<16xf32>, vector<16xf32>)
            %max3A_406 = arith.maximumf %masked_sort3A_396, %masked_sort3A_404 : vector<16xf32>
            %masked_sort3A_407 = arith.constant dense<true> : vector<16xi1>
            %masked_sort3A_408, %masked_sort3A_409, %masked_sort3A_410 = tpu.sort %max3A_406, %max3A_406 masked %masked_sort3A_407 {descending = true} : (vector<16xf32>, vector<16xf32>, vector<16xi1>) -> (vector<16xi1>, vector<16xf32>, vector<16xf32>)
            %add3A_411 = arith.constant 48 : i32
            %add3A_412 = arith.addi %add3A_371, %add3A_411 : i32
            %get3A_413 = arith.index_cast %add3A_412 : i32 to index
            %get3A_414 = tpu.vector_load %arg4[%get3A_413] {strides = array<i32>} : memref<50176xf32, #tpu.memory_space<vmem>>, vector<16xf32>,
            %masked_sort3A_415 = arith.constant dense<true> : vector<16xi1>
            %masked_sort3A_416, %masked_sort3A_417, %masked_sort3A_418 = tpu.sort %get3A_414, %get3A_414 masked %masked_sort3A_415 : (vector<16xf32>, vector<16xf32>, vector<16xi1>) -> (vector<16xi1>, vector<16xf32>, vector<16xf32>)
            %max3A_419 = arith.maximumf %masked_sort3A_409, %masked_sort3A_417 : vector<16xf32>
            %masked_sort3A_420 = arith.constant dense<true> : vector<16xi1>
            %masked_sort3A_421, %masked_sort3A_422, %masked_sort3A_423 = tpu.sort %max3A_419, %max3A_419 masked %masked_sort3A_420 {descending = true} : (vector<16xf32>, vector<16xf32>, vector<16xi1>) -> (vector<16xi1>, vector<16xf32>, vector<16xf32>)
            %add3A_424 = arith.constant 64 : i32
            %add3A_425 = arith.addi %add3A_371, %add3A_424 : i32
            %get3A_426 = arith.index_cast %add3A_425 : i32 to index
            %get3A_427 = tpu.vector_load %arg4[%get3A_426] {strides = array<i32>} : memref<50176xf32, #tpu.memory_space<vmem>>, vector<16xf32>,
            %masked_sort3A_428 = arith.constant dense<true> : vector<16xi1>
            %masked_sort3A_429, %masked_sort3A_430, %masked_sort3A_431 = tpu.sort %get3A_427, %get3A_427 masked %masked_sort3A_428 : (vector<16xf32>, vector<16xf32>, vector<16xi1>) -> (vector<16xi1>, vector<16xf32>, vector<16xf32>)
            %max3A_432 = arith.maximumf %masked_sort3A_422, %masked_sort3A_430 : vector<16xf32>
            %masked_sort3A_433 = arith.constant dense<true> : vector<16xi1>
            %masked_sort3A_434, %masked_sort3A_435, %masked_sort3A_436 = tpu.sort %max3A_432, %max3A_432 masked %masked_sort3A_433 {descending = true} : (vector<16xf32>, vector<16xf32>, vector<16xi1>) -> (vector<16xi1>, vector<16xf32>, vector<16xf32>)
            %add3A_437 = arith.constant 80 : i32
            %add3A_438 = arith.addi %add3A_371, %add3A_437 : i32
            %get3A_439 = arith.index_cast %add3A_438 : i32 to index
            %get3A_440 = tpu.vector_load %arg4[%get3A_439] {strides = array<i32>} : memref<50176xf32, #tpu.memory_space<vmem>>, vector<16xf32>,
            %masked_sort3A_441 = arith.constant dense<true> : vector<16xi1>
            %masked_sort3A_442, %masked_sort3A_443, %masked_sort3A_444 = tpu.sort %get3A_440, %get3A_440 masked %masked_sort3A_441 : (vector<16xf32>, vector<16xf32>, vector<16xi1>) -> (vector<16xi1>, vector<16xf32>, vector<16xf32>)
            %max3A_445 = arith.maximumf %masked_sort3A_435, %masked_sort3A_443 : vector<16xf32>
            %masked_sort3A_446 = arith.constant dense<true> : vector<16xi1>
            %masked_sort3A_447, %masked_sort3A_448, %masked_sort3A_449 = tpu.sort %max3A_445, %max3A_445 masked %masked_sort3A_446 {descending = true} : (vector<16xf32>, vector<16xf32>, vector<16xi1>) -> (vector<16xi1>, vector<16xf32>, vector<16xf32>)
            %add3A_450 = arith.constant 96 : i32
            %add3A_451 = arith.addi %add3A_371, %add3A_450 : i32
            %get3A_452 = arith.index_cast %add3A_451 : i32 to index
            %get3A_453 = tpu.vector_load %arg4[%get3A_452] {strides = array<i32>} : memref<50176xf32, #tpu.memory_space<vmem>>, vector<16xf32>,
            %masked_sort3A_454 = arith.constant dense<true> : vector<16xi1>
            %masked_sort3A_455, %masked_sort3A_456, %masked_sort3A_457 = tpu.sort %get3A_453, %get3A_453 masked %masked_sort3A_454 : (vector<16xf32>, vector<16xf32>, vector<16xi1>) -> (vector<16xi1>, vector<16xf32>, vector<16xf32>)
            %max3A_458 = arith.maximumf %masked_sort3A_448, %masked_sort3A_456 : vector<16xf32>
            %masked_sort3A_459 = arith.constant dense<true> : vector<16xi1>
            %masked_sort3A_460, %masked_sort3A_461, %masked_sort3A_462 = tpu.sort %max3A_458, %max3A_458 masked %masked_sort3A_459 {descending = true} : (vector<16xf32>, vector<16xf32>, vector<16xi1>) -> (vector<16xi1>, vector<16xf32>, vector<16xf32>)
            %add3A_463 = arith.constant 112 : i32
            %add3A_464 = arith.addi %add3A_371, %add3A_463 : i32
            %get3A_465 = arith.index_cast %add3A_464 : i32 to index
            %get3A_466 = tpu.vector_load %arg4[%get3A_465] {strides = array<i32>} : memref<50176xf32, #tpu.memory_space<vmem>>, vector<16xf32>,
            %masked_sort3A_467 = arith.constant dense<true> : vector<16xi1>
            %masked_sort3A_468, %masked_sort3A_469, %masked_sort3A_470 = tpu.sort %get3A_466, %get3A_466 masked %masked_sort3A_467 : (vector<16xf32>, vector<16xf32>, vector<16xi1>) -> (vector<16xi1>, vector<16xf32>, vector<16xf32>)
            %max3A_471 = arith.maximumf %masked_sort3A_461, %masked_sort3A_469 : vector<16xf32>
            %masked_sort3A_472 = arith.constant dense<true> : vector<16xi1>
            %masked_sort3A_473, %masked_sort3A_474, %masked_sort3A_475 = tpu.sort %max3A_471, %max3A_471 masked %masked_sort3A_472 {descending = true} : (vector<16xf32>, vector<16xf32>, vector<16xi1>) -> (vector<16xi1>, vector<16xf32>, vector<16xf32>)
            %add3A_476 = arith.constant 128 : i32
            %add3A_477 = arith.addi %add3A_371, %add3A_476 : i32
            %get3A_478 = arith.index_cast %add3A_477 : i32 to index
            %get3A_479 = tpu.vector_load %arg4[%get3A_478] {strides = array<i32>} : memref<50176xf32, #tpu.memory_space<vmem>>, vector<16xf32>,
            %masked_sort3A_480 = arith.constant dense<true> : vector<16xi1>
            %masked_sort3A_481, %masked_sort3A_482, %masked_sort3A_483 = tpu.sort %get3A_479, %get3A_479 masked %masked_sort3A_480 : (vector<16xf32>, vector<16xf32>, vector<16xi1>) -> (vector<16xi1>, vector<16xf32>, vector<16xf32>)
            %max3A_484 = arith.maximumf %masked_sort3A_474, %masked_sort3A_482 : vector<16xf32>
            %masked_sort3A_485 = arith.constant dense<true> : vector<16xi1>
            %masked_sort3A_486, %masked_sort3A_487, %masked_sort3A_488 = tpu.sort %max3A_484, %max3A_484 masked %masked_sort3A_485 {descending = true} : (vector<16xf32>, vector<16xf32>, vector<16xi1>) -> (vector<16xi1>, vector<16xf32>, vector<16xf32>)
            %add3A_489 = arith.constant 144 : i32
            %add3A_490 = arith.addi %add3A_371, %add3A_489 : i32
            %get3A_491 = arith.index_cast %add3A_490 : i32 to index
            %get3A_492 = tpu.vector_load %arg4[%get3A_491] {strides = array<i32>} : memref<50176xf32, #tpu.memory_space<vmem>>, vector<16xf32>,
            %masked_sort3A_493 = arith.constant dense<true> : vector<16xi1>
            %masked_sort3A_494, %masked_sort3A_495, %masked_sort3A_496 = tpu.sort %get3A_492, %get3A_492 masked %masked_sort3A_493 : (vector<16xf32>, vector<16xf32>, vector<16xi1>) -> (vector<16xi1>, vector<16xf32>, vector<16xf32>)
            %max3A_497 = arith.maximumf %masked_sort3A_487, %masked_sort3A_495 : vector<16xf32>
            %masked_sort3A_498 = arith.constant dense<true> : vector<16xi1>
            %masked_sort3A_499, %masked_sort3A_500, %masked_sort3A_501 = tpu.sort %max3A_497, %max3A_497 masked %masked_sort3A_498 {descending = true} : (vector<16xf32>, vector<16xf32>, vector<16xi1>) -> (vector<16xi1>, vector<16xf32>, vector<16xf32>)
            %add3A_502 = arith.constant 160 : i32
            %add3A_503 = arith.addi %add3A_371, %add3A_502 : i32
            %get3A_504 = arith.index_cast %add3A_503 : i32 to index
            %get3A_505 = tpu.vector_load %arg4[%get3A_504] {strides = array<i32>} : memref<50176xf32, #tpu.memory_space<vmem>>, vector<16xf32>,
            %masked_sort3A_506 = arith.constant dense<true> : vector<16xi1>
            %masked_sort3A_507, %masked_sort3A_508, %masked_sort3A_509 = tpu.sort %get3A_505, %get3A_505 masked %masked_sort3A_506 : (vector<16xf32>, vector<16xf32>, vector<16xi1>) -> (vector<16xi1>, vector<16xf32>, vector<16xf32>)
            %max3A_510 = arith.maximumf %masked_sort3A_500, %masked_sort3A_508 : vector<16xf32>
            %masked_sort3A_511 = arith.constant dense<true> : vector<16xi1>
            %masked_sort3A_512, %masked_sort3A_513, %masked_sort3A_514 = tpu.sort %max3A_510, %max3A_510 masked %masked_sort3A_511 {descending = true} : (vector<16xf32>, vector<16xf32>, vector<16xi1>) -> (vector<16xi1>, vector<16xf32>, vector<16xf32>)
            %add3A_515 = arith.constant 176 : i32
            %add3A_516 = arith.addi %add3A_371, %add3A_515 : i32
            %get3A_517 = arith.index_cast %add3A_516 : i32 to index
            %get3A_518 = tpu.vector_load %arg4[%get3A_517] {strides = array<i32>} : memref<50176xf32, #tpu.memory_space<vmem>>, vector<16xf32>,
            %masked_sort3A_519 = arith.constant dense<true> : vector<16xi1>
            %masked_sort3A_520, %masked_sort3A_521, %masked_sort3A_522 = tpu.sort %get3A_518, %get3A_518 masked %masked_sort3A_519 : (vector<16xf32>, vector<16xf32>, vector<16xi1>) -> (vector<16xi1>, vector<16xf32>, vector<16xf32>)
            %max3A_523 = arith.maximumf %masked_sort3A_513, %masked_sort3A_521 : vector<16xf32>
            %masked_sort3A_524 = arith.constant dense<true> : vector<16xi1>
            %masked_sort3A_525, %masked_sort3A_526, %masked_sort3A_527 = tpu.sort %max3A_523, %max3A_523 masked %masked_sort3A_524 {descending = true} : (vector<16xf32>, vector<16xf32>, vector<16xi1>) -> (vector<16xi1>, vector<16xf32>, vector<16xf32>)
            %add3A_528 = arith.constant 192 : i32
            %add3A_529 = arith.addi %add3A_371, %add3A_528 : i32
            %get3A_530 = arith.index_cast %add3A_529 : i32 to index
            %get3A_531 = tpu.vector_load %arg4[%get3A_530] {strides = array<i32>} : memref<50176xf32, #tpu.memory_space<vmem>>, vector<16xf32>,
            %masked_sort3A_532 = arith.constant dense<true> : vector<16xi1>
            %masked_sort3A_533, %masked_sort3A_534, %masked_sort3A_535 = tpu.sort %get3A_531, %get3A_531 masked %masked_sort3A_532 : (vector<16xf32>, vector<16xf32>, vector<16xi1>) -> (vector<16xi1>, vector<16xf32>, vector<16xf32>)
            %max3A_536 = arith.maximumf %masked_sort3A_526, %masked_sort3A_534 : vector<16xf32>
            %masked_sort3A_537 = arith.constant dense<true> : vector<16xi1>
            %masked_sort3A_538, %masked_sort3A_539, %masked_sort3A_540 = tpu.sort %max3A_536, %max3A_536 masked %masked_sort3A_537 {descending = true} : (vector<16xf32>, vector<16xf32>, vector<16xi1>) -> (vector<16xi1>, vector<16xf32>, vector<16xf32>)
            %add3A_541 = arith.constant 208 : i32
            %add3A_542 = arith.addi %add3A_371, %add3A_541 : i32
            %get3A_543 = arith.index_cast %add3A_542 : i32 to index
            %get3A_544 = tpu.vector_load %arg4[%get3A_543] {strides = array<i32>} : memref<50176xf32, #tpu.memory_space<vmem>>, vector<16xf32>,
            %masked_sort3A_545 = arith.constant dense<true> : vector<16xi1>
            %masked_sort3A_546, %masked_sort3A_547, %masked_sort3A_548 = tpu.sort %get3A_544, %get3A_544 masked %masked_sort3A_545 : (vector<16xf32>, vector<16xf32>, vector<16xi1>) -> (vector<16xi1>, vector<16xf32>, vector<16xf32>)
            %max3A_549 = arith.maximumf %masked_sort3A_539, %masked_sort3A_547 : vector<16xf32>
            %masked_sort3A_550 = arith.constant dense<true> : vector<16xi1>
            %masked_sort3A_551, %masked_sort3A_552, %masked_sort3A_553 = tpu.sort %max3A_549, %max3A_549 masked %masked_sort3A_550 {descending = true} : (vector<16xf32>, vector<16xf32>, vector<16xi1>) -> (vector<16xi1>, vector<16xf32>, vector<16xf32>)
            %add3A_554 = arith.constant 224 : i32
            %add3A_555 = arith.addi %add3A_371, %add3A_554 : i32
            %get3A_556 = arith.index_cast %add3A_555 : i32 to index
            %get3A_557 = tpu.vector_load %arg4[%get3A_556] {strides = array<i32>} : memref<50176xf32, #tpu.memory_space<vmem>>, vector<16xf32>,
            %masked_sort3A_558 = arith.constant dense<true> : vector<16xi1>
            %masked_sort3A_559, %masked_sort3A_560, %masked_sort3A_561 = tpu.sort %get3A_557, %get3A_557 masked %masked_sort3A_558 : (vector<16xf32>, vector<16xf32>, vector<16xi1>) -> (vector<16xi1>, vector<16xf32>, vector<16xf32>)
            %max3A_562 = arith.maximumf %masked_sort3A_552, %masked_sort3A_560 : vector<16xf32>
            %masked_sort3A_563 = arith.constant dense<true> : vector<16xi1>
            %masked_sort3A_564, %masked_sort3A_565, %masked_sort3A_566 = tpu.sort %max3A_562, %max3A_562 masked %masked_sort3A_563 {descending = true} : (vector<16xf32>, vector<16xf32>, vector<16xi1>) -> (vector<16xi1>, vector<16xf32>, vector<16xf32>)
            %add3A_567 = arith.constant 240 : i32
            %add3A_568 = arith.addi %add3A_371, %add3A_567 : i32
            %get3A_569 = arith.index_cast %add3A_568 : i32 to index
            %get3A_570 = tpu.vector_load %arg4[%get3A_569] {strides = array<i32>} : memref<50176xf32, #tpu.memory_space<vmem>>, vector<16xf32>,
            %masked_sort3A_571 = arith.constant dense<true> : vector<16xi1>
            %masked_sort3A_572, %masked_sort3A_573, %masked_sort3A_574 = tpu.sort %get3A_570, %get3A_570 masked %masked_sort3A_571 : (vector<16xf32>, vector<16xf32>, vector<16xi1>) -> (vector<16xi1>, vector<16xf32>, vector<16xf32>)
            %max3A_575 = arith.maximumf %masked_sort3A_565, %masked_sort3A_573 : vector<16xf32>
            %masked_sort3A_576 = arith.constant dense<true> : vector<16xi1>
            %masked_sort3A_577, %masked_sort3A_578, %masked_sort3A_579 = tpu.sort %max3A_575, %max3A_575 masked %masked_sort3A_576 {descending = true} : (vector<16xf32>, vector<16xf32>, vector<16xi1>) -> (vector<16xi1>, vector<16xf32>, vector<16xf32>)
            scf.yield %masked_sort3A_578 : vector<16xf32>
          } else {
            scf.yield %cond3A_344 : vector<16xf32>
          }
          scf.yield %cond3A_367 : vector<16xf32>
        } else {
          scf.yield %scan3A_257 : vector<16xf32>
        }
        scf.yield %cond3A_275 : vector<16xf32>
      }
      %scan3A_148 = arith.constant 49 : i32
      %mul3A_149 = arith.constant 16 : i32
      %mul3A_150 = arith.muli %mul3A_60, %mul3A_149 : i32
      %swap3A = arith.index_cast %mul3A_150 : i32 to index
      %swap3A_151 = tpu.vector_load %arg8[%swap3A] {strides = array<i32>} : memref<768xf32, #tpu.memory_space<vmem>>, vector<16xf32>,
      tpu.vector_store %arg8[%swap3A], %scan3A_147 {strides = array<i32>} : memref<768xf32, #tpu.memory_space<vmem>>, vector<16xf32>,
      %mul3A_152 = arith.constant 2 : i32
      %mul3A_153 = arith.muli %mul3A_152, %scan3A_58 : i32
      %add3A_154 = arith.constant 1 : i32
      %add3A_155 = arith.addi %mul3A_153, %add3A_154 : i32
      %add3A_156 = arith.constant 1 : i32
      %add3A_157 = arith.addi %add3A_155, %add3A_156 : i32
      %lt3A_158 = arith.constant 48 : i32
      %lt3A_159 = arith.cmpi slt, %add3A_157, %lt3A_158 : i32
      %convert_element_type3A_160 = arith.extui %lt3A_159 : i1 to i32
      %cond3A_161 = arith.constant 0 : i32
      %cond3A_162 = arith.cmpi ne, %convert_element_type3A_160, %cond3A_161 : i32
      scf.if %cond3A_162 {
        %add3A_256 = arith.constant 1 : i32
        %add3A_257 = arith.addi %add3A_155, %add3A_256 : i32
        %add3A_258 = arith.addi %mul3A_2, %add3A_257 : i32
        %mul3A_259 = arith.constant 50176 : i32
        %mul3A_260 = arith.muli %add3A_258, %mul3A_259 : i32
        %add3A_261 = arith.constant 0 : i32
        %add3A_262 = arith.addi %mul3A_260, %add3A_261 : i32
        %dma_start3A_263 = arith.constant 0 : i32
        %dma_start3A_264 = tpu.memref_slice %arg4[%dma_start3A_263] : memref<50176xf32, #tpu.memory_space<vmem>> -> memref<12544xf32, #tpu.memory_space<vmem>>
        %dma_start3A_265 = tpu.memref_slice %arg2[%add3A_262] : memref<77070336xf32, #tpu.memory_space<hbm>> -> memref<12544xf32, #tpu.memory_space<hbm>>
        %dma_start3A_266 = arith.constant 0 : i32
        %dma_start3A_267 = tpu.memref_slice %arg4[%dma_start3A_266] : memref<50176xf32, #tpu.memory_space<vmem>> -> memref<12544xf32, #tpu.memory_space<vmem>>
        %dma_start3A_268 = tpu.memref_slice %arg2[%add3A_262] : memref<77070336xf32, #tpu.memory_space<hbm>> -> memref<12544xf32, #tpu.memory_space<hbm>>
        tpu.enqueue_dma source(%dma_start3A_268 : memref<12544xf32, #tpu.memory_space<hbm>>) target(%dma_start3A_267 : memref<12544xf32, #tpu.memory_space<vmem>>) target_semaphore(%arg9 : memref<!tpu.dma_semaphore, #tpu.memory_space<semaphore_mem>>)
        %add3A_269 = arith.addi %mul3A_2, %add3A_257 : i32
        %mul3A_270 = arith.constant 50176 : i32
        %mul3A_271 = arith.muli %add3A_269, %mul3A_270 : i32
        %add3A_272 = arith.constant 12544 : i32
        %add3A_273 = arith.addi %mul3A_271, %add3A_272 : i32
        %dma_start3A_274 = arith.constant 12544 : i32
        %dma_start3A_275 = tpu.memref_slice %arg4[%dma_start3A_274] : memref<50176xf32, #tpu.memory_space<vmem>> -> memref<12544xf32, #tpu.memory_space<vmem>>
        %dma_start3A_276 = tpu.memref_slice %arg2[%add3A_273] : memref<77070336xf32, #tpu.memory_space<hbm>> -> memref<12544xf32, #tpu.memory_space<hbm>>
        %dma_start3A_277 = arith.constant 12544 : i32
        %dma_start3A_278 = tpu.memref_slice %arg4[%dma_start3A_277] : memref<50176xf32, #tpu.memory_space<vmem>> -> memref<12544xf32, #tpu.memory_space<vmem>>
        %dma_start3A_279 = tpu.memref_slice %arg2[%add3A_273] : memref<77070336xf32, #tpu.memory_space<hbm>> -> memref<12544xf32, #tpu.memory_space<hbm>>
        tpu.enqueue_dma source(%dma_start3A_279 : memref<12544xf32, #tpu.memory_space<hbm>>) target(%dma_start3A_278 : memref<12544xf32, #tpu.memory_space<vmem>>) target_semaphore(%arg9 : memref<!tpu.dma_semaphore, #tpu.memory_space<semaphore_mem>>)
        %add3A_280 = arith.addi %mul3A_2, %add3A_257 : i32
        %mul3A_281 = arith.constant 50176 : i32
        %mul3A_282 = arith.muli %add3A_280, %mul3A_281 : i32
        %add3A_283 = arith.constant 25088 : i32
        %add3A_284 = arith.addi %mul3A_282, %add3A_283 : i32
        %dma_start3A_285 = arith.constant 25088 : i32
        %dma_start3A_286 = tpu.memref_slice %arg4[%dma_start3A_285] : memref<50176xf32, #tpu.memory_space<vmem>> -> memref<12544xf32, #tpu.memory_space<vmem>>
        %dma_start3A_287 = tpu.memref_slice %arg2[%add3A_284] : memref<77070336xf32, #tpu.memory_space<hbm>> -> memref<12544xf32, #tpu.memory_space<hbm>>
        %dma_start3A_288 = arith.constant 25088 : i32
        %dma_start3A_289 = tpu.memref_slice %arg4[%dma_start3A_288] : memref<50176xf32, #tpu.memory_space<vmem>> -> memref<12544xf32, #tpu.memory_space<vmem>>
        %dma_start3A_290 = tpu.memref_slice %arg2[%add3A_284] : memref<77070336xf32, #tpu.memory_space<hbm>> -> memref<12544xf32, #tpu.memory_space<hbm>>
        tpu.enqueue_dma source(%dma_start3A_290 : memref<12544xf32, #tpu.memory_space<hbm>>) target(%dma_start3A_289 : memref<12544xf32, #tpu.memory_space<vmem>>) target_semaphore(%arg9 : memref<!tpu.dma_semaphore, #tpu.memory_space<semaphore_mem>>)
        %add3A_291 = arith.addi %mul3A_2, %add3A_257 : i32
        %mul3A_292 = arith.constant 50176 : i32
        %mul3A_293 = arith.muli %add3A_291, %mul3A_292 : i32
        %add3A_294 = arith.constant 37632 : i32
        %add3A_295 = arith.addi %mul3A_293, %add3A_294 : i32
        %dma_start3A_296 = arith.constant 37632 : i32
        %dma_start3A_297 = tpu.memref_slice %arg4[%dma_start3A_296] : memref<50176xf32, #tpu.memory_space<vmem>> -> memref<12544xf32, #tpu.memory_space<vmem>>
        %dma_start3A_298 = tpu.memref_slice %arg2[%add3A_295] : memref<77070336xf32, #tpu.memory_space<hbm>> -> memref<12544xf32, #tpu.memory_space<hbm>>
        %dma_start3A_299 = arith.constant 37632 : i32
        %dma_start3A_300 = tpu.memref_slice %arg4[%dma_start3A_299] : memref<50176xf32, #tpu.memory_space<vmem>> -> memref<12544xf32, #tpu.memory_space<vmem>>
        %dma_start3A_301 = tpu.memref_slice %arg2[%add3A_295] : memref<77070336xf32, #tpu.memory_space<hbm>> -> memref<12544xf32, #tpu.memory_space<hbm>>
        tpu.enqueue_dma source(%dma_start3A_301 : memref<12544xf32, #tpu.memory_space<hbm>>) target(%dma_start3A_300 : memref<12544xf32, #tpu.memory_space<vmem>>) target_semaphore(%arg9 : memref<!tpu.dma_semaphore, #tpu.memory_space<semaphore_mem>>)
      } else {
      }
      %add3A_163 = arith.addi %mul3A_2, %add3A_155 : i32
      %mul3A_164 = arith.constant 50176 : i32
      %mul3A_165 = arith.muli %add3A_163, %mul3A_164 : i32
      %add3A_166 = arith.constant 0 : i32
      %add3A_167 = arith.addi %mul3A_165, %add3A_166 : i32
      %dma_wait3A_168 = arith.constant 0 : i32
      %dma_wait3A_169 = tpu.memref_slice %arg5[%dma_wait3A_168] : memref<50176xf32, #tpu.memory_space<vmem>> -> memref<12544xf32, #tpu.memory_space<vmem>>
      %dma_wait3A_170 = tpu.memref_slice %arg2[%add3A_167] : memref<77070336xf32, #tpu.memory_space<hbm>> -> memref<12544xf32, #tpu.memory_space<hbm>>
      %dma_wait3A_171 = arith.constant 0 : i32
      %dma_wait3A_172 = tpu.memref_slice %arg5[%dma_wait3A_171] : memref<50176xf32, #tpu.memory_space<vmem>> -> memref<12544xf32, #tpu.memory_space<vmem>>
      %dma_wait3A_173 = tpu.memref_slice %arg2[%add3A_167] : memref<77070336xf32, #tpu.memory_space<hbm>> -> memref<12544xf32, #tpu.memory_space<hbm>>
      tpu.wait_dma2 semaphore(%arg10 : memref<!tpu.dma_semaphore, #tpu.memory_space<semaphore_mem>>) src(%dma_wait3A_173 : memref<12544xf32, #tpu.memory_space<hbm>>) dst(%dma_wait3A_172 : memref<12544xf32, #tpu.memory_space<vmem>>)
      %add3A_174 = arith.addi %mul3A_2, %add3A_155 : i32
      %mul3A_175 = arith.constant 50176 : i32
      %mul3A_176 = arith.muli %add3A_174, %mul3A_175 : i32
      %add3A_177 = arith.constant 12544 : i32
      %add3A_178 = arith.addi %mul3A_176, %add3A_177 : i32
      %dma_wait3A_179 = arith.constant 12544 : i32
      %dma_wait3A_180 = tpu.memref_slice %arg5[%dma_wait3A_179] : memref<50176xf32, #tpu.memory_space<vmem>> -> memref<12544xf32, #tpu.memory_space<vmem>>
      %dma_wait3A_181 = tpu.memref_slice %arg2[%add3A_178] : memref<77070336xf32, #tpu.memory_space<hbm>> -> memref<12544xf32, #tpu.memory_space<hbm>>
      %dma_wait3A_182 = arith.constant 12544 : i32
      %dma_wait3A_183 = tpu.memref_slice %arg5[%dma_wait3A_182] : memref<50176xf32, #tpu.memory_space<vmem>> -> memref<12544xf32, #tpu.memory_space<vmem>>
      %dma_wait3A_184 = tpu.memref_slice %arg2[%add3A_178] : memref<77070336xf32, #tpu.memory_space<hbm>> -> memref<12544xf32, #tpu.memory_space<hbm>>
      tpu.wait_dma2 semaphore(%arg10 : memref<!tpu.dma_semaphore, #tpu.memory_space<semaphore_mem>>) src(%dma_wait3A_184 : memref<12544xf32, #tpu.memory_space<hbm>>) dst(%dma_wait3A_183 : memref<12544xf32, #tpu.memory_space<vmem>>)
      %add3A_185 = arith.addi %mul3A_2, %add3A_155 : i32
      %mul3A_186 = arith.constant 50176 : i32
      %mul3A_187 = arith.muli %add3A_185, %mul3A_186 : i32
      %add3A_188 = arith.constant 25088 : i32
      %add3A_189 = arith.addi %mul3A_187, %add3A_188 : i32
      %dma_wait3A_190 = arith.constant 25088 : i32
      %dma_wait3A_191 = tpu.memref_slice %arg5[%dma_wait3A_190] : memref<50176xf32, #tpu.memory_space<vmem>> -> memref<12544xf32, #tpu.memory_space<vmem>>
      %dma_wait3A_192 = tpu.memref_slice %arg2[%add3A_189] : memref<77070336xf32, #tpu.memory_space<hbm>> -> memref<12544xf32, #tpu.memory_space<hbm>>
      %dma_wait3A_193 = arith.constant 25088 : i32
      %dma_wait3A_194 = tpu.memref_slice %arg5[%dma_wait3A_193] : memref<50176xf32, #tpu.memory_space<vmem>> -> memref<12544xf32, #tpu.memory_space<vmem>>
      %dma_wait3A_195 = tpu.memref_slice %arg2[%add3A_189] : memref<77070336xf32, #tpu.memory_space<hbm>> -> memref<12544xf32, #tpu.memory_space<hbm>>
      tpu.wait_dma2 semaphore(%arg10 : memref<!tpu.dma_semaphore, #tpu.memory_space<semaphore_mem>>) src(%dma_wait3A_195 : memref<12544xf32, #tpu.memory_space<hbm>>) dst(%dma_wait3A_194 : memref<12544xf32, #tpu.memory_space<vmem>>)
      %add3A_196 = arith.addi %mul3A_2, %add3A_155 : i32
      %mul3A_197 = arith.constant 50176 : i32
      %mul3A_198 = arith.muli %add3A_196, %mul3A_197 : i32
      %add3A_199 = arith.constant 37632 : i32
      %add3A_200 = arith.addi %mul3A_198, %add3A_199 : i32
      %dma_wait3A_201 = arith.constant 37632 : i32
      %dma_wait3A_202 = tpu.memref_slice %arg5[%dma_wait3A_201] : memref<50176xf32, #tpu.memory_space<vmem>> -> memref<12544xf32, #tpu.memory_space<vmem>>
      %dma_wait3A_203 = tpu.memref_slice %arg2[%add3A_200] : memref<77070336xf32, #tpu.memory_space<hbm>> -> memref<12544xf32, #tpu.memory_space<hbm>>
      %dma_wait3A_204 = arith.constant 37632 : i32
      %dma_wait3A_205 = tpu.memref_slice %arg5[%dma_wait3A_204] : memref<50176xf32, #tpu.memory_space<vmem>> -> memref<12544xf32, #tpu.memory_space<vmem>>
      %dma_wait3A_206 = tpu.memref_slice %arg2[%add3A_200] : memref<77070336xf32, #tpu.memory_space<hbm>> -> memref<12544xf32, #tpu.memory_space<hbm>>
      tpu.wait_dma2 semaphore(%arg10 : memref<!tpu.dma_semaphore, #tpu.memory_space<semaphore_mem>>) src(%dma_wait3A_206 : memref<12544xf32, #tpu.memory_space<hbm>>) dst(%dma_wait3A_205 : memref<12544xf32, #tpu.memory_space<vmem>>)
      %parallel_loop3A_207 = arith.constant 0 : i32
      %parallel_loop3A_208 = arith.constant 49 : i32
      %parallel_loop3A_209 = arith.constant 1 : i32
      %parallel_loop3A_210:4 = scf.for %parallel_loop3A_256 = %parallel_loop3A_207 to %parallel_loop3A_208 step %parallel_loop3A_209 iter_args(%parallel_loop3A_257 = %broadcast_in_dim3A_3, %parallel_loop3A_258 = %broadcast_in_dim3A_3, %parallel_loop3A_259 = %broadcast_in_dim3A_3, %parallel_loop3A_260 = %broadcast_in_dim3A_3) -> (vector<16xf32>, vector<16xf32>, vector<16xf32>, vector<16xf32>)  : i32 {
        %parallel_loop3A_261 = arith.constant 4 : i32
        %parallel_loop3A_262 = arith.muli %parallel_loop3A_256, %parallel_loop3A_261 : i32
        %parallel_loop3A_263 = arith.constant 0 : i32
        %parallel_loop3A_264 = arith.addi %parallel_loop3A_262, %parallel_loop3A_263 : i32
        %parallel_loop3A_265 = arith.constant 256 : i32
        %parallel_loop3A_266 = arith.muli %parallel_loop3A_264, %parallel_loop3A_265 : i32
        %parallel_loop3A_267 = arith.constant 0 : i32
        %parallel_loop3A_268 = arith.addi %parallel_loop3A_266, %parallel_loop3A_267 : i32
        %parallel_loop3A_269 = arith.index_cast %parallel_loop3A_268 : i32 to index
        %parallel_loop3A_270 = tpu.vector_load %arg5[%parallel_loop3A_269] {strides = array<i32>} : memref<50176xf32, #tpu.memory_space<vmem>>, vector<16xf32>,
        %parallel_loop3A_271 = arith.constant 16 : i32
        %parallel_loop3A_272 = arith.addi %parallel_loop3A_266, %parallel_loop3A_271 : i32
        %parallel_loop3A_273 = arith.index_cast %parallel_loop3A_272 : i32 to index
        %parallel_loop3A_274 = tpu.vector_load %arg5[%parallel_loop3A_273] {strides = array<i32>} : memref<50176xf32, #tpu.memory_space<vmem>>, vector<16xf32>,
        %parallel_loop3A_275 = arith.constant 32 : i32
        %parallel_loop3A_276 = arith.addi %parallel_loop3A_266, %parallel_loop3A_275 : i32
        %parallel_loop3A_277 = arith.index_cast %parallel_loop3A_276 : i32 to index
        %parallel_loop3A_278 = tpu.vector_load %arg5[%parallel_loop3A_277] {strides = array<i32>} : memref<50176xf32, #tpu.memory_space<vmem>>, vector<16xf32>,
        %parallel_loop3A_279 = arith.constant 48 : i32
        %parallel_loop3A_280 = arith.addi %parallel_loop3A_266, %parallel_loop3A_279 : i32
        %parallel_loop3A_281 = arith.index_cast %parallel_loop3A_280 : i32 to index
        %parallel_loop3A_282 = tpu.vector_load %arg5[%parallel_loop3A_281] {strides = array<i32>} : memref<50176xf32, #tpu.memory_space<vmem>>, vector<16xf32>,
        %parallel_loop3A_283 = arith.constant 64 : i32
        %parallel_loop3A_284 = arith.addi %parallel_loop3A_266, %parallel_loop3A_283 : i32
        %parallel_loop3A_285 = arith.index_cast %parallel_loop3A_284 : i32 to index
        %parallel_loop3A_286 = tpu.vector_load %arg5[%parallel_loop3A_285] {strides = array<i32>} : memref<50176xf32, #tpu.memory_space<vmem>>, vector<16xf32>,
        %parallel_loop3A_287 = arith.constant 80 : i32
        %parallel_loop3A_288 = arith.addi %parallel_loop3A_266, %parallel_loop3A_287 : i32
        %parallel_loop3A_289 = arith.index_cast %parallel_loop3A_288 : i32 to index
        %parallel_loop3A_290 = tpu.vector_load %arg5[%parallel_loop3A_289] {strides = array<i32>} : memref<50176xf32, #tpu.memory_space<vmem>>, vector<16xf32>,
        %parallel_loop3A_291 = arith.constant 96 : i32
        %parallel_loop3A_292 = arith.addi %parallel_loop3A_266, %parallel_loop3A_291 : i32
        %parallel_loop3A_293 = arith.index_cast %parallel_loop3A_292 : i32 to index
        %parallel_loop3A_294 = tpu.vector_load %arg5[%parallel_loop3A_293] {strides = array<i32>} : memref<50176xf32, #tpu.memory_space<vmem>>, vector<16xf32>,
        %parallel_loop3A_295 = arith.constant 112 : i32
        %parallel_loop3A_296 = arith.addi %parallel_loop3A_266, %parallel_loop3A_295 : i32
        %parallel_loop3A_297 = arith.index_cast %parallel_loop3A_296 : i32 to index
        %parallel_loop3A_298 = tpu.vector_load %arg5[%parallel_loop3A_297] {strides = array<i32>} : memref<50176xf32, #tpu.memory_space<vmem>>, vector<16xf32>,
        %parallel_loop3A_299 = arith.constant 128 : i32
        %parallel_loop3A_300 = arith.addi %parallel_loop3A_266, %parallel_loop3A_299 : i32
        %parallel_loop3A_301 = arith.index_cast %parallel_loop3A_300 : i32 to index
        %parallel_loop3A_302 = tpu.vector_load %arg5[%parallel_loop3A_301] {strides = array<i32>} : memref<50176xf32, #tpu.memory_space<vmem>>, vector<16xf32>,
        %parallel_loop3A_303 = arith.constant 144 : i32
        %parallel_loop3A_304 = arith.addi %parallel_loop3A_266, %parallel_loop3A_303 : i32
        %parallel_loop3A_305 = arith.index_cast %parallel_loop3A_304 : i32 to index
        %parallel_loop3A_306 = tpu.vector_load %arg5[%parallel_loop3A_305] {strides = array<i32>} : memref<50176xf32, #tpu.memory_space<vmem>>, vector<16xf32>,
        %parallel_loop3A_307 = arith.constant 160 : i32
        %parallel_loop3A_308 = arith.addi %parallel_loop3A_266, %parallel_loop3A_307 : i32
        %parallel_loop3A_309 = arith.index_cast %parallel_loop3A_308 : i32 to index
        %parallel_loop3A_310 = tpu.vector_load %arg5[%parallel_loop3A_309] {strides = array<i32>} : memref<50176xf32, #tpu.memory_space<vmem>>, vector<16xf32>,
        %parallel_loop3A_311 = arith.constant 176 : i32
        %parallel_loop3A_312 = arith.addi %parallel_loop3A_266, %parallel_loop3A_311 : i32
        %parallel_loop3A_313 = arith.index_cast %parallel_loop3A_312 : i32 to index
        %parallel_loop3A_314 = tpu.vector_load %arg5[%parallel_loop3A_313] {strides = array<i32>} : memref<50176xf32, #tpu.memory_space<vmem>>, vector<16xf32>,
        %parallel_loop3A_315 = arith.constant 192 : i32
        %parallel_loop3A_316 = arith.addi %parallel_loop3A_266, %parallel_loop3A_315 : i32
        %parallel_loop3A_317 = arith.index_cast %parallel_loop3A_316 : i32 to index
        %parallel_loop3A_318 = tpu.vector_load %arg5[%parallel_loop3A_317] {strides = array<i32>} : memref<50176xf32, #tpu.memory_space<vmem>>, vector<16xf32>,
        %parallel_loop3A_319 = arith.constant 208 : i32
        %parallel_loop3A_320 = arith.addi %parallel_loop3A_266, %parallel_loop3A_319 : i32
        %parallel_loop3A_321 = arith.index_cast %parallel_loop3A_320 : i32 to index
        %parallel_loop3A_322 = tpu.vector_load %arg5[%parallel_loop3A_321] {strides = array<i32>} : memref<50176xf32, #tpu.memory_space<vmem>>, vector<16xf32>,
        %parallel_loop3A_323 = arith.constant 224 : i32
        %parallel_loop3A_324 = arith.addi %parallel_loop3A_266, %parallel_loop3A_323 : i32
        %parallel_loop3A_325 = arith.index_cast %parallel_loop3A_324 : i32 to index
        %parallel_loop3A_326 = tpu.vector_load %arg5[%parallel_loop3A_325] {strides = array<i32>} : memref<50176xf32, #tpu.memory_space<vmem>>, vector<16xf32>,
        %parallel_loop3A_327 = arith.constant 240 : i32
        %parallel_loop3A_328 = arith.addi %parallel_loop3A_266, %parallel_loop3A_327 : i32
        %parallel_loop3A_329 = arith.index_cast %parallel_loop3A_328 : i32 to index
        %parallel_loop3A_330 = tpu.vector_load %arg5[%parallel_loop3A_329] {strides = array<i32>} : memref<50176xf32, #tpu.memory_space<vmem>>, vector<16xf32>,
        %parallel_loop3A_331 = arith.maximumf %parallel_loop3A_270, %parallel_loop3A_274 : vector<16xf32>
        %parallel_loop3A_332 = arith.maximumf %parallel_loop3A_278, %parallel_loop3A_282 : vector<16xf32>
        %parallel_loop3A_333 = arith.maximumf %parallel_loop3A_331, %parallel_loop3A_332 : vector<16xf32>
        %parallel_loop3A_334 = arith.maximumf %parallel_loop3A_286, %parallel_loop3A_290 : vector<16xf32>
        %parallel_loop3A_335 = arith.maximumf %parallel_loop3A_294, %parallel_loop3A_298 : vector<16xf32>
        %parallel_loop3A_336 = arith.maximumf %parallel_loop3A_334, %parallel_loop3A_335 : vector<16xf32>
        %parallel_loop3A_337 = arith.maximumf %parallel_loop3A_302, %parallel_loop3A_306 : vector<16xf32>
        %parallel_loop3A_338 = arith.maximumf %parallel_loop3A_310, %parallel_loop3A_314 : vector<16xf32>
        %parallel_loop3A_339 = arith.maximumf %parallel_loop3A_337, %parallel_loop3A_338 : vector<16xf32>
        %parallel_loop3A_340 = arith.maximumf %parallel_loop3A_318, %parallel_loop3A_322 : vector<16xf32>
        %parallel_loop3A_341 = arith.maximumf %parallel_loop3A_326, %parallel_loop3A_330 : vector<16xf32>
        %parallel_loop3A_342 = arith.maximumf %parallel_loop3A_340, %parallel_loop3A_341 : vector<16xf32>
        %parallel_loop3A_343 = arith.maximumf %parallel_loop3A_333, %parallel_loop3A_336 : vector<16xf32>
        %parallel_loop3A_344 = arith.maximumf %parallel_loop3A_339, %parallel_loop3A_342 : vector<16xf32>
        %parallel_loop3A_345 = arith.maximumf %parallel_loop3A_343, %parallel_loop3A_344 : vector<16xf32>
        %parallel_loop3A_346 = arith.constant 4 : i32
        %parallel_loop3A_347 = arith.muli %parallel_loop3A_256, %parallel_loop3A_346 : i32
        %parallel_loop3A_348 = arith.constant 0 : i32
        %parallel_loop3A_349 = arith.addi %parallel_loop3A_347, %parallel_loop3A_348 : i32
        %parallel_loop3A_350 = arith.constant 16 : i32
        %parallel_loop3A_351 = arith.muli %parallel_loop3A_349, %parallel_loop3A_350 : i32
        %parallel_loop3A_352 = arith.index_cast %parallel_loop3A_351 : i32 to index
        %parallel_loop3A_353 = tpu.vector_load %arg6[%parallel_loop3A_352] {strides = array<i32>} : memref<3136xf32, #tpu.memory_space<vmem>>, vector<16xf32>,
        tpu.vector_store %arg6[%parallel_loop3A_352], %parallel_loop3A_345 {strides = array<i32>} : memref<3136xf32, #tpu.memory_space<vmem>>, vector<16xf32>,
        %parallel_loop3A_354 = arith.maximumf %parallel_loop3A_257, %parallel_loop3A_333 : vector<16xf32>
        %parallel_loop3A_355 = arith.maximumf %parallel_loop3A_258, %parallel_loop3A_336 : vector<16xf32>
        %parallel_loop3A_356 = arith.maximumf %parallel_loop3A_259, %parallel_loop3A_339 : vector<16xf32>
        %parallel_loop3A_357 = arith.maximumf %parallel_loop3A_260, %parallel_loop3A_342 : vector<16xf32>
        %parallel_loop3A_358 = arith.constant 4 : i32
        %parallel_loop3A_359 = arith.muli %parallel_loop3A_256, %parallel_loop3A_358 : i32
        %parallel_loop3A_360 = arith.constant 1 : i32
        %parallel_loop3A_361 = arith.addi %parallel_loop3A_359, %parallel_loop3A_360 : i32
        %parallel_loop3A_362 = arith.constant 256 : i32
        %parallel_loop3A_363 = arith.muli %parallel_loop3A_361, %parallel_loop3A_362 : i32
        %parallel_loop3A_364 = arith.constant 0 : i32
        %parallel_loop3A_365 = arith.addi %parallel_loop3A_363, %parallel_loop3A_364 : i32
        %parallel_loop3A_366 = arith.index_cast %parallel_loop3A_365 : i32 to index
        %parallel_loop3A_367 = tpu.vector_load %arg5[%parallel_loop3A_366] {strides = array<i32>} : memref<50176xf32, #tpu.memory_space<vmem>>, vector<16xf32>,
        %parallel_loop3A_368 = arith.constant 16 : i32
        %parallel_loop3A_369 = arith.addi %parallel_loop3A_363, %parallel_loop3A_368 : i32
        %parallel_loop3A_370 = arith.index_cast %parallel_loop3A_369 : i32 to index
        %parallel_loop3A_371 = tpu.vector_load %arg5[%parallel_loop3A_370] {strides = array<i32>} : memref<50176xf32, #tpu.memory_space<vmem>>, vector<16xf32>,
        %parallel_loop3A_372 = arith.constant 32 : i32
        %parallel_loop3A_373 = arith.addi %parallel_loop3A_363, %parallel_loop3A_372 : i32
        %parallel_loop3A_374 = arith.index_cast %parallel_loop3A_373 : i32 to index
        %parallel_loop3A_375 = tpu.vector_load %arg5[%parallel_loop3A_374] {strides = array<i32>} : memref<50176xf32, #tpu.memory_space<vmem>>, vector<16xf32>,
        %parallel_loop3A_376 = arith.constant 48 : i32
        %parallel_loop3A_377 = arith.addi %parallel_loop3A_363, %parallel_loop3A_376 : i32
        %parallel_loop3A_378 = arith.index_cast %parallel_loop3A_377 : i32 to index
        %parallel_loop3A_379 = tpu.vector_load %arg5[%parallel_loop3A_378] {strides = array<i32>} : memref<50176xf32, #tpu.memory_space<vmem>>, vector<16xf32>,
        %parallel_loop3A_380 = arith.constant 64 : i32
        %parallel_loop3A_381 = arith.addi %parallel_loop3A_363, %parallel_loop3A_380 : i32
        %parallel_loop3A_382 = arith.index_cast %parallel_loop3A_381 : i32 to index
        %parallel_loop3A_383 = tpu.vector_load %arg5[%parallel_loop3A_382] {strides = array<i32>} : memref<50176xf32, #tpu.memory_space<vmem>>, vector<16xf32>,
        %parallel_loop3A_384 = arith.constant 80 : i32
        %parallel_loop3A_385 = arith.addi %parallel_loop3A_363, %parallel_loop3A_384 : i32
        %parallel_loop3A_386 = arith.index_cast %parallel_loop3A_385 : i32 to index
        %parallel_loop3A_387 = tpu.vector_load %arg5[%parallel_loop3A_386] {strides = array<i32>} : memref<50176xf32, #tpu.memory_space<vmem>>, vector<16xf32>,
        %parallel_loop3A_388 = arith.constant 96 : i32
        %parallel_loop3A_389 = arith.addi %parallel_loop3A_363, %parallel_loop3A_388 : i32
        %parallel_loop3A_390 = arith.index_cast %parallel_loop3A_389 : i32 to index
        %parallel_loop3A_391 = tpu.vector_load %arg5[%parallel_loop3A_390] {strides = array<i32>} : memref<50176xf32, #tpu.memory_space<vmem>>, vector<16xf32>,
        %parallel_loop3A_392 = arith.constant 112 : i32
        %parallel_loop3A_393 = arith.addi %parallel_loop3A_363, %parallel_loop3A_392 : i32
        %parallel_loop3A_394 = arith.index_cast %parallel_loop3A_393 : i32 to index
        %parallel_loop3A_395 = tpu.vector_load %arg5[%parallel_loop3A_394] {strides = array<i32>} : memref<50176xf32, #tpu.memory_space<vmem>>, vector<16xf32>,
        %parallel_loop3A_396 = arith.constant 128 : i32
        %parallel_loop3A_397 = arith.addi %parallel_loop3A_363, %parallel_loop3A_396 : i32
        %parallel_loop3A_398 = arith.index_cast %parallel_loop3A_397 : i32 to index
        %parallel_loop3A_399 = tpu.vector_load %arg5[%parallel_loop3A_398] {strides = array<i32>} : memref<50176xf32, #tpu.memory_space<vmem>>, vector<16xf32>,
        %parallel_loop3A_400 = arith.constant 144 : i32
        %parallel_loop3A_401 = arith.addi %parallel_loop3A_363, %parallel_loop3A_400 : i32
        %parallel_loop3A_402 = arith.index_cast %parallel_loop3A_401 : i32 to index
        %parallel_loop3A_403 = tpu.vector_load %arg5[%parallel_loop3A_402] {strides = array<i32>} : memref<50176xf32, #tpu.memory_space<vmem>>, vector<16xf32>,
        %parallel_loop3A_404 = arith.constant 160 : i32
        %parallel_loop3A_405 = arith.addi %parallel_loop3A_363, %parallel_loop3A_404 : i32
        %parallel_loop3A_406 = arith.index_cast %parallel_loop3A_405 : i32 to index
        %parallel_loop3A_407 = tpu.vector_load %arg5[%parallel_loop3A_406] {strides = array<i32>} : memref<50176xf32, #tpu.memory_space<vmem>>, vector<16xf32>,
        %parallel_loop3A_408 = arith.constant 176 : i32
        %parallel_loop3A_409 = arith.addi %parallel_loop3A_363, %parallel_loop3A_408 : i32
        %parallel_loop3A_410 = arith.index_cast %parallel_loop3A_409 : i32 to index
        %parallel_loop3A_411 = tpu.vector_load %arg5[%parallel_loop3A_410] {strides = array<i32>} : memref<50176xf32, #tpu.memory_space<vmem>>, vector<16xf32>,
        %parallel_loop3A_412 = arith.constant 192 : i32
        %parallel_loop3A_413 = arith.addi %parallel_loop3A_363, %parallel_loop3A_412 : i32
        %parallel_loop3A_414 = arith.index_cast %parallel_loop3A_413 : i32 to index
        %parallel_loop3A_415 = tpu.vector_load %arg5[%parallel_loop3A_414] {strides = array<i32>} : memref<50176xf32, #tpu.memory_space<vmem>>, vector<16xf32>,
        %parallel_loop3A_416 = arith.constant 208 : i32
        %parallel_loop3A_417 = arith.addi %parallel_loop3A_363, %parallel_loop3A_416 : i32
        %parallel_loop3A_418 = arith.index_cast %parallel_loop3A_417 : i32 to index
        %parallel_loop3A_419 = tpu.vector_load %arg5[%parallel_loop3A_418] {strides = array<i32>} : memref<50176xf32, #tpu.memory_space<vmem>>, vector<16xf32>,
        %parallel_loop3A_420 = arith.constant 224 : i32
        %parallel_loop3A_421 = arith.addi %parallel_loop3A_363, %parallel_loop3A_420 : i32
        %parallel_loop3A_422 = arith.index_cast %parallel_loop3A_421 : i32 to index
        %parallel_loop3A_423 = tpu.vector_load %arg5[%parallel_loop3A_422] {strides = array<i32>} : memref<50176xf32, #tpu.memory_space<vmem>>, vector<16xf32>,
        %parallel_loop3A_424 = arith.constant 240 : i32
        %parallel_loop3A_425 = arith.addi %parallel_loop3A_363, %parallel_loop3A_424 : i32
        %parallel_loop3A_426 = arith.index_cast %parallel_loop3A_425 : i32 to index
        %parallel_loop3A_427 = tpu.vector_load %arg5[%parallel_loop3A_426] {strides = array<i32>} : memref<50176xf32, #tpu.memory_space<vmem>>, vector<16xf32>,
        %parallel_loop3A_428 = arith.maximumf %parallel_loop3A_367, %parallel_loop3A_371 : vector<16xf32>
        %parallel_loop3A_429 = arith.maximumf %parallel_loop3A_375, %parallel_loop3A_379 : vector<16xf32>
        %parallel_loop3A_430 = arith.maximumf %parallel_loop3A_428, %parallel_loop3A_429 : vector<16xf32>
        %parallel_loop3A_431 = arith.maximumf %parallel_loop3A_383, %parallel_loop3A_387 : vector<16xf32>
        %parallel_loop3A_432 = arith.maximumf %parallel_loop3A_391, %parallel_loop3A_395 : vector<16xf32>
        %parallel_loop3A_433 = arith.maximumf %parallel_loop3A_431, %parallel_loop3A_432 : vector<16xf32>
        %parallel_loop3A_434 = arith.maximumf %parallel_loop3A_399, %parallel_loop3A_403 : vector<16xf32>
        %parallel_loop3A_435 = arith.maximumf %parallel_loop3A_407, %parallel_loop3A_411 : vector<16xf32>
        %parallel_loop3A_436 = arith.maximumf %parallel_loop3A_434, %parallel_loop3A_435 : vector<16xf32>
        %parallel_loop3A_437 = arith.maximumf %parallel_loop3A_415, %parallel_loop3A_419 : vector<16xf32>
        %parallel_loop3A_438 = arith.maximumf %parallel_loop3A_423, %parallel_loop3A_427 : vector<16xf32>
        %parallel_loop3A_439 = arith.maximumf %parallel_loop3A_437, %parallel_loop3A_438 : vector<16xf32>
        %parallel_loop3A_440 = arith.maximumf %parallel_loop3A_430, %parallel_loop3A_433 : vector<16xf32>
        %parallel_loop3A_441 = arith.maximumf %parallel_loop3A_436, %parallel_loop3A_439 : vector<16xf32>
        %parallel_loop3A_442 = arith.maximumf %parallel_loop3A_440, %parallel_loop3A_441 : vector<16xf32>
        %parallel_loop3A_443 = arith.constant 4 : i32
        %parallel_loop3A_444 = arith.muli %parallel_loop3A_256, %parallel_loop3A_443 : i32
        %parallel_loop3A_445 = arith.constant 1 : i32
        %parallel_loop3A_446 = arith.addi %parallel_loop3A_444, %parallel_loop3A_445 : i32
        %parallel_loop3A_447 = arith.constant 16 : i32
        %parallel_loop3A_448 = arith.muli %parallel_loop3A_446, %parallel_loop3A_447 : i32
        %parallel_loop3A_449 = arith.index_cast %parallel_loop3A_448 : i32 to index
        %parallel_loop3A_450 = tpu.vector_load %arg6[%parallel_loop3A_449] {strides = array<i32>} : memref<3136xf32, #tpu.memory_space<vmem>>, vector<16xf32>,
        tpu.vector_store %arg6[%parallel_loop3A_449], %parallel_loop3A_442 {strides = array<i32>} : memref<3136xf32, #tpu.memory_space<vmem>>, vector<16xf32>,
        %parallel_loop3A_451 = arith.maximumf %parallel_loop3A_354, %parallel_loop3A_430 : vector<16xf32>
        %parallel_loop3A_452 = arith.maximumf %parallel_loop3A_355, %parallel_loop3A_433 : vector<16xf32>
        %parallel_loop3A_453 = arith.maximumf %parallel_loop3A_356, %parallel_loop3A_436 : vector<16xf32>
        %parallel_loop3A_454 = arith.maximumf %parallel_loop3A_357, %parallel_loop3A_439 : vector<16xf32>
        %parallel_loop3A_455 = arith.constant 4 : i32
        %parallel_loop3A_456 = arith.muli %parallel_loop3A_256, %parallel_loop3A_455 : i32
        %parallel_loop3A_457 = arith.constant 2 : i32
        %parallel_loop3A_458 = arith.addi %parallel_loop3A_456, %parallel_loop3A_457 : i32
        %parallel_loop3A_459 = arith.constant 256 : i32
        %parallel_loop3A_460 = arith.muli %parallel_loop3A_458, %parallel_loop3A_459 : i32
        %parallel_loop3A_461 = arith.constant 0 : i32
        %parallel_loop3A_462 = arith.addi %parallel_loop3A_460, %parallel_loop3A_461 : i32
        %parallel_loop3A_463 = arith.index_cast %parallel_loop3A_462 : i32 to index
        %parallel_loop3A_464 = tpu.vector_load %arg5[%parallel_loop3A_463] {strides = array<i32>} : memref<50176xf32, #tpu.memory_space<vmem>>, vector<16xf32>,
        %parallel_loop3A_465 = arith.constant 16 : i32
        %parallel_loop3A_466 = arith.addi %parallel_loop3A_460, %parallel_loop3A_465 : i32
        %parallel_loop3A_467 = arith.index_cast %parallel_loop3A_466 : i32 to index
        %parallel_loop3A_468 = tpu.vector_load %arg5[%parallel_loop3A_467] {strides = array<i32>} : memref<50176xf32, #tpu.memory_space<vmem>>, vector<16xf32>,
        %parallel_loop3A_469 = arith.constant 32 : i32
        %parallel_loop3A_470 = arith.addi %parallel_loop3A_460, %parallel_loop3A_469 : i32
        %parallel_loop3A_471 = arith.index_cast %parallel_loop3A_470 : i32 to index
        %parallel_loop3A_472 = tpu.vector_load %arg5[%parallel_loop3A_471] {strides = array<i32>} : memref<50176xf32, #tpu.memory_space<vmem>>, vector<16xf32>,
        %parallel_loop3A_473 = arith.constant 48 : i32
        %parallel_loop3A_474 = arith.addi %parallel_loop3A_460, %parallel_loop3A_473 : i32
        %parallel_loop3A_475 = arith.index_cast %parallel_loop3A_474 : i32 to index
        %parallel_loop3A_476 = tpu.vector_load %arg5[%parallel_loop3A_475] {strides = array<i32>} : memref<50176xf32, #tpu.memory_space<vmem>>, vector<16xf32>,
        %parallel_loop3A_477 = arith.constant 64 : i32
        %parallel_loop3A_478 = arith.addi %parallel_loop3A_460, %parallel_loop3A_477 : i32
        %parallel_loop3A_479 = arith.index_cast %parallel_loop3A_478 : i32 to index
        %parallel_loop3A_480 = tpu.vector_load %arg5[%parallel_loop3A_479] {strides = array<i32>} : memref<50176xf32, #tpu.memory_space<vmem>>, vector<16xf32>,
        %parallel_loop3A_481 = arith.constant 80 : i32
        %parallel_loop3A_482 = arith.addi %parallel_loop3A_460, %parallel_loop3A_481 : i32
        %parallel_loop3A_483 = arith.index_cast %parallel_loop3A_482 : i32 to index
        %parallel_loop3A_484 = tpu.vector_load %arg5[%parallel_loop3A_483] {strides = array<i32>} : memref<50176xf32, #tpu.memory_space<vmem>>, vector<16xf32>,
        %parallel_loop3A_485 = arith.constant 96 : i32
        %parallel_loop3A_486 = arith.addi %parallel_loop3A_460, %parallel_loop3A_485 : i32
        %parallel_loop3A_487 = arith.index_cast %parallel_loop3A_486 : i32 to index
        %parallel_loop3A_488 = tpu.vector_load %arg5[%parallel_loop3A_487] {strides = array<i32>} : memref<50176xf32, #tpu.memory_space<vmem>>, vector<16xf32>,
        %parallel_loop3A_489 = arith.constant 112 : i32
        %parallel_loop3A_490 = arith.addi %parallel_loop3A_460, %parallel_loop3A_489 : i32
        %parallel_loop3A_491 = arith.index_cast %parallel_loop3A_490 : i32 to index
        %parallel_loop3A_492 = tpu.vector_load %arg5[%parallel_loop3A_491] {strides = array<i32>} : memref<50176xf32, #tpu.memory_space<vmem>>, vector<16xf32>,
        %parallel_loop3A_493 = arith.constant 128 : i32
        %parallel_loop3A_494 = arith.addi %parallel_loop3A_460, %parallel_loop3A_493 : i32
        %parallel_loop3A_495 = arith.index_cast %parallel_loop3A_494 : i32 to index
        %parallel_loop3A_496 = tpu.vector_load %arg5[%parallel_loop3A_495] {strides = array<i32>} : memref<50176xf32, #tpu.memory_space<vmem>>, vector<16xf32>,
        %parallel_loop3A_497 = arith.constant 144 : i32
        %parallel_loop3A_498 = arith.addi %parallel_loop3A_460, %parallel_loop3A_497 : i32
        %parallel_loop3A_499 = arith.index_cast %parallel_loop3A_498 : i32 to index
        %parallel_loop3A_500 = tpu.vector_load %arg5[%parallel_loop3A_499] {strides = array<i32>} : memref<50176xf32, #tpu.memory_space<vmem>>, vector<16xf32>,
        %parallel_loop3A_501 = arith.constant 160 : i32
        %parallel_loop3A_502 = arith.addi %parallel_loop3A_460, %parallel_loop3A_501 : i32
        %parallel_loop3A_503 = arith.index_cast %parallel_loop3A_502 : i32 to index
        %parallel_loop3A_504 = tpu.vector_load %arg5[%parallel_loop3A_503] {strides = array<i32>} : memref<50176xf32, #tpu.memory_space<vmem>>, vector<16xf32>,
        %parallel_loop3A_505 = arith.constant 176 : i32
        %parallel_loop3A_506 = arith.addi %parallel_loop3A_460, %parallel_loop3A_505 : i32
        %parallel_loop3A_507 = arith.index_cast %parallel_loop3A_506 : i32 to index
        %parallel_loop3A_508 = tpu.vector_load %arg5[%parallel_loop3A_507] {strides = array<i32>} : memref<50176xf32, #tpu.memory_space<vmem>>, vector<16xf32>,
        %parallel_loop3A_509 = arith.constant 192 : i32
        %parallel_loop3A_510 = arith.addi %parallel_loop3A_460, %parallel_loop3A_509 : i32
        %parallel_loop3A_511 = arith.index_cast %parallel_loop3A_510 : i32 to index
        %parallel_loop3A_512 = tpu.vector_load %arg5[%parallel_loop3A_511] {strides = array<i32>} : memref<50176xf32, #tpu.memory_space<vmem>>, vector<16xf32>,
        %parallel_loop3A_513 = arith.constant 208 : i32
        %parallel_loop3A_514 = arith.addi %parallel_loop3A_460, %parallel_loop3A_513 : i32
        %parallel_loop3A_515 = arith.index_cast %parallel_loop3A_514 : i32 to index
        %parallel_loop3A_516 = tpu.vector_load %arg5[%parallel_loop3A_515] {strides = array<i32>} : memref<50176xf32, #tpu.memory_space<vmem>>, vector<16xf32>,
        %parallel_loop3A_517 = arith.constant 224 : i32
        %parallel_loop3A_518 = arith.addi %parallel_loop3A_460, %parallel_loop3A_517 : i32
        %parallel_loop3A_519 = arith.index_cast %parallel_loop3A_518 : i32 to index
        %parallel_loop3A_520 = tpu.vector_load %arg5[%parallel_loop3A_519] {strides = array<i32>} : memref<50176xf32, #tpu.memory_space<vmem>>, vector<16xf32>,
        %parallel_loop3A_521 = arith.constant 240 : i32
        %parallel_loop3A_522 = arith.addi %parallel_loop3A_460, %parallel_loop3A_521 : i32
        %parallel_loop3A_523 = arith.index_cast %parallel_loop3A_522 : i32 to index
        %parallel_loop3A_524 = tpu.vector_load %arg5[%parallel_loop3A_523] {strides = array<i32>} : memref<50176xf32, #tpu.memory_space<vmem>>, vector<16xf32>,
        %parallel_loop3A_525 = arith.maximumf %parallel_loop3A_464, %parallel_loop3A_468 : vector<16xf32>
        %parallel_loop3A_526 = arith.maximumf %parallel_loop3A_472, %parallel_loop3A_476 : vector<16xf32>
        %parallel_loop3A_527 = arith.maximumf %parallel_loop3A_525, %parallel_loop3A_526 : vector<16xf32>
        %parallel_loop3A_528 = arith.maximumf %parallel_loop3A_480, %parallel_loop3A_484 : vector<16xf32>
        %parallel_loop3A_529 = arith.maximumf %parallel_loop3A_488, %parallel_loop3A_492 : vector<16xf32>
        %parallel_loop3A_530 = arith.maximumf %parallel_loop3A_528, %parallel_loop3A_529 : vector<16xf32>
        %parallel_loop3A_531 = arith.maximumf %parallel_loop3A_496, %parallel_loop3A_500 : vector<16xf32>
        %parallel_loop3A_532 = arith.maximumf %parallel_loop3A_504, %parallel_loop3A_508 : vector<16xf32>
        %parallel_loop3A_533 = arith.maximumf %parallel_loop3A_531, %parallel_loop3A_532 : vector<16xf32>
        %parallel_loop3A_534 = arith.maximumf %parallel_loop3A_512, %parallel_loop3A_516 : vector<16xf32>
        %parallel_loop3A_535 = arith.maximumf %parallel_loop3A_520, %parallel_loop3A_524 : vector<16xf32>
        %parallel_loop3A_536 = arith.maximumf %parallel_loop3A_534, %parallel_loop3A_535 : vector<16xf32>
        %parallel_loop3A_537 = arith.maximumf %parallel_loop3A_527, %parallel_loop3A_530 : vector<16xf32>
        %parallel_loop3A_538 = arith.maximumf %parallel_loop3A_533, %parallel_loop3A_536 : vector<16xf32>
        %parallel_loop3A_539 = arith.maximumf %parallel_loop3A_537, %parallel_loop3A_538 : vector<16xf32>
        %parallel_loop3A_540 = arith.constant 4 : i32
        %parallel_loop3A_541 = arith.muli %parallel_loop3A_256, %parallel_loop3A_540 : i32
        %parallel_loop3A_542 = arith.constant 2 : i32
        %parallel_loop3A_543 = arith.addi %parallel_loop3A_541, %parallel_loop3A_542 : i32
        %parallel_loop3A_544 = arith.constant 16 : i32
        %parallel_loop3A_545 = arith.muli %parallel_loop3A_543, %parallel_loop3A_544 : i32
        %parallel_loop3A_546 = arith.index_cast %parallel_loop3A_545 : i32 to index
        %parallel_loop3A_547 = tpu.vector_load %arg6[%parallel_loop3A_546] {strides = array<i32>} : memref<3136xf32, #tpu.memory_space<vmem>>, vector<16xf32>,
        tpu.vector_store %arg6[%parallel_loop3A_546], %parallel_loop3A_539 {strides = array<i32>} : memref<3136xf32, #tpu.memory_space<vmem>>, vector<16xf32>,
        %parallel_loop3A_548 = arith.maximumf %parallel_loop3A_451, %parallel_loop3A_527 : vector<16xf32>
        %parallel_loop3A_549 = arith.maximumf %parallel_loop3A_452, %parallel_loop3A_530 : vector<16xf32>
        %parallel_loop3A_550 = arith.maximumf %parallel_loop3A_453, %parallel_loop3A_533 : vector<16xf32>
        %parallel_loop3A_551 = arith.maximumf %parallel_loop3A_454, %parallel_loop3A_536 : vector<16xf32>
        %parallel_loop3A_552 = arith.constant 4 : i32
        %parallel_loop3A_553 = arith.muli %parallel_loop3A_256, %parallel_loop3A_552 : i32
        %parallel_loop3A_554 = arith.constant 3 : i32
        %parallel_loop3A_555 = arith.addi %parallel_loop3A_553, %parallel_loop3A_554 : i32
        %parallel_loop3A_556 = arith.constant 256 : i32
        %parallel_loop3A_557 = arith.muli %parallel_loop3A_555, %parallel_loop3A_556 : i32
        %parallel_loop3A_558 = arith.constant 0 : i32
        %parallel_loop3A_559 = arith.addi %parallel_loop3A_557, %parallel_loop3A_558 : i32
        %parallel_loop3A_560 = arith.index_cast %parallel_loop3A_559 : i32 to index
        %parallel_loop3A_561 = tpu.vector_load %arg5[%parallel_loop3A_560] {strides = array<i32>} : memref<50176xf32, #tpu.memory_space<vmem>>, vector<16xf32>,
        %parallel_loop3A_562 = arith.constant 16 : i32
        %parallel_loop3A_563 = arith.addi %parallel_loop3A_557, %parallel_loop3A_562 : i32
        %parallel_loop3A_564 = arith.index_cast %parallel_loop3A_563 : i32 to index
        %parallel_loop3A_565 = tpu.vector_load %arg5[%parallel_loop3A_564] {strides = array<i32>} : memref<50176xf32, #tpu.memory_space<vmem>>, vector<16xf32>,
        %parallel_loop3A_566 = arith.constant 32 : i32
        %parallel_loop3A_567 = arith.addi %parallel_loop3A_557, %parallel_loop3A_566 : i32
        %parallel_loop3A_568 = arith.index_cast %parallel_loop3A_567 : i32 to index
        %parallel_loop3A_569 = tpu.vector_load %arg5[%parallel_loop3A_568] {strides = array<i32>} : memref<50176xf32, #tpu.memory_space<vmem>>, vector<16xf32>,
        %parallel_loop3A_570 = arith.constant 48 : i32
        %parallel_loop3A_571 = arith.addi %parallel_loop3A_557, %parallel_loop3A_570 : i32
        %parallel_loop3A_572 = arith.index_cast %parallel_loop3A_571 : i32 to index
        %parallel_loop3A_573 = tpu.vector_load %arg5[%parallel_loop3A_572] {strides = array<i32>} : memref<50176xf32, #tpu.memory_space<vmem>>, vector<16xf32>,
        %parallel_loop3A_574 = arith.constant 64 : i32
        %parallel_loop3A_575 = arith.addi %parallel_loop3A_557, %parallel_loop3A_574 : i32
        %parallel_loop3A_576 = arith.index_cast %parallel_loop3A_575 : i32 to index
        %parallel_loop3A_577 = tpu.vector_load %arg5[%parallel_loop3A_576] {strides = array<i32>} : memref<50176xf32, #tpu.memory_space<vmem>>, vector<16xf32>,
        %parallel_loop3A_578 = arith.constant 80 : i32
        %parallel_loop3A_579 = arith.addi %parallel_loop3A_557, %parallel_loop3A_578 : i32
        %parallel_loop3A_580 = arith.index_cast %parallel_loop3A_579 : i32 to index
        %parallel_loop3A_581 = tpu.vector_load %arg5[%parallel_loop3A_580] {strides = array<i32>} : memref<50176xf32, #tpu.memory_space<vmem>>, vector<16xf32>,
        %parallel_loop3A_582 = arith.constant 96 : i32
        %parallel_loop3A_583 = arith.addi %parallel_loop3A_557, %parallel_loop3A_582 : i32
        %parallel_loop3A_584 = arith.index_cast %parallel_loop3A_583 : i32 to index
        %parallel_loop3A_585 = tpu.vector_load %arg5[%parallel_loop3A_584] {strides = array<i32>} : memref<50176xf32, #tpu.memory_space<vmem>>, vector<16xf32>,
        %parallel_loop3A_586 = arith.constant 112 : i32
        %parallel_loop3A_587 = arith.addi %parallel_loop3A_557, %parallel_loop3A_586 : i32
        %parallel_loop3A_588 = arith.index_cast %parallel_loop3A_587 : i32 to index
        %parallel_loop3A_589 = tpu.vector_load %arg5[%parallel_loop3A_588] {strides = array<i32>} : memref<50176xf32, #tpu.memory_space<vmem>>, vector<16xf32>,
        %parallel_loop3A_590 = arith.constant 128 : i32
        %parallel_loop3A_591 = arith.addi %parallel_loop3A_557, %parallel_loop3A_590 : i32
        %parallel_loop3A_592 = arith.index_cast %parallel_loop3A_591 : i32 to index
        %parallel_loop3A_593 = tpu.vector_load %arg5[%parallel_loop3A_592] {strides = array<i32>} : memref<50176xf32, #tpu.memory_space<vmem>>, vector<16xf32>,
        %parallel_loop3A_594 = arith.constant 144 : i32
        %parallel_loop3A_595 = arith.addi %parallel_loop3A_557, %parallel_loop3A_594 : i32
        %parallel_loop3A_596 = arith.index_cast %parallel_loop3A_595 : i32 to index
        %parallel_loop3A_597 = tpu.vector_load %arg5[%parallel_loop3A_596] {strides = array<i32>} : memref<50176xf32, #tpu.memory_space<vmem>>, vector<16xf32>,
        %parallel_loop3A_598 = arith.constant 160 : i32
        %parallel_loop3A_599 = arith.addi %parallel_loop3A_557, %parallel_loop3A_598 : i32
        %parallel_loop3A_600 = arith.index_cast %parallel_loop3A_599 : i32 to index
        %parallel_loop3A_601 = tpu.vector_load %arg5[%parallel_loop3A_600] {strides = array<i32>} : memref<50176xf32, #tpu.memory_space<vmem>>, vector<16xf32>,
        %parallel_loop3A_602 = arith.constant 176 : i32
        %parallel_loop3A_603 = arith.addi %parallel_loop3A_557, %parallel_loop3A_602 : i32
        %parallel_loop3A_604 = arith.index_cast %parallel_loop3A_603 : i32 to index
        %parallel_loop3A_605 = tpu.vector_load %arg5[%parallel_loop3A_604] {strides = array<i32>} : memref<50176xf32, #tpu.memory_space<vmem>>, vector<16xf32>,
        %parallel_loop3A_606 = arith.constant 192 : i32
        %parallel_loop3A_607 = arith.addi %parallel_loop3A_557, %parallel_loop3A_606 : i32
        %parallel_loop3A_608 = arith.index_cast %parallel_loop3A_607 : i32 to index
        %parallel_loop3A_609 = tpu.vector_load %arg5[%parallel_loop3A_608] {strides = array<i32>} : memref<50176xf32, #tpu.memory_space<vmem>>, vector<16xf32>,
        %parallel_loop3A_610 = arith.constant 208 : i32
        %parallel_loop3A_611 = arith.addi %parallel_loop3A_557, %parallel_loop3A_610 : i32
        %parallel_loop3A_612 = arith.index_cast %parallel_loop3A_611 : i32 to index
        %parallel_loop3A_613 = tpu.vector_load %arg5[%parallel_loop3A_612] {strides = array<i32>} : memref<50176xf32, #tpu.memory_space<vmem>>, vector<16xf32>,
        %parallel_loop3A_614 = arith.constant 224 : i32
        %parallel_loop3A_615 = arith.addi %parallel_loop3A_557, %parallel_loop3A_614 : i32
        %parallel_loop3A_616 = arith.index_cast %parallel_loop3A_615 : i32 to index
        %parallel_loop3A_617 = tpu.vector_load %arg5[%parallel_loop3A_616] {strides = array<i32>} : memref<50176xf32, #tpu.memory_space<vmem>>, vector<16xf32>,
        %parallel_loop3A_618 = arith.constant 240 : i32
        %parallel_loop3A_619 = arith.addi %parallel_loop3A_557, %parallel_loop3A_618 : i32
        %parallel_loop3A_620 = arith.index_cast %parallel_loop3A_619 : i32 to index
        %parallel_loop3A_621 = tpu.vector_load %arg5[%parallel_loop3A_620] {strides = array<i32>} : memref<50176xf32, #tpu.memory_space<vmem>>, vector<16xf32>,
        %parallel_loop3A_622 = arith.maximumf %parallel_loop3A_561, %parallel_loop3A_565 : vector<16xf32>
        %parallel_loop3A_623 = arith.maximumf %parallel_loop3A_569, %parallel_loop3A_573 : vector<16xf32>
        %parallel_loop3A_624 = arith.maximumf %parallel_loop3A_622, %parallel_loop3A_623 : vector<16xf32>
        %parallel_loop3A_625 = arith.maximumf %parallel_loop3A_577, %parallel_loop3A_581 : vector<16xf32>
        %parallel_loop3A_626 = arith.maximumf %parallel_loop3A_585, %parallel_loop3A_589 : vector<16xf32>
        %parallel_loop3A_627 = arith.maximumf %parallel_loop3A_625, %parallel_loop3A_626 : vector<16xf32>
        %parallel_loop3A_628 = arith.maximumf %parallel_loop3A_593, %parallel_loop3A_597 : vector<16xf32>
        %parallel_loop3A_629 = arith.maximumf %parallel_loop3A_601, %parallel_loop3A_605 : vector<16xf32>
        %parallel_loop3A_630 = arith.maximumf %parallel_loop3A_628, %parallel_loop3A_629 : vector<16xf32>
        %parallel_loop3A_631 = arith.maximumf %parallel_loop3A_609, %parallel_loop3A_613 : vector<16xf32>
        %parallel_loop3A_632 = arith.maximumf %parallel_loop3A_617, %parallel_loop3A_621 : vector<16xf32>
        %parallel_loop3A_633 = arith.maximumf %parallel_loop3A_631, %parallel_loop3A_632 : vector<16xf32>
        %parallel_loop3A_634 = arith.maximumf %parallel_loop3A_624, %parallel_loop3A_627 : vector<16xf32>
        %parallel_loop3A_635 = arith.maximumf %parallel_loop3A_630, %parallel_loop3A_633 : vector<16xf32>
        %parallel_loop3A_636 = arith.maximumf %parallel_loop3A_634, %parallel_loop3A_635 : vector<16xf32>
        %parallel_loop3A_637 = arith.constant 4 : i32
        %parallel_loop3A_638 = arith.muli %parallel_loop3A_256, %parallel_loop3A_637 : i32
        %parallel_loop3A_639 = arith.constant 3 : i32
        %parallel_loop3A_640 = arith.addi %parallel_loop3A_638, %parallel_loop3A_639 : i32
        %parallel_loop3A_641 = arith.constant 16 : i32
        %parallel_loop3A_642 = arith.muli %parallel_loop3A_640, %parallel_loop3A_641 : i32
        %parallel_loop3A_643 = arith.index_cast %parallel_loop3A_642 : i32 to index
        %parallel_loop3A_644 = tpu.vector_load %arg6[%parallel_loop3A_643] {strides = array<i32>} : memref<3136xf32, #tpu.memory_space<vmem>>, vector<16xf32>,
        tpu.vector_store %arg6[%parallel_loop3A_643], %parallel_loop3A_636 {strides = array<i32>} : memref<3136xf32, #tpu.memory_space<vmem>>, vector<16xf32>,
        %parallel_loop3A_645 = arith.maximumf %parallel_loop3A_548, %parallel_loop3A_624 : vector<16xf32>
        %parallel_loop3A_646 = arith.maximumf %parallel_loop3A_549, %parallel_loop3A_627 : vector<16xf32>
        %parallel_loop3A_647 = arith.maximumf %parallel_loop3A_550, %parallel_loop3A_630 : vector<16xf32>
        %parallel_loop3A_648 = arith.maximumf %parallel_loop3A_551, %parallel_loop3A_633 : vector<16xf32>
        %parallel_loop3A_649 = arith.maximumf %parallel_loop3A_345, %parallel_loop3A_442 : vector<16xf32>
        %parallel_loop3A_650 = arith.maximumf %parallel_loop3A_539, %parallel_loop3A_636 : vector<16xf32>
        %parallel_loop3A_651 = arith.maximumf %parallel_loop3A_649, %parallel_loop3A_650 : vector<16xf32>
        %parallel_loop3A_652 = arith.constant 16 : i32
        %parallel_loop3A_653 = arith.muli %parallel_loop3A_256, %parallel_loop3A_652 : i32
        %parallel_loop3A_654 = arith.index_cast %parallel_loop3A_653 : i32 to index
        %parallel_loop3A_655 = tpu.vector_load %arg7[%parallel_loop3A_654] {strides = array<i32>} : memref<784xf32, #tpu.memory_space<vmem>>, vector<16xf32>,
        tpu.vector_store %arg7[%parallel_loop3A_654], %parallel_loop3A_651 {strides = array<i32>} : memref<784xf32, #tpu.memory_space<vmem>>, vector<16xf32>,
        scf.yield %parallel_loop3A_645, %parallel_loop3A_646, %parallel_loop3A_647, %parallel_loop3A_648 : vector<16xf32>, vector<16xf32>, vector<16xf32>, vector<16xf32>
      } {sc.loop_unroll_factor = 2 : i64, sc.parallel_access}
      %masked_sort3A_211 = arith.constant dense<true> : vector<16xi1>
      %masked_sort3A_212, %masked_sort3A_213, %masked_sort3A_214 = tpu.sort %parallel_loop3A_210#0, %parallel_loop3A_210#0 masked %masked_sort3A_211 {descending = true} : (vector<16xf32>, vector<16xf32>, vector<16xi1>) -> (vector<16xi1>, vector<16xf32>, vector<16xf32>)
      %masked_sort3A_215 = arith.constant dense<true> : vector<16xi1>
      %masked_sort3A_216, %masked_sort3A_217, %masked_sort3A_218 = tpu.sort %parallel_loop3A_210#1, %parallel_loop3A_210#1 masked %masked_sort3A_215 : (vector<16xf32>, vector<16xf32>, vector<16xi1>) -> (vector<16xi1>, vector<16xf32>, vector<16xf32>)
      %max3A_219 = arith.maximumf %masked_sort3A_213, %masked_sort3A_217 : vector<16xf32>
      %masked_sort3A_220 = arith.constant dense<true> : vector<16xi1>
      %masked_sort3A_221, %masked_sort3A_222, %masked_sort3A_223 = tpu.sort %max3A_219, %max3A_219 masked %masked_sort3A_220 {descending = true} : (vector<16xf32>, vector<16xf32>, vector<16xi1>) -> (vector<16xi1>, vector<16xf32>, vector<16xf32>)
      %masked_sort3A_224 = arith.constant dense<true> : vector<16xi1>
      %masked_sort3A_225, %masked_sort3A_226, %masked_sort3A_227 = tpu.sort %parallel_loop3A_210#2, %parallel_loop3A_210#2 masked %masked_sort3A_224 : (vector<16xf32>, vector<16xf32>, vector<16xi1>) -> (vector<16xi1>, vector<16xf32>, vector<16xf32>)
      %max3A_228 = arith.maximumf %masked_sort3A_222, %masked_sort3A_226 : vector<16xf32>
      %masked_sort3A_229 = arith.constant dense<true> : vector<16xi1>
      %masked_sort3A_230, %masked_sort3A_231, %masked_sort3A_232 = tpu.sort %max3A_228, %max3A_228 masked %masked_sort3A_229 {descending = true} : (vector<16xf32>, vector<16xf32>, vector<16xi1>) -> (vector<16xi1>, vector<16xf32>, vector<16xf32>)
      %masked_sort3A_233 = arith.constant dense<true> : vector<16xi1>
      %masked_sort3A_234, %masked_sort3A_235, %masked_sort3A_236 = tpu.sort %parallel_loop3A_210#3, %parallel_loop3A_210#3 masked %masked_sort3A_233 : (vector<16xf32>, vector<16xf32>, vector<16xi1>) -> (vector<16xi1>, vector<16xf32>, vector<16xf32>)
      %max3A_237 = arith.maximumf %masked_sort3A_231, %masked_sort3A_235 : vector<16xf32>
      %masked_sort3A_238 = arith.constant dense<true> : vector<16xi1>
      %masked_sort3A_239, %masked_sort3A_240, %masked_sort3A_241 = tpu.sort %max3A_237, %max3A_237 masked %masked_sort3A_238 {descending = true} : (vector<16xf32>, vector<16xf32>, vector<16xi1>) -> (vector<16xi1>, vector<16xf32>, vector<16xf32>)
      %reduce_min3A_242 = arith.constant true
      %reduce_min3A_243 = vector.broadcast %reduce_min3A_242 : i1 to vector<16xi1>
      %reduce_min3A_244 = tpu.scan <min>, %masked_sort3A_240 masked %reduce_min3A_243 : vector<16xf32>, vector<16xi1> -> vector<16xf32>
      %reduce_min3A_245 = vector.extract %reduce_min3A_244[15] : f32 from vector<16xf32>
      %scan3A_246 = arith.constant 0 : i32
      %scan3A_247 = arith.constant 49 : i32
      %scan3A_248 = arith.addi %scan3A_246, %scan3A_247 : i32
      %scan3A_249 = arith.constant 1 : i32
      %scan3A_250 = scf.for %scan3A_256 = %scan3A_246 to %scan3A_248 step %scan3A_249 iter_args(%scan3A_257 = %broadcast_in_dim3A_3) -> (vector<16xf32>)  : i32 {
        %mul3A_258 = arith.constant 16 : i32
        %mul3A_259 = arith.muli %scan3A_256, %mul3A_258 : i32
        %get3A = arith.index_cast %mul3A_259 : i32 to index
        %get3A_260 = tpu.vector_load %arg7[%get3A] {strides = array<i32>} : memref<784xf32, #tpu.memory_space<vmem>>, vector<16xf32>,
        %ge3A = vector.broadcast %reduce_min3A_245 : f32 to vector<16xf32>
        %ge3A_261 = arith.cmpf oge, %get3A_260, %ge3A : vector<16xf32>
        %reduce_or3A = arith.constant 1.000000e+00 : f32
        %reduce_or3A_262 = arith.constant 0.000000e+00 : f32
        %reduce_or3A_263 = vector.broadcast %reduce_or3A : f32 to vector<16xf32>
        %reduce_or3A_264 = vector.broadcast %reduce_or3A_262 : f32 to vector<16xf32>
        %reduce_or3A_265 = arith.select %ge3A_261, %reduce_or3A_263, %reduce_or3A_264 : vector<16xi1>, vector<16xf32>
        %reduce_or3A_266 = arith.constant true
        %reduce_or3A_267 = vector.broadcast %reduce_or3A_266 : i1 to vector<16xi1>
        %reduce_or3A_268 = tpu.scan <max>, %reduce_or3A_265 masked %reduce_or3A_267 : vector<16xf32>, vector<16xi1> -> vector<16xf32>
        %reduce_or3A_269 = vector.extract %reduce_or3A_268[15] : f32 from vector<16xf32>
        %reduce_or3A_270 = arith.constant 0.000000e+00 : f32
        %reduce_or3A_271 = arith.cmpf ogt, %reduce_or3A_269, %reduce_or3A_270 : f32
        %convert_element_type3A_272 = arith.extui %reduce_or3A_271 : i1 to i32
        %cond3A_273 = arith.constant 0 : i32
        %cond3A_274 = arith.cmpi ne, %convert_element_type3A_272, %cond3A_273 : i32
        %cond3A_275 = scf.if %cond3A_274 -> (vector<16xf32>) {
          %mul3A_276 = arith.constant 64 : i32
          %mul3A_277 = arith.muli %scan3A_256, %mul3A_276 : i32
          %add3A_278 = arith.constant 0 : i32
          %add3A_279 = arith.addi %mul3A_277, %add3A_278 : i32
          %get3A_280 = arith.index_cast %add3A_279 : i32 to index
          %get3A_281 = tpu.vector_load %arg6[%get3A_280] {strides = array<i32>} : memref<3136xf32, #tpu.memory_space<vmem>>, vector<16xf32>,
          %ge3A_282 = vector.broadcast %reduce_min3A_245 : f32 to vector<16xf32>
          %ge3A_283 = arith.cmpf oge, %get3A_281, %ge3A_282 : vector<16xf32>
          %reduce_or3A_284 = arith.constant 1.000000e+00 : f32
          %reduce_or3A_285 = arith.constant 0.000000e+00 : f32
          %reduce_or3A_286 = vector.broadcast %reduce_or3A_284 : f32 to vector<16xf32>
          %reduce_or3A_287 = vector.broadcast %reduce_or3A_285 : f32 to vector<16xf32>
          %reduce_or3A_288 = arith.select %ge3A_283, %reduce_or3A_286, %reduce_or3A_287 : vector<16xi1>, vector<16xf32>
          %reduce_or3A_289 = arith.constant true
          %reduce_or3A_290 = vector.broadcast %reduce_or3A_289 : i1 to vector<16xi1>
          %reduce_or3A_291 = tpu.scan <max>, %reduce_or3A_288 masked %reduce_or3A_290 : vector<16xf32>, vector<16xi1> -> vector<16xf32>
          %reduce_or3A_292 = vector.extract %reduce_or3A_291[15] : f32 from vector<16xf32>
          %reduce_or3A_293 = arith.constant 0.000000e+00 : f32
          %reduce_or3A_294 = arith.cmpf ogt, %reduce_or3A_292, %reduce_or3A_293 : f32
          %convert_element_type3A_295 = arith.extui %reduce_or3A_294 : i1 to i32
          %cond3A_296 = arith.constant 0 : i32
          %cond3A_297 = arith.cmpi ne, %convert_element_type3A_295, %cond3A_296 : i32
          %cond3A_298 = scf.if %cond3A_297 -> (vector<16xf32>) {
            %mul3A_368 = arith.constant 1024 : i32
            %mul3A_369 = arith.muli %scan3A_256, %mul3A_368 : i32
            %add3A_370 = arith.constant 0 : i32
            %add3A_371 = arith.addi %mul3A_369, %add3A_370 : i32
            %add3A_372 = arith.constant 0 : i32
            %add3A_373 = arith.addi %add3A_371, %add3A_372 : i32
            %get3A_374 = arith.index_cast %add3A_373 : i32 to index
            %get3A_375 = tpu.vector_load %arg5[%get3A_374] {strides = array<i32>} : memref<50176xf32, #tpu.memory_space<vmem>>, vector<16xf32>,
            %masked_sort3A_376 = arith.constant dense<true> : vector<16xi1>
            %masked_sort3A_377, %masked_sort3A_378, %masked_sort3A_379 = tpu.sort %get3A_375, %get3A_375 masked %masked_sort3A_376 : (vector<16xf32>, vector<16xf32>, vector<16xi1>) -> (vector<16xi1>, vector<16xf32>, vector<16xf32>)
            %max3A_380 = arith.maximumf %scan3A_257, %masked_sort3A_378 : vector<16xf32>
            %masked_sort3A_381 = arith.constant dense<true> : vector<16xi1>
            %masked_sort3A_382, %masked_sort3A_383, %masked_sort3A_384 = tpu.sort %max3A_380, %max3A_380 masked %masked_sort3A_381 {descending = true} : (vector<16xf32>, vector<16xf32>, vector<16xi1>) -> (vector<16xi1>, vector<16xf32>, vector<16xf32>)
            %add3A_385 = arith.constant 16 : i32
            %add3A_386 = arith.addi %add3A_371, %add3A_385 : i32
            %get3A_387 = arith.index_cast %add3A_386 : i32 to index
            %get3A_388 = tpu.vector_load %arg5[%get3A_387] {strides = array<i32>} : memref<50176xf32, #tpu.memory_space<vmem>>, vector<16xf32>,
            %masked_sort3A_389 = arith.constant dense<true> : vector<16xi1>
            %masked_sort3A_390, %masked_sort3A_391, %masked_sort3A_392 = tpu.sort %get3A_388, %get3A_388 masked %masked_sort3A_389 : (vector<16xf32>, vector<16xf32>, vector<16xi1>) -> (vector<16xi1>, vector<16xf32>, vector<16xf32>)
            %max3A_393 = arith.maximumf %masked_sort3A_383, %masked_sort3A_391 : vector<16xf32>
            %masked_sort3A_394 = arith.constant dense<true> : vector<16xi1>
            %masked_sort3A_395, %masked_sort3A_396, %masked_sort3A_397 = tpu.sort %max3A_393, %max3A_393 masked %masked_sort3A_394 {descending = true} : (vector<16xf32>, vector<16xf32>, vector<16xi1>) -> (vector<16xi1>, vector<16xf32>, vector<16xf32>)
            %add3A_398 = arith.constant 32 : i32
            %add3A_399 = arith.addi %add3A_371, %add3A_398 : i32
            %get3A_400 = arith.index_cast %add3A_399 : i32 to index
            %get3A_401 = tpu.vector_load %arg5[%get3A_400] {strides = array<i32>} : memref<50176xf32, #tpu.memory_space<vmem>>, vector<16xf32>,
            %masked_sort3A_402 = arith.constant dense<true> : vector<16xi1>
            %masked_sort3A_403, %masked_sort3A_404, %masked_sort3A_405 = tpu.sort %get3A_401, %get3A_401 masked %masked_sort3A_402 : (vector<16xf32>, vector<16xf32>, vector<16xi1>) -> (vector<16xi1>, vector<16xf32>, vector<16xf32>)
            %max3A_406 = arith.maximumf %masked_sort3A_396, %masked_sort3A_404 : vector<16xf32>
            %masked_sort3A_407 = arith.constant dense<true> : vector<16xi1>
            %masked_sort3A_408, %masked_sort3A_409, %masked_sort3A_410 = tpu.sort %max3A_406, %max3A_406 masked %masked_sort3A_407 {descending = true} : (vector<16xf32>, vector<16xf32>, vector<16xi1>) -> (vector<16xi1>, vector<16xf32>, vector<16xf32>)
            %add3A_411 = arith.constant 48 : i32
            %add3A_412 = arith.addi %add3A_371, %add3A_411 : i32
            %get3A_413 = arith.index_cast %add3A_412 : i32 to index
            %get3A_414 = tpu.vector_load %arg5[%get3A_413] {strides = array<i32>} : memref<50176xf32, #tpu.memory_space<vmem>>, vector<16xf32>,
            %masked_sort3A_415 = arith.constant dense<true> : vector<16xi1>
            %masked_sort3A_416, %masked_sort3A_417, %masked_sort3A_418 = tpu.sort %get3A_414, %get3A_414 masked %masked_sort3A_415 : (vector<16xf32>, vector<16xf32>, vector<16xi1>) -> (vector<16xi1>, vector<16xf32>, vector<16xf32>)
            %max3A_419 = arith.maximumf %masked_sort3A_409, %masked_sort3A_417 : vector<16xf32>
            %masked_sort3A_420 = arith.constant dense<true> : vector<16xi1>
            %masked_sort3A_421, %masked_sort3A_422, %masked_sort3A_423 = tpu.sort %max3A_419, %max3A_419 masked %masked_sort3A_420 {descending = true} : (vector<16xf32>, vector<16xf32>, vector<16xi1>) -> (vector<16xi1>, vector<16xf32>, vector<16xf32>)
            %add3A_424 = arith.constant 64 : i32
            %add3A_425 = arith.addi %add3A_371, %add3A_424 : i32
            %get3A_426 = arith.index_cast %add3A_425 : i32 to index
            %get3A_427 = tpu.vector_load %arg5[%get3A_426] {strides = array<i32>} : memref<50176xf32, #tpu.memory_space<vmem>>, vector<16xf32>,
            %masked_sort3A_428 = arith.constant dense<true> : vector<16xi1>
            %masked_sort3A_429, %masked_sort3A_430, %masked_sort3A_431 = tpu.sort %get3A_427, %get3A_427 masked %masked_sort3A_428 : (vector<16xf32>, vector<16xf32>, vector<16xi1>) -> (vector<16xi1>, vector<16xf32>, vector<16xf32>)
            %max3A_432 = arith.maximumf %masked_sort3A_422, %masked_sort3A_430 : vector<16xf32>
            %masked_sort3A_433 = arith.constant dense<true> : vector<16xi1>
            %masked_sort3A_434, %masked_sort3A_435, %masked_sort3A_436 = tpu.sort %max3A_432, %max3A_432 masked %masked_sort3A_433 {descending = true} : (vector<16xf32>, vector<16xf32>, vector<16xi1>) -> (vector<16xi1>, vector<16xf32>, vector<16xf32>)
            %add3A_437 = arith.constant 80 : i32
            %add3A_438 = arith.addi %add3A_371, %add3A_437 : i32
            %get3A_439 = arith.index_cast %add3A_438 : i32 to index
            %get3A_440 = tpu.vector_load %arg5[%get3A_439] {strides = array<i32>} : memref<50176xf32, #tpu.memory_space<vmem>>, vector<16xf32>,
            %masked_sort3A_441 = arith.constant dense<true> : vector<16xi1>
            %masked_sort3A_442, %masked_sort3A_443, %masked_sort3A_444 = tpu.sort %get3A_440, %get3A_440 masked %masked_sort3A_441 : (vector<16xf32>, vector<16xf32>, vector<16xi1>) -> (vector<16xi1>, vector<16xf32>, vector<16xf32>)
            %max3A_445 = arith.maximumf %masked_sort3A_435, %masked_sort3A_443 : vector<16xf32>
            %masked_sort3A_446 = arith.constant dense<true> : vector<16xi1>
            %masked_sort3A_447, %masked_sort3A_448, %masked_sort3A_449 = tpu.sort %max3A_445, %max3A_445 masked %masked_sort3A_446 {descending = true} : (vector<16xf32>, vector<16xf32>, vector<16xi1>) -> (vector<16xi1>, vector<16xf32>, vector<16xf32>)
            %add3A_450 = arith.constant 96 : i32
            %add3A_451 = arith.addi %add3A_371, %add3A_450 : i32
            %get3A_452 = arith.index_cast %add3A_451 : i32 to index
            %get3A_453 = tpu.vector_load %arg5[%get3A_452] {strides = array<i32>} : memref<50176xf32, #tpu.memory_space<vmem>>, vector<16xf32>,
            %masked_sort3A_454 = arith.constant dense<true> : vector<16xi1>
            %masked_sort3A_455, %masked_sort3A_456, %masked_sort3A_457 = tpu.sort %get3A_453, %get3A_453 masked %masked_sort3A_454 : (vector<16xf32>, vector<16xf32>, vector<16xi1>) -> (vector<16xi1>, vector<16xf32>, vector<16xf32>)
            %max3A_458 = arith.maximumf %masked_sort3A_448, %masked_sort3A_456 : vector<16xf32>
            %masked_sort3A_459 = arith.constant dense<true> : vector<16xi1>
            %masked_sort3A_460, %masked_sort3A_461, %masked_sort3A_462 = tpu.sort %max3A_458, %max3A_458 masked %masked_sort3A_459 {descending = true} : (vector<16xf32>, vector<16xf32>, vector<16xi1>) -> (vector<16xi1>, vector<16xf32>, vector<16xf32>)
            %add3A_463 = arith.constant 112 : i32
            %add3A_464 = arith.addi %add3A_371, %add3A_463 : i32
            %get3A_465 = arith.index_cast %add3A_464 : i32 to index
            %get3A_466 = tpu.vector_load %arg5[%get3A_465] {strides = array<i32>} : memref<50176xf32, #tpu.memory_space<vmem>>, vector<16xf32>,
            %masked_sort3A_467 = arith.constant dense<true> : vector<16xi1>
            %masked_sort3A_468, %masked_sort3A_469, %masked_sort3A_470 = tpu.sort %get3A_466, %get3A_466 masked %masked_sort3A_467 : (vector<16xf32>, vector<16xf32>, vector<16xi1>) -> (vector<16xi1>, vector<16xf32>, vector<16xf32>)
            %max3A_471 = arith.maximumf %masked_sort3A_461, %masked_sort3A_469 : vector<16xf32>
            %masked_sort3A_472 = arith.constant dense<true> : vector<16xi1>
            %masked_sort3A_473, %masked_sort3A_474, %masked_sort3A_475 = tpu.sort %max3A_471, %max3A_471 masked %masked_sort3A_472 {descending = true} : (vector<16xf32>, vector<16xf32>, vector<16xi1>) -> (vector<16xi1>, vector<16xf32>, vector<16xf32>)
            %add3A_476 = arith.constant 128 : i32
            %add3A_477 = arith.addi %add3A_371, %add3A_476 : i32
            %get3A_478 = arith.index_cast %add3A_477 : i32 to index
            %get3A_479 = tpu.vector_load %arg5[%get3A_478] {strides = array<i32>} : memref<50176xf32, #tpu.memory_space<vmem>>, vector<16xf32>,
            %masked_sort3A_480 = arith.constant dense<true> : vector<16xi1>
            %masked_sort3A_481, %masked_sort3A_482, %masked_sort3A_483 = tpu.sort %get3A_479, %get3A_479 masked %masked_sort3A_480 : (vector<16xf32>, vector<16xf32>, vector<16xi1>) -> (vector<16xi1>, vector<16xf32>, vector<16xf32>)
            %max3A_484 = arith.maximumf %masked_sort3A_474, %masked_sort3A_482 : vector<16xf32>
            %masked_sort3A_485 = arith.constant dense<true> : vector<16xi1>
            %masked_sort3A_486, %masked_sort3A_487, %masked_sort3A_488 = tpu.sort %max3A_484, %max3A_484 masked %masked_sort3A_485 {descending = true} : (vector<16xf32>, vector<16xf32>, vector<16xi1>) -> (vector<16xi1>, vector<16xf32>, vector<16xf32>)
            %add3A_489 = arith.constant 144 : i32
            %add3A_490 = arith.addi %add3A_371, %add3A_489 : i32
            %get3A_491 = arith.index_cast %add3A_490 : i32 to index
            %get3A_492 = tpu.vector_load %arg5[%get3A_491] {strides = array<i32>} : memref<50176xf32, #tpu.memory_space<vmem>>, vector<16xf32>,
            %masked_sort3A_493 = arith.constant dense<true> : vector<16xi1>
            %masked_sort3A_494, %masked_sort3A_495, %masked_sort3A_496 = tpu.sort %get3A_492, %get3A_492 masked %masked_sort3A_493 : (vector<16xf32>, vector<16xf32>, vector<16xi1>) -> (vector<16xi1>, vector<16xf32>, vector<16xf32>)
            %max3A_497 = arith.maximumf %masked_sort3A_487, %masked_sort3A_495 : vector<16xf32>
            %masked_sort3A_498 = arith.constant dense<true> : vector<16xi1>
            %masked_sort3A_499, %masked_sort3A_500, %masked_sort3A_501 = tpu.sort %max3A_497, %max3A_497 masked %masked_sort3A_498 {descending = true} : (vector<16xf32>, vector<16xf32>, vector<16xi1>) -> (vector<16xi1>, vector<16xf32>, vector<16xf32>)
            %add3A_502 = arith.constant 160 : i32
            %add3A_503 = arith.addi %add3A_371, %add3A_502 : i32
            %get3A_504 = arith.index_cast %add3A_503 : i32 to index
            %get3A_505 = tpu.vector_load %arg5[%get3A_504] {strides = array<i32>} : memref<50176xf32, #tpu.memory_space<vmem>>, vector<16xf32>,
            %masked_sort3A_506 = arith.constant dense<true> : vector<16xi1>
            %masked_sort3A_507, %masked_sort3A_508, %masked_sort3A_509 = tpu.sort %get3A_505, %get3A_505 masked %masked_sort3A_506 : (vector<16xf32>, vector<16xf32>, vector<16xi1>) -> (vector<16xi1>, vector<16xf32>, vector<16xf32>)
            %max3A_510 = arith.maximumf %masked_sort3A_500, %masked_sort3A_508 : vector<16xf32>
            %masked_sort3A_511 = arith.constant dense<true> : vector<16xi1>
            %masked_sort3A_512, %masked_sort3A_513, %masked_sort3A_514 = tpu.sort %max3A_510, %max3A_510 masked %masked_sort3A_511 {descending = true} : (vector<16xf32>, vector<16xf32>, vector<16xi1>) -> (vector<16xi1>, vector<16xf32>, vector<16xf32>)
            %add3A_515 = arith.constant 176 : i32
            %add3A_516 = arith.addi %add3A_371, %add3A_515 : i32
            %get3A_517 = arith.index_cast %add3A_516 : i32 to index
            %get3A_518 = tpu.vector_load %arg5[%get3A_517] {strides = array<i32>} : memref<50176xf32, #tpu.memory_space<vmem>>, vector<16xf32>,
            %masked_sort3A_519 = arith.constant dense<true> : vector<16xi1>
            %masked_sort3A_520, %masked_sort3A_521, %masked_sort3A_522 = tpu.sort %get3A_518, %get3A_518 masked %masked_sort3A_519 : (vector<16xf32>, vector<16xf32>, vector<16xi1>) -> (vector<16xi1>, vector<16xf32>, vector<16xf32>)
            %max3A_523 = arith.maximumf %masked_sort3A_513, %masked_sort3A_521 : vector<16xf32>
            %masked_sort3A_524 = arith.constant dense<true> : vector<16xi1>
            %masked_sort3A_525, %masked_sort3A_526, %masked_sort3A_527 = tpu.sort %max3A_523, %max3A_523 masked %masked_sort3A_524 {descending = true} : (vector<16xf32>, vector<16xf32>, vector<16xi1>) -> (vector<16xi1>, vector<16xf32>, vector<16xf32>)
            %add3A_528 = arith.constant 192 : i32
            %add3A_529 = arith.addi %add3A_371, %add3A_528 : i32
            %get3A_530 = arith.index_cast %add3A_529 : i32 to index
            %get3A_531 = tpu.vector_load %arg5[%get3A_530] {strides = array<i32>} : memref<50176xf32, #tpu.memory_space<vmem>>, vector<16xf32>,
            %masked_sort3A_532 = arith.constant dense<true> : vector<16xi1>
            %masked_sort3A_533, %masked_sort3A_534, %masked_sort3A_535 = tpu.sort %get3A_531, %get3A_531 masked %masked_sort3A_532 : (vector<16xf32>, vector<16xf32>, vector<16xi1>) -> (vector<16xi1>, vector<16xf32>, vector<16xf32>)
            %max3A_536 = arith.maximumf %masked_sort3A_526, %masked_sort3A_534 : vector<16xf32>
            %masked_sort3A_537 = arith.constant dense<true> : vector<16xi1>
            %masked_sort3A_538, %masked_sort3A_539, %masked_sort3A_540 = tpu.sort %max3A_536, %max3A_536 masked %masked_sort3A_537 {descending = true} : (vector<16xf32>, vector<16xf32>, vector<16xi1>) -> (vector<16xi1>, vector<16xf32>, vector<16xf32>)
            %add3A_541 = arith.constant 208 : i32
            %add3A_542 = arith.addi %add3A_371, %add3A_541 : i32
            %get3A_543 = arith.index_cast %add3A_542 : i32 to index
            %get3A_544 = tpu.vector_load %arg5[%get3A_543] {strides = array<i32>} : memref<50176xf32, #tpu.memory_space<vmem>>, vector<16xf32>,
            %masked_sort3A_545 = arith.constant dense<true> : vector<16xi1>
            %masked_sort3A_546, %masked_sort3A_547, %masked_sort3A_548 = tpu.sort %get3A_544, %get3A_544 masked %masked_sort3A_545 : (vector<16xf32>, vector<16xf32>, vector<16xi1>) -> (vector<16xi1>, vector<16xf32>, vector<16xf32>)
            %max3A_549 = arith.maximumf %masked_sort3A_539, %masked_sort3A_547 : vector<16xf32>
            %masked_sort3A_550 = arith.constant dense<true> : vector<16xi1>
            %masked_sort3A_551, %masked_sort3A_552, %masked_sort3A_553 = tpu.sort %max3A_549, %max3A_549 masked %masked_sort3A_550 {descending = true} : (vector<16xf32>, vector<16xf32>, vector<16xi1>) -> (vector<16xi1>, vector<16xf32>, vector<16xf32>)
            %add3A_554 = arith.constant 224 : i32
            %add3A_555 = arith.addi %add3A_371, %add3A_554 : i32
            %get3A_556 = arith.index_cast %add3A_555 : i32 to index
            %get3A_557 = tpu.vector_load %arg5[%get3A_556] {strides = array<i32>} : memref<50176xf32, #tpu.memory_space<vmem>>, vector<16xf32>,
            %masked_sort3A_558 = arith.constant dense<true> : vector<16xi1>
            %masked_sort3A_559, %masked_sort3A_560, %masked_sort3A_561 = tpu.sort %get3A_557, %get3A_557 masked %masked_sort3A_558 : (vector<16xf32>, vector<16xf32>, vector<16xi1>) -> (vector<16xi1>, vector<16xf32>, vector<16xf32>)
            %max3A_562 = arith.maximumf %masked_sort3A_552, %masked_sort3A_560 : vector<16xf32>
            %masked_sort3A_563 = arith.constant dense<true> : vector<16xi1>
            %masked_sort3A_564, %masked_sort3A_565, %masked_sort3A_566 = tpu.sort %max3A_562, %max3A_562 masked %masked_sort3A_563 {descending = true} : (vector<16xf32>, vector<16xf32>, vector<16xi1>) -> (vector<16xi1>, vector<16xf32>, vector<16xf32>)
            %add3A_567 = arith.constant 240 : i32
            %add3A_568 = arith.addi %add3A_371, %add3A_567 : i32
            %get3A_569 = arith.index_cast %add3A_568 : i32 to index
            %get3A_570 = tpu.vector_load %arg5[%get3A_569] {strides = array<i32>} : memref<50176xf32, #tpu.memory_space<vmem>>, vector<16xf32>,
            %masked_sort3A_571 = arith.constant dense<true> : vector<16xi1>
            %masked_sort3A_572, %masked_sort3A_573, %masked_sort3A_574 = tpu.sort %get3A_570, %get3A_570 masked %masked_sort3A_571 : (vector<16xf32>, vector<16xf32>, vector<16xi1>) -> (vector<16xi1>, vector<16xf32>, vector<16xf32>)
            %max3A_575 = arith.maximumf %masked_sort3A_565, %masked_sort3A_573 : vector<16xf32>
            %masked_sort3A_576 = arith.constant dense<true> : vector<16xi1>
            %masked_sort3A_577, %masked_sort3A_578, %masked_sort3A_579 = tpu.sort %max3A_575, %max3A_575 masked %masked_sort3A_576 {descending = true} : (vector<16xf32>, vector<16xf32>, vector<16xi1>) -> (vector<16xi1>, vector<16xf32>, vector<16xf32>)
            scf.yield %masked_sort3A_578 : vector<16xf32>
          } else {
            scf.yield %scan3A_257 : vector<16xf32>
          }
          %mul3A_299 = arith.constant 64 : i32
          %mul3A_300 = arith.muli %scan3A_256, %mul3A_299 : i32
          %add3A_301 = arith.constant 16 : i32
          %add3A_302 = arith.addi %mul3A_300, %add3A_301 : i32
          %get3A_303 = arith.index_cast %add3A_302 : i32 to index
          %get3A_304 = tpu.vector_load %arg6[%get3A_303] {strides = array<i32>} : memref<3136xf32, #tpu.memory_space<vmem>>, vector<16xf32>,
          %ge3A_305 = vector.broadcast %reduce_min3A_245 : f32 to vector<16xf32>
          %ge3A_306 = arith.cmpf oge, %get3A_304, %ge3A_305 : vector<16xf32>
          %reduce_or3A_307 = arith.constant 1.000000e+00 : f32
          %reduce_or3A_308 = arith.constant 0.000000e+00 : f32
          %reduce_or3A_309 = vector.broadcast %reduce_or3A_307 : f32 to vector<16xf32>
          %reduce_or3A_310 = vector.broadcast %reduce_or3A_308 : f32 to vector<16xf32>
          %reduce_or3A_311 = arith.select %ge3A_306, %reduce_or3A_309, %reduce_or3A_310 : vector<16xi1>, vector<16xf32>
          %reduce_or3A_312 = arith.constant true
          %reduce_or3A_313 = vector.broadcast %reduce_or3A_312 : i1 to vector<16xi1>
          %reduce_or3A_314 = tpu.scan <max>, %reduce_or3A_311 masked %reduce_or3A_313 : vector<16xf32>, vector<16xi1> -> vector<16xf32>
          %reduce_or3A_315 = vector.extract %reduce_or3A_314[15] : f32 from vector<16xf32>
          %reduce_or3A_316 = arith.constant 0.000000e+00 : f32
          %reduce_or3A_317 = arith.cmpf ogt, %reduce_or3A_315, %reduce_or3A_316 : f32
          %convert_element_type3A_318 = arith.extui %reduce_or3A_317 : i1 to i32
          %cond3A_319 = arith.constant 0 : i32
          %cond3A_320 = arith.cmpi ne, %convert_element_type3A_318, %cond3A_319 : i32
          %cond3A_321 = scf.if %cond3A_320 -> (vector<16xf32>) {
            %mul3A_368 = arith.constant 1024 : i32
            %mul3A_369 = arith.muli %scan3A_256, %mul3A_368 : i32
            %add3A_370 = arith.constant 256 : i32
            %add3A_371 = arith.addi %mul3A_369, %add3A_370 : i32
            %add3A_372 = arith.constant 0 : i32
            %add3A_373 = arith.addi %add3A_371, %add3A_372 : i32
            %get3A_374 = arith.index_cast %add3A_373 : i32 to index
            %get3A_375 = tpu.vector_load %arg5[%get3A_374] {strides = array<i32>} : memref<50176xf32, #tpu.memory_space<vmem>>, vector<16xf32>,
            %masked_sort3A_376 = arith.constant dense<true> : vector<16xi1>
            %masked_sort3A_377, %masked_sort3A_378, %masked_sort3A_379 = tpu.sort %get3A_375, %get3A_375 masked %masked_sort3A_376 : (vector<16xf32>, vector<16xf32>, vector<16xi1>) -> (vector<16xi1>, vector<16xf32>, vector<16xf32>)
            %max3A_380 = arith.maximumf %cond3A_298, %masked_sort3A_378 : vector<16xf32>
            %masked_sort3A_381 = arith.constant dense<true> : vector<16xi1>
            %masked_sort3A_382, %masked_sort3A_383, %masked_sort3A_384 = tpu.sort %max3A_380, %max3A_380 masked %masked_sort3A_381 {descending = true} : (vector<16xf32>, vector<16xf32>, vector<16xi1>) -> (vector<16xi1>, vector<16xf32>, vector<16xf32>)
            %add3A_385 = arith.constant 16 : i32
            %add3A_386 = arith.addi %add3A_371, %add3A_385 : i32
            %get3A_387 = arith.index_cast %add3A_386 : i32 to index
            %get3A_388 = tpu.vector_load %arg5[%get3A_387] {strides = array<i32>} : memref<50176xf32, #tpu.memory_space<vmem>>, vector<16xf32>,
            %masked_sort3A_389 = arith.constant dense<true> : vector<16xi1>
            %masked_sort3A_390, %masked_sort3A_391, %masked_sort3A_392 = tpu.sort %get3A_388, %get3A_388 masked %masked_sort3A_389 : (vector<16xf32>, vector<16xf32>, vector<16xi1>) -> (vector<16xi1>, vector<16xf32>, vector<16xf32>)
            %max3A_393 = arith.maximumf %masked_sort3A_383, %masked_sort3A_391 : vector<16xf32>
            %masked_sort3A_394 = arith.constant dense<true> : vector<16xi1>
            %masked_sort3A_395, %masked_sort3A_396, %masked_sort3A_397 = tpu.sort %max3A_393, %max3A_393 masked %masked_sort3A_394 {descending = true} : (vector<16xf32>, vector<16xf32>, vector<16xi1>) -> (vector<16xi1>, vector<16xf32>, vector<16xf32>)
            %add3A_398 = arith.constant 32 : i32
            %add3A_399 = arith.addi %add3A_371, %add3A_398 : i32
            %get3A_400 = arith.index_cast %add3A_399 : i32 to index
            %get3A_401 = tpu.vector_load %arg5[%get3A_400] {strides = array<i32>} : memref<50176xf32, #tpu.memory_space<vmem>>, vector<16xf32>,
            %masked_sort3A_402 = arith.constant dense<true> : vector<16xi1>
            %masked_sort3A_403, %masked_sort3A_404, %masked_sort3A_405 = tpu.sort %get3A_401, %get3A_401 masked %masked_sort3A_402 : (vector<16xf32>, vector<16xf32>, vector<16xi1>) -> (vector<16xi1>, vector<16xf32>, vector<16xf32>)
            %max3A_406 = arith.maximumf %masked_sort3A_396, %masked_sort3A_404 : vector<16xf32>
            %masked_sort3A_407 = arith.constant dense<true> : vector<16xi1>
            %masked_sort3A_408, %masked_sort3A_409, %masked_sort3A_410 = tpu.sort %max3A_406, %max3A_406 masked %masked_sort3A_407 {descending = true} : (vector<16xf32>, vector<16xf32>, vector<16xi1>) -> (vector<16xi1>, vector<16xf32>, vector<16xf32>)
            %add3A_411 = arith.constant 48 : i32
            %add3A_412 = arith.addi %add3A_371, %add3A_411 : i32
            %get3A_413 = arith.index_cast %add3A_412 : i32 to index
            %get3A_414 = tpu.vector_load %arg5[%get3A_413] {strides = array<i32>} : memref<50176xf32, #tpu.memory_space<vmem>>, vector<16xf32>,
            %masked_sort3A_415 = arith.constant dense<true> : vector<16xi1>
            %masked_sort3A_416, %masked_sort3A_417, %masked_sort3A_418 = tpu.sort %get3A_414, %get3A_414 masked %masked_sort3A_415 : (vector<16xf32>, vector<16xf32>, vector<16xi1>) -> (vector<16xi1>, vector<16xf32>, vector<16xf32>)
            %max3A_419 = arith.maximumf %masked_sort3A_409, %masked_sort3A_417 : vector<16xf32>
            %masked_sort3A_420 = arith.constant dense<true> : vector<16xi1>
            %masked_sort3A_421, %masked_sort3A_422, %masked_sort3A_423 = tpu.sort %max3A_419, %max3A_419 masked %masked_sort3A_420 {descending = true} : (vector<16xf32>, vector<16xf32>, vector<16xi1>) -> (vector<16xi1>, vector<16xf32>, vector<16xf32>)
            %add3A_424 = arith.constant 64 : i32
            %add3A_425 = arith.addi %add3A_371, %add3A_424 : i32
            %get3A_426 = arith.index_cast %add3A_425 : i32 to index
            %get3A_427 = tpu.vector_load %arg5[%get3A_426] {strides = array<i32>} : memref<50176xf32, #tpu.memory_space<vmem>>, vector<16xf32>,
            %masked_sort3A_428 = arith.constant dense<true> : vector<16xi1>
            %masked_sort3A_429, %masked_sort3A_430, %masked_sort3A_431 = tpu.sort %get3A_427, %get3A_427 masked %masked_sort3A_428 : (vector<16xf32>, vector<16xf32>, vector<16xi1>) -> (vector<16xi1>, vector<16xf32>, vector<16xf32>)
            %max3A_432 = arith.maximumf %masked_sort3A_422, %masked_sort3A_430 : vector<16xf32>
            %masked_sort3A_433 = arith.constant dense<true> : vector<16xi1>
            %masked_sort3A_434, %masked_sort3A_435, %masked_sort3A_436 = tpu.sort %max3A_432, %max3A_432 masked %masked_sort3A_433 {descending = true} : (vector<16xf32>, vector<16xf32>, vector<16xi1>) -> (vector<16xi1>, vector<16xf32>, vector<16xf32>)
            %add3A_437 = arith.constant 80 : i32
            %add3A_438 = arith.addi %add3A_371, %add3A_437 : i32
            %get3A_439 = arith.index_cast %add3A_438 : i32 to index
            %get3A_440 = tpu.vector_load %arg5[%get3A_439] {strides = array<i32>} : memref<50176xf32, #tpu.memory_space<vmem>>, vector<16xf32>,
            %masked_sort3A_441 = arith.constant dense<true> : vector<16xi1>
            %masked_sort3A_442, %masked_sort3A_443, %masked_sort3A_444 = tpu.sort %get3A_440, %get3A_440 masked %masked_sort3A_441 : (vector<16xf32>, vector<16xf32>, vector<16xi1>) -> (vector<16xi1>, vector<16xf32>, vector<16xf32>)
            %max3A_445 = arith.maximumf %masked_sort3A_435, %masked_sort3A_443 : vector<16xf32>
            %masked_sort3A_446 = arith.constant dense<true> : vector<16xi1>
            %masked_sort3A_447, %masked_sort3A_448, %masked_sort3A_449 = tpu.sort %max3A_445, %max3A_445 masked %masked_sort3A_446 {descending = true} : (vector<16xf32>, vector<16xf32>, vector<16xi1>) -> (vector<16xi1>, vector<16xf32>, vector<16xf32>)
            %add3A_450 = arith.constant 96 : i32
            %add3A_451 = arith.addi %add3A_371, %add3A_450 : i32
            %get3A_452 = arith.index_cast %add3A_451 : i32 to index
            %get3A_453 = tpu.vector_load %arg5[%get3A_452] {strides = array<i32>} : memref<50176xf32, #tpu.memory_space<vmem>>, vector<16xf32>,
            %masked_sort3A_454 = arith.constant dense<true> : vector<16xi1>
            %masked_sort3A_455, %masked_sort3A_456, %masked_sort3A_457 = tpu.sort %get3A_453, %get3A_453 masked %masked_sort3A_454 : (vector<16xf32>, vector<16xf32>, vector<16xi1>) -> (vector<16xi1>, vector<16xf32>, vector<16xf32>)
            %max3A_458 = arith.maximumf %masked_sort3A_448, %masked_sort3A_456 : vector<16xf32>
            %masked_sort3A_459 = arith.constant dense<true> : vector<16xi1>
            %masked_sort3A_460, %masked_sort3A_461, %masked_sort3A_462 = tpu.sort %max3A_458, %max3A_458 masked %masked_sort3A_459 {descending = true} : (vector<16xf32>, vector<16xf32>, vector<16xi1>) -> (vector<16xi1>, vector<16xf32>, vector<16xf32>)
            %add3A_463 = arith.constant 112 : i32
            %add3A_464 = arith.addi %add3A_371, %add3A_463 : i32
            %get3A_465 = arith.index_cast %add3A_464 : i32 to index
            %get3A_466 = tpu.vector_load %arg5[%get3A_465] {strides = array<i32>} : memref<50176xf32, #tpu.memory_space<vmem>>, vector<16xf32>,
            %masked_sort3A_467 = arith.constant dense<true> : vector<16xi1>
            %masked_sort3A_468, %masked_sort3A_469, %masked_sort3A_470 = tpu.sort %get3A_466, %get3A_466 masked %masked_sort3A_467 : (vector<16xf32>, vector<16xf32>, vector<16xi1>) -> (vector<16xi1>, vector<16xf32>, vector<16xf32>)
            %max3A_471 = arith.maximumf %masked_sort3A_461, %masked_sort3A_469 : vector<16xf32>
            %masked_sort3A_472 = arith.constant dense<true> : vector<16xi1>
            %masked_sort3A_473, %masked_sort3A_474, %masked_sort3A_475 = tpu.sort %max3A_471, %max3A_471 masked %masked_sort3A_472 {descending = true} : (vector<16xf32>, vector<16xf32>, vector<16xi1>) -> (vector<16xi1>, vector<16xf32>, vector<16xf32>)
            %add3A_476 = arith.constant 128 : i32
            %add3A_477 = arith.addi %add3A_371, %add3A_476 : i32
            %get3A_478 = arith.index_cast %add3A_477 : i32 to index
            %get3A_479 = tpu.vector_load %arg5[%get3A_478] {strides = array<i32>} : memref<50176xf32, #tpu.memory_space<vmem>>, vector<16xf32>,
            %masked_sort3A_480 = arith.constant dense<true> : vector<16xi1>
            %masked_sort3A_481, %masked_sort3A_482, %masked_sort3A_483 = tpu.sort %get3A_479, %get3A_479 masked %masked_sort3A_480 : (vector<16xf32>, vector<16xf32>, vector<16xi1>) -> (vector<16xi1>, vector<16xf32>, vector<16xf32>)
            %max3A_484 = arith.maximumf %masked_sort3A_474, %masked_sort3A_482 : vector<16xf32>
            %masked_sort3A_485 = arith.constant dense<true> : vector<16xi1>
            %masked_sort3A_486, %masked_sort3A_487, %masked_sort3A_488 = tpu.sort %max3A_484, %max3A_484 masked %masked_sort3A_485 {descending = true} : (vector<16xf32>, vector<16xf32>, vector<16xi1>) -> (vector<16xi1>, vector<16xf32>, vector<16xf32>)
            %add3A_489 = arith.constant 144 : i32
            %add3A_490 = arith.addi %add3A_371, %add3A_489 : i32
            %get3A_491 = arith.index_cast %add3A_490 : i32 to index
            %get3A_492 = tpu.vector_load %arg5[%get3A_491] {strides = array<i32>} : memref<50176xf32, #tpu.memory_space<vmem>>, vector<16xf32>,
            %masked_sort3A_493 = arith.constant dense<true> : vector<16xi1>
            %masked_sort3A_494, %masked_sort3A_495, %masked_sort3A_496 = tpu.sort %get3A_492, %get3A_492 masked %masked_sort3A_493 : (vector<16xf32>, vector<16xf32>, vector<16xi1>) -> (vector<16xi1>, vector<16xf32>, vector<16xf32>)
            %max3A_497 = arith.maximumf %masked_sort3A_487, %masked_sort3A_495 : vector<16xf32>
            %masked_sort3A_498 = arith.constant dense<true> : vector<16xi1>
            %masked_sort3A_499, %masked_sort3A_500, %masked_sort3A_501 = tpu.sort %max3A_497, %max3A_497 masked %masked_sort3A_498 {descending = true} : (vector<16xf32>, vector<16xf32>, vector<16xi1>) -> (vector<16xi1>, vector<16xf32>, vector<16xf32>)
            %add3A_502 = arith.constant 160 : i32
            %add3A_503 = arith.addi %add3A_371, %add3A_502 : i32
            %get3A_504 = arith.index_cast %add3A_503 : i32 to index
            %get3A_505 = tpu.vector_load %arg5[%get3A_504] {strides = array<i32>} : memref<50176xf32, #tpu.memory_space<vmem>>, vector<16xf32>,
            %masked_sort3A_506 = arith.constant dense<true> : vector<16xi1>
            %masked_sort3A_507, %masked_sort3A_508, %masked_sort3A_509 = tpu.sort %get3A_505, %get3A_505 masked %masked_sort3A_506 : (vector<16xf32>, vector<16xf32>, vector<16xi1>) -> (vector<16xi1>, vector<16xf32>, vector<16xf32>)
            %max3A_510 = arith.maximumf %masked_sort3A_500, %masked_sort3A_508 : vector<16xf32>
            %masked_sort3A_511 = arith.constant dense<true> : vector<16xi1>
            %masked_sort3A_512, %masked_sort3A_513, %masked_sort3A_514 = tpu.sort %max3A_510, %max3A_510 masked %masked_sort3A_511 {descending = true} : (vector<16xf32>, vector<16xf32>, vector<16xi1>) -> (vector<16xi1>, vector<16xf32>, vector<16xf32>)
            %add3A_515 = arith.constant 176 : i32
            %add3A_516 = arith.addi %add3A_371, %add3A_515 : i32
            %get3A_517 = arith.index_cast %add3A_516 : i32 to index
            %get3A_518 = tpu.vector_load %arg5[%get3A_517] {strides = array<i32>} : memref<50176xf32, #tpu.memory_space<vmem>>, vector<16xf32>,
            %masked_sort3A_519 = arith.constant dense<true> : vector<16xi1>
            %masked_sort3A_520, %masked_sort3A_521, %masked_sort3A_522 = tpu.sort %get3A_518, %get3A_518 masked %masked_sort3A_519 : (vector<16xf32>, vector<16xf32>, vector<16xi1>) -> (vector<16xi1>, vector<16xf32>, vector<16xf32>)
            %max3A_523 = arith.maximumf %masked_sort3A_513, %masked_sort3A_521 : vector<16xf32>
            %masked_sort3A_524 = arith.constant dense<true> : vector<16xi1>
            %masked_sort3A_525, %masked_sort3A_526, %masked_sort3A_527 = tpu.sort %max3A_523, %max3A_523 masked %masked_sort3A_524 {descending = true} : (vector<16xf32>, vector<16xf32>, vector<16xi1>) -> (vector<16xi1>, vector<16xf32>, vector<16xf32>)
            %add3A_528 = arith.constant 192 : i32
            %add3A_529 = arith.addi %add3A_371, %add3A_528 : i32
            %get3A_530 = arith.index_cast %add3A_529 : i32 to index
            %get3A_531 = tpu.vector_load %arg5[%get3A_530] {strides = array<i32>} : memref<50176xf32, #tpu.memory_space<vmem>>, vector<16xf32>,
            %masked_sort3A_532 = arith.constant dense<true> : vector<16xi1>
            %masked_sort3A_533, %masked_sort3A_534, %masked_sort3A_535 = tpu.sort %get3A_531, %get3A_531 masked %masked_sort3A_532 : (vector<16xf32>, vector<16xf32>, vector<16xi1>) -> (vector<16xi1>, vector<16xf32>, vector<16xf32>)
            %max3A_536 = arith.maximumf %masked_sort3A_526, %masked_sort3A_534 : vector<16xf32>
            %masked_sort3A_537 = arith.constant dense<true> : vector<16xi1>
            %masked_sort3A_538, %masked_sort3A_539, %masked_sort3A_540 = tpu.sort %max3A_536, %max3A_536 masked %masked_sort3A_537 {descending = true} : (vector<16xf32>, vector<16xf32>, vector<16xi1>) -> (vector<16xi1>, vector<16xf32>, vector<16xf32>)
            %add3A_541 = arith.constant 208 : i32
            %add3A_542 = arith.addi %add3A_371, %add3A_541 : i32
            %get3A_543 = arith.index_cast %add3A_542 : i32 to index
            %get3A_544 = tpu.vector_load %arg5[%get3A_543] {strides = array<i32>} : memref<50176xf32, #tpu.memory_space<vmem>>, vector<16xf32>,
            %masked_sort3A_545 = arith.constant dense<true> : vector<16xi1>
            %masked_sort3A_546, %masked_sort3A_547, %masked_sort3A_548 = tpu.sort %get3A_544, %get3A_544 masked %masked_sort3A_545 : (vector<16xf32>, vector<16xf32>, vector<16xi1>) -> (vector<16xi1>, vector<16xf32>, vector<16xf32>)
            %max3A_549 = arith.maximumf %masked_sort3A_539, %masked_sort3A_547 : vector<16xf32>
            %masked_sort3A_550 = arith.constant dense<true> : vector<16xi1>
            %masked_sort3A_551, %masked_sort3A_552, %masked_sort3A_553 = tpu.sort %max3A_549, %max3A_549 masked %masked_sort3A_550 {descending = true} : (vector<16xf32>, vector<16xf32>, vector<16xi1>) -> (vector<16xi1>, vector<16xf32>, vector<16xf32>)
            %add3A_554 = arith.constant 224 : i32
            %add3A_555 = arith.addi %add3A_371, %add3A_554 : i32
            %get3A_556 = arith.index_cast %add3A_555 : i32 to index
            %get3A_557 = tpu.vector_load %arg5[%get3A_556] {strides = array<i32>} : memref<50176xf32, #tpu.memory_space<vmem>>, vector<16xf32>,
            %masked_sort3A_558 = arith.constant dense<true> : vector<16xi1>
            %masked_sort3A_559, %masked_sort3A_560, %masked_sort3A_561 = tpu.sort %get3A_557, %get3A_557 masked %masked_sort3A_558 : (vector<16xf32>, vector<16xf32>, vector<16xi1>) -> (vector<16xi1>, vector<16xf32>, vector<16xf32>)
            %max3A_562 = arith.maximumf %masked_sort3A_552, %masked_sort3A_560 : vector<16xf32>
            %masked_sort3A_563 = arith.constant dense<true> : vector<16xi1>
            %masked_sort3A_564, %masked_sort3A_565, %masked_sort3A_566 = tpu.sort %max3A_562, %max3A_562 masked %masked_sort3A_563 {descending = true} : (vector<16xf32>, vector<16xf32>, vector<16xi1>) -> (vector<16xi1>, vector<16xf32>, vector<16xf32>)
            %add3A_567 = arith.constant 240 : i32
            %add3A_568 = arith.addi %add3A_371, %add3A_567 : i32
            %get3A_569 = arith.index_cast %add3A_568 : i32 to index
            %get3A_570 = tpu.vector_load %arg5[%get3A_569] {strides = array<i32>} : memref<50176xf32, #tpu.memory_space<vmem>>, vector<16xf32>,
            %masked_sort3A_571 = arith.constant dense<true> : vector<16xi1>
            %masked_sort3A_572, %masked_sort3A_573, %masked_sort3A_574 = tpu.sort %get3A_570, %get3A_570 masked %masked_sort3A_571 : (vector<16xf32>, vector<16xf32>, vector<16xi1>) -> (vector<16xi1>, vector<16xf32>, vector<16xf32>)
            %max3A_575 = arith.maximumf %masked_sort3A_565, %masked_sort3A_573 : vector<16xf32>
            %masked_sort3A_576 = arith.constant dense<true> : vector<16xi1>
            %masked_sort3A_577, %masked_sort3A_578, %masked_sort3A_579 = tpu.sort %max3A_575, %max3A_575 masked %masked_sort3A_576 {descending = true} : (vector<16xf32>, vector<16xf32>, vector<16xi1>) -> (vector<16xi1>, vector<16xf32>, vector<16xf32>)
            scf.yield %masked_sort3A_578 : vector<16xf32>
          } else {
            scf.yield %cond3A_298 : vector<16xf32>
          }
          %mul3A_322 = arith.constant 64 : i32
          %mul3A_323 = arith.muli %scan3A_256, %mul3A_322 : i32
          %add3A_324 = arith.constant 32 : i32
          %add3A_325 = arith.addi %mul3A_323, %add3A_324 : i32
          %get3A_326 = arith.index_cast %add3A_325 : i32 to index
          %get3A_327 = tpu.vector_load %arg6[%get3A_326] {strides = array<i32>} : memref<3136xf32, #tpu.memory_space<vmem>>, vector<16xf32>,
          %ge3A_328 = vector.broadcast %reduce_min3A_245 : f32 to vector<16xf32>
          %ge3A_329 = arith.cmpf oge, %get3A_327, %ge3A_328 : vector<16xf32>
          %reduce_or3A_330 = arith.constant 1.000000e+00 : f32
          %reduce_or3A_331 = arith.constant 0.000000e+00 : f32
          %reduce_or3A_332 = vector.broadcast %reduce_or3A_330 : f32 to vector<16xf32>
          %reduce_or3A_333 = vector.broadcast %reduce_or3A_331 : f32 to vector<16xf32>
          %reduce_or3A_334 = arith.select %ge3A_329, %reduce_or3A_332, %reduce_or3A_333 : vector<16xi1>, vector<16xf32>
          %reduce_or3A_335 = arith.constant true
          %reduce_or3A_336 = vector.broadcast %reduce_or3A_335 : i1 to vector<16xi1>
          %reduce_or3A_337 = tpu.scan <max>, %reduce_or3A_334 masked %reduce_or3A_336 : vector<16xf32>, vector<16xi1> -> vector<16xf32>
          %reduce_or3A_338 = vector.extract %reduce_or3A_337[15] : f32 from vector<16xf32>
          %reduce_or3A_339 = arith.constant 0.000000e+00 : f32
          %reduce_or3A_340 = arith.cmpf ogt, %reduce_or3A_338, %reduce_or3A_339 : f32
          %convert_element_type3A_341 = arith.extui %reduce_or3A_340 : i1 to i32
          %cond3A_342 = arith.constant 0 : i32
          %cond3A_343 = arith.cmpi ne, %convert_element_type3A_341, %cond3A_342 : i32
          %cond3A_344 = scf.if %cond3A_343 -> (vector<16xf32>) {
            %mul3A_368 = arith.constant 1024 : i32
            %mul3A_369 = arith.muli %scan3A_256, %mul3A_368 : i32
            %add3A_370 = arith.constant 512 : i32
            %add3A_371 = arith.addi %mul3A_369, %add3A_370 : i32
            %add3A_372 = arith.constant 0 : i32
            %add3A_373 = arith.addi %add3A_371, %add3A_372 : i32
            %get3A_374 = arith.index_cast %add3A_373 : i32 to index
            %get3A_375 = tpu.vector_load %arg5[%get3A_374] {strides = array<i32>} : memref<50176xf32, #tpu.memory_space<vmem>>, vector<16xf32>,
            %masked_sort3A_376 = arith.constant dense<true> : vector<16xi1>
            %masked_sort3A_377, %masked_sort3A_378, %masked_sort3A_379 = tpu.sort %get3A_375, %get3A_375 masked %masked_sort3A_376 : (vector<16xf32>, vector<16xf32>, vector<16xi1>) -> (vector<16xi1>, vector<16xf32>, vector<16xf32>)
            %max3A_380 = arith.maximumf %cond3A_321, %masked_sort3A_378 : vector<16xf32>
            %masked_sort3A_381 = arith.constant dense<true> : vector<16xi1>
            %masked_sort3A_382, %masked_sort3A_383, %masked_sort3A_384 = tpu.sort %max3A_380, %max3A_380 masked %masked_sort3A_381 {descending = true} : (vector<16xf32>, vector<16xf32>, vector<16xi1>) -> (vector<16xi1>, vector<16xf32>, vector<16xf32>)
            %add3A_385 = arith.constant 16 : i32
            %add3A_386 = arith.addi %add3A_371, %add3A_385 : i32
            %get3A_387 = arith.index_cast %add3A_386 : i32 to index
            %get3A_388 = tpu.vector_load %arg5[%get3A_387] {strides = array<i32>} : memref<50176xf32, #tpu.memory_space<vmem>>, vector<16xf32>,
            %masked_sort3A_389 = arith.constant dense<true> : vector<16xi1>
            %masked_sort3A_390, %masked_sort3A_391, %masked_sort3A_392 = tpu.sort %get3A_388, %get3A_388 masked %masked_sort3A_389 : (vector<16xf32>, vector<16xf32>, vector<16xi1>) -> (vector<16xi1>, vector<16xf32>, vector<16xf32>)
            %max3A_393 = arith.maximumf %masked_sort3A_383, %masked_sort3A_391 : vector<16xf32>
            %masked_sort3A_394 = arith.constant dense<true> : vector<16xi1>
            %masked_sort3A_395, %masked_sort3A_396, %masked_sort3A_397 = tpu.sort %max3A_393, %max3A_393 masked %masked_sort3A_394 {descending = true} : (vector<16xf32>, vector<16xf32>, vector<16xi1>) -> (vector<16xi1>, vector<16xf32>, vector<16xf32>)
            %add3A_398 = arith.constant 32 : i32
            %add3A_399 = arith.addi %add3A_371, %add3A_398 : i32
            %get3A_400 = arith.index_cast %add3A_399 : i32 to index
            %get3A_401 = tpu.vector_load %arg5[%get3A_400] {strides = array<i32>} : memref<50176xf32, #tpu.memory_space<vmem>>, vector<16xf32>,
            %masked_sort3A_402 = arith.constant dense<true> : vector<16xi1>
            %masked_sort3A_403, %masked_sort3A_404, %masked_sort3A_405 = tpu.sort %get3A_401, %get3A_401 masked %masked_sort3A_402 : (vector<16xf32>, vector<16xf32>, vector<16xi1>) -> (vector<16xi1>, vector<16xf32>, vector<16xf32>)
            %max3A_406 = arith.maximumf %masked_sort3A_396, %masked_sort3A_404 : vector<16xf32>
            %masked_sort3A_407 = arith.constant dense<true> : vector<16xi1>
            %masked_sort3A_408, %masked_sort3A_409, %masked_sort3A_410 = tpu.sort %max3A_406, %max3A_406 masked %masked_sort3A_407 {descending = true} : (vector<16xf32>, vector<16xf32>, vector<16xi1>) -> (vector<16xi1>, vector<16xf32>, vector<16xf32>)
            %add3A_411 = arith.constant 48 : i32
            %add3A_412 = arith.addi %add3A_371, %add3A_411 : i32
            %get3A_413 = arith.index_cast %add3A_412 : i32 to index
            %get3A_414 = tpu.vector_load %arg5[%get3A_413] {strides = array<i32>} : memref<50176xf32, #tpu.memory_space<vmem>>, vector<16xf32>,
            %masked_sort3A_415 = arith.constant dense<true> : vector<16xi1>
            %masked_sort3A_416, %masked_sort3A_417, %masked_sort3A_418 = tpu.sort %get3A_414, %get3A_414 masked %masked_sort3A_415 : (vector<16xf32>, vector<16xf32>, vector<16xi1>) -> (vector<16xi1>, vector<16xf32>, vector<16xf32>)
            %max3A_419 = arith.maximumf %masked_sort3A_409, %masked_sort3A_417 : vector<16xf32>
            %masked_sort3A_420 = arith.constant dense<true> : vector<16xi1>
            %masked_sort3A_421, %masked_sort3A_422, %masked_sort3A_423 = tpu.sort %max3A_419, %max3A_419 masked %masked_sort3A_420 {descending = true} : (vector<16xf32>, vector<16xf32>, vector<16xi1>) -> (vector<16xi1>, vector<16xf32>, vector<16xf32>)
            %add3A_424 = arith.constant 64 : i32
            %add3A_425 = arith.addi %add3A_371, %add3A_424 : i32
            %get3A_426 = arith.index_cast %add3A_425 : i32 to index
            %get3A_427 = tpu.vector_load %arg5[%get3A_426] {strides = array<i32>} : memref<50176xf32, #tpu.memory_space<vmem>>, vector<16xf32>,
            %masked_sort3A_428 = arith.constant dense<true> : vector<16xi1>
            %masked_sort3A_429, %masked_sort3A_430, %masked_sort3A_431 = tpu.sort %get3A_427, %get3A_427 masked %masked_sort3A_428 : (vector<16xf32>, vector<16xf32>, vector<16xi1>) -> (vector<16xi1>, vector<16xf32>, vector<16xf32>)
            %max3A_432 = arith.maximumf %masked_sort3A_422, %masked_sort3A_430 : vector<16xf32>
            %masked_sort3A_433 = arith.constant dense<true> : vector<16xi1>
            %masked_sort3A_434, %masked_sort3A_435, %masked_sort3A_436 = tpu.sort %max3A_432, %max3A_432 masked %masked_sort3A_433 {descending = true} : (vector<16xf32>, vector<16xf32>, vector<16xi1>) -> (vector<16xi1>, vector<16xf32>, vector<16xf32>)
            %add3A_437 = arith.constant 80 : i32
            %add3A_438 = arith.addi %add3A_371, %add3A_437 : i32
            %get3A_439 = arith.index_cast %add3A_438 : i32 to index
            %get3A_440 = tpu.vector_load %arg5[%get3A_439] {strides = array<i32>} : memref<50176xf32, #tpu.memory_space<vmem>>, vector<16xf32>,
            %masked_sort3A_441 = arith.constant dense<true> : vector<16xi1>
            %masked_sort3A_442, %masked_sort3A_443, %masked_sort3A_444 = tpu.sort %get3A_440, %get3A_440 masked %masked_sort3A_441 : (vector<16xf32>, vector<16xf32>, vector<16xi1>) -> (vector<16xi1>, vector<16xf32>, vector<16xf32>)
            %max3A_445 = arith.maximumf %masked_sort3A_435, %masked_sort3A_443 : vector<16xf32>
            %masked_sort3A_446 = arith.constant dense<true> : vector<16xi1>
            %masked_sort3A_447, %masked_sort3A_448, %masked_sort3A_449 = tpu.sort %max3A_445, %max3A_445 masked %masked_sort3A_446 {descending = true} : (vector<16xf32>, vector<16xf32>, vector<16xi1>) -> (vector<16xi1>, vector<16xf32>, vector<16xf32>)
            %add3A_450 = arith.constant 96 : i32
            %add3A_451 = arith.addi %add3A_371, %add3A_450 : i32
            %get3A_452 = arith.index_cast %add3A_451 : i32 to index
            %get3A_453 = tpu.vector_load %arg5[%get3A_452] {strides = array<i32>} : memref<50176xf32, #tpu.memory_space<vmem>>, vector<16xf32>,
            %masked_sort3A_454 = arith.constant dense<true> : vector<16xi1>
            %masked_sort3A_455, %masked_sort3A_456, %masked_sort3A_457 = tpu.sort %get3A_453, %get3A_453 masked %masked_sort3A_454 : (vector<16xf32>, vector<16xf32>, vector<16xi1>) -> (vector<16xi1>, vector<16xf32>, vector<16xf32>)
            %max3A_458 = arith.maximumf %masked_sort3A_448, %masked_sort3A_456 : vector<16xf32>
            %masked_sort3A_459 = arith.constant dense<true> : vector<16xi1>
            %masked_sort3A_460, %masked_sort3A_461, %masked_sort3A_462 = tpu.sort %max3A_458, %max3A_458 masked %masked_sort3A_459 {descending = true} : (vector<16xf32>, vector<16xf32>, vector<16xi1>) -> (vector<16xi1>, vector<16xf32>, vector<16xf32>)
            %add3A_463 = arith.constant 112 : i32
            %add3A_464 = arith.addi %add3A_371, %add3A_463 : i32
            %get3A_465 = arith.index_cast %add3A_464 : i32 to index
            %get3A_466 = tpu.vector_load %arg5[%get3A_465] {strides = array<i32>} : memref<50176xf32, #tpu.memory_space<vmem>>, vector<16xf32>,
            %masked_sort3A_467 = arith.constant dense<true> : vector<16xi1>
            %masked_sort3A_468, %masked_sort3A_469, %masked_sort3A_470 = tpu.sort %get3A_466, %get3A_466 masked %masked_sort3A_467 : (vector<16xf32>, vector<16xf32>, vector<16xi1>) -> (vector<16xi1>, vector<16xf32>, vector<16xf32>)
            %max3A_471 = arith.maximumf %masked_sort3A_461, %masked_sort3A_469 : vector<16xf32>
            %masked_sort3A_472 = arith.constant dense<true> : vector<16xi1>
            %masked_sort3A_473, %masked_sort3A_474, %masked_sort3A_475 = tpu.sort %max3A_471, %max3A_471 masked %masked_sort3A_472 {descending = true} : (vector<16xf32>, vector<16xf32>, vector<16xi1>) -> (vector<16xi1>, vector<16xf32>, vector<16xf32>)
            %add3A_476 = arith.constant 128 : i32
            %add3A_477 = arith.addi %add3A_371, %add3A_476 : i32
            %get3A_478 = arith.index_cast %add3A_477 : i32 to index
            %get3A_479 = tpu.vector_load %arg5[%get3A_478] {strides = array<i32>} : memref<50176xf32, #tpu.memory_space<vmem>>, vector<16xf32>,
            %masked_sort3A_480 = arith.constant dense<true> : vector<16xi1>
            %masked_sort3A_481, %masked_sort3A_482, %masked_sort3A_483 = tpu.sort %get3A_479, %get3A_479 masked %masked_sort3A_480 : (vector<16xf32>, vector<16xf32>, vector<16xi1>) -> (vector<16xi1>, vector<16xf32>, vector<16xf32>)
            %max3A_484 = arith.maximumf %masked_sort3A_474, %masked_sort3A_482 : vector<16xf32>
            %masked_sort3A_485 = arith.constant dense<true> : vector<16xi1>
            %masked_sort3A_486, %masked_sort3A_487, %masked_sort3A_488 = tpu.sort %max3A_484, %max3A_484 masked %masked_sort3A_485 {descending = true} : (vector<16xf32>, vector<16xf32>, vector<16xi1>) -> (vector<16xi1>, vector<16xf32>, vector<16xf32>)
            %add3A_489 = arith.constant 144 : i32
            %add3A_490 = arith.addi %add3A_371, %add3A_489 : i32
            %get3A_491 = arith.index_cast %add3A_490 : i32 to index
            %get3A_492 = tpu.vector_load %arg5[%get3A_491] {strides = array<i32>} : memref<50176xf32, #tpu.memory_space<vmem>>, vector<16xf32>,
            %masked_sort3A_493 = arith.constant dense<true> : vector<16xi1>
            %masked_sort3A_494, %masked_sort3A_495, %masked_sort3A_496 = tpu.sort %get3A_492, %get3A_492 masked %masked_sort3A_493 : (vector<16xf32>, vector<16xf32>, vector<16xi1>) -> (vector<16xi1>, vector<16xf32>, vector<16xf32>)
            %max3A_497 = arith.maximumf %masked_sort3A_487, %masked_sort3A_495 : vector<16xf32>
            %masked_sort3A_498 = arith.constant dense<true> : vector<16xi1>
            %masked_sort3A_499, %masked_sort3A_500, %masked_sort3A_501 = tpu.sort %max3A_497, %max3A_497 masked %masked_sort3A_498 {descending = true} : (vector<16xf32>, vector<16xf32>, vector<16xi1>) -> (vector<16xi1>, vector<16xf32>, vector<16xf32>)
            %add3A_502 = arith.constant 160 : i32
            %add3A_503 = arith.addi %add3A_371, %add3A_502 : i32
            %get3A_504 = arith.index_cast %add3A_503 : i32 to index
            %get3A_505 = tpu.vector_load %arg5[%get3A_504] {strides = array<i32>} : memref<50176xf32, #tpu.memory_space<vmem>>, vector<16xf32>,
            %masked_sort3A_506 = arith.constant dense<true> : vector<16xi1>
            %masked_sort3A_507, %masked_sort3A_508, %masked_sort3A_509 = tpu.sort %get3A_505, %get3A_505 masked %masked_sort3A_506 : (vector<16xf32>, vector<16xf32>, vector<16xi1>) -> (vector<16xi1>, vector<16xf32>, vector<16xf32>)
            %max3A_510 = arith.maximumf %masked_sort3A_500, %masked_sort3A_508 : vector<16xf32>
            %masked_sort3A_511 = arith.constant dense<true> : vector<16xi1>
            %masked_sort3A_512, %masked_sort3A_513, %masked_sort3A_514 = tpu.sort %max3A_510, %max3A_510 masked %masked_sort3A_511 {descending = true} : (vector<16xf32>, vector<16xf32>, vector<16xi1>) -> (vector<16xi1>, vector<16xf32>, vector<16xf32>)
            %add3A_515 = arith.constant 176 : i32
            %add3A_516 = arith.addi %add3A_371, %add3A_515 : i32
            %get3A_517 = arith.index_cast %add3A_516 : i32 to index
            %get3A_518 = tpu.vector_load %arg5[%get3A_517] {strides = array<i32>} : memref<50176xf32, #tpu.memory_space<vmem>>, vector<16xf32>,
            %masked_sort3A_519 = arith.constant dense<true> : vector<16xi1>
            %masked_sort3A_520, %masked_sort3A_521, %masked_sort3A_522 = tpu.sort %get3A_518, %get3A_518 masked %masked_sort3A_519 : (vector<16xf32>, vector<16xf32>, vector<16xi1>) -> (vector<16xi1>, vector<16xf32>, vector<16xf32>)
            %max3A_523 = arith.maximumf %masked_sort3A_513, %masked_sort3A_521 : vector<16xf32>
            %masked_sort3A_524 = arith.constant dense<true> : vector<16xi1>
            %masked_sort3A_525, %masked_sort3A_526, %masked_sort3A_527 = tpu.sort %max3A_523, %max3A_523 masked %masked_sort3A_524 {descending = true} : (vector<16xf32>, vector<16xf32>, vector<16xi1>) -> (vector<16xi1>, vector<16xf32>, vector<16xf32>)
            %add3A_528 = arith.constant 192 : i32
            %add3A_529 = arith.addi %add3A_371, %add3A_528 : i32
            %get3A_530 = arith.index_cast %add3A_529 : i32 to index
            %get3A_531 = tpu.vector_load %arg5[%get3A_530] {strides = array<i32>} : memref<50176xf32, #tpu.memory_space<vmem>>, vector<16xf32>,
            %masked_sort3A_532 = arith.constant dense<true> : vector<16xi1>
            %masked_sort3A_533, %masked_sort3A_534, %masked_sort3A_535 = tpu.sort %get3A_531, %get3A_531 masked %masked_sort3A_532 : (vector<16xf32>, vector<16xf32>, vector<16xi1>) -> (vector<16xi1>, vector<16xf32>, vector<16xf32>)
            %max3A_536 = arith.maximumf %masked_sort3A_526, %masked_sort3A_534 : vector<16xf32>
            %masked_sort3A_537 = arith.constant dense<true> : vector<16xi1>
            %masked_sort3A_538, %masked_sort3A_539, %masked_sort3A_540 = tpu.sort %max3A_536, %max3A_536 masked %masked_sort3A_537 {descending = true} : (vector<16xf32>, vector<16xf32>, vector<16xi1>) -> (vector<16xi1>, vector<16xf32>, vector<16xf32>)
            %add3A_541 = arith.constant 208 : i32
            %add3A_542 = arith.addi %add3A_371, %add3A_541 : i32
            %get3A_543 = arith.index_cast %add3A_542 : i32 to index
            %get3A_544 = tpu.vector_load %arg5[%get3A_543] {strides = array<i32>} : memref<50176xf32, #tpu.memory_space<vmem>>, vector<16xf32>,
            %masked_sort3A_545 = arith.constant dense<true> : vector<16xi1>
            %masked_sort3A_546, %masked_sort3A_547, %masked_sort3A_548 = tpu.sort %get3A_544, %get3A_544 masked %masked_sort3A_545 : (vector<16xf32>, vector<16xf32>, vector<16xi1>) -> (vector<16xi1>, vector<16xf32>, vector<16xf32>)
            %max3A_549 = arith.maximumf %masked_sort3A_539, %masked_sort3A_547 : vector<16xf32>
            %masked_sort3A_550 = arith.constant dense<true> : vector<16xi1>
            %masked_sort3A_551, %masked_sort3A_552, %masked_sort3A_553 = tpu.sort %max3A_549, %max3A_549 masked %masked_sort3A_550 {descending = true} : (vector<16xf32>, vector<16xf32>, vector<16xi1>) -> (vector<16xi1>, vector<16xf32>, vector<16xf32>)
            %add3A_554 = arith.constant 224 : i32
            %add3A_555 = arith.addi %add3A_371, %add3A_554 : i32
            %get3A_556 = arith.index_cast %add3A_555 : i32 to index
            %get3A_557 = tpu.vector_load %arg5[%get3A_556] {strides = array<i32>} : memref<50176xf32, #tpu.memory_space<vmem>>, vector<16xf32>,
            %masked_sort3A_558 = arith.constant dense<true> : vector<16xi1>
            %masked_sort3A_559, %masked_sort3A_560, %masked_sort3A_561 = tpu.sort %get3A_557, %get3A_557 masked %masked_sort3A_558 : (vector<16xf32>, vector<16xf32>, vector<16xi1>) -> (vector<16xi1>, vector<16xf32>, vector<16xf32>)
            %max3A_562 = arith.maximumf %masked_sort3A_552, %masked_sort3A_560 : vector<16xf32>
            %masked_sort3A_563 = arith.constant dense<true> : vector<16xi1>
            %masked_sort3A_564, %masked_sort3A_565, %masked_sort3A_566 = tpu.sort %max3A_562, %max3A_562 masked %masked_sort3A_563 {descending = true} : (vector<16xf32>, vector<16xf32>, vector<16xi1>) -> (vector<16xi1>, vector<16xf32>, vector<16xf32>)
            %add3A_567 = arith.constant 240 : i32
            %add3A_568 = arith.addi %add3A_371, %add3A_567 : i32
            %get3A_569 = arith.index_cast %add3A_568 : i32 to index
            %get3A_570 = tpu.vector_load %arg5[%get3A_569] {strides = array<i32>} : memref<50176xf32, #tpu.memory_space<vmem>>, vector<16xf32>,
            %masked_sort3A_571 = arith.constant dense<true> : vector<16xi1>
            %masked_sort3A_572, %masked_sort3A_573, %masked_sort3A_574 = tpu.sort %get3A_570, %get3A_570 masked %masked_sort3A_571 : (vector<16xf32>, vector<16xf32>, vector<16xi1>) -> (vector<16xi1>, vector<16xf32>, vector<16xf32>)
            %max3A_575 = arith.maximumf %masked_sort3A_565, %masked_sort3A_573 : vector<16xf32>
            %masked_sort3A_576 = arith.constant dense<true> : vector<16xi1>
            %masked_sort3A_577, %masked_sort3A_578, %masked_sort3A_579 = tpu.sort %max3A_575, %max3A_575 masked %masked_sort3A_576 {descending = true} : (vector<16xf32>, vector<16xf32>, vector<16xi1>) -> (vector<16xi1>, vector<16xf32>, vector<16xf32>)
            scf.yield %masked_sort3A_578 : vector<16xf32>
          } else {
            scf.yield %cond3A_321 : vector<16xf32>
          }
          %mul3A_345 = arith.constant 64 : i32
          %mul3A_346 = arith.muli %scan3A_256, %mul3A_345 : i32
          %add3A_347 = arith.constant 48 : i32
          %add3A_348 = arith.addi %mul3A_346, %add3A_347 : i32
          %get3A_349 = arith.index_cast %add3A_348 : i32 to index
          %get3A_350 = tpu.vector_load %arg6[%get3A_349] {strides = array<i32>} : memref<3136xf32, #tpu.memory_space<vmem>>, vector<16xf32>,
          %ge3A_351 = vector.broadcast %reduce_min3A_245 : f32 to vector<16xf32>
          %ge3A_352 = arith.cmpf oge, %get3A_350, %ge3A_351 : vector<16xf32>
          %reduce_or3A_353 = arith.constant 1.000000e+00 : f32
          %reduce_or3A_354 = arith.constant 0.000000e+00 : f32
          %reduce_or3A_355 = vector.broadcast %reduce_or3A_353 : f32 to vector<16xf32>
          %reduce_or3A_356 = vector.broadcast %reduce_or3A_354 : f32 to vector<16xf32>
          %reduce_or3A_357 = arith.select %ge3A_352, %reduce_or3A_355, %reduce_or3A_356 : vector<16xi1>, vector<16xf32>
          %reduce_or3A_358 = arith.constant true
          %reduce_or3A_359 = vector.broadcast %reduce_or3A_358 : i1 to vector<16xi1>
          %reduce_or3A_360 = tpu.scan <max>, %reduce_or3A_357 masked %reduce_or3A_359 : vector<16xf32>, vector<16xi1> -> vector<16xf32>
          %reduce_or3A_361 = vector.extract %reduce_or3A_360[15] : f32 from vector<16xf32>
          %reduce_or3A_362 = arith.constant 0.000000e+00 : f32
          %reduce_or3A_363 = arith.cmpf ogt, %reduce_or3A_361, %reduce_or3A_362 : f32
          %convert_element_type3A_364 = arith.extui %reduce_or3A_363 : i1 to i32
          %cond3A_365 = arith.constant 0 : i32
          %cond3A_366 = arith.cmpi ne, %convert_element_type3A_364, %cond3A_365 : i32
          %cond3A_367 = scf.if %cond3A_366 -> (vector<16xf32>) {
            %mul3A_368 = arith.constant 1024 : i32
            %mul3A_369 = arith.muli %scan3A_256, %mul3A_368 : i32
            %add3A_370 = arith.constant 768 : i32
            %add3A_371 = arith.addi %mul3A_369, %add3A_370 : i32
            %add3A_372 = arith.constant 0 : i32
            %add3A_373 = arith.addi %add3A_371, %add3A_372 : i32
            %get3A_374 = arith.index_cast %add3A_373 : i32 to index
            %get3A_375 = tpu.vector_load %arg5[%get3A_374] {strides = array<i32>} : memref<50176xf32, #tpu.memory_space<vmem>>, vector<16xf32>,
            %masked_sort3A_376 = arith.constant dense<true> : vector<16xi1>
            %masked_sort3A_377, %masked_sort3A_378, %masked_sort3A_379 = tpu.sort %get3A_375, %get3A_375 masked %masked_sort3A_376 : (vector<16xf32>, vector<16xf32>, vector<16xi1>) -> (vector<16xi1>, vector<16xf32>, vector<16xf32>)
            %max3A_380 = arith.maximumf %cond3A_344, %masked_sort3A_378 : vector<16xf32>
            %masked_sort3A_381 = arith.constant dense<true> : vector<16xi1>
            %masked_sort3A_382, %masked_sort3A_383, %masked_sort3A_384 = tpu.sort %max3A_380, %max3A_380 masked %masked_sort3A_381 {descending = true} : (vector<16xf32>, vector<16xf32>, vector<16xi1>) -> (vector<16xi1>, vector<16xf32>, vector<16xf32>)
            %add3A_385 = arith.constant 16 : i32
            %add3A_386 = arith.addi %add3A_371, %add3A_385 : i32
            %get3A_387 = arith.index_cast %add3A_386 : i32 to index
            %get3A_388 = tpu.vector_load %arg5[%get3A_387] {strides = array<i32>} : memref<50176xf32, #tpu.memory_space<vmem>>, vector<16xf32>,
            %masked_sort3A_389 = arith.constant dense<true> : vector<16xi1>
            %masked_sort3A_390, %masked_sort3A_391, %masked_sort3A_392 = tpu.sort %get3A_388, %get3A_388 masked %masked_sort3A_389 : (vector<16xf32>, vector<16xf32>, vector<16xi1>) -> (vector<16xi1>, vector<16xf32>, vector<16xf32>)
            %max3A_393 = arith.maximumf %masked_sort3A_383, %masked_sort3A_391 : vector<16xf32>
            %masked_sort3A_394 = arith.constant dense<true> : vector<16xi1>
            %masked_sort3A_395, %masked_sort3A_396, %masked_sort3A_397 = tpu.sort %max3A_393, %max3A_393 masked %masked_sort3A_394 {descending = true} : (vector<16xf32>, vector<16xf32>, vector<16xi1>) -> (vector<16xi1>, vector<16xf32>, vector<16xf32>)
            %add3A_398 = arith.constant 32 : i32
            %add3A_399 = arith.addi %add3A_371, %add3A_398 : i32
            %get3A_400 = arith.index_cast %add3A_399 : i32 to index
            %get3A_401 = tpu.vector_load %arg5[%get3A_400] {strides = array<i32>} : memref<50176xf32, #tpu.memory_space<vmem>>, vector<16xf32>,
            %masked_sort3A_402 = arith.constant dense<true> : vector<16xi1>
            %masked_sort3A_403, %masked_sort3A_404, %masked_sort3A_405 = tpu.sort %get3A_401, %get3A_401 masked %masked_sort3A_402 : (vector<16xf32>, vector<16xf32>, vector<16xi1>) -> (vector<16xi1>, vector<16xf32>, vector<16xf32>)
            %max3A_406 = arith.maximumf %masked_sort3A_396, %masked_sort3A_404 : vector<16xf32>
            %masked_sort3A_407 = arith.constant dense<true> : vector<16xi1>
            %masked_sort3A_408, %masked_sort3A_409, %masked_sort3A_410 = tpu.sort %max3A_406, %max3A_406 masked %masked_sort3A_407 {descending = true} : (vector<16xf32>, vector<16xf32>, vector<16xi1>) -> (vector<16xi1>, vector<16xf32>, vector<16xf32>)
            %add3A_411 = arith.constant 48 : i32
            %add3A_412 = arith.addi %add3A_371, %add3A_411 : i32
            %get3A_413 = arith.index_cast %add3A_412 : i32 to index
            %get3A_414 = tpu.vector_load %arg5[%get3A_413] {strides = array<i32>} : memref<50176xf32, #tpu.memory_space<vmem>>, vector<16xf32>,
            %masked_sort3A_415 = arith.constant dense<true> : vector<16xi1>
            %masked_sort3A_416, %masked_sort3A_417, %masked_sort3A_418 = tpu.sort %get3A_414, %get3A_414 masked %masked_sort3A_415 : (vector<16xf32>, vector<16xf32>, vector<16xi1>) -> (vector<16xi1>, vector<16xf32>, vector<16xf32>)
            %max3A_419 = arith.maximumf %masked_sort3A_409, %masked_sort3A_417 : vector<16xf32>
            %masked_sort3A_420 = arith.constant dense<true> : vector<16xi1>
            %masked_sort3A_421, %masked_sort3A_422, %masked_sort3A_423 = tpu.sort %max3A_419, %max3A_419 masked %masked_sort3A_420 {descending = true} : (vector<16xf32>, vector<16xf32>, vector<16xi1>) -> (vector<16xi1>, vector<16xf32>, vector<16xf32>)
            %add3A_424 = arith.constant 64 : i32
            %add3A_425 = arith.addi %add3A_371, %add3A_424 : i32
            %get3A_426 = arith.index_cast %add3A_425 : i32 to index
            %get3A_427 = tpu.vector_load %arg5[%get3A_426] {strides = array<i32>} : memref<50176xf32, #tpu.memory_space<vmem>>, vector<16xf32>,
            %masked_sort3A_428 = arith.constant dense<true> : vector<16xi1>
            %masked_sort3A_429, %masked_sort3A_430, %masked_sort3A_431 = tpu.sort %get3A_427, %get3A_427 masked %masked_sort3A_428 : (vector<16xf32>, vector<16xf32>, vector<16xi1>) -> (vector<16xi1>, vector<16xf32>, vector<16xf32>)
            %max3A_432 = arith.maximumf %masked_sort3A_422, %masked_sort3A_430 : vector<16xf32>
            %masked_sort3A_433 = arith.constant dense<true> : vector<16xi1>
            %masked_sort3A_434, %masked_sort3A_435, %masked_sort3A_436 = tpu.sort %max3A_432, %max3A_432 masked %masked_sort3A_433 {descending = true} : (vector<16xf32>, vector<16xf32>, vector<16xi1>) -> (vector<16xi1>, vector<16xf32>, vector<16xf32>)
            %add3A_437 = arith.constant 80 : i32
            %add3A_438 = arith.addi %add3A_371, %add3A_437 : i32
            %get3A_439 = arith.index_cast %add3A_438 : i32 to index
            %get3A_440 = tpu.vector_load %arg5[%get3A_439] {strides = array<i32>} : memref<50176xf32, #tpu.memory_space<vmem>>, vector<16xf32>,
            %masked_sort3A_441 = arith.constant dense<true> : vector<16xi1>
            %masked_sort3A_442, %masked_sort3A_443, %masked_sort3A_444 = tpu.sort %get3A_440, %get3A_440 masked %masked_sort3A_441 : (vector<16xf32>, vector<16xf32>, vector<16xi1>) -> (vector<16xi1>, vector<16xf32>, vector<16xf32>)
            %max3A_445 = arith.maximumf %masked_sort3A_435, %masked_sort3A_443 : vector<16xf32>
            %masked_sort3A_446 = arith.constant dense<true> : vector<16xi1>
            %masked_sort3A_447, %masked_sort3A_448, %masked_sort3A_449 = tpu.sort %max3A_445, %max3A_445 masked %masked_sort3A_446 {descending = true} : (vector<16xf32>, vector<16xf32>, vector<16xi1>) -> (vector<16xi1>, vector<16xf32>, vector<16xf32>)
            %add3A_450 = arith.constant 96 : i32
            %add3A_451 = arith.addi %add3A_371, %add3A_450 : i32
            %get3A_452 = arith.index_cast %add3A_451 : i32 to index
            %get3A_453 = tpu.vector_load %arg5[%get3A_452] {strides = array<i32>} : memref<50176xf32, #tpu.memory_space<vmem>>, vector<16xf32>,
            %masked_sort3A_454 = arith.constant dense<true> : vector<16xi1>
            %masked_sort3A_455, %masked_sort3A_456, %masked_sort3A_457 = tpu.sort %get3A_453, %get3A_453 masked %masked_sort3A_454 : (vector<16xf32>, vector<16xf32>, vector<16xi1>) -> (vector<16xi1>, vector<16xf32>, vector<16xf32>)
            %max3A_458 = arith.maximumf %masked_sort3A_448, %masked_sort3A_456 : vector<16xf32>
            %masked_sort3A_459 = arith.constant dense<true> : vector<16xi1>
            %masked_sort3A_460, %masked_sort3A_461, %masked_sort3A_462 = tpu.sort %max3A_458, %max3A_458 masked %masked_sort3A_459 {descending = true} : (vector<16xf32>, vector<16xf32>, vector<16xi1>) -> (vector<16xi1>, vector<16xf32>, vector<16xf32>)
            %add3A_463 = arith.constant 112 : i32
            %add3A_464 = arith.addi %add3A_371, %add3A_463 : i32
            %get3A_465 = arith.index_cast %add3A_464 : i32 to index
            %get3A_466 = tpu.vector_load %arg5[%get3A_465] {strides = array<i32>} : memref<50176xf32, #tpu.memory_space<vmem>>, vector<16xf32>,
            %masked_sort3A_467 = arith.constant dense<true> : vector<16xi1>
            %masked_sort3A_468, %masked_sort3A_469, %masked_sort3A_470 = tpu.sort %get3A_466, %get3A_466 masked %masked_sort3A_467 : (vector<16xf32>, vector<16xf32>, vector<16xi1>) -> (vector<16xi1>, vector<16xf32>, vector<16xf32>)
            %max3A_471 = arith.maximumf %masked_sort3A_461, %masked_sort3A_469 : vector<16xf32>
            %masked_sort3A_472 = arith.constant dense<true> : vector<16xi1>
            %masked_sort3A_473, %masked_sort3A_474, %masked_sort3A_475 = tpu.sort %max3A_471, %max3A_471 masked %masked_sort3A_472 {descending = true} : (vector<16xf32>, vector<16xf32>, vector<16xi1>) -> (vector<16xi1>, vector<16xf32>, vector<16xf32>)
            %add3A_476 = arith.constant 128 : i32
            %add3A_477 = arith.addi %add3A_371, %add3A_476 : i32
            %get3A_478 = arith.index_cast %add3A_477 : i32 to index
            %get3A_479 = tpu.vector_load %arg5[%get3A_478] {strides = array<i32>} : memref<50176xf32, #tpu.memory_space<vmem>>, vector<16xf32>,
            %masked_sort3A_480 = arith.constant dense<true> : vector<16xi1>
            %masked_sort3A_481, %masked_sort3A_482, %masked_sort3A_483 = tpu.sort %get3A_479, %get3A_479 masked %masked_sort3A_480 : (vector<16xf32>, vector<16xf32>, vector<16xi1>) -> (vector<16xi1>, vector<16xf32>, vector<16xf32>)
            %max3A_484 = arith.maximumf %masked_sort3A_474, %masked_sort3A_482 : vector<16xf32>
            %masked_sort3A_485 = arith.constant dense<true> : vector<16xi1>
            %masked_sort3A_486, %masked_sort3A_487, %masked_sort3A_488 = tpu.sort %max3A_484, %max3A_484 masked %masked_sort3A_485 {descending = true} : (vector<16xf32>, vector<16xf32>, vector<16xi1>) -> (vector<16xi1>, vector<16xf32>, vector<16xf32>)
            %add3A_489 = arith.constant 144 : i32
            %add3A_490 = arith.addi %add3A_371, %add3A_489 : i32
            %get3A_491 = arith.index_cast %add3A_490 : i32 to index
            %get3A_492 = tpu.vector_load %arg5[%get3A_491] {strides = array<i32>} : memref<50176xf32, #tpu.memory_space<vmem>>, vector<16xf32>,
            %masked_sort3A_493 = arith.constant dense<true> : vector<16xi1>
            %masked_sort3A_494, %masked_sort3A_495, %masked_sort3A_496 = tpu.sort %get3A_492, %get3A_492 masked %masked_sort3A_493 : (vector<16xf32>, vector<16xf32>, vector<16xi1>) -> (vector<16xi1>, vector<16xf32>, vector<16xf32>)
            %max3A_497 = arith.maximumf %masked_sort3A_487, %masked_sort3A_495 : vector<16xf32>
            %masked_sort3A_498 = arith.constant dense<true> : vector<16xi1>
            %masked_sort3A_499, %masked_sort3A_500, %masked_sort3A_501 = tpu.sort %max3A_497, %max3A_497 masked %masked_sort3A_498 {descending = true} : (vector<16xf32>, vector<16xf32>, vector<16xi1>) -> (vector<16xi1>, vector<16xf32>, vector<16xf32>)
            %add3A_502 = arith.constant 160 : i32
            %add3A_503 = arith.addi %add3A_371, %add3A_502 : i32
            %get3A_504 = arith.index_cast %add3A_503 : i32 to index
            %get3A_505 = tpu.vector_load %arg5[%get3A_504] {strides = array<i32>} : memref<50176xf32, #tpu.memory_space<vmem>>, vector<16xf32>,
            %masked_sort3A_506 = arith.constant dense<true> : vector<16xi1>
            %masked_sort3A_507, %masked_sort3A_508, %masked_sort3A_509 = tpu.sort %get3A_505, %get3A_505 masked %masked_sort3A_506 : (vector<16xf32>, vector<16xf32>, vector<16xi1>) -> (vector<16xi1>, vector<16xf32>, vector<16xf32>)
            %max3A_510 = arith.maximumf %masked_sort3A_500, %masked_sort3A_508 : vector<16xf32>
            %masked_sort3A_511 = arith.constant dense<true> : vector<16xi1>
            %masked_sort3A_512, %masked_sort3A_513, %masked_sort3A_514 = tpu.sort %max3A_510, %max3A_510 masked %masked_sort3A_511 {descending = true} : (vector<16xf32>, vector<16xf32>, vector<16xi1>) -> (vector<16xi1>, vector<16xf32>, vector<16xf32>)
            %add3A_515 = arith.constant 176 : i32
            %add3A_516 = arith.addi %add3A_371, %add3A_515 : i32
            %get3A_517 = arith.index_cast %add3A_516 : i32 to index
            %get3A_518 = tpu.vector_load %arg5[%get3A_517] {strides = array<i32>} : memref<50176xf32, #tpu.memory_space<vmem>>, vector<16xf32>,
            %masked_sort3A_519 = arith.constant dense<true> : vector<16xi1>
            %masked_sort3A_520, %masked_sort3A_521, %masked_sort3A_522 = tpu.sort %get3A_518, %get3A_518 masked %masked_sort3A_519 : (vector<16xf32>, vector<16xf32>, vector<16xi1>) -> (vector<16xi1>, vector<16xf32>, vector<16xf32>)
            %max3A_523 = arith.maximumf %masked_sort3A_513, %masked_sort3A_521 : vector<16xf32>
            %masked_sort3A_524 = arith.constant dense<true> : vector<16xi1>
            %masked_sort3A_525, %masked_sort3A_526, %masked_sort3A_527 = tpu.sort %max3A_523, %max3A_523 masked %masked_sort3A_524 {descending = true} : (vector<16xf32>, vector<16xf32>, vector<16xi1>) -> (vector<16xi1>, vector<16xf32>, vector<16xf32>)
            %add3A_528 = arith.constant 192 : i32
            %add3A_529 = arith.addi %add3A_371, %add3A_528 : i32
            %get3A_530 = arith.index_cast %add3A_529 : i32 to index
            %get3A_531 = tpu.vector_load %arg5[%get3A_530] {strides = array<i32>} : memref<50176xf32, #tpu.memory_space<vmem>>, vector<16xf32>,
            %masked_sort3A_532 = arith.constant dense<true> : vector<16xi1>
            %masked_sort3A_533, %masked_sort3A_534, %masked_sort3A_535 = tpu.sort %get3A_531, %get3A_531 masked %masked_sort3A_532 : (vector<16xf32>, vector<16xf32>, vector<16xi1>) -> (vector<16xi1>, vector<16xf32>, vector<16xf32>)
            %max3A_536 = arith.maximumf %masked_sort3A_526, %masked_sort3A_534 : vector<16xf32>
            %masked_sort3A_537 = arith.constant dense<true> : vector<16xi1>
            %masked_sort3A_538, %masked_sort3A_539, %masked_sort3A_540 = tpu.sort %max3A_536, %max3A_536 masked %masked_sort3A_537 {descending = true} : (vector<16xf32>, vector<16xf32>, vector<16xi1>) -> (vector<16xi1>, vector<16xf32>, vector<16xf32>)
            %add3A_541 = arith.constant 208 : i32
            %add3A_542 = arith.addi %add3A_371, %add3A_541 : i32
            %get3A_543 = arith.index_cast %add3A_542 : i32 to index
            %get3A_544 = tpu.vector_load %arg5[%get3A_543] {strides = array<i32>} : memref<50176xf32, #tpu.memory_space<vmem>>, vector<16xf32>,
            %masked_sort3A_545 = arith.constant dense<true> : vector<16xi1>
            %masked_sort3A_546, %masked_sort3A_547, %masked_sort3A_548 = tpu.sort %get3A_544, %get3A_544 masked %masked_sort3A_545 : (vector<16xf32>, vector<16xf32>, vector<16xi1>) -> (vector<16xi1>, vector<16xf32>, vector<16xf32>)
            %max3A_549 = arith.maximumf %masked_sort3A_539, %masked_sort3A_547 : vector<16xf32>
            %masked_sort3A_550 = arith.constant dense<true> : vector<16xi1>
            %masked_sort3A_551, %masked_sort3A_552, %masked_sort3A_553 = tpu.sort %max3A_549, %max3A_549 masked %masked_sort3A_550 {descending = true} : (vector<16xf32>, vector<16xf32>, vector<16xi1>) -> (vector<16xi1>, vector<16xf32>, vector<16xf32>)
            %add3A_554 = arith.constant 224 : i32
            %add3A_555 = arith.addi %add3A_371, %add3A_554 : i32
            %get3A_556 = arith.index_cast %add3A_555 : i32 to index
            %get3A_557 = tpu.vector_load %arg5[%get3A_556] {strides = array<i32>} : memref<50176xf32, #tpu.memory_space<vmem>>, vector<16xf32>,
            %masked_sort3A_558 = arith.constant dense<true> : vector<16xi1>
            %masked_sort3A_559, %masked_sort3A_560, %masked_sort3A_561 = tpu.sort %get3A_557, %get3A_557 masked %masked_sort3A_558 : (vector<16xf32>, vector<16xf32>, vector<16xi1>) -> (vector<16xi1>, vector<16xf32>, vector<16xf32>)
            %max3A_562 = arith.maximumf %masked_sort3A_552, %masked_sort3A_560 : vector<16xf32>
            %masked_sort3A_563 = arith.constant dense<true> : vector<16xi1>
            %masked_sort3A_564, %masked_sort3A_565, %masked_sort3A_566 = tpu.sort %max3A_562, %max3A_562 masked %masked_sort3A_563 {descending = true} : (vector<16xf32>, vector<16xf32>, vector<16xi1>) -> (vector<16xi1>, vector<16xf32>, vector<16xf32>)
            %add3A_567 = arith.constant 240 : i32
            %add3A_568 = arith.addi %add3A_371, %add3A_567 : i32
            %get3A_569 = arith.index_cast %add3A_568 : i32 to index
            %get3A_570 = tpu.vector_load %arg5[%get3A_569] {strides = array<i32>} : memref<50176xf32, #tpu.memory_space<vmem>>, vector<16xf32>,
            %masked_sort3A_571 = arith.constant dense<true> : vector<16xi1>
            %masked_sort3A_572, %masked_sort3A_573, %masked_sort3A_574 = tpu.sort %get3A_570, %get3A_570 masked %masked_sort3A_571 : (vector<16xf32>, vector<16xf32>, vector<16xi1>) -> (vector<16xi1>, vector<16xf32>, vector<16xf32>)
            %max3A_575 = arith.maximumf %masked_sort3A_565, %masked_sort3A_573 : vector<16xf32>
            %masked_sort3A_576 = arith.constant dense<true> : vector<16xi1>
            %masked_sort3A_577, %masked_sort3A_578, %masked_sort3A_579 = tpu.sort %max3A_575, %max3A_575 masked %masked_sort3A_576 {descending = true} : (vector<16xf32>, vector<16xf32>, vector<16xi1>) -> (vector<16xi1>, vector<16xf32>, vector<16xf32>)
            scf.yield %masked_sort3A_578 : vector<16xf32>
          } else {
            scf.yield %cond3A_344 : vector<16xf32>
          }
          scf.yield %cond3A_367 : vector<16xf32>
        } else {
          scf.yield %scan3A_257 : vector<16xf32>
        }
        scf.yield %cond3A_275 : vector<16xf32>
      }
      %scan3A_251 = arith.constant 49 : i32
      %mul3A_252 = arith.constant 16 : i32
      %mul3A_253 = arith.muli %add3A_155, %mul3A_252 : i32
      %swap3A_254 = arith.index_cast %mul3A_253 : i32 to index
      %swap3A_255 = tpu.vector_load %arg8[%swap3A_254] {strides = array<i32>} : memref<768xf32, #tpu.memory_space<vmem>>, vector<16xf32>,
      tpu.vector_store %arg8[%swap3A_254], %scan3A_250 {strides = array<i32>} : memref<768xf32, #tpu.memory_space<vmem>>, vector<16xf32>,
    }
    %scan3A_55 = arith.constant 24 : i32
    %mul3A_56 = arith.constant 16 : i32
    %mul3A_57 = arith.muli %mul3A_2, %mul3A_56 : i32
    "tpu.region"() ({
      %run_scoped3A = tpu.sem_alloc : memref<!tpu.dma_semaphore, #tpu.memory_space<semaphore_mem>>
      %dma_start3A_58 = tpu.memref_slice %arg3[%mul3A_57] : memref<24576xf32, #tpu.memory_space<hbm>> -> memref<768xf32, #tpu.memory_space<hbm>>
      %dma_start3A_59 = tpu.memref_slice %arg3[%mul3A_57] : memref<24576xf32, #tpu.memory_space<hbm>> -> memref<768xf32, #tpu.memory_space<hbm>>
      tpu.enqueue_dma source(%arg8 : memref<768xf32, #tpu.memory_space<vmem>>) target(%dma_start3A_59 : memref<768xf32, #tpu.memory_space<hbm>>) target_semaphore(%run_scoped3A : memref<!tpu.dma_semaphore, #tpu.memory_space<semaphore_mem>>)
      %dma_wait3A = tpu.memref_slice %arg3[%mul3A_57] : memref<24576xf32, #tpu.memory_space<hbm>> -> memref<768xf32, #tpu.memory_space<hbm>>
      %dma_wait3A_60 = tpu.memref_slice %arg3[%mul3A_57] : memref<24576xf32, #tpu.memory_space<hbm>> -> memref<768xf32, #tpu.memory_space<hbm>>
      tpu.wait_dma2 semaphore(%run_scoped3A : memref<!tpu.dma_semaphore, #tpu.memory_space<semaphore_mem>>) src(%arg8 : memref<768xf32, #tpu.memory_space<vmem>>) dst(%dma_wait3A_60 : memref<768xf32, #tpu.memory_space<hbm>>)
      tpu.yield
    }) : () -> ()
    return
  }
}

</mosaic_0001>

<sc_bundles>
// kernel: kernel.3.cloned.1.call-start
scs
__scs_entry_jumppad:
0x0: {  	(pc) =	sbr.rel $0x88, $3  }
0x1: {  	(tag) =	ssettag $0x0;
	lr =	simm.s32 $0x1  }
0x2: {  	[smem:$0x3FA0] =	sst lr;
	_ =	strace $0xD0000000  }
0x3: {  	_ = 	snop  }
0x4: {  	_ = 	snop  }
0x5: {  	_ = 	snop  }
0x6: {  	_ = 	snop  }
0x7: {  	_ = 	snop  }
__scs_overlays_trampoline_lowered:
0x8: {  	[smem:$0x3FAF] =	sst s0  }
0x9: {  	[smem:$0x3FB0] =	sst s1  }
0xa: {  	[smem:$0x3FB1] =	sst s2  }
0xb: {  	[smem:$0x3FB2] =	sst s3  }
0xc: {  	[smem:$0x3FB3] =	sst s4  }
0xd: {  	[smem:$0x3FB4] =	sst s5  }
0xe: {  	[smem:$0x3FB5] =	sst s6  }
0xf: {  	[smem:$0x3FB6] =	sst s7  }
0x10: {  	[smem:$0x3FB7] =	sst s8  }
0x11: {  	[smem:$0x3FB8] =	sst s9;
	s0 =	simm.s32 @!p0 $0x0  }
0x12: {  	s1 =	sld [smem:$0x3F9E];
	s0 =	simm.s32 @p0 $0x1  }
0x13: {  	[smem:$0x3FB9] =	sst s0;
	s0 =	simm.s32 @!p1 $0x0  }
0x14: {  	s2 =	sld [smem:$0x3F9D];
	s0 =	simm.s32 @p1 $0x1  }
0x15: {  	[smem:$0x3FBA] =	sst s0;
	s0 =	simm.s32 @!p2 $0x0  }
0x16: {  	s3 =	sld [smem:$0x3FDB];
	s0 =	simm.s32 @p2 $0x1  }
0x17: {  	s4 =	simm.s32 $0x1BF5;
	[smem:$0x3FBC] =	sst s0  }
0x18: {  	s0 =	sld [smem:$0x3F9F];
	_ =	swait.ge [sflag:s4], $0x0  }
0x19: {  	s7 =	sld [smem:$0x3FA0]  }
0x1a: {  	s8 =	sadd.s32 $0xFFFFE003, lr  }
0x1b: {  	s9 =	sadd.s32 $0xFFFFFEF7, lr;
	s5 =	simm.s32 $0xFFFFFFFF;
	p2 =	slt.u32 s8, $0xFFFFF086  }
0x1c: {  	p1 =	slt.u32 s9, $0xF7A;
	s5 =	simm.s32 @!p2 $0x0  }
0x1d: {  	s5 =	simm.s32 @p1 $0x1;
	p0 =	seq.s32 s7, s2  }
0x1e: {  	s7 =	smul.u32 @!p0 $0xF7A, s2;
	p2 =	seq.s32 @!p0 s5, $0x0  }
0x1f: {  	s9 =	smul.u32 $0xF7A, s1;
	s8 =	simm.s32 @!p0 $0x1BF5;
	p2 =	por !p2, p0  }
0x20: {  	[sflag:s8] =	ssyncset.s32 @!p0 $0xFFFFF086;
	s6 =	sadd.s32 @!p0 s3, s7;
	s7 =	simm.s32 @!p0 $0x108  }
0x21: {  	s3 =	sadd.s32 s3, s9;
	s6 =	sadd.s32 @!p0 $0x88, s6;
	s7 =	simm.s32 @p2 $0x1082  }
0x22: {  	[simem:s7], [sflag:s8] =	dma.local @!p0 [hbm:s6], $0xF7A  }
0x23: {  	s9 =	sor.u32 $0xD0000000, s2;
	s6 =	simm.s32 $0x108;
	_ =	swait.ge @!p0 [sflag:s8], $0x0  }
0x24: {  	s3 =	sadd.s32 $0x88, s3;
	s6 =	simm.s32 @!p1 $0x1082;
	[sflag:s4] =	ssyncset.s32 $0xFFFFF086  }
0x25: {  	[simem:s6], [sflag:s4] =	dma.local [hbm:s3], $0xF7A  }
0x26: {  	[smem:$0x3FA0] =	sst s1;
	(tag) =	ssettag s2;
	_ =	strace s9  }
0x27: {  	s1 =	sld [smem:$0x3FB0]  }
0x28: {  	s2 =	sld [smem:$0x3FB1]  }
0x29: {  	s4 =	sld [smem:$0x3FB3]  }
0x2a: {  	p0 =	seq.s32 s5, $0x0;
	s5 =	sld [smem:$0x3FB4]  }
0x2b: {  	s6 =	sld [smem:$0x3FB5]  }
0x2c: {  	s7 =	sld [smem:$0x3FB6]  }
0x2d: {  	s3 =	simm.s32 $0x108;
	s8 =	sld [smem:$0x3FB7]  }
0x2e: {  	s3 =	simm.s32 @!p0 $0x1082;
	s9 =	sld [smem:$0x3FB8]  }
0x2f: {  	lr =	sadd.s32 s0, s3;
	s0 =	sld [smem:$0x3FAF]  }
0x30: {  	s3 =	sld [smem:$0x3FB2]  }
0x31: {  	[smem:$0x3FBB] =	sst s10  }
0x32: {  	s10 =	sld [smem:$0x3FB9];
	_ =	sdelay $0x3  }
0x33: {  	p0 =	seq.s32 s10, $0x1;
	s10 =	sld [smem:$0x3FBB];
	_ =	sdelay $0x3  }
0x34: {  	[smem:$0x3FBB] =	sst s10  }
0x35: {  	s10 =	sld [smem:$0x3FBA];
	_ =	sdelay $0x3  }
0x36: {  	p1 =	seq.s32 s10, $0x1;
	s10 =	sld [smem:$0x3FBB];
	_ =	sdelay $0x3  }
0x37: {  	[smem:$0x3FBB] =	sst s10  }
0x38: {  	s10 =	sld [smem:$0x3FBC]  }
0x39: {  	_ = 	snop;
	(pc) =	sbr.ind lr, $3  }
0x3a: {  	_ = 	snop  }
0x3b: {  	_ = 	snop  }
0x3c: {  	p2 =	seq.s32 s10, $0x1;
	s10 =	sld [smem:$0x3FBB]  }
0x3d: {  	_ =	shalt  }
0x3e: {  	_ =	shalt  }
0x3f: {  	_ =	shalt  }
0x40: {  	_ =	shalt  }
0x41: {  	_ =	shalt  }
0x42: {  	_ =	shalt  }
0x43: {  	_ =	shalt  }
0x44: {  	_ =	shalt  }
0x45: {  	_ =	shalt  }
0x46: {  	_ =	shalt  }
0x47: {  	_ =	shalt  }
0x48: {  	_ =	shalt  }
0x49: {  	_ =	shalt  }
0x4a: {  	_ =	shalt  }
0x4b: {  	_ =	shalt  }
0x4c: {  	_ =	shalt  }
0x4d: {  	_ =	shalt  }
0x4e: {  	_ =	shalt  }
0x4f: {  	_ =	shalt  }
0x50: {  	_ =	shalt  }
0x51: {  	_ =	shalt  }
0x52: {  	_ =	shalt  }
0x53: {  	_ =	shalt  }
0x54: {  	_ =	shalt  }
0x55: {  	_ =	shalt  }
0x56: {  	_ =	shalt  }
0x57: {  	_ =	shalt  }
0x58: {  	_ =	shalt  }
0x59: {  	_ =	shalt  }
0x5a: {  	_ =	shalt  }
0x5b: {  	_ =	shalt  }
0x5c: {  	_ =	shalt  }
0x5d: {  	_ =	shalt  }
0x5e: {  	_ =	shalt  }
0x5f: {  	_ =	shalt  }
0x60: {  	_ =	shalt  }
0x61: {  	_ =	shalt  }
0x62: {  	_ =	shalt  }
0x63: {  	_ =	shalt  }
0x64: {  	_ =	shalt  }
0x65: {  	_ =	shalt  }
0x66: {  	_ =	shalt  }
0x67: {  	_ =	shalt  }
0x68: {  	_ =	shalt  }
0x69: {  	_ =	shalt  }
0x6a: {  	_ =	shalt  }
0x6b: {  	_ =	shalt  }
0x6c: {  	_ =	shalt  }
0x6d: {  	_ =	shalt  }
0x6e: {  	_ =	shalt  }
0x6f: {  	_ =	shalt  }
0x70: {  	_ =	shalt  }
0x71: {  	_ =	shalt  }
0x72: {  	_ =	shalt  }
0x73: {  	_ =	shalt  }
0x74: {  	_ =	shalt  }
0x75: {  	_ =	shalt  }
0x76: {  	_ =	shalt  }
0x77: {  	_ =	shalt  }
0x78: {  	_ =	shalt  }
0x79: {  	_ =	shalt  }
0x7a: {  	_ =	shalt  }
0x7b: {  	_ =	shalt  }
0x7c: {  	_ =	shalt  }
0x7d: {  	_ =	shalt  }
0x7e: {  	_ =	shalt  }
0x7f: {  	_ =	shalt  }
0x80: {  	_ =	shalt  }
0x81: {  	_ =	shalt  }
0x82: {  	_ =	shalt  }
0x83: {  	_ =	shalt  }
0x84: {  	_ =	shalt  }
0x85: {  	_ =	shalt  }
0x86: {  	_ =	shalt  }
0x87: {  	_ =	shalt  }
.Lfunc_end0:
.L_simem_size_0:
called_computation_lowered:
.L_overlay_start_0:
0x88: {  	s2 =	sld [smem:$0x3FD9]  }
0x89: {  	s3 =	sld [smem:$0x3FFE];
	_ =	sdelay $0x1  }
0x8a: {  	s1 =	srdreg.scid  }
0x8b: {  	s0 =	sand.u32 $0x1, s1  }
0x8c: {  	s17 =	sshll.u32 s0, $0xA;
	s2 =	sadd.s32 s3, s2  }
0x8d: {  	s2 =	sadd.s32 s2, s17  }
0x8e: {  	[smem:$0x3FC7] =	sst s2  }
0x8f: {  	_ = 	snop  }
0x90: {  	s2 =	sld [smem:$0x3FD0];
	(tm) =	ssettm $0x1  }
0x91: {  	s18 =	sld [smem:$0x3FFB];
	_ =	sdelay $0x3  }
0x92: {  	_ =	strace s18  }
0x93: {  	s3 =	sld [smem:$0x3FFC];
	_ =	sdelay $0x3  }
0x94: {  	_ =	strace s3  }
0x95: {  	s3 =	sld [smem:$0x3FFD];
	_ =	sdelay $0x3  }
0x96: {  	_ =	strace s3  }
0x97: {  	_ =	strace $0x8FFFFFFF  }
0x98: {  	s19 =	sld [smem:$0x3FDB];
	_ =	sdelay $0x1  }
0x99: {  	s4 =	simm.s32 $_scs_section_size  }
0x9a: {  	s5 =	simm.s32 $_size__tile_overlayer_lowered;
	s6 =	simm.s32 $_tile_overlayer_lowered  }
0x9b: {  	s22 =	simm.s32 $0x1BFF;
	s21 =	sshll.u32 s6, $0x1;
	s3 =	sadd.s32 s4, s19  }
0x9c: {  	s7 =	simm.s32 $0x0;
	s20 =	sshll.u32 s5, $0x1;
	s5 =	sadd.s32 s21, s3  }
0x9d: {  	[timem:s7], [sflag:s22] =	dma.local [hbm:s5], s20  }
0x9e: {  	_ =	swait.ge [sflag:s22], s20  }
0x9f: {  	s4 =	ssub.s32 $0x0, s20;
	[sflag:s22] =	ssyncset.done $0x0  }
0xa0: {  	[sflag:s22] =	ssyncadd.s32 s4;
	_ =	sdelay $0x1  }
0xa1: {  	s23 =	simm.s32 $0x1B8B  }
0xa2: {  	_ =	swait.ge [sflag:s23], $0x1  }
0xa3: {  	[sflag:s23] =	ssyncset.done $0x0  }
0xa4: {  	s25 =	simm.s32 $0x1B8E;
	s24 =	sld [smem:$0x3FFE];
	[sflag:s23] =	ssyncadd.s32 $0xFFFFFFFF  }
0xa5: {  	s26 =	simm.s32 $execute0_lowered;
	[smem:$0x3FD2] =	sst s25  }
0xa6: {  	s5 =	sshll.u32 s26, $0x1;
	_ =	strace $0x80000046;
	[dreg:$0x1] =	wrdreg $0xFFFFFFFF  }
0xa7: {  	s28 =	simm.s32 $_size_execute0_lowered;
	s3 =	sadd.s32 s3, s5;
	[dreg:$0x0] =	wrdreg $0x0  }
0xa8: {  	s5 =	sshll.u32 s28, $0x1;
	[dreg:$0x2] =	wrdreg s3  }
0xa9: {  	[dreg:$0x3] =	wrdreg s5  }
0xaa: {  	[dreg:$0x4] =	wrdreg $0xC0  }
0xab: {  	_ =	task [dreg:s7], $0x5FFFF  }
0xac: {  	[dreg:$0x1] =	wrdreg $0xFFFFFFFF  }
0xad: {  	[dreg:$0x0] =	wrdreg $0x60  }
0xae: {  	[dreg:$0x2] =	wrdreg s24  }
0xaf: {  	[dreg:$0x3] =	wrdreg s2  }
0xb0: {  	[dreg:$0x4] =	wrdreg $0x9  }
0xb1: {  	_ =	task.clear_ibuf [dreg:s7], $0x5FFFF;
	_ =	strace $0x90000046  }
0xb2: {  	s29 =	simm.s32 $0x9;
	_ =	strace $0x80000048  }
0xb3: {  	_ =	swait.ge [sflag:s29], $0x1  }
0xb4: {  	[sflag:s29] =	ssyncadd.s32 $0xFFFFFFFF  }
0xb5: {  	_ =	strace $0x90000048  }
0xb6: {  	_ =	sfence  }
0xb7: {  	s30 =	sld [smem:$0x0];
	_ =	sdelay $0x2  }
0xb8: {  	s31 =	sshll.u32 s1, $0xD;
	s1 =	sshrl.u32 s1, $0x2  }
0xb9: {  	s3 =	sand.u32 $0x4000, s31;
	s1 =	sadd.s32 s1, s30  }
0xba: {  	s0 =	sor.u32 s3, s0;
	s1 =	sshll.u32 s1, $0x11  }
0xbb: {  	s0 =	sor.u32 s1, s0  }
0xbc: {  	s0 =	sadd.s32 $0x8F2B, s0  }
0xbd: {  	[sflag:s0] =	ssyncadd.remote.s32 $0x1  }
0xbe: {  	_ =	sfence.sel $0xFFFF  }
0xbf: {  	[dreg:$0x0] =	wrdreg $0xFFFFFFFF;
	(pc) =	sbr.abs _section_cstart, $3  }
0xc0: {  	[dreg:$0x1] =	wrdreg $0xFFFFFFFF  }
0xc1: {  	_ =	task.clear_ibuf [dreg:s7], $0x2FFFF;
	_ =	strace $0x9FFFFFFF  }
0xc2: {  	(tm) =	ssettm $0x7FFFFFFF  }
0xc3: {  	_ =	shalt  }
tec
execute0_lowered:
.L_overlay_start_1:
0x0: {  	(tag) =	ssettag $0x1  }
0x1: {  	s3 =	rddreg [dreg:$0x0]  }
0x2: {  	s1 =	srdreg.scid;
	s0 =	stileid.u32  }
0x3: {  	s10 =	rddreg [dreg:$0x1];
	s2 =	simm.s32 $0x0;
	s13 =	simm.s32 $0x6200  }
0x4: {  	s14 =	simm.s32 $0x9300;
	s15 =	simm.s32 $0xC400;
	s16 =	simm.s32 $0xF500  }
0x5: {  	s17 =	simm.s32 $0x12600;
	s4 =	sand.u32 $0x1, s1;
	s5 =	sshll.u32 s0, $0x1  }
0x6: {  	s18 =	simm.s32 $0x15700;
	s19 =	simm.s32 $0x1;
	s6 =	sor.u32 s4, s5  }
0x7: {  	s20 =	simm.s32 $0x2;
	s21 =	simm.s32 $0x19800;
	s5 =	smul.u32 $0x24C000, s6  }
0x8: {  	s22 =	simm.s32 $0x3;
	s7 =	ssub.s32 $0x2, s4;
	s4 =	smul.u32 $0x30, s6  }
0x9: {  	s23 =	simm.s32 $0x0;
	s1 =	rddreg [dreg:$0x2];
	s12 =	smul.u32 $0x60, s6  }
.Ltmp0:
0xa: {  	[smem:$0x7FF] =	sst s2;
	s8 =	sshrl.u32 s7, $0x1;
	(pc) =	sbr.rel .LBB2_1-.Ltmp0, $4  }
0xb: {  	s3 =	sadd.s32 $0x400, s3;
	_ =	strace $0x80000047;
	s11 =	ssub.s32 s7, s8  }
0xc: {  	s5 =	sshrl.u32 s5, $0x3;
	s9 =	sor.u32 $0x2, s4;
	s10 =	sadd.s32 s10, s12  }
0xd: {  	s11 =	smax.u32 s11, $0x1;
	s12 =	simm.s32 $0x3100;
	s5 =	sadd.s32 s3, s5  }
0xe: {  	s6 =	sadd.s32 $0x620, s5;
	s7 =	sadd.s32 $0xC40, s5;
	s8 =	sadd.s32 $0x1260, s5  }
.LBB2_29:
0xf: {  	s23 =	sadd.s32 $0x1, s23  }
0x10: {  	p0 =	sne.s32 s23, s11  }
.Ltmp1:
0x11: {  	_ = 	snop;
	(pc) =	sbr.rel @!p0 .LBB2_30-.Ltmp1, $4  }
0x12: {  	[hbm4b:s10+s2] =	stream.linear.scatter [tilespmem:s21], [sflag:$0x3], $0x300, $0x38;
	[tilespmem:$0x19B00] =	vst v63  }
0x13: {  	_ =	swait.ge [sflag:s22], $0x300  }
0x14: {  	[sflag:s22] =	ssyncset.done $0x0  }
0x15: {  	[sflag:s22] =	ssyncadd.s32 $0xFFFFFD00  }
.LBB2_1:
0x16: {  	[tilespmem:s2], [sflag:$0x1] =	stream.linear.gather [hbm4b:s5+s2], $0x3100, $0x38;
	[tilespmem:$0x19B00] =	vst v63  }
0x17: {  	_ = 	snop  }
0x18: {  	[tilespmem:s12], [sflag:$0x1] =	stream.linear.gather [hbm4b:s6+s2], $0x3100, $0x38;
	[tilespmem:$0x19B00] =	vst v63  }
.Ltmp2:
0x19: {  	_ = 	snop;
	(pc) =	sbr.rel .LBB2_2-.Ltmp2, $4  }
0x1a: {  	_ = 	snop  }
0x1b: {  	[tilespmem:s13], [sflag:$0x1] =	stream.linear.gather [hbm4b:s7+s2], $0x3100, $0x38;
	[tilespmem:$0x19B00] =	vst v63  }
0x1c: {  	s24 =	simm.s32 $0x0  }
0x1d: {  	[tilespmem:s14], [sflag:$0x1] =	stream.linear.gather [hbm4b:s8+s2], $0x3100, $0x38;
	[tilespmem:$0x19B00] =	vst v63  }
.LBB2_28:
0x1e: {  	s24 =	sadd.s32 $0x1, s24  }
0x1f: {  	p0 =	sne.s32 s24, $0x18  }
.Ltmp3:
0x20: {  	_ = 	snop;
	(pc) =	sbr.rel @!p0 .LBB2_29-.Ltmp3, $4  }
0x21: {  	_ = 	snop  }
0x22: {  	s25 =	sshll.u32 s25, $0x4  }
0x23: {  	s25 =	sand.u32 $0x3FFFFFF0, s25  }
0x24: {  	[tilespmem:s25+$0x19800] =	vst v2  }
.LBB2_2:
0x25: {  	s25 =	sshllo.u32 s24, $0x1  }
0x26: {  	s26 =	sadd.s32 s4, s25  }
0x27: {  	s26 =	smul.u32 $0xC400, s26;
	_ =	sdelay $0x1  }
0x28: {  	s26 =	sshrl.u32 s26, $0x3  }
0x29: {  	s26 =	sadd.s32 s3, s26  }
0x2a: {  	[tilespmem:s15], [sflag:$0x2] =	stream.linear.gather [hbm4b:s26+s2], $0x3100, $0x38;
	[tilespmem:$0x19B00] =	vst v63  }
0x2b: {  	s28 =	sadd.s32 $0x620, s26  }
0x2c: {  	[tilespmem:s16], [sflag:$0x2] =	stream.linear.gather [hbm4b:s28+s2], $0x3100, $0x38;
	[tilespmem:$0x19B00] =	vst v63  }
0x2d: {  	s28 =	sadd.s32 $0xC40, s26  }
0x2e: {  	[tilespmem:s17], [sflag:$0x2] =	stream.linear.gather [hbm4b:s28+s2], $0x3100, $0x38;
	[tilespmem:$0x19B00] =	vst v63  }
0x2f: {  	s26 =	sadd.s32 $0x1260, s26  }
0x30: {  	[tilespmem:s18], [sflag:$0x2] =	stream.linear.gather [hbm4b:s26+s2], $0x3100, $0x38;
	[tilespmem:$0x19B00] =	vst v63  }
0x31: {  	_ =	swait.ge [sflag:s19], $0x3100  }
0x32: {  	[sflag:s19] =	ssyncset.done $0x0  }
0x33: {  	[sflag:s19] =	ssyncadd.s32 $0xFFFFCF00  }
0x34: {  	_ =	swait.ge [sflag:s19], $0x3100  }
0x35: {  	[sflag:s19] =	ssyncset.done $0x0  }
0x36: {  	[sflag:s19] =	ssyncadd.s32 $0xFFFFCF00  }
0x37: {  	_ =	swait.ge [sflag:s19], $0x3100  }
0x38: {  	[sflag:s19] =	ssyncset.done $0x0  }
0x39: {  	[sflag:s19] =	ssyncadd.s32 $0xFFFFCF00  }
0x3a: {  	_ =	swait.ge [sflag:s19], $0x3100  }
0x3b: {  	[sflag:s19] =	ssyncset.done $0x0  }
0x3c: {  	s28 =	simm.s32 $0x400;
	[sflag:s19] =	ssyncadd.s32 $0xFFFFCF00  }
0x3d: {  	v1 =	vld [tilespmem:s28+$0xFFFFFC00]  }
0x3e: {  	v2 =	vld [tilespmem:s28+$0xFFFFFC10]  }
0x3f: {  	v3 =	vld [tilespmem:s28+$0xFFFFFC20]  }
0x40: {  	v4 =	vld [tilespmem:s28+$0xFFFFFC30]  }
0x41: {  	v5 =	vld [tilespmem:s28+$0xFFFFFC40]  }
0x42: {  	v6 =	vld [tilespmem:s28+$0xFFFFFC50]  }
0x43: {  	v7 =	vld [tilespmem:s28+$0xFFFFFC60]  }
0x44: {  	v8 =	vld [tilespmem:s28+$0xFFFFFC70]  }
0x45: {  	v9 =	vld [tilespmem:s28+$0xFFFFFC80]  }
0x46: {  	v10 =	vld [tilespmem:s28+$0xFFFFFC90]  }
0x47: {  	v11 =	vld [tilespmem:s28+$0xFFFFFCA0]  }
0x48: {  	v12 =	vld [tilespmem:s28+$0xFFFFFCB0]  }
0x49: {  	v13 =	vld [tilespmem:s28+$0xFFFFFCC0]  }
0x4a: {  	v14 =	vld [tilespmem:s28+$0xFFFFFCD0]  }
0x4b: {  	v15 =	vld [tilespmem:s28+$0xFFFFFCE0]  }
0x4c: {  	v16 =	vld [tilespmem:s28+$0xFFFFFCF0]  }
0x4d: {  	v17 =	vld [tilespmem:s28+$0x0]  }
0x4e: {  	v18 =	vld [tilespmem:s28+$0x10]  }
0x4f: {  	v19 =	vld [tilespmem:s28+$0x20]  }
0x50: {  	v20 =	vld [tilespmem:s28+$0x30]  }
0x51: {  	v21 =	vld [tilespmem:s28+$0x40]  }
0x52: {  	v22 =	vld [tilespmem:s28+$0x50]  }
0x53: {  	v23 =	vld [tilespmem:s28+$0x60]  }
0x54: {  	v24 =	vld [tilespmem:s28+$0x70]  }
0x55: {  	v25 =	vld [tilespmem:s28+$0x80];
	v1 =	vmax.f32 v1, v2;
	v2 =	vmax.f32 v3, v4  }
0x56: {  	v3 =	vmax.f32 v5, v6;
	v4 =	vld [tilespmem:s28+$0x90];
	v5 =	vmax.f32 v7, v8;
	v6 =	vmax.f32 v9, v10  }
0x57: {  	v7 =	vmax.f32 v11, v12;
	v8 =	vld [tilespmem:s28+$0xA0];
	v49 =	vmax.f32 v1, v2;
	v5 =	vmax.f32 v3, v5  }
0x58: {  	v9 =	vld [tilespmem:s28+$0xB0];
	v1 =	vmax.f32 v13, v14;
	v2 =	vmax.f32 v15, v16;
	v0 =	vmax.f32 v6, v7;
	[tilespmem:$0x1FE30] =	vst v5  }
0x59: {  	[tilespmem:$0x1FE40] =	vst v0;
	v3 =	vmax.f32 v1, v2  }
0x5a: {  	[tilespmem:$0x1FE50] =	vst v3  }
0x5b: {  	v1 =	vld [tilespmem:s28+$0xC0]  }
0x5c: {  	v2 =	vmax.f32 v49, v5;
	v3 =	vmax.f32 v0, v3;
	v5 =	vld [tilespmem:s28+$0xD0]  }
0x5d: {  	s26 =	simm.s32 $0x18840;
	v28 =	vmax.f32 v2, v3;
	v2 =	vld [tilespmem:s28+$0xE0]  }
0x5e: {  	v3 =	vld [tilespmem:s28+$0xF0];
	[tilespmem:s26+$0xFFFFFFC0] =	vst v28  }
0x5f: {  	v6 =	vld [tilespmem:s28+$0xFFFFFD00]  }
0x60: {  	v7 =	vld [tilespmem:s28+$0xFFFFFD10]  }
0x61: {  	v10 =	vld [tilespmem:s28+$0xFFFFFD20]  }
0x62: {  	v11 =	vld [tilespmem:s28+$0xFFFFFD30]  }
0x63: {  	v12 =	vld [tilespmem:s28+$0xFFFFFD40]  }
0x64: {  	v13 =	vld [tilespmem:s28+$0xFFFFFD50]  }
0x65: {  	v14 =	vld [tilespmem:s28+$0xFFFFFD60]  }
0x66: {  	v15 =	vld [tilespmem:s28+$0xFFFFFD70]  }
0x67: {  	v16 =	vld [tilespmem:s28+$0xFFFFFD80]  }
0x68: {  	v17 =	vmax.f32 v17, v18;
	v26 =	vld [tilespmem:s28+$0xFFFFFD90]  }
0x69: {  	v18 =	vmax.f32 v19, v20;
	v19 =	vmax.f32 v21, v22;
	v21 =	vmax.f32 v23, v24;
	v20 =	vld [tilespmem:s28+$0xFFFFFDA0]  }
0x6a: {  	v0 =	vmax.f32 v19, v21;
	v4 =	vmax.f32 v25, v4;
	v8 =	vmax.f32 v8, v9;
	v9 =	vld [tilespmem:s28+$0xFFFFFDB0]  }
0x6b: {  	v1 =	vmax.f32 v1, v5;
	v2 =	vmax.f32 v2, v3;
	v3 =	vld [tilespmem:s28+$0xFFFFFDC0];
	[tilespmem:$0x1FEC0] =	vst v0;
	v5 =	vmax.f32 v4, v8  }
0x6c: {  	[tilespmem:$0x1FED0] =	vst v5;
	v4 =	vmax.f32 v1, v2  }
0x6d: {  	v53 =	vmax.f32 v17, v18;
	[tilespmem:$0x1FEE0] =	vst v4  }
0x6e: {  	v2 =	vmax.f32 v53, v0;
	v4 =	vmax.f32 v5, v4;
	v1 =	vld [tilespmem:s28+$0xFFFFFDD0]  }
0x6f: {  	v5 =	vld [tilespmem:s28+$0xFFFFFDE0];
	v32 =	vmax.f32 v2, v4  }
0x70: {  	v2 =	vld [tilespmem:s28+$0xFFFFFDF0];
	[tilespmem:s26+$0x0] =	vst v32  }
0x71: {  	v4 =	vld [tilespmem:s28+$0x100]  }
0x72: {  	v8 =	vld [tilespmem:s28+$0x110]  }
0x73: {  	v17 =	vld [tilespmem:s28+$0x120]  }
0x74: {  	v18 =	vld [tilespmem:s28+$0x130]  }
0x75: {  	v19 =	vld [tilespmem:s28+$0x140]  }
0x76: {  	v21 =	vld [tilespmem:s28+$0x150]  }
0x77: {  	v22 =	vld [tilespmem:s28+$0x160]  }
0x78: {  	v23 =	vld [tilespmem:s28+$0x170]  }
0x79: {  	v6 =	vmax.f32 v6, v7;
	v7 =	vmax.f32 v10, v11;
	v24 =	vld [tilespmem:s28+$0x180]  }
0x7a: {  	v10 =	vmax.f32 v12, v13;
	v12 =	vmax.f32 v14, v15;
	v13 =	vmax.f32 v16, v26;
	v11 =	vld [tilespmem:s28+$0x190]  }
0x7b: {  	v9 =	vmax.f32 v20, v9;
	v50 =	vmax.f32 v6, v7;
	v0 =	vmax.f32 v10, v12;
	v14 =	vld [tilespmem:s28+$0x1A0]  }
0x7c: {  	v6 =	vmax.f32 v13, v9;
	v1 =	vmax.f32 v3, v1;
	v2 =	vmax.f32 v5, v2;
	v3 =	vld [tilespmem:s28+$0x1B0];
	[tilespmem:$0x1FE60] =	vst v0  }
0x7d: {  	[tilespmem:$0x1FE70] =	vst v6;
	v5 =	vmax.f32 v1, v2  }
0x7e: {  	[tilespmem:$0x1FE80] =	vst v5  }
0x7f: {  	v1 =	vld [tilespmem:s28+$0x1C0]  }
0x80: {  	v2 =	vmax.f32 v50, v0;
	v5 =	vmax.f32 v6, v5;
	v6 =	vld [tilespmem:s28+$0x1D0]  }
0x81: {  	v34 =	vmax.f32 v2, v5;
	v2 =	vld [tilespmem:s28+$0x1E0]  }
0x82: {  	v5 =	vld [tilespmem:s28+$0x1F0];
	[tilespmem:s26+$0xFFFFFFD0] =	vst v34  }
0x83: {  	v7 =	vld [tilespmem:s28+$0xFFFFFE00]  }
0x84: {  	v9 =	vld [tilespmem:s28+$0xFFFFFE10]  }
0x85: {  	v10 =	vld [tilespmem:s28+$0xFFFFFE20]  }
0x86: {  	v12 =	vld [tilespmem:s28+$0xFFFFFE30]  }
0x87: {  	v13 =	vld [tilespmem:s28+$0xFFFFFE40]  }
0x88: {  	v15 =	vld [tilespmem:s28+$0xFFFFFE50]  }
0x89: {  	v16 =	vld [tilespmem:s28+$0xFFFFFE60]  }
0x8a: {  	v20 =	vld [tilespmem:s28+$0xFFFFFE70]  }
0x8b: {  	v25 =	vld [tilespmem:s28+$0xFFFFFE80]  }
0x8c: {  	v4 =	vmax.f32 v4, v8;
	v8 =	vmax.f32 v17, v18;
	v26 =	vld [tilespmem:s28+$0xFFFFFE90]  }
0x8d: {  	v17 =	vmax.f32 v19, v21;
	v19 =	vmax.f32 v22, v23;
	v11 =	vmax.f32 v24, v11;
	v18 =	vld [tilespmem:s28+$0xFFFFFEA0]  }
0x8e: {  	v55 =	vmax.f32 v4, v8;
	v0 =	vmax.f32 v17, v19;
	v3 =	vmax.f32 v14, v3;
	v14 =	vld [tilespmem:s28+$0xFFFFFEB0]  }
0x8f: {  	v4 =	vld [tilespmem:s28+$0xFFFFFEC0];
	[tilespmem:$0x1FEF0] =	vst v0;
	v1 =	vmax.f32 v1, v6;
	v2 =	vmax.f32 v2, v5;
	v5 =	vmax.f32 v11, v3  }
0x90: {  	[tilespmem:$0x1FF00] =	vst v5;
	v3 =	vmax.f32 v1, v2  }
0x91: {  	[tilespmem:$0x1FF10] =	vst v3  }
0x92: {  	v2 =	vmax.f32 v55, v0;
	v3 =	vmax.f32 v5, v3;
	v1 =	vld [tilespmem:s28+$0xFFFFFED0]  }
0x93: {  	v5 =	vld [tilespmem:s28+$0xFFFFFEE0];
	v51 =	vmax.f32 v2, v3  }
0x94: {  	v2 =	vld [tilespmem:s28+$0xFFFFFEF0];
	[tilespmem:s26+$0x10] =	vst v51  }
0x95: {  	v3 =	vld [tilespmem:s28+$0x200]  }
0x96: {  	v6 =	vld [tilespmem:s28+$0x210]  }
0x97: {  	v8 =	vld [tilespmem:s28+$0x220]  }
0x98: {  	v11 =	vld [tilespmem:s28+$0x230]  }
0x99: {  	v17 =	vld [tilespmem:s28+$0x240]  }
0x9a: {  	v19 =	vld [tilespmem:s28+$0x250]  }
0x9b: {  	v21 =	vld [tilespmem:s28+$0x260]  }
0x9c: {  	v22 =	vld [tilespmem:s28+$0x270]  }
0x9d: {  	v7 =	vmax.f32 v7, v9;
	v9 =	vmax.f32 v10, v12;
	v23 =	vld [tilespmem:s28+$0x280]  }
0x9e: {  	v10 =	vmax.f32 v13, v15;
	v13 =	vmax.f32 v16, v20;
	v15 =	vmax.f32 v25, v26;
	v12 =	vld [tilespmem:s28+$0x290]  }
0x9f: {  	v14 =	vmax.f32 v18, v14;
	v56 =	vmax.f32 v7, v9;
	v0 =	vmax.f32 v10, v13;
	v16 =	vld [tilespmem:s28+$0x2A0]  }
0xa0: {  	v7 =	vmax.f32 v15, v14;
	v1 =	vmax.f32 v4, v1;
	v2 =	vmax.f32 v5, v2;
	v4 =	vld [tilespmem:s28+$0x2B0];
	[tilespmem:$0x1FE90] =	vst v0  }
0xa1: {  	[tilespmem:$0x1FEA0] =	vst v7;
	v5 =	vmax.f32 v1, v2  }
0xa2: {  	v2 =	vmax.f32 v56, v0;
	[tilespmem:$0x1FEB0] =	vst v5;
	v5 =	vmax.f32 v7, v5  }
0xa3: {  	v1 =	vld [tilespmem:s28+$0x2C0];
	v0 =	vmax.f32 v2, v5  }
0xa4: {  	v7 =	vld [tilespmem:s28+$0x2D0];
	[tilespmem:$0x1FF60] =	vst v0  }
0xa5: {  	[tilespmem:s26+$0xFFFFFFE0] =	vst v0  }
0xa6: {  	v0 =	vld [tilespmem:s28+$0xFFFFFF30]  }
0xa7: {  	v2 =	vld [tilespmem:s28+$0x2E0]  }
0xa8: {  	v5 =	vld [tilespmem:s28+$0x2F0]  }
0xa9: {  	v33 =	vld [tilespmem:s28+$0xFFFFFF00]  }
0xaa: {  	v36 =	vld [tilespmem:s28+$0xFFFFFF10]  }
0xab: {  	v54 =	vld [tilespmem:s28+$0xFFFFFF20];
	[tilespmem:$0x1FC60] =	vst v0  }
0xac: {  	v0 =	vld [tilespmem:s28+$0xFFFFFF40];
	_ =	sdelay $0x4  }
0xad: {  	[tilespmem:$0x1FC70] =	vst v0  }
0xae: {  	v0 =	vld [tilespmem:s28+$0xFFFFFF50];
	_ =	sdelay $0x4  }
0xaf: {  	[tilespmem:$0x1FC80] =	vst v0  }
0xb0: {  	v0 =	vld [tilespmem:s28+$0xFFFFFF60];
	_ =	sdelay $0x4  }
0xb1: {  	[tilespmem:$0x1FC90] =	vst v0  }
0xb2: {  	v0 =	vld [tilespmem:s28+$0xFFFFFF70];
	_ =	sdelay $0x4  }
0xb3: {  	[tilespmem:$0x1FCA0] =	vst v0  }
0xb4: {  	v0 =	vld [tilespmem:s28+$0xFFFFFF80];
	_ =	sdelay $0x4  }
0xb5: {  	[tilespmem:$0x1FCB0] =	vst v0  }
0xb6: {  	v0 =	vld [tilespmem:s28+$0xFFFFFF90];
	_ =	sdelay $0x4  }
0xb7: {  	[tilespmem:$0x1FCC0] =	vst v0  }
0xb8: {  	v0 =	vld [tilespmem:s28+$0xFFFFFFA0];
	_ =	sdelay $0x4  }
0xb9: {  	[tilespmem:$0x1FCD0] =	vst v0  }
0xba: {  	v0 =	vld [tilespmem:s28+$0xFFFFFFB0];
	_ =	sdelay $0x4  }
0xbb: {  	[tilespmem:$0x1FCE0] =	vst v0  }
0xbc: {  	v3 =	vmax.f32 v3, v6;
	v6 =	vmax.f32 v8, v11;
	v0 =	vld [tilespmem:s28+$0xFFFFFFC0]  }
0xbd: {  	v10 =	vmax.f32 v23, v12;
	v52 =	vmax.f32 v3, v6;
	v4 =	vmax.f32 v16, v4  }
0xbe: {  	v3 =	vmax.f32 v10, v4;
	v1 =	vmax.f32 v1, v7;
	v2 =	vmax.f32 v2, v5  }
0xbf: {  	v2 =	vmax.f32 v1, v2;
	[tilespmem:$0x1FF30] =	vst v3  }
0xc0: {  	v8 =	vmax.f32 v17, v19;
	v9 =	vmax.f32 v21, v22;
	[tilespmem:$0x1FF40] =	vst v2  }
0xc1: {  	[tilespmem:$0x1FCF0] =	vst v0;
	v0 =	vmax.f32 v8, v9  }
0xc2: {  	[tilespmem:$0x1FF20] =	vst v0  }
0xc3: {  	v1 =	vld [tilespmem:s28+$0xFFFFFFD0];
	_ =	sdelay $0x4  }
0xc4: {  	[tilespmem:$0x1FD00] =	vst v1  }
0xc5: {  	v1 =	vmax.f32 v52, v0;
	v0 =	vld [tilespmem:s28+$0xFFFFFFE0];
	_ =	sdelay $0x3  }
0xc6: {  	v2 =	vmax.f32 v3, v2  }
0xc7: {  	[tilespmem:$0x1FD10] =	vst v0;
	v0 =	vmax.f32 v1, v2  }
0xc8: {  	[tilespmem:$0x1FF70] =	vst v0  }
0xc9: {  	v1 =	vld [tilespmem:s28+$0xFFFFFFF0];
	_ =	sdelay $0x4  }
0xca: {  	[tilespmem:$0x1FD20] =	vst v1  }
0xcb: {  	[tilespmem:s26+$0x20] =	vst v0  }
0xcc: {  	v0 =	vld [tilespmem:s28+$0x300];
	_ =	sdelay $0x4  }
0xcd: {  	[tilespmem:$0x1FD30] =	vst v0  }
0xce: {  	v0 =	vld [tilespmem:s28+$0x310];
	_ =	sdelay $0x4  }
0xcf: {  	[tilespmem:$0x1FD40] =	vst v0  }
0xd0: {  	v0 =	vld [tilespmem:s28+$0x320];
	_ =	sdelay $0x4  }
0xd1: {  	[tilespmem:$0x1FD50] =	vst v0  }
0xd2: {  	v0 =	vld [tilespmem:s28+$0x330];
	_ =	sdelay $0x4  }
0xd3: {  	[tilespmem:$0x1FD60] =	vst v0  }
0xd4: {  	v0 =	vld [tilespmem:s28+$0x340];
	_ =	sdelay $0x4  }
0xd5: {  	[tilespmem:$0x1FD70] =	vst v0  }
0xd6: {  	v0 =	vld [tilespmem:s28+$0x350];
	_ =	sdelay $0x4  }
0xd7: {  	[tilespmem:$0x1FD80] =	vst v0  }
0xd8: {  	v0 =	vld [tilespmem:s28+$0x360];
	_ =	sdelay $0x4  }
0xd9: {  	[tilespmem:$0x1FD90] =	vst v0  }
0xda: {  	v0 =	vld [tilespmem:s28+$0x370];
	_ =	sdelay $0x4  }
0xdb: {  	[tilespmem:$0x1FDA0] =	vst v0  }
0xdc: {  	v0 =	vld [tilespmem:s28+$0x380];
	_ =	sdelay $0x4  }
0xdd: {  	[tilespmem:$0x1FDB0] =	vst v0  }
0xde: {  	v0 =	vld [tilespmem:s28+$0x390];
	_ =	sdelay $0x4  }
0xdf: {  	[tilespmem:$0x1FDC0] =	vst v0  }
0xe0: {  	v0 =	vld [tilespmem:s28+$0x3A0];
	_ =	sdelay $0x4  }
0xe1: {  	[tilespmem:$0x1FDD0] =	vst v0  }
0xe2: {  	v0 =	vld [tilespmem:s28+$0x3B0];
	_ =	sdelay $0x4  }
0xe3: {  	[tilespmem:$0x1FDE0] =	vst v0  }
0xe4: {  	v0 =	vld [tilespmem:s28+$0x3C0];
	_ =	sdelay $0x4  }
0xe5: {  	[tilespmem:$0x1FDF0] =	vst v0  }
0xe6: {  	v0 =	vld [tilespmem:s28+$0x3D0];
	_ =	sdelay $0x4  }
0xe7: {  	[tilespmem:$0x1FE00] =	vst v0  }
0xe8: {  	v0 =	vld [tilespmem:s28+$0x3E0];
	_ =	sdelay $0x4  }
0xe9: {  	[tilespmem:$0x1FE10] =	vst v0  }
0xea: {  	v0 =	vld [tilespmem:s28+$0x3F0];
	_ =	sdelay $0x4  }
0xeb: {  	s31 =	simm.s32 $0xC00;
	[tilespmem:$0x1FE20] =	vst v0  }
0xec: {  	v1 =	vld [tilespmem:s31+$0xFFFFFC00]  }
0xed: {  	v2 =	vld [tilespmem:s31+$0xFFFFFC10]  }
0xee: {  	v3 =	vld [tilespmem:s31+$0xFFFFFC20]  }
0xef: {  	v4 =	vld [tilespmem:s31+$0xFFFFFC30]  }
0xf0: {  	v5 =	vld [tilespmem:s31+$0xFFFFFC40]  }
0xf1: {  	v6 =	vld [tilespmem:s31+$0xFFFFFC50]  }
0xf2: {  	v7 =	vld [tilespmem:s31+$0xFFFFFC60]  }
0xf3: {  	v8 =	vld [tilespmem:s31+$0xFFFFFC70]  }
0xf4: {  	v10 =	vld [tilespmem:s31+$0xFFFFFC80]  }
0xf5: {  	v11 =	vld [tilespmem:s31+$0xFFFFFC90]  }
0xf6: {  	v12 =	vld [tilespmem:s31+$0xFFFFFCA0]  }
0xf7: {  	v14 =	vld [tilespmem:s31+$0xFFFFFCB0]  }
0xf8: {  	v15 =	vld [tilespmem:s31+$0xFFFFFCC0]  }
0xf9: {  	v17 =	vld [tilespmem:s31+$0xFFFFFCD0]  }
0xfa: {  	v19 =	vld [tilespmem:s31+$0xFFFFFCE0]  }
0xfb: {  	v20 =	vld [tilespmem:s31+$0xFFFFFCF0]  }
0xfc: {  	v21 =	vld [tilespmem:s31+$0x0]  }
0xfd: {  	v22 =	vld [tilespmem:s31+$0x10]  }
0xfe: {  	v23 =	vld [tilespmem:s31+$0x20]  }
0xff: {  	v24 =	vld [tilespmem:s31+$0x30]  }
0x100: {  	v26 =	vld [tilespmem:s31+$0x40]  }
0x101: {  	v30 =	vld [tilespmem:s31+$0x50]  }
0x102: {  	v35 =	vld [tilespmem:s31+$0x60]  }
0x103: {  	v37 =	vld [tilespmem:s31+$0x70];
	v1 =	vmax.f32 v1, v2;
	v2 =	vmax.f32 v3, v4;
	v3 =	vmax.f32 v5, v6  }
0x104: {  	v0 =	vld [tilespmem:s31+$0x80];
	v5 =	vmax.f32 v7, v8;
	v7 =	vmax.f32 v10, v11;
	v8 =	vmax.f32 v12, v14  }
0x105: {  	v4 =	vld [tilespmem:s31+$0x90];
	v11 =	vmax.f32 v19, v20;
	v6 =	vmax.f32 v1, v2;
	v1 =	vmax.f32 v15, v17  }
0x106: {  	v10 =	vld [tilespmem:s31+$0xA0];
	v5 =	vmax.f32 v3, v5;
	v2 =	vmax.f32 v7, v8;
	v1 =	vmax.f32 v1, v11  }
0x107: {  	v12 =	vld [tilespmem:s31+$0xB0];
	v7 =	vmax.f32 v6, v5;
	v8 =	vmax.f32 v2, v1  }
0x108: {  	v3 =	vld [tilespmem:s31+$0xC0];
	[tilespmem:$0x1FC50] =	vst v1;
	v1 =	vmax.f32 v7, v8  }
0x109: {  	v11 =	vld [tilespmem:s31+$0xD0];
	[tilespmem:$0x1FF90] =	vst v1  }
0x10a: {  	s28 =	simm.s32 $0x188C0;
	v7 =	vld [tilespmem:s31+$0xE0]  }
0x10b: {  	[tilespmem:s28+$0xFFFFFFC0] =	vst v1;
	v8 =	vld [tilespmem:s31+$0xF0]  }
0x10c: {  	v14 =	vld [tilespmem:s31+$0xFFFFFD00]  }
0x10d: {  	v15 =	vld [tilespmem:s31+$0xFFFFFD10]  }
0x10e: {  	v17 =	vld [tilespmem:s31+$0xFFFFFD20]  }
0x10f: {  	v19 =	vld [tilespmem:s31+$0xFFFFFD30]  }
0x110: {  	v20 =	vld [tilespmem:s31+$0xFFFFFD40]  }
0x111: {  	v62 =	vld [tilespmem:s31+$0xFFFFFD50]  }
0x112: {  	v9 =	vld [tilespmem:s31+$0xFFFFFD60]  }
0x113: {  	v21 =	vmax.f32 v21, v22;
	v22 =	vmax.f32 v23, v24;
	v23 =	vmax.f32 v26, v30;
	v63 =	vld [tilespmem:s31+$0xFFFFFD70]  }
0x114: {  	v26 =	vmax.f32 v35, v37;
	v0 =	vmax.f32 v0, v4;
	v4 =	vmax.f32 v10, v12;
	v61 =	vld [tilespmem:s31+$0xFFFFFD80]  }
0x115: {  	v10 =	vmax.f32 v21, v22;
	v24 =	vld [tilespmem:s31+$0xFFFFFD90];
	v3 =	vmax.f32 v3, v11;
	v7 =	vmax.f32 v7, v8  }
0x116: {  	v4 =	vmax.f32 v0, v4;
	v12 =	vld [tilespmem:s31+$0xFFFFFDA0];
	v8 =	vmax.f32 v23, v26;
	v3 =	vmax.f32 v3, v7  }
0x117: {  	v0 =	vld [tilespmem:s31+$0xFFFFFDC0];
	v21 =	vmax.f32 v10, v8;
	v22 =	vmax.f32 v4, v3  }
0x118: {  	v11 =	vld [tilespmem:s31+$0xFFFFFDB0];
	v1 =	vmax.f32 v21, v22  }
0x119: {  	v7 =	vld [tilespmem:s31+$0xFFFFFDD0];
	[tilespmem:$0x1FFB0] =	vst v1  }
0x11a: {  	v21 =	vld [tilespmem:s31+$0xFFFFFDE0]  }
0x11b: {  	[tilespmem:s28+$0x0] =	vst v1;
	v22 =	vld [tilespmem:s31+$0xFFFFFDF0]  }
0x11c: {  	v30 =	vld [tilespmem:s31+$0x100]  }
0x11d: {  	v46 =	vld [tilespmem:s31+$0x110]  }
0x11e: {  	v47 =	vld [tilespmem:s31+$0x120]  }
0x11f: {  	v26 =	vld [tilespmem:s31+$0x130]  }
0x120: {  	v23 =	vld [tilespmem:s31+$0x140]  }
0x121: {  	v60 =	vld [tilespmem:s31+$0x150]  }
0x122: {  	v59 =	vld [tilespmem:s31+$0x160]  }
0x123: {  	v14 =	vmax.f32 v14, v15;
	v15 =	vmax.f32 v17, v19;
	v19 =	vmax.f32 v20, v62;
	v57 =	vld [tilespmem:s31+$0x170]  }
0x124: {  	v9 =	vmax.f32 v9, v63;
	v24 =	vmax.f32 v61, v24;
	v17 =	vmax.f32 v14, v15;
	v58 =	vld [tilespmem:s31+$0x180]  }
0x125: {  	v11 =	vmax.f32 v12, v11;
	v20 =	vld [tilespmem:s31+$0x190];
	v0 =	vmax.f32 v0, v7;
	v7 =	vmax.f32 v21, v22  }
0x126: {  	v15 =	vmax.f32 v19, v9;
	v11 =	vmax.f32 v24, v11;
	v12 =	vld [tilespmem:s31+$0x1A0];
	v7 =	vmax.f32 v0, v7  }
0x127: {  	v14 =	vld [tilespmem:s31+$0x1B0];
	v0 =	vmax.f32 v17, v15;
	v19 =	vmax.f32 v11, v7  }
0x128: {  	v9 =	vld [tilespmem:s31+$0x1C0];
	v0 =	vmax.f32 v0, v19  }
0x129: {  	v22 =	vld [tilespmem:s31+$0x1D0];
	[tilespmem:$0x1FFA0] =	vst v0  }
0x12a: {  	v19 =	vld [tilespmem:s31+$0x1E0]  }
0x12b: {  	[tilespmem:s28+$0xFFFFFFD0] =	vst v0;
	v24 =	vld [tilespmem:s31+$0x1F0]  }
0x12c: {  	v61 =	vld [tilespmem:s31+$0xFFFFFE00]  }
0x12d: {  	v62 =	vld [tilespmem:s31+$0xFFFFFE10]  }
0x12e: {  	v63 =	vld [tilespmem:s31+$0xFFFFFE20]  }
0x12f: {  	v18 =	vld [tilespmem:s31+$0xFFFFFE30]  }
0x130: {  	v27 =	vld [tilespmem:s31+$0xFFFFFE40]  }
0x131: {  	v0 =	vld [tilespmem:s31+$0xFFFFFE50]  }
0x132: {  	v25 =	vld [tilespmem:s31+$0xFFFFFE60]  }
0x133: {  	v13 =	vld [tilespmem:s31+$0xFFFFFE70]  }
0x134: {  	v16 =	vld [tilespmem:s31+$0xFFFFFE80]  }
0x135: {  	v21 =	vmax.f32 v30, v46;
	v26 =	vmax.f32 v47, v26;
	v23 =	vmax.f32 v23, v60;
	v30 =	vld [tilespmem:s31+$0xFFFFFE90]  }
0x136: {  	v48 =	vmax.f32 v59, v57;
	v60 =	vmax.f32 v58, v20;
	v12 =	vmax.f32 v12, v14;
	v57 =	vld [tilespmem:s31+$0xFFFFFEA0]  }
0x137: {  	v21 =	vmax.f32 v21, v26;
	v9 =	vmax.f32 v9, v22;
	v22 =	vld [tilespmem:s31+$0xFFFFFEB0];
	v19 =	vmax.f32 v19, v24  }
0x138: {  	v20 =	vmax.f32 v23, v48;
	v14 =	vmax.f32 v60, v12;
	v26 =	vld [tilespmem:s31+$0xFFFFFEF0];
	v12 =	vmax.f32 v9, v19  }
0x139: {  	v23 =	vmax.f32 v21, v20;
	v9 =	vld [tilespmem:s31+$0xFFFFFEC0];
	v24 =	vmax.f32 v14, v12  }
0x13a: {  	v19 =	vld [tilespmem:s31+$0xFFFFFED0];
	v48 =	vmax.f32 v23, v24  }
0x13b: {  	v23 =	vld [tilespmem:s31+$0xFFFFFEE0];
	[tilespmem:s28+$0x10] =	vst v48  }
0x13c: {  	v58 =	vld [tilespmem:s31+$0x200]  }
0x13d: {  	v59 =	vld [tilespmem:s31+$0x210]  }
0x13e: {  	v60 =	vld [tilespmem:s31+$0x220]  }
0x13f: {  	v45 =	vld [tilespmem:s31+$0x230]  }
0x140: {  	v47 =	vld [tilespmem:s31+$0x240]  }
0x141: {  	v43 =	vld [tilespmem:s31+$0x250]  }
0x142: {  	v46 =	vld [tilespmem:s31+$0x260]  }
0x143: {  	v44 =	vld [tilespmem:s31+$0x270]  }
0x144: {  	v38 =	vmax.f32 v61, v62;
	v18 =	vmax.f32 v63, v18;
	v0 =	vmax.f32 v27, v0;
	v42 =	vld [tilespmem:s31+$0x280]  }
0x145: {  	v13 =	vmax.f32 v25, v13;
	v16 =	vmax.f32 v16, v30;
	v22 =	vmax.f32 v57, v22;
	v41 =	vld [tilespmem:s31+$0x290]  }
0x146: {  	v37 =	vmax.f32 v38, v18;
	v40 =	vld [tilespmem:s31+$0x2A0];
	v9 =	vmax.f32 v9, v19;
	v18 =	vmax.f32 v23, v26  }
0x147: {  	v30 =	vmax.f32 v0, v13;
	v22 =	vmax.f32 v16, v22;
	v38 =	vld [tilespmem:s31+$0x2B0];
	v19 =	vmax.f32 v9, v18  }
0x148: {  	v39 =	vld [tilespmem:s31+$0x2C0];
	v9 =	vmax.f32 v37, v30;
	v13 =	vmax.f32 v22, v19  }
0x149: {  	v31 =	vld [tilespmem:s31+$0x2D0];
	v35 =	vmax.f32 v9, v13  }
0x14a: {  	v0 =	vmax.f32 v28, v34;
	v29 =	vld [tilespmem:s31+$0x2E0];
	[tilespmem:s28+$0xFFFFFFE0] =	vst v35  }
0x14b: {  	v25 =	vld [tilespmem:s31+$0x2F0];
	[tilespmem:$0x1FF80] =	vst v0  }
0x14c: {  	v0 =	vld [tilespmem:s31+$0xFFFFFF00];
	_ =	sdelay $0x4  }
0x14d: {  	[tilespmem:$0x1FFC0] =	vst v0;
	v0 =	vld [tilespmem:$0x1FC60];
	_ =	sdelay $0x4  }
0x14e: {  	v34 =	vmax.f32 v54, v0;
	v0 =	vld [tilespmem:s31+$0xFFFFFF10];
	_ =	sdelay $0x3  }
0x14f: {  	v1 =	vld [tilespmem:$0x1FC80]  }
0x150: {  	[tilespmem:$0x1FFD0] =	vst v0;
	v0 =	vld [tilespmem:$0x1FC70];
	_ =	sdelay $0x4  }
0x151: {  	v62 =	vmax.f32 v0, v1;
	v0 =	vld [tilespmem:$0x1FC90]  }
0x152: {  	v1 =	vld [tilespmem:$0x1FCA0];
	_ =	sdelay $0x4  }
0x153: {  	v57 =	vmax.f32 v0, v1;
	v0 =	vld [tilespmem:$0x1FCB0]  }
0x154: {  	v1 =	vld [tilespmem:$0x1FCC0];
	_ =	sdelay $0x4  }
0x155: {  	v18 =	vmax.f32 v33, v36;
	v33 =	vmax.f32 v0, v1;
	v0 =	vld [tilespmem:s31+$0xFFFFFF20];
	_ =	sdelay $0x3  }
0x156: {  	v1 =	vld [tilespmem:$0x1FCE0]  }
0x157: {  	[tilespmem:$0x1FFE0] =	vst v0;
	v0 =	vld [tilespmem:$0x1FCD0];
	_ =	sdelay $0x4  }
0x158: {  	v27 =	vmax.f32 v0, v1;
	v0 =	vld [tilespmem:$0x1FCF0]  }
0x159: {  	v1 =	vld [tilespmem:$0x1FD00];
	_ =	sdelay $0x4  }
0x15a: {  	v36 =	vmax.f32 v0, v1;
	v0 =	vld [tilespmem:$0x1FD10]  }
0x15b: {  	v1 =	vld [tilespmem:$0x1FD20];
	_ =	sdelay $0x4  }
0x15c: {  	v28 =	vmax.f32 v0, v1;
	v0 =	vld [tilespmem:$0x1FD30]  }
0x15d: {  	v1 =	vld [tilespmem:$0x1FD40];
	_ =	sdelay $0x4  }
0x15e: {  	v51 =	vmax.f32 v32, v51;
	v32 =	vmax.f32 v0, v1;
	v1 =	vld [tilespmem:s31+$0xFFFFFF40];
	_ =	sdelay $0x2  }
0x15f: {  	v9 =	vld [tilespmem:$0x1FD60]  }
0x160: {  	v54 =	vld [tilespmem:s31+$0xFFFFFF30]  }
0x161: {  	[tilespmem:$0x1FFF0] =	vst v1;
	v1 =	vld [tilespmem:$0x1FD50];
	_ =	sdelay $0x4  }
0x162: {  	v24 =	vmax.f32 v1, v9;
	v1 =	vld [tilespmem:$0x1FD70]  }
0x163: {  	v9 =	vld [tilespmem:$0x1FD80];
	_ =	sdelay $0x4  }
0x164: {  	v26 =	vmax.f32 v1, v9;
	v1 =	vld [tilespmem:$0x1FD90]  }
0x165: {  	v9 =	vld [tilespmem:$0x1FDA0];
	_ =	sdelay $0x4  }
0x166: {  	v23 =	vmax.f32 v1, v9;
	v1 =	vld [tilespmem:$0x1FDB0]  }
0x167: {  	v9 =	vld [tilespmem:$0x1FDC0];
	_ =	sdelay $0x4  }
0x168: {  	v18 =	vmax.f32 v18, v34;
	v34 =	vmax.f32 v1, v9;
	v1 =	vld [tilespmem:$0x1FDD0]  }
0x169: {  	v9 =	vld [tilespmem:$0x1FDE0];
	_ =	sdelay $0x4  }
0x16a: {  	v13 =	vmax.f32 v1, v9;
	v1 =	vld [tilespmem:$0x1FDF0]  }
0x16b: {  	v9 =	vld [tilespmem:$0x1FE00]  }
0x16c: {  	v16 =	vimm.f32 $-Inf  }
0x16d: {  	v58 =	vmax.f32 v58, v59;
	v45 =	vmax.f32 v60, v45;
	v43 =	vmax.f32 v47, v43  }
0x16e: {  	v44 =	vmax.f32 v46, v44;
	v41 =	vmax.f32 v42, v41;
	v40 =	vmax.f32 v40, v38  }
0x16f: {  	v39 =	vmax.f32 v39, v31;
	v25 =	vmax.f32 v29, v25;
	v38 =	vmax.f32 v58, v45;
	v46 =	vld [tilespmem:$0x1FE20]  }
0x170: {  	v31 =	vmax.f32 v43, v44;
	v0 =	vmax.f32 v16, v49;
	v9 =	vmax.f32 v1, v9;
	v1 =	vld [tilespmem:$0x1FE10]  }
0x171: {  	v29 =	vmax.f32 v41, v40;
	v25 =	vmax.f32 v39, v25;
	v0 =	vmax.f32 v0, v50  }
0x172: {  	v41 =	vmax.f32 v29, v25;
	v0 =	vmax.f32 v0, v56;
	v56 =	vmax.f32 v38, v31  }
0x173: {  	v39 =	vmax.f32 v56, v41  }
0x174: {  	[tilespmem:s28+$0x20] =	vst v39  }
0x175: {  	v47 =	vmax.f32 v1, v46;
	v1 =	vld [tilespmem:$0x1FE30];
	_ =	sdelay $0x4  }
0x176: {  	v23 =	vmax.f32 v26, v23;
	v26 =	vmax.f32 v16, v1;
	v1 =	vld [tilespmem:$0x1FE40];
	_ =	sdelay $0x4  }
0x177: {  	v40 =	vmax.f32 v16, v1;
	v1 =	vld [tilespmem:$0x1FE50];
	_ =	sdelay $0x4  }
0x178: {  	v16 =	vmax.f32 v16, v1;
	v1 =	vld [tilespmem:$0x1FE60];
	_ =	sdelay $0x4  }
0x179: {  	v26 =	vmax.f32 v26, v1;
	v1 =	vld [tilespmem:$0x1FE70];
	_ =	sdelay $0x4  }
0x17a: {  	v42 =	vmax.f32 v40, v1;
	v1 =	vld [tilespmem:$0x1FE80];
	_ =	sdelay $0x4  }
0x17b: {  	v16 =	vmax.f32 v16, v1;
	v1 =	vld [tilespmem:$0x1FE90];
	_ =	sdelay $0x4  }
0x17c: {  	v26 =	vmax.f32 v26, v1;
	v1 =	vld [tilespmem:$0x1FEA0];
	_ =	sdelay $0x4  }
0x17d: {  	v44 =	vmax.f32 v42, v1;
	v1 =	vld [tilespmem:$0x1FEB0];
	_ =	sdelay $0x4  }
0x17e: {  	v16 =	vmax.f32 v16, v1;
	v1 =	vld [tilespmem:$0x1FEC0];
	_ =	sdelay $0x2  }
0x17f: {  	v62 =	vmax.f32 v62, v57  }
0x180: {  	v26 =	vmax.f32 v26, v62  }
0x181: {  	v26 =	vmax.f32 v26, v1;
	v1 =	vld [tilespmem:$0x1FED0];
	_ =	sdelay $0x2  }
0x182: {  	v43 =	vmax.f32 v33, v27  }
0x183: {  	v45 =	vmax.f32 v44, v43  }
0x184: {  	v46 =	vmax.f32 v45, v1;
	v1 =	vld [tilespmem:$0x1FEE0];
	_ =	sdelay $0x2  }
0x185: {  	v41 =	vmax.f32 v36, v28  }
0x186: {  	v16 =	vmax.f32 v16, v41  }
0x187: {  	v16 =	vmax.f32 v16, v1;
	v1 =	vld [tilespmem:$0x1FEF0];
	_ =	sdelay $0x4  }
0x188: {  	v26 =	vmax.f32 v26, v1;
	v1 =	vld [tilespmem:$0x1FF00]  }
0x189: {  	v61 =	vld [tilespmem:s31+$0xFFFFFF50]  }
0x18a: {  	v50 =	vld [tilespmem:s31+$0xFFFFFF60]  }
0x18b: {  	v49 =	vld [tilespmem:s31+$0xFFFFFF70]  }
0x18c: {  	v63 =	vld [tilespmem:s31+$0xFFFFFF80]  }
0x18d: {  	v9 =	vmax.f32 v9, v47;
	v47 =	vmax.f32 v46, v1;
	v1 =	vld [tilespmem:$0x1FF10]  }
0x18e: {  	v59 =	vld [tilespmem:s31+$0xFFFFFF90]  }
0x18f: {  	v60 =	vld [tilespmem:s31+$0xFFFFFFA0]  }
0x190: {  	v58 =	vld [tilespmem:s31+$0xFFFFFFB0]  }
0x191: {  	v57 =	vld [tilespmem:s31+$0xFFFFFFC0]  }
0x192: {  	v0 =	vmax.f32 v0, v18;
	v16 =	vmax.f32 v16, v1;
	v1 =	vld [tilespmem:$0x1FF20]  }
0x193: {  	v0 =	vmax.f32 v0, v53;
	v53 =	vld [tilespmem:s31+$0xFFFFFFD0]  }
0x194: {  	v56 =	vld [tilespmem:s31+$0xFFFFFFE0]  }
0x195: {  	v0 =	vmax.f32 v0, v55;
	v55 =	vld [tilespmem:s31+$0xFFFFFFF0]  }
0x196: {  	v27 =	vld [tilespmem:s31+$0x300]  }
0x197: {  	v26 =	vmax.f32 v26, v1;
	v1 =	vld [tilespmem:$0x1FF30]  }
0x198: {  	v28 =	vld [tilespmem:s31+$0x310]  }
0x199: {  	v24 =	vmax.f32 v32, v24;
	v32 =	vld [tilespmem:s31+$0x320]  }
0x19a: {  	v33 =	vld [tilespmem:s31+$0x330]  }
0x19b: {  	v13 =	vmax.f32 v34, v13;
	v34 =	vld [tilespmem:s31+$0x340]  }
0x19c: {  	v44 =	vmax.f32 v47, v1;
	v1 =	vld [tilespmem:$0x1FF40]  }
0x19d: {  	v36 =	vld [tilespmem:s31+$0x350]  }
0x19e: {  	v40 =	vld [tilespmem:s31+$0x360]  }
0x19f: {  	v42 =	vld [tilespmem:s31+$0x370]  }
0x1a0: {  	v0 =	vmax.f32 v0, v52;
	v52 =	vmax.f32 v18, v62;
	v62 =	vmax.f32 v43, v41;
	v43 =	vld [tilespmem:s31+$0x390]  }
0x1a1: {  	v41 =	vld [tilespmem:s31+$0x380];
	v46 =	vmax.f32 v16, v1  }
0x1a2: {  	v45 =	vld [tilespmem:s31+$0x3A0];
	v1 =	vmax.f32 v46, v9  }
0x1a3: {  	[tilespmem:$0x1FF50] =	vst v1;
	v1 =	vld [tilespmem:$0x1FF60];
	_ =	sdelay $0x2  }
0x1a4: {  	v18 =	vmax.f32 v0, v24;
	v0 =	vmax.f32 v24, v23  }
0x1a5: {  	v24 =	vmax.f32 v52, v62;
	v16 =	vmax.f32 v26, v23;
	v23 =	vmax.f32 v13, v9  }
0x1a6: {  	v0 =	vmax.f32 v0, v23;
	v23 =	vmax.f32 v1, v24;
	v1 =	vld [tilespmem:$0x1FF70];
	_ =	sdelay $0x3  }
0x1a7: {  	[tilespmem:s26+$0xFFFFFFF0] =	vst v24  }
0x1a8: {  	v26 =	vmax.f32 v1, v0;
	v1 =	vld [tilespmem:$0x1FF80];
	_ =	sdelay $0x3  }
0x1a9: {  	v9 =	vld [tilespmem:$0x1FFA0]  }
0x1aa: {  	v62 =	vmax.f32 v1, v23;
	v1 =	vld [tilespmem:$0x1FF90];
	[tilespmem:s26+$0x30] =	vst v0  }
0x1ab: {  	v0 =	vld [tilespmem:$0x1FFB0];
	_ =	sdelay $0x3  }
0x1ac: {  	v23 =	vmax.f32 v1, v9;
	v1 =	vld [tilespmem:$0x1FFD0]  }
0x1ad: {  	v24 =	vmax.f32 v0, v48;
	v0 =	vld [tilespmem:$0x1FFC0];
	_ =	sdelay $0x4  }
0x1ae: {  	v52 =	vmax.f32 v51, v26;
	v51 =	vmax.f32 v0, v1;
	v0 =	vld [tilespmem:$0x1FFE0];
	_ =	sdelay $0x2  }
0x1af: {  	s29 =	simm.s32 $0x19490  }
0x1b0: {  	[tilespmem:s29+$0xFFFFFFF0] =	vst v62  }
0x1b1: {  	v54 =	vmax.f32 v0, v54;
	v0 =	vld [tilespmem:$0x1FFF0]  }
0x1b2: {  	v13 =	vmax.f32 v44, v13;
	v44 =	vld [tilespmem:s31+$0x3B0]  }
0x1b3: {  	v46 =	vld [tilespmem:s31+$0x3C0]  }
0x1b4: {  	v47 =	vld [tilespmem:s31+$0x3D0]  }
0x1b5: {  	v49 =	vmax.f32 v50, v49;
	v53 =	vmax.f32 v57, v53;
	v55 =	vmax.f32 v56, v55;
	v50 =	vld [tilespmem:s31+$0x3E0]  }
0x1b6: {  	s30 =	simm.s32 $0x2;
	v56 =	vld [tilespmem:s31+$0x3F0];
	s31 =	simm.s32 $0x1400;
	v26 =	vmax.f32 v63, v59;
	s26 =	sshll.u32 s24, $0x1;
	[tilespmem:s29+$0x0] =	vst v52;
	v52 =	vmax.f32 v60, v58;
	v48 =	vmax.f32 v0, v61  }
.LBB2_3:
0x1b7: {  	v0 =	vld [tilespmem:s31+$0xFFFFFC00]  }
0x1b8: {  	v59 =	vld [tilespmem:s31+$0xFFFFFC40]  }
0x1b9: {  	v6 =	vmax.f32 v18, v6;
	v60 =	vmax.f32 v48, v49;
	v61 =	vld [tilespmem:s31+$0xFFFFFC50]  }
0x1ba: {  	v26 =	vmax.f32 v26, v52;
	v5 =	vmax.f32 v16, v5;
	v2 =	vmax.f32 v13, v2;
	v1 =	vld [tilespmem:$0x1FC50]  }
0x1bb: {  	v62 =	vmax.f32 v53, v55;
	v9 =	vld [tilespmem:$0x1FF50];
	v5 =	vmax.f32 v5, v15;
	v2 =	vmax.f32 v2, v11  }
0x1bc: {  	v6 =	vmax.f32 v6, v17;
	v11 =	vld [tilespmem:s31+$0xFFFFFCB0];
	v5 =	vmax.f32 v5, v30;
	v2 =	vmax.f32 v2, v22  }
0x1bd: {  	v15 =	vld [tilespmem:s31+$0xFFFFFCC0];
	v6 =	vmax.f32 v6, v37;
	v5 =	vmax.f32 v5, v60;
	v2 =	vmax.f32 v2, v26  }
0x1be: {  	v18 =	vmax.f32 v27, v28;
	v27 =	vmax.f32 v32, v33;
	v28 =	vld [tilespmem:s31+$0xFFFFFC10];
	v17 =	vmax.f32 v34, v36  }
0x1bf: {  	v63 =	vmax.f32 v40, v42;
	v33 =	vld [tilespmem:s31+$0xFFFFFC20];
	v34 =	vmax.f32 v51, v54;
	v51 =	vmax.f32 v41, v43  }
0x1c0: {  	v54 =	vld [tilespmem:s31+$0xFFFFFC30];
	v57 =	vmax.f32 v45, v44;
	v58 =	vmax.f32 v46, v47;
	v5 =	vmax.f32 v5, v8  }
0x1c1: {  	v41 =	vld [tilespmem:s31+$0xFFFFFC90];
	v2 =	vmax.f32 v2, v4;
	v6 =	vmax.f32 v6, v34;
	v1 =	vmax.f32 v9, v1  }
0x1c2: {  	v8 =	vld [tilespmem:s31+$0xFFFFFCF0];
	v27 =	vmax.f32 v18, v27;
	v17 =	vmax.f32 v17, v63;
	v1 =	vmax.f32 v1, v7  }
0x1c3: {  	v63 =	vld [tilespmem:s31+$0xFFFFFC70];
	v36 =	vmax.f32 v51, v57;
	v4 =	vmax.f32 v5, v20;
	v1 =	vmax.f32 v1, v19  }
0x1c4: {  	v2 =	vmax.f32 v2, v14;
	v5 =	vld [tilespmem:s31+$0xFFFFFCE0];
	v6 =	vmax.f32 v6, v10;
	v1 =	vmax.f32 v1, v62  }
0x1c5: {  	v14 =	vld [tilespmem:s31+$0x10];
	v10 =	vmax.f32 v50, v56;
	v4 =	vmax.f32 v4, v31;
	v1 =	vmax.f32 v1, v3  }
0x1c6: {  	v7 =	vld [tilespmem:s31+$0xFFFFFCA0];
	v2 =	vmax.f32 v2, v29;
	v6 =	vmax.f32 v6, v21;
	v1 =	vmax.f32 v1, v12  }
0x1c7: {  	v21 =	vld [tilespmem:s31+$0xFFFFFC60];
	v10 =	vmax.f32 v58, v10;
	v16 =	vmax.f32 v4, v17;
	v1 =	vmax.f32 v1, v25  }
0x1c8: {  	v13 =	vmax.f32 v2, v36;
	v4 =	vld [tilespmem:s31+$0x0];
	v6 =	vmax.f32 v6, v38;
	v1 =	vmax.f32 v1, v10  }
0x1c9: {  	v2 =	vmax.f32 v26, v62;
	v18 =	vmax.f32 v6, v27;
	v6 =	vld [tilespmem:s31+$0xFFFFFC80];
	[tilespmem:$0x1FF50] =	vst v1;
	v1 =	vmax.f32 v34, v60  }
0x1ca: {  	v3 =	vld [tilespmem:s31+$0xFFFFFCD0];
	v12 =	vmax.f32 v27, v17;
	v1 =	vmax.f32 v1, v2;
	v2 =	vmax.f32 v36, v10  }
0x1cb: {  	v10 =	vld [tilespmem:s31+$0x20];
	[tilespmem:s28+$0xFFFFFFF0] =	vst v1;
	v1 =	vmax.f32 v35, v1;
	v2 =	vmax.f32 v12, v2  }
0x1cc: {  	s29 =	sadd.s32 $0x20, s29;
	v12 =	vld [tilespmem:s31+$0x30];
	v1 =	vmax.f32 v23, v1;
	[tilespmem:s28+$0x30] =	vst v2;
	v2 =	vmax.f32 v39, v2  }
0x1cd: {  	v17 =	vld [tilespmem:s31+$0x40];
	[tilespmem:s29+$0xFFFFFFF0] =	vst v1;
	v1 =	vmax.f32 v24, v2  }
0x1ce: {  	v19 =	vld [tilespmem:s31+$0x50];
	[tilespmem:s29+$0x0] =	vst v1  }
0x1cf: {  	v20 =	vld [tilespmem:s31+$0x60]  }
0x1d0: {  	v22 =	vld [tilespmem:s31+$0x70]  }
0x1d1: {  	v23 =	vld [tilespmem:s31+$0x80]  }
0x1d2: {  	v0 =	vmax.f32 v0, v28;
	v7 =	vmax.f32 v7, v11;
	v21 =	vmax.f32 v21, v63;
	v24 =	vld [tilespmem:s31+$0x90]  }
0x1d3: {  	v25 =	vmax.f32 v6, v41;
	v2 =	vmax.f32 v59, v61;
	v1 =	vmax.f32 v33, v54;
	v11 =	vld [tilespmem:s31+$0xA0]  }
0x1d4: {  	v6 =	vmax.f32 v0, v1;
	v0 =	vmax.f32 v15, v3;
	v1 =	vmax.f32 v5, v8;
	v3 =	vld [tilespmem:s31+$0xB0]  }
0x1d5: {  	v5 =	vmax.f32 v2, v21;
	v2 =	vmax.f32 v25, v7;
	v15 =	vld [tilespmem:s31+$0xD0];
	v1 =	vmax.f32 v0, v1  }
0x1d6: {  	v0 =	vld [tilespmem:s31+$0xC0];
	v7 =	vmax.f32 v6, v5;
	v8 =	vmax.f32 v2, v1  }
0x1d7: {  	s28 =	sadd.s32 $0x80, s28;
	v21 =	vmax.f32 v7, v8;
	v7 =	vld [tilespmem:s31+$0xE0]  }
0x1d8: {  	v8 =	vld [tilespmem:s31+$0xF0];
	[tilespmem:s28+$0xFFFFFFC0] =	vst v21  }
0x1d9: {  	v25 =	vld [tilespmem:s31+$0xFFFFFD00]  }
0x1da: {  	v26 =	vld [tilespmem:s31+$0xFFFFFD10]  }
0x1db: {  	v27 =	vld [tilespmem:s31+$0xFFFFFD20]  }
0x1dc: {  	v28 =	vld [tilespmem:s31+$0xFFFFFD30]  }
0x1dd: {  	v29 =	vld [tilespmem:s31+$0xFFFFFD40]  }
0x1de: {  	v30 =	vld [tilespmem:s31+$0xFFFFFD50]  }
0x1df: {  	v31 =	vld [tilespmem:s31+$0xFFFFFD60]  }
0x1e0: {  	v46 =	vld [tilespmem:s31+$0xFFFFFD70]  }
0x1e1: {  	v4 =	vmax.f32 v4, v14;
	v10 =	vmax.f32 v10, v12;
	v47 =	vld [tilespmem:s31+$0xFFFFFD80]  }
0x1e2: {  	v10 =	vmax.f32 v4, v10;
	v48 =	vld [tilespmem:s31+$0xFFFFFD90]  }
0x1e3: {  	v12 =	vmax.f32 v17, v19;
	v14 =	vld [tilespmem:s31+$0xFFFFFDA0];
	v17 =	vmax.f32 v20, v22;
	v19 =	vmax.f32 v23, v24  }
0x1e4: {  	v3 =	vmax.f32 v11, v3;
	v11 =	vld [tilespmem:s31+$0xFFFFFDB0];
	v0 =	vmax.f32 v0, v15;
	v7 =	vmax.f32 v7, v8  }
0x1e5: {  	v15 =	vld [tilespmem:s31+$0xFFFFFDC0];
	v4 =	vmax.f32 v19, v3;
	v8 =	vmax.f32 v12, v17;
	v3 =	vmax.f32 v0, v7  }
0x1e6: {  	v19 =	vld [tilespmem:s31+$0xFFFFFDE0];
	v7 =	vmax.f32 v10, v8;
	v12 =	vmax.f32 v4, v3  }
0x1e7: {  	v0 =	vld [tilespmem:s31+$0xFFFFFDD0];
	v22 =	vmax.f32 v7, v12  }
0x1e8: {  	v7 =	vld [tilespmem:s31+$0xFFFFFDF0];
	[tilespmem:s28+$0x0] =	vst v22  }
0x1e9: {  	v12 =	vld [tilespmem:s31+$0x100]  }
0x1ea: {  	v20 =	vld [tilespmem:s31+$0x110]  }
0x1eb: {  	v24 =	vld [tilespmem:s31+$0x120]  }
0x1ec: {  	v49 =	vld [tilespmem:s31+$0x130]  }
0x1ed: {  	v50 =	vld [tilespmem:s31+$0x140]  }
0x1ee: {  	v51 =	vld [tilespmem:s31+$0x150]  }
0x1ef: {  	v52 =	vld [tilespmem:s31+$0x160]  }
0x1f0: {  	v53 =	vld [tilespmem:s31+$0x170]  }
0x1f1: {  	v54 =	vld [tilespmem:s31+$0x180]  }
0x1f2: {  	v17 =	vmax.f32 v25, v26;
	v23 =	vmax.f32 v27, v28;
	v25 =	vmax.f32 v29, v30;
	v26 =	vld [tilespmem:s31+$0x190]  }
0x1f3: {  	v27 =	vmax.f32 v31, v46;
	v28 =	vmax.f32 v47, v48;
	v11 =	vmax.f32 v14, v11;
	v14 =	vld [tilespmem:s31+$0x1A0]  }
0x1f4: {  	v11 =	vmax.f32 v28, v11;
	v28 =	vld [tilespmem:s31+$0x1F0];
	v0 =	vmax.f32 v15, v0;
	v7 =	vmax.f32 v19, v7  }
0x1f5: {  	v17 =	vmax.f32 v17, v23;
	v15 =	vmax.f32 v25, v27;
	v27 =	vld [tilespmem:s31+$0x1D0];
	v7 =	vmax.f32 v0, v7  }
0x1f6: {  	v23 =	vmax.f32 v17, v15;
	v19 =	vld [tilespmem:s31+$0x1B0];
	v25 =	vmax.f32 v11, v7  }
0x1f7: {  	v0 =	vld [tilespmem:s31+$0x1C0];
	v23 =	vmax.f32 v23, v25  }
0x1f8: {  	v25 =	vld [tilespmem:s31+$0x1E0];
	[tilespmem:s28+$0xFFFFFFD0] =	vst v23  }
0x1f9: {  	v29 =	vld [tilespmem:s31+$0xFFFFFE00]  }
0x1fa: {  	v30 =	vld [tilespmem:s31+$0xFFFFFE10]  }
0x1fb: {  	v31 =	vld [tilespmem:s31+$0xFFFFFE20]  }
0x1fc: {  	v55 =	vld [tilespmem:s31+$0xFFFFFE30]  }
0x1fd: {  	v56 =	vld [tilespmem:s31+$0xFFFFFE40]  }
0x1fe: {  	v57 =	vld [tilespmem:s31+$0xFFFFFE50]  }
0x1ff: {  	v58 =	vld [tilespmem:s31+$0xFFFFFE60]  }
0x200: {  	v59 =	vld [tilespmem:s31+$0xFFFFFE70]  }
0x201: {  	v12 =	vmax.f32 v12, v20;
	v60 =	vld [tilespmem:s31+$0xFFFFFE80]  }
0x202: {  	v20 =	vmax.f32 v24, v49;
	v24 =	vmax.f32 v50, v51;
	v63 =	vmax.f32 v52, v53;
	v61 =	vld [tilespmem:s31+$0xFFFFFE90]  }
0x203: {  	v26 =	vmax.f32 v54, v26;
	v23 =	vmax.f32 v21, v23;
	v21 =	vmax.f32 v12, v20;
	v62 =	vld [tilespmem:s31+$0xFFFFFEA0]  }
0x204: {  	v14 =	vmax.f32 v14, v19;
	v19 =	vld [tilespmem:s31+$0xFFFFFEB0];
	v0 =	vmax.f32 v0, v27;
	v12 =	vmax.f32 v25, v28  }
0x205: {  	v20 =	vmax.f32 v24, v63;
	v14 =	vmax.f32 v26, v14;
	v27 =	vld [tilespmem:s31+$0xFFFFFEE0];
	v12 =	vmax.f32 v0, v12  }
0x206: {  	v24 =	vmax.f32 v21, v20;
	v25 =	vld [tilespmem:s31+$0xFFFFFEC0];
	v26 =	vmax.f32 v14, v12  }
0x207: {  	v0 =	vld [tilespmem:s31+$0xFFFFFED0];
	v24 =	vmax.f32 v24, v26  }
0x208: {  	v26 =	vld [tilespmem:s31+$0xFFFFFEF0];
	[tilespmem:s28+$0x10] =	vst v24  }
0x209: {  	v28 =	vld [tilespmem:s31+$0x200]  }
0x20a: {  	v36 =	vld [tilespmem:s31+$0x210]  }
0x20b: {  	v38 =	vld [tilespmem:s31+$0x220]  }
0x20c: {  	v39 =	vld [tilespmem:s31+$0x230]  }
0x20d: {  	v40 =	vld [tilespmem:s31+$0x240]  }
0x20e: {  	v45 =	vld [tilespmem:s31+$0x250]  }
0x20f: {  	v46 =	vld [tilespmem:s31+$0x260]  }
0x210: {  	v47 =	vld [tilespmem:s31+$0x270]  }
0x211: {  	v41 =	vmax.f32 v58, v59;
	v48 =	vld [tilespmem:s31+$0x280]  }
0x212: {  	v24 =	vmax.f32 v22, v24;
	v22 =	vmax.f32 v29, v30;
	v29 =	vmax.f32 v31, v55;
	v31 =	vld [tilespmem:s31+$0x290]  }
0x213: {  	v42 =	vmax.f32 v60, v61;
	v19 =	vmax.f32 v62, v19;
	v30 =	vmax.f32 v56, v57;
	v43 =	vld [tilespmem:s31+$0x2A0]  }
0x214: {  	v37 =	vmax.f32 v22, v29;
	v29 =	vld [tilespmem:s31+$0x2D0];
	v0 =	vmax.f32 v25, v0;
	v25 =	vmax.f32 v27, v26  }
0x215: {  	v30 =	vmax.f32 v30, v41;
	v22 =	vmax.f32 v42, v19;
	v26 =	vld [tilespmem:s31+$0x2B0];
	v19 =	vmax.f32 v0, v25  }
0x216: {  	v0 =	vld [tilespmem:s31+$0x2C0];
	v25 =	vmax.f32 v37, v30;
	v27 =	vmax.f32 v22, v19  }
0x217: {  	v35 =	vmax.f32 v25, v27;
	v25 =	vld [tilespmem:s31+$0x2E0]  }
0x218: {  	v27 =	vld [tilespmem:s31+$0x2F0];
	[tilespmem:s28+$0xFFFFFFE0] =	vst v35  }
0x219: {  	v49 =	vld [tilespmem:s31+$0xFFFFFF00]  }
0x21a: {  	v50 =	vld [tilespmem:s31+$0xFFFFFF10]  }
0x21b: {  	v52 =	vld [tilespmem:s31+$0xFFFFFF20]  }
0x21c: {  	v53 =	vld [tilespmem:s31+$0xFFFFFF30]  }
0x21d: {  	v55 =	vld [tilespmem:s31+$0xFFFFFF40]  }
0x21e: {  	v56 =	vld [tilespmem:s31+$0xFFFFFF50]  }
0x21f: {  	v57 =	vld [tilespmem:s31+$0xFFFFFF60]  }
0x220: {  	v58 =	vld [tilespmem:s31+$0xFFFFFF70]  }
0x221: {  	v59 =	vld [tilespmem:s31+$0xFFFFFF80]  }
0x222: {  	v28 =	vmax.f32 v28, v36;
	v44 =	vmax.f32 v38, v39;
	v45 =	vmax.f32 v40, v45;
	v60 =	vld [tilespmem:s31+$0xFFFFFF90]  }
0x223: {  	v51 =	vmax.f32 v46, v47;
	v54 =	vmax.f32 v48, v31;
	v38 =	vmax.f32 v28, v44;
	v61 =	vld [tilespmem:s31+$0xFFFFFFA0]  }
0x224: {  	v26 =	vmax.f32 v43, v26;
	v62 =	vld [tilespmem:s31+$0xFFFFFFB0];
	v0 =	vmax.f32 v0, v29;
	v25 =	vmax.f32 v25, v27  }
0x225: {  	v31 =	vmax.f32 v45, v51;
	v63 =	vld [tilespmem:s31+$0xFFFFFFC0];
	v29 =	vmax.f32 v54, v26;
	v25 =	vmax.f32 v0, v25  }
0x226: {  	[tilespmem:$0x1FC50] =	vst v1;
	v1 =	vld [tilespmem:s31+$0xFFFFFFE0];
	v26 =	vmax.f32 v38, v31;
	v27 =	vmax.f32 v29, v25  }
0x227: {  	v9 =	vld [tilespmem:s31+$0xFFFFFFF0];
	v39 =	vmax.f32 v26, v27  }
0x228: {  	v0 =	vld [tilespmem:s31+$0xFFFFFFD0];
	[tilespmem:s28+$0x20] =	vst v39  }
0x229: {  	v27 =	vld [tilespmem:s31+$0x300]  }
0x22a: {  	v28 =	vld [tilespmem:s31+$0x310]  }
0x22b: {  	v32 =	vld [tilespmem:s31+$0x320]  }
0x22c: {  	v33 =	vld [tilespmem:s31+$0x330]  }
0x22d: {  	v34 =	vld [tilespmem:s31+$0x340]  }
0x22e: {  	v36 =	vld [tilespmem:s31+$0x350]  }
0x22f: {  	v40 =	vld [tilespmem:s31+$0x360]  }
0x230: {  	v42 =	vld [tilespmem:s31+$0x370]  }
0x231: {  	v41 =	vld [tilespmem:s31+$0x380]  }
0x232: {  	s30 =	sadd.s32 $0x2, s30;
	v43 =	vld [tilespmem:s31+$0x390]  }
0x233: {  	p0 =	slt.u32 s30, $0x2E;
	v45 =	vld [tilespmem:s31+$0x3A0]  }
.Ltmp4:
0x234: {  	v44 =	vld [tilespmem:s31+$0x3B0];
	(pc) =	sbr.rel @p0 .LBB2_3-.Ltmp4, $4  }
0x235: {  	v46 =	vld [tilespmem:s31+$0x3C0]  }
0x236: {  	v51 =	vmax.f32 v49, v50;
	v54 =	vmax.f32 v52, v53;
	v47 =	vld [tilespmem:s31+$0x3D0]  }
0x237: {  	v48 =	vmax.f32 v55, v56;
	v49 =	vmax.f32 v57, v58;
	v52 =	vmax.f32 v61, v62;
	v50 =	vld [tilespmem:s31+$0x3E0]  }
0x238: {  	v55 =	vmax.f32 v1, v9;
	v26 =	vmax.f32 v59, v60;
	v56 =	vld [tilespmem:s31+$0x3F0];
	s31 =	sadd.s32 $0x800, s31;
	v53 =	vmax.f32 v63, v0  }
0x239: {  	v0 =	vmax.f32 v27, v28;
	v1 =	vmax.f32 v32, v33;
	v9 =	vmax.f32 v34, v36  }
0x23a: {  	v62 =	vmax.f32 v40, v42;
	v32 =	vmax.f32 v51, v54;
	v63 =	vmax.f32 v41, v43  }
0x23b: {  	v45 =	vmax.f32 v45, v44;
	v40 =	vmax.f32 v48, v49;
	v42 =	vmax.f32 v26, v52  }
0x23c: {  	v27 =	vmax.f32 v53, v55;
	v0 =	vmax.f32 v0, v1;
	v1 =	vmax.f32 v9, v62  }
0x23d: {  	v9 =	vmax.f32 v63, v45;
	v51 =	vmax.f32 v46, v47;
	v54 =	vmax.f32 v50, v56  }
0x23e: {  	v57 =	vmax.f32 v42, v27;
	v56 =	vmax.f32 v32, v40;
	v26 =	vmax.f32 v51, v54  }
0x23f: {  	v58 =	vmax.f32 v0, v1;
	v28 =	vmax.f32 v56, v57;
	v59 =	vmax.f32 v9, v26  }
0x240: {  	[tilespmem:s28+$0xFFFFFFF0] =	vst v28;
	v28 =	vmax.f32 v35, v28;
	v33 =	vmax.f32 v58, v59  }
0x241: {  	v23 =	vmax.f32 v23, v28;
	[tilespmem:s28+$0x30] =	vst v33;
	v60 =	vmax.f32 v39, v33;
	s28 =	sadd.s32 $0x20, s29  }
0x242: {  	[tilespmem:s28+$0xFFFFFFF0] =	vst v23;
	v61 =	vmax.f32 v24, v60  }
0x243: {  	[tilespmem:s28+$0x0] =	vst v61  }
0x244: {  	v23 =	vld [tilespmem:$0xC000]  }
0x245: {  	v24 =	vld [tilespmem:$0xC010]  }
0x246: {  	v62 =	vld [tilespmem:$0xC020]  }
0x247: {  	v63 =	vld [tilespmem:$0xC030]  }
0x248: {  	v34 =	vld [tilespmem:$0xC040]  }
0x249: {  	v35 =	vld [tilespmem:$0xC050]  }
0x24a: {  	v36 =	vld [tilespmem:$0xC060]  }
0x24b: {  	v39 =	vld [tilespmem:$0xC070]  }
0x24c: {  	v41 =	vld [tilespmem:$0xC100]  }
0x24d: {  	v43 =	vld [tilespmem:$0xC110]  }
0x24e: {  	v44 =	vld [tilespmem:$0xC120]  }
0x24f: {  	v45 =	vld [tilespmem:$0xC130]  }
0x250: {  	v46 =	vld [tilespmem:$0xC140]  }
0x251: {  	v47 =	vld [tilespmem:$0xC150]  }
0x252: {  	v48 =	vld [tilespmem:$0xC160]  }
0x253: {  	v49 =	vld [tilespmem:$0xC170]  }
0x254: {  	v50 =	vld [tilespmem:$0xC200]  }
0x255: {  	v51 =	vld [tilespmem:$0xC210]  }
0x256: {  	v52 =	vld [tilespmem:$0xC220]  }
0x257: {  	v6 =	vmax.f32 v18, v6;
	v55 =	vld [tilespmem:$0xC230]  }
0x258: {  	v5 =	vmax.f32 v16, v5;
	v6 =	vmax.f32 v6, v17;
	v56 =	vld [tilespmem:$0xC240]  }
0x259: {  	v5 =	vmax.f32 v5, v15;
	v6 =	vmax.f32 v6, v37;
	v57 =	vld [tilespmem:$0xC250]  }
0x25a: {  	v5 =	vmax.f32 v5, v30;
	v6 =	vmax.f32 v6, v32;
	v58 =	vld [tilespmem:$0xC260]  }
0x25b: {  	v2 =	vmax.f32 v13, v2;
	v5 =	vmax.f32 v5, v40;
	v6 =	vmax.f32 v6, v10;
	v59 =	vld [tilespmem:$0xC270]  }
0x25c: {  	v2 =	vmax.f32 v2, v11;
	v5 =	vmax.f32 v5, v8;
	v6 =	vmax.f32 v6, v21;
	v60 =	vld [tilespmem:$0xC300]  }
0x25d: {  	v2 =	vmax.f32 v2, v22;
	v5 =	vmax.f32 v5, v20;
	v6 =	vmax.f32 v6, v38;
	v61 =	vld [tilespmem:$0xC310]  }
0x25e: {  	v2 =	vmax.f32 v2, v42;
	v20 =	vmax.f32 v5, v31;
	v0 =	vmax.f32 v6, v0;
	v6 =	vld [tilespmem:$0xC320]  }
0x25f: {  	v2 =	vmax.f32 v2, v4;
	v1 =	vmax.f32 v20, v1;
	v40 =	vld [tilespmem:$0xC350];
	v5 =	vmax.f32 v23, v24  }
0x260: {  	v62 =	vmax.f32 v62, v63;
	v63 =	vld [tilespmem:$0xC330];
	v37 =	vmax.f32 v34, v35;
	v38 =	vmax.f32 v36, v39  }
0x261: {  	v39 =	vld [tilespmem:$0xC340];
	v43 =	vmax.f32 v41, v43;
	v44 =	vmax.f32 v44, v45;
	v47 =	vmax.f32 v46, v47  }
0x262: {  	v45 =	vld [tilespmem:$0xC360];
	v48 =	vmax.f32 v48, v49;
	v50 =	vmax.f32 v50, v51;
	v18 =	vmax.f32 v52, v55  }
0x263: {  	v49 =	vld [tilespmem:$0xC370];
	v16 =	vmax.f32 v56, v57;
	v10 =	vmax.f32 v58, v59;
	v8 =	vmax.f32 v60, v61  }
0x264: {  	v53 =	vld [tilespmem:$0xC0A0];
	v5 =	vmax.f32 v5, v62;
	v20 =	vmax.f32 v37, v38;
	v28 =	vmax.f32 v43, v44  }
0x265: {  	v54 =	vld [tilespmem:$0xC0B0];
	v31 =	vmax.f32 v47, v48;
	v17 =	vmax.f32 v50, v18;
	v0 =	vmax.f32 v0, v5  }
0x266: {  	v4 =	vld [tilespmem:$0xC390];
	v10 =	vmax.f32 v16, v10;
	v1 =	vmax.f32 v1, v20;
	v0 =	vmax.f32 v0, v28  }
0x267: {  	v33 =	vld [tilespmem:$0xC3A0];
	v1 =	vmax.f32 v1, v31;
	v0 =	vmax.f32 v0, v17;
	v6 =	vmax.f32 v6, v63  }
0x268: {  	v42 =	vld [tilespmem:$0xC0F0];
	v55 =	vmax.f32 v39, v40;
	v56 =	vmax.f32 v45, v49;
	v6 =	vmax.f32 v8, v6  }
0x269: {  	v51 =	vld [tilespmem:$0xC080];
	v1 =	vmax.f32 v1, v10;
	v8 =	vmax.f32 v55, v56;
	v0 =	vmax.f32 v0, v6  }
0x26a: {  	v52 =	vld [tilespmem:$0xC090];
	v1 =	vmax.f32 v1, v8;
	(xrf1) =	vsort.dscd.msk.f32 $0xffff, v0, v0  }
0x26b: {  	v57 =	vld [tilespmem:$0xC180];
	(xrf1) =	vsort.ascd.msk.f32 $0xffff, v1, v1  }
0x26c: {  	v58 =	vld [tilespmem:$0xC190]  }
0x26d: {  	v59 =	vld [tilespmem:$0xC280]  }
0x26e: {  	v60 =	vld [tilespmem:$0xC290]  }
0x26f: {  	v61 =	vld [tilespmem:$0xC2A0]  }
0x270: {  	v34 =	vld [tilespmem:$0xC3B0]  }
0x271: {  	v0 =	vld [tilespmem:$0xC1A0]  }
0x272: {  	v1 =	vld [tilespmem:$0xC1B0]  }
0x273: {  	v2 =	vmax.f32 v2, v14;
	v62 =	vld [tilespmem:$0xC2B0]  }
0x274: {  	v2 =	vmax.f32 v2, v29;
	v63 =	vld [tilespmem:$0xC380]  }
0x275: {  	v2 =	vmax.f32 v2, v9;
	v37 =	vmax.f32 v53, v54;
	v38 =	vld [tilespmem:$0xC0C0]  }
0x276: {  	v47 =	vld [tilespmem:$0xC1D0];
	v36 =	vmax.f32 v51, v52;
	v39 =	vmax.f32 v57, v58;
	v13 =	vmax.f32 v59, v60  }
0x277: {  	v48 =	vld [tilespmem:$0xC1E0];
	v43 =	vmax.f32 v33, v34;
	v9 =	vmax.f32 v36, v37;
	v0 =	vmax.f32 v0, v1  }
0x278: {  	v50 =	vld [tilespmem:$0x1FC50];
	v11 =	vmax.f32 v61, v62;
	v2 =	vmax.f32 v2, v9;
	v0 =	vmax.f32 v39, v0;
	v41, _, _ =	vpop (xrf1)  }
0x279: {  	v53 =	vld [tilespmem:$0xC2E0];
	v11 =	vmax.f32 v13, v11;
	v4 =	vmax.f32 v63, v4;
	v2 =	vmax.f32 v2, v0;
	v44, _, _ =	vpop (xrf1)  }
0x27a: {  	v54 =	vld [tilespmem:$0xC2F0];
	v4 =	vmax.f32 v4, v43;
	v2 =	vmax.f32 v2, v11;
	v46 =	vmax.f32 v41, v44  }
0x27b: {  	v40 =	vld [tilespmem:$0xC0E0];
	v2 =	vmax.f32 v2, v4;
	(xrf1) =	vsort.dscd.msk.f32 $0xffff, v46, v46  }
0x27c: {  	v51 =	vld [tilespmem:$0x1FF50];
	(xrf1) =	vsort.ascd.msk.f32 $0xffff, v2, v2  }
0x27d: {  	v45 =	vld [tilespmem:$0xC1C0]  }
0x27e: {  	v49 =	vld [tilespmem:$0xC2C0]  }
0x27f: {  	v52 =	vld [tilespmem:$0xC2D0]  }
0x280: {  	v57 =	vld [tilespmem:$0xC3F0]  }
0x281: {  	v55 =	vld [tilespmem:$0xC3C0];
	v23 =	vmax.f32 v51, v50  }
0x282: {  	v7 =	vmax.f32 v23, v7;
	v1 =	vld [tilespmem:$0xC0D0]  }
0x283: {  	v7 =	vmax.f32 v7, v19;
	v2 =	vld [tilespmem:$0xC1F0]  }
0x284: {  	v56 =	vld [tilespmem:$0xC3E0];
	v7 =	vmax.f32 v7, v27  }
0x285: {  	v59 =	vmax.f32 v53, v54;
	v3 =	vmax.f32 v7, v3;
	v7 =	vld [tilespmem:$0xC3D0]  }
0x286: {  	v15 =	vmax.f32 v40, v42;
	v14 =	vmax.f32 v45, v47;
	v3 =	vmax.f32 v3, v12  }
0x287: {  	v58 =	vmax.f32 v49, v52;
	v3 =	vmax.f32 v3, v25;
	v1 =	vmax.f32 v38, v1  }
0x288: {  	v3 =	vmax.f32 v3, v26;
	v1 =	vmax.f32 v1, v15;
	v2 =	vmax.f32 v48, v2  }
0x289: {  	v13 =	vmax.f32 v58, v59;
	v3 =	vmax.f32 v3, v1;
	v2 =	vmax.f32 v14, v2;
	v60, _, _ =	vpop (xrf1)  }
0x28a: {  	v12 =	vmax.f32 v56, v57;
	v7 =	vmax.f32 v55, v7;
	v3 =	vmax.f32 v3, v2;
	v61, _, _ =	vpop (xrf1)  }
0x28b: {  	v7 =	vmax.f32 v7, v12;
	v3 =	vmax.f32 v3, v13;
	v62 =	vmax.f32 v60, v61  }
0x28c: {  	v3 =	vmax.f32 v3, v7;
	(xrf1) =	vsort.dscd.msk.f32 $0xffff, v62, v62  }
0x28d: {  	(xrf1) =	vsort.ascd.msk.f32 $0xffff, v3, v3;
	_ =	sdelay $0xc  }
0x28e: {  	v3, _, _ =	vpop (xrf1)  }
0x28f: {  	v63, _, _ =	vpop (xrf1)  }
0x290: {  	v3 =	vmax.f32 v3, v63  }
0x291: {  	(xrf1) =	vsort.dscd.msk.f32 $0xffff, v3, v3;
	_ =	sdelay $0xc  }
0x292: {  	v5 =	vmax.f32 v5, v20;
	v1 =	vmax.f32 v9, v1  }
0x293: {  	v4 =	vmax.f32 v4, v7;
	v1 =	vmax.f32 v5, v1;
	v3, _, _ =	vpop (xrf1)  }
0x294: {  	v5 =	vmax.f32 v6, v8;
	v0 =	vmax.f32 v0, v2;
	(xrf0) =	vmin.scan.msk.f32 $0xffff, v3;
	v3 =	vmax.f32 v28, v31  }
0x295: {  	v2 =	vmax.f32 v17, v10;
	v0 =	vmax.f32 v3, v0;
	v3 =	vmax.f32 v11, v13  }
0x296: {  	[tilespmem:$0x19400] =	vst v1;
	v2 =	vmax.f32 v2, v3;
	v3 =	vmax.f32 v5, v4  }
.Ltmp5:
0x297: {  	[tilespmem:$0x19410] =	vst v0;
	v0 =	vmax.f32 v1, v0;
	v1 =	vmax.f32 v2, v3;
	(pc) =	sbr.rel .LBB2_5-.Ltmp5, $4  }
0x298: {  	_ = 	snop  }
0x299: {  	[tilespmem:$0x19420] =	vst v2  }
0x29a: {  	[tilespmem:$0x19430] =	vst v3;
	v0 =	vmax.f32 v0, v1;
	v1, _, _ =	vpop (xrf0)  }
0x29b: {  	s30 =	simm.s32 $0x18820;
	s29 =	simm.s32 $0x200;
	s28 =	simm.s32 $0x0;
	v4 =	vimm.f32 $0.0e+00;
	v2 =	vimm.f32 $-Inf;
	[tilespmem:$0x19780] =	vst v0;
	v1 =	vbroadcast v1, $0xF  }
.LBB2_14:
0x29c: {  	s28 =	sadd.s32 $0x40, s28  }
0x29d: {  	p0 =	sne.s32 s28, $0xC40  }
.Ltmp6:
0x29e: {  	_ = 	snop;
	(pc) =	sbr.rel @!p0 .LBB2_15-.Ltmp6, $2  }
0x29f: {  	_ =	sdelay $0x2  }
0x2a0: {  	s29 =	sadd.s32 $0x400, s29;
	s30 =	sadd.s32 $0x40, s30  }
.LBB2_5:
0x2a1: {  	s31 =	sshra.s32 s28, $0x2  }
0x2a2: {  	v0 =	vld [tilespmem:s31+$0x19480];
	_ =	sdelay $0x4  }
0x2a3: {  	vm0 =	vge.f32 v0, v1  }
0x2a4: {  	v0 =	vsel vm0, $0x3F800000, v4  }
0x2a5: {  	(xrf0) =	vmax.scan.msk.f32 $0xffff, v0;
	_ =	sdelay $0x5  }
0x2a6: {  	v0, _, _ =	vpop (xrf0)  }
0x2a7: {  	(v2sf) =	vpush v0, $0xF;
	_ =	sdelay $0xe  }
0x2a8: {  	s31 =	spop (v2sf)  }
0x2a9: {  	p0 =	sgt.f32 s31, $0.0e+00  }
.Ltmp7:
0x2aa: {  	_ = 	snop;
	(pc) =	sbr.rel @!p0 .LBB2_14-.Ltmp7, $1  }
0x2ab: {  	_ =	sdelay $0x3  }
0x2ac: {  	v0 =	vld [tilespmem:s30+$0xFFFFFFE0];
	_ =	sdelay $0x4  }
0x2ad: {  	vm0 =	vge.f32 v0, v1  }
0x2ae: {  	v0 =	vsel vm0, $0x3F800000, v4  }
0x2af: {  	(xrf0) =	vmax.scan.msk.f32 $0xffff, v0;
	_ =	sdelay $0x5  }
0x2b0: {  	v0, _, _ =	vpop (xrf0)  }
0x2b1: {  	(v2sf) =	vpush v0, $0xF;
	_ =	sdelay $0xe  }
0x2b2: {  	s31 =	spop (v2sf)  }
0x2b3: {  	p0 =	sgt.f32 s31, $0.0e+00  }
.Ltmp8:
0x2b4: {  	_ = 	snop;
	(pc) =	sbr.rel @!p0 .LBB2_8-.Ltmp8, $1  }
0x2b5: {  	_ =	sdelay $0x3  }
0x2b6: {  	v0 =	vld [tilespmem:s29+$0xFFFFFE00];
	_ =	sdelay $0x4  }
0x2b7: {  	(xrf1) =	vsort.ascd.msk.f32 $0xffff, v0, v0;
	_ =	sdelay $0xb  }
0x2b8: {  	v0 =	vld [tilespmem:s29+$0xFFFFFE10];
	_ =	sdelay $0x1  }
0x2b9: {  	v3, _, _ =	vpop (xrf1)  }
0x2ba: {  	v2 =	vmax.f32 v2, v3  }
0x2bb: {  	(xrf1) =	vsort.dscd.msk.f32 $0xffff, v2, v2  }
0x2bc: {  	(xrf1) =	vsort.ascd.msk.f32 $0xffff, v0, v0;
	_ =	sdelay $0xb  }
0x2bd: {  	v0 =	vld [tilespmem:s29+$0xFFFFFE20]  }
0x2be: {  	v2, _, _ =	vpop (xrf1)  }
0x2bf: {  	v3, _, _ =	vpop (xrf1)  }
0x2c0: {  	v2 =	vmax.f32 v2, v3  }
0x2c1: {  	(xrf1) =	vsort.dscd.msk.f32 $0xffff, v2, v2  }
0x2c2: {  	(xrf1) =	vsort.ascd.msk.f32 $0xffff, v0, v0;
	_ =	sdelay $0xb  }
0x2c3: {  	v0 =	vld [tilespmem:s29+$0xFFFFFE30]  }
0x2c4: {  	v2, _, _ =	vpop (xrf1)  }
0x2c5: {  	v3, _, _ =	vpop (xrf1)  }
0x2c6: {  	v2 =	vmax.f32 v2, v3  }
0x2c7: {  	(xrf1) =	vsort.dscd.msk.f32 $0xffff, v2, v2  }
0x2c8: {  	(xrf1) =	vsort.ascd.msk.f32 $0xffff, v0, v0;
	_ =	sdelay $0xb  }
0x2c9: {  	v0 =	vld [tilespmem:s29+$0xFFFFFE40]  }
0x2ca: {  	v2, _, _ =	vpop (xrf1)  }
0x2cb: {  	v3, _, _ =	vpop (xrf1)  }
0x2cc: {  	v2 =	vmax.f32 v2, v3  }
0x2cd: {  	(xrf1) =	vsort.dscd.msk.f32 $0xffff, v2, v2  }
0x2ce: {  	(xrf1) =	vsort.ascd.msk.f32 $0xffff, v0, v0;
	_ =	sdelay $0xb  }
0x2cf: {  	v0 =	vld [tilespmem:s29+$0xFFFFFE50]  }
0x2d0: {  	v2, _, _ =	vpop (xrf1)  }
0x2d1: {  	v3, _, _ =	vpop (xrf1)  }
0x2d2: {  	v2 =	vmax.f32 v2, v3  }
0x2d3: {  	(xrf1) =	vsort.dscd.msk.f32 $0xffff, v2, v2  }
0x2d4: {  	(xrf1) =	vsort.ascd.msk.f32 $0xffff, v0, v0;
	_ =	sdelay $0xb  }
0x2d5: {  	v0 =	vld [tilespmem:s29+$0xFFFFFE60]  }
0x2d6: {  	v2, _, _ =	vpop (xrf1)  }
0x2d7: {  	v3, _, _ =	vpop (xrf1)  }
0x2d8: {  	v2 =	vmax.f32 v2, v3  }
0x2d9: {  	(xrf1) =	vsort.dscd.msk.f32 $0xffff, v2, v2  }
0x2da: {  	(xrf1) =	vsort.ascd.msk.f32 $0xffff, v0, v0;
	_ =	sdelay $0xb  }
0x2db: {  	v0 =	vld [tilespmem:s29+$0xFFFFFE70]  }
0x2dc: {  	v2, _, _ =	vpop (xrf1)  }
0x2dd: {  	v3, _, _ =	vpop (xrf1)  }
0x2de: {  	v2 =	vmax.f32 v2, v3  }
0x2df: {  	(xrf1) =	vsort.dscd.msk.f32 $0xffff, v2, v2  }
0x2e0: {  	(xrf1) =	vsort.ascd.msk.f32 $0xffff, v0, v0;
	_ =	sdelay $0xb  }
0x2e1: {  	v0 =	vld [tilespmem:s29+$0xFFFFFE80]  }
0x2e2: {  	v2, _, _ =	vpop (xrf1)  }
0x2e3: {  	v3, _, _ =	vpop (xrf1)  }
0x2e4: {  	v2 =	vmax.f32 v2, v3  }
0x2e5: {  	(xrf1) =	vsort.dscd.msk.f32 $0xffff, v2, v2  }
0x2e6: {  	(xrf1) =	vsort.ascd.msk.f32 $0xffff, v0, v0;
	_ =	sdelay $0xb  }
0x2e7: {  	v0 =	vld [tilespmem:s29+$0xFFFFFE90]  }
0x2e8: {  	v2, _, _ =	vpop (xrf1)  }
0x2e9: {  	v3, _, _ =	vpop (xrf1)  }
0x2ea: {  	v2 =	vmax.f32 v2, v3  }
0x2eb: {  	(xrf1) =	vsort.dscd.msk.f32 $0xffff, v2, v2  }
0x2ec: {  	(xrf1) =	vsort.ascd.msk.f32 $0xffff, v0, v0;
	_ =	sdelay $0xb  }
0x2ed: {  	v0 =	vld [tilespmem:s29+$0xFFFFFEA0]  }
0x2ee: {  	v2, _, _ =	vpop (xrf1)  }
0x2ef: {  	v3, _, _ =	vpop (xrf1)  }
0x2f0: {  	v2 =	vmax.f32 v2, v3  }
0x2f1: {  	(xrf1) =	vsort.dscd.msk.f32 $0xffff, v2, v2  }
0x2f2: {  	(xrf1) =	vsort.ascd.msk.f32 $0xffff, v0, v0;
	_ =	sdelay $0xb  }
0x2f3: {  	v0 =	vld [tilespmem:s29+$0xFFFFFEB0]  }
0x2f4: {  	v2, _, _ =	vpop (xrf1)  }
0x2f5: {  	v3, _, _ =	vpop (xrf1)  }
0x2f6: {  	v2 =	vmax.f32 v2, v3  }
0x2f7: {  	(xrf1) =	vsort.dscd.msk.f32 $0xffff, v2, v2  }
0x2f8: {  	(xrf1) =	vsort.ascd.msk.f32 $0xffff, v0, v0;
	_ =	sdelay $0xb  }
0x2f9: {  	v0 =	vld [tilespmem:s29+$0xFFFFFEC0]  }
0x2fa: {  	v2, _, _ =	vpop (xrf1)  }
0x2fb: {  	v3, _, _ =	vpop (xrf1)  }
0x2fc: {  	v2 =	vmax.f32 v2, v3  }
0x2fd: {  	(xrf1) =	vsort.dscd.msk.f32 $0xffff, v2, v2  }
0x2fe: {  	(xrf1) =	vsort.ascd.msk.f32 $0xffff, v0, v0;
	_ =	sdelay $0xb  }
0x2ff: {  	v0 =	vld [tilespmem:s29+$0xFFFFFED0]  }
0x300: {  	v2, _, _ =	vpop (xrf1)  }
0x301: {  	v3, _, _ =	vpop (xrf1)  }
0x302: {  	v2 =	vmax.f32 v2, v3  }
0x303: {  	(xrf1) =	vsort.dscd.msk.f32 $0xffff, v2, v2  }
0x304: {  	(xrf1) =	vsort.ascd.msk.f32 $0xffff, v0, v0;
	_ =	sdelay $0xb  }
0x305: {  	v0 =	vld [tilespmem:s29+$0xFFFFFEE0]  }
0x306: {  	v2, _, _ =	vpop (xrf1)  }
0x307: {  	v3, _, _ =	vpop (xrf1)  }
0x308: {  	v2 =	vmax.f32 v2, v3  }
0x309: {  	(xrf1) =	vsort.dscd.msk.f32 $0xffff, v2, v2  }
0x30a: {  	(xrf1) =	vsort.ascd.msk.f32 $0xffff, v0, v0;
	_ =	sdelay $0xb  }
0x30b: {  	v0 =	vld [tilespmem:s29+$0xFFFFFEF0]  }
0x30c: {  	v2, _, _ =	vpop (xrf1)  }
0x30d: {  	v3, _, _ =	vpop (xrf1)  }
0x30e: {  	v2 =	vmax.f32 v2, v3  }
0x30f: {  	(xrf1) =	vsort.dscd.msk.f32 $0xffff, v2, v2  }
0x310: {  	(xrf1) =	vsort.ascd.msk.f32 $0xffff, v0, v0;
	_ =	sdelay $0xc  }
0x311: {  	v0, _, _ =	vpop (xrf1)  }
0x312: {  	v2, _, _ =	vpop (xrf1)  }
0x313: {  	v0 =	vmax.f32 v0, v2  }
0x314: {  	(xrf1) =	vsort.dscd.msk.f32 $0xffff, v0, v0;
	_ =	sdelay $0xd  }
0x315: {  	v2, _, _ =	vpop (xrf1)  }
.LBB2_8:
0x316: {  	v0 =	vld [tilespmem:s30+$0xFFFFFFF0];
	_ =	sdelay $0x4  }
0x317: {  	vm0 =	vge.f32 v0, v1  }
0x318: {  	v0 =	vsel vm0, $0x3F800000, v4  }
0x319: {  	(xrf0) =	vmax.scan.msk.f32 $0xffff, v0;
	_ =	sdelay $0x5  }
0x31a: {  	v0, _, _ =	vpop (xrf0)  }
0x31b: {  	(v2sf) =	vpush v0, $0xF;
	_ =	sdelay $0xe  }
0x31c: {  	s31 =	spop (v2sf)  }
0x31d: {  	p0 =	sgt.f32 s31, $0.0e+00  }
.Ltmp9:
0x31e: {  	_ = 	snop;
	(pc) =	sbr.rel @!p0 .LBB2_10-.Ltmp9, $1  }
0x31f: {  	_ =	sdelay $0x3  }
0x320: {  	v0 =	vld [tilespmem:s29+$0xFFFFFF00];
	_ =	sdelay $0x4  }
0x321: {  	(xrf1) =	vsort.ascd.msk.f32 $0xffff, v0, v0;
	_ =	sdelay $0xb  }
0x322: {  	v0 =	vld [tilespmem:s29+$0xFFFFFF10];
	_ =	sdelay $0x1  }
0x323: {  	v3, _, _ =	vpop (xrf1)  }
0x324: {  	v2 =	vmax.f32 v2, v3  }
0x325: {  	(xrf1) =	vsort.dscd.msk.f32 $0xffff, v2, v2  }
0x326: {  	(xrf1) =	vsort.ascd.msk.f32 $0xffff, v0, v0;
	_ =	sdelay $0xb  }
0x327: {  	v0 =	vld [tilespmem:s29+$0xFFFFFF20]  }
0x328: {  	v2, _, _ =	vpop (xrf1)  }
0x329: {  	v3, _, _ =	vpop (xrf1)  }
0x32a: {  	v2 =	vmax.f32 v2, v3  }
0x32b: {  	(xrf1) =	vsort.dscd.msk.f32 $0xffff, v2, v2  }
0x32c: {  	(xrf1) =	vsort.ascd.msk.f32 $0xffff, v0, v0;
	_ =	sdelay $0xb  }
0x32d: {  	v0 =	vld [tilespmem:s29+$0xFFFFFF30]  }
0x32e: {  	v2, _, _ =	vpop (xrf1)  }
0x32f: {  	v3, _, _ =	vpop (xrf1)  }
0x330: {  	v2 =	vmax.f32 v2, v3  }
0x331: {  	(xrf1) =	vsort.dscd.msk.f32 $0xffff, v2, v2  }
0x332: {  	(xrf1) =	vsort.ascd.msk.f32 $0xffff, v0, v0;
	_ =	sdelay $0xb  }
0x333: {  	v0 =	vld [tilespmem:s29+$0xFFFFFF40]  }
0x334: {  	v2, _, _ =	vpop (xrf1)  }
0x335: {  	v3, _, _ =	vpop (xrf1)  }
0x336: {  	v2 =	vmax.f32 v2, v3  }
0x337: {  	(xrf1) =	vsort.dscd.msk.f32 $0xffff, v2, v2  }
0x338: {  	(xrf1) =	vsort.ascd.msk.f32 $0xffff, v0, v0;
	_ =	sdelay $0xb  }
0x339: {  	v0 =	vld [tilespmem:s29+$0xFFFFFF50]  }
0x33a: {  	v2, _, _ =	vpop (xrf1)  }
0x33b: {  	v3, _, _ =	vpop (xrf1)  }
0x33c: {  	v2 =	vmax.f32 v2, v3  }
0x33d: {  	(xrf1) =	vsort.dscd.msk.f32 $0xffff, v2, v2  }
0x33e: {  	(xrf1) =	vsort.ascd.msk.f32 $0xffff, v0, v0;
	_ =	sdelay $0xb  }
0x33f: {  	v0 =	vld [tilespmem:s29+$0xFFFFFF60]  }
0x340: {  	v2, _, _ =	vpop (xrf1)  }
0x341: {  	v3, _, _ =	vpop (xrf1)  }
0x342: {  	v2 =	vmax.f32 v2, v3  }
0x343: {  	(xrf1) =	vsort.dscd.msk.f32 $0xffff, v2, v2  }
0x344: {  	(xrf1) =	vsort.ascd.msk.f32 $0xffff, v0, v0;
	_ =	sdelay $0xb  }
0x345: {  	v0 =	vld [tilespmem:s29+$0xFFFFFF70]  }
0x346: {  	v2, _, _ =	vpop (xrf1)  }
0x347: {  	v3, _, _ =	vpop (xrf1)  }
0x348: {  	v2 =	vmax.f32 v2, v3  }
0x349: {  	(xrf1) =	vsort.dscd.msk.f32 $0xffff, v2, v2  }
0x34a: {  	(xrf1) =	vsort.ascd.msk.f32 $0xffff, v0, v0;
	_ =	sdelay $0xb  }
0x34b: {  	v0 =	vld [tilespmem:s29+$0xFFFFFF80]  }
0x34c: {  	v2, _, _ =	vpop (xrf1)  }
0x34d: {  	v3, _, _ =	vpop (xrf1)  }
0x34e: {  	v2 =	vmax.f32 v2, v3  }
0x34f: {  	(xrf1) =	vsort.dscd.msk.f32 $0xffff, v2, v2  }
0x350: {  	(xrf1) =	vsort.ascd.msk.f32 $0xffff, v0, v0;
	_ =	sdelay $0xb  }
0x351: {  	v0 =	vld [tilespmem:s29+$0xFFFFFF90]  }
0x352: {  	v2, _, _ =	vpop (xrf1)  }
0x353: {  	v3, _, _ =	vpop (xrf1)  }
0x354: {  	v2 =	vmax.f32 v2, v3  }
0x355: {  	(xrf1) =	vsort.dscd.msk.f32 $0xffff, v2, v2  }
0x356: {  	(xrf1) =	vsort.ascd.msk.f32 $0xffff, v0, v0;
	_ =	sdelay $0xb  }
0x357: {  	v0 =	vld [tilespmem:s29+$0xFFFFFFA0]  }
0x358: {  	v2, _, _ =	vpop (xrf1)  }
0x359: {  	v3, _, _ =	vpop (xrf1)  }
0x35a: {  	v2 =	vmax.f32 v2, v3  }
0x35b: {  	(xrf1) =	vsort.dscd.msk.f32 $0xffff, v2, v2  }
0x35c: {  	(xrf1) =	vsort.ascd.msk.f32 $0xffff, v0, v0;
	_ =	sdelay $0xb  }
0x35d: {  	v0 =	vld [tilespmem:s29+$0xFFFFFFB0]  }
0x35e: {  	v2, _, _ =	vpop (xrf1)  }
0x35f: {  	v3, _, _ =	vpop (xrf1)  }
0x360: {  	v2 =	vmax.f32 v2, v3  }
0x361: {  	(xrf1) =	vsort.dscd.msk.f32 $0xffff, v2, v2  }
0x362: {  	(xrf1) =	vsort.ascd.msk.f32 $0xffff, v0, v0;
	_ =	sdelay $0xb  }
0x363: {  	v0 =	vld [tilespmem:s29+$0xFFFFFFC0]  }
0x364: {  	v2, _, _ =	vpop (xrf1)  }
0x365: {  	v3, _, _ =	vpop (xrf1)  }
0x366: {  	v2 =	vmax.f32 v2, v3  }
0x367: {  	(xrf1) =	vsort.dscd.msk.f32 $0xffff, v2, v2  }
0x368: {  	(xrf1) =	vsort.ascd.msk.f32 $0xffff, v0, v0;
	_ =	sdelay $0xb  }
0x369: {  	v0 =	vld [tilespmem:s29+$0xFFFFFFD0]  }
0x36a: {  	v2, _, _ =	vpop (xrf1)  }
0x36b: {  	v3, _, _ =	vpop (xrf1)  }
0x36c: {  	v2 =	vmax.f32 v2, v3  }
0x36d: {  	(xrf1) =	vsort.dscd.msk.f32 $0xffff, v2, v2  }
0x36e: {  	(xrf1) =	vsort.ascd.msk.f32 $0xffff, v0, v0;
	_ =	sdelay $0xb  }
0x36f: {  	v0 =	vld [tilespmem:s29+$0xFFFFFFE0]  }
0x370: {  	v2, _, _ =	vpop (xrf1)  }
0x371: {  	v3, _, _ =	vpop (xrf1)  }
0x372: {  	v2 =	vmax.f32 v2, v3  }
0x373: {  	(xrf1) =	vsort.dscd.msk.f32 $0xffff, v2, v2  }
0x374: {  	(xrf1) =	vsort.ascd.msk.f32 $0xffff, v0, v0;
	_ =	sdelay $0xb  }
0x375: {  	v0 =	vld [tilespmem:s29+$0xFFFFFFF0]  }
0x376: {  	v2, _, _ =	vpop (xrf1)  }
0x377: {  	v3, _, _ =	vpop (xrf1)  }
0x378: {  	v2 =	vmax.f32 v2, v3  }
0x379: {  	(xrf1) =	vsort.dscd.msk.f32 $0xffff, v2, v2  }
0x37a: {  	(xrf1) =	vsort.ascd.msk.f32 $0xffff, v0, v0;
	_ =	sdelay $0xc  }
0x37b: {  	v0, _, _ =	vpop (xrf1)  }
0x37c: {  	v2, _, _ =	vpop (xrf1)  }
0x37d: {  	v0 =	vmax.f32 v0, v2  }
0x37e: {  	(xrf1) =	vsort.dscd.msk.f32 $0xffff, v0, v0;
	_ =	sdelay $0xd  }
0x37f: {  	v2, _, _ =	vpop (xrf1)  }
.LBB2_10:
0x380: {  	v0 =	vld [tilespmem:s30+$0x0];
	_ =	sdelay $0x4  }
0x381: {  	vm0 =	vge.f32 v0, v1  }
0x382: {  	v0 =	vsel vm0, $0x3F800000, v4  }
0x383: {  	(xrf0) =	vmax.scan.msk.f32 $0xffff, v0;
	_ =	sdelay $0x5  }
0x384: {  	v0, _, _ =	vpop (xrf0)  }
0x385: {  	(v2sf) =	vpush v0, $0xF;
	_ =	sdelay $0xe  }
0x386: {  	s31 =	spop (v2sf)  }
0x387: {  	p0 =	sgt.f32 s31, $0.0e+00  }
.Ltmp10:
0x388: {  	_ = 	snop;
	(pc) =	sbr.rel @!p0 .LBB2_12-.Ltmp10, $1  }
0x389: {  	_ =	sdelay $0x3  }
0x38a: {  	v0 =	vld [tilespmem:s29+$0x0];
	_ =	sdelay $0x4  }
0x38b: {  	(xrf1) =	vsort.ascd.msk.f32 $0xffff, v0, v0;
	_ =	sdelay $0xb  }
0x38c: {  	v0 =	vld [tilespmem:s29+$0x10];
	_ =	sdelay $0x1  }
0x38d: {  	v3, _, _ =	vpop (xrf1)  }
0x38e: {  	v2 =	vmax.f32 v2, v3  }
0x38f: {  	(xrf1) =	vsort.dscd.msk.f32 $0xffff, v2, v2  }
0x390: {  	(xrf1) =	vsort.ascd.msk.f32 $0xffff, v0, v0;
	_ =	sdelay $0xb  }
0x391: {  	v0 =	vld [tilespmem:s29+$0x20]  }
0x392: {  	v2, _, _ =	vpop (xrf1)  }
0x393: {  	v3, _, _ =	vpop (xrf1)  }
0x394: {  	v2 =	vmax.f32 v2, v3  }
0x395: {  	(xrf1) =	vsort.dscd.msk.f32 $0xffff, v2, v2  }
0x396: {  	(xrf1) =	vsort.ascd.msk.f32 $0xffff, v0, v0;
	_ =	sdelay $0xb  }
0x397: {  	v0 =	vld [tilespmem:s29+$0x30]  }
0x398: {  	v2, _, _ =	vpop (xrf1)  }
0x399: {  	v3, _, _ =	vpop (xrf1)  }
0x39a: {  	v2 =	vmax.f32 v2, v3  }
0x39b: {  	(xrf1) =	vsort.dscd.msk.f32 $0xffff, v2, v2  }
0x39c: {  	(xrf1) =	vsort.ascd.msk.f32 $0xffff, v0, v0;
	_ =	sdelay $0xb  }
0x39d: {  	v0 =	vld [tilespmem:s29+$0x40]  }
0x39e: {  	v2, _, _ =	vpop (xrf1)  }
0x39f: {  	v3, _, _ =	vpop (xrf1)  }
0x3a0: {  	v2 =	vmax.f32 v2, v3  }
0x3a1: {  	(xrf1) =	vsort.dscd.msk.f32 $0xffff, v2, v2  }
0x3a2: {  	(xrf1) =	vsort.ascd.msk.f32 $0xffff, v0, v0;
	_ =	sdelay $0xb  }
0x3a3: {  	v0 =	vld [tilespmem:s29+$0x50]  }
0x3a4: {  	v2, _, _ =	vpop (xrf1)  }
0x3a5: {  	v3, _, _ =	vpop (xrf1)  }
0x3a6: {  	v2 =	vmax.f32 v2, v3  }
0x3a7: {  	(xrf1) =	vsort.dscd.msk.f32 $0xffff, v2, v2  }
0x3a8: {  	(xrf1) =	vsort.ascd.msk.f32 $0xffff, v0, v0;
	_ =	sdelay $0xb  }
0x3a9: {  	v0 =	vld [tilespmem:s29+$0x60]  }
0x3aa: {  	v2, _, _ =	vpop (xrf1)  }
0x3ab: {  	v3, _, _ =	vpop (xrf1)  }
0x3ac: {  	v2 =	vmax.f32 v2, v3  }
0x3ad: {  	(xrf1) =	vsort.dscd.msk.f32 $0xffff, v2, v2  }
0x3ae: {  	(xrf1) =	vsort.ascd.msk.f32 $0xffff, v0, v0;
	_ =	sdelay $0xb  }
0x3af: {  	v0 =	vld [tilespmem:s29+$0x70]  }
0x3b0: {  	v2, _, _ =	vpop (xrf1)  }
0x3b1: {  	v3, _, _ =	vpop (xrf1)  }
0x3b2: {  	v2 =	vmax.f32 v2, v3  }
0x3b3: {  	(xrf1) =	vsort.dscd.msk.f32 $0xffff, v2, v2  }
0x3b4: {  	(xrf1) =	vsort.ascd.msk.f32 $0xffff, v0, v0;
	_ =	sdelay $0xb  }
0x3b5: {  	v0 =	vld [tilespmem:s29+$0x80]  }
0x3b6: {  	v2, _, _ =	vpop (xrf1)  }
0x3b7: {  	v3, _, _ =	vpop (xrf1)  }
0x3b8: {  	v2 =	vmax.f32 v2, v3  }
0x3b9: {  	(xrf1) =	vsort.dscd.msk.f32 $0xffff, v2, v2  }
0x3ba: {  	(xrf1) =	vsort.ascd.msk.f32 $0xffff, v0, v0;
	_ =	sdelay $0xb  }
0x3bb: {  	v0 =	vld [tilespmem:s29+$0x90]  }
0x3bc: {  	v2, _, _ =	vpop (xrf1)  }
0x3bd: {  	v3, _, _ =	vpop (xrf1)  }
0x3be: {  	v2 =	vmax.f32 v2, v3  }
0x3bf: {  	(xrf1) =	vsort.dscd.msk.f32 $0xffff, v2, v2  }
0x3c0: {  	(xrf1) =	vsort.ascd.msk.f32 $0xffff, v0, v0;
	_ =	sdelay $0xb  }
0x3c1: {  	v0 =	vld [tilespmem:s29+$0xA0]  }
0x3c2: {  	v2, _, _ =	vpop (xrf1)  }
0x3c3: {  	v3, _, _ =	vpop (xrf1)  }
0x3c4: {  	v2 =	vmax.f32 v2, v3  }
0x3c5: {  	(xrf1) =	vsort.dscd.msk.f32 $0xffff, v2, v2  }
0x3c6: {  	(xrf1) =	vsort.ascd.msk.f32 $0xffff, v0, v0;
	_ =	sdelay $0xb  }
0x3c7: {  	v0 =	vld [tilespmem:s29+$0xB0]  }
0x3c8: {  	v2, _, _ =	vpop (xrf1)  }
0x3c9: {  	v3, _, _ =	vpop (xrf1)  }
0x3ca: {  	v2 =	vmax.f32 v2, v3  }
0x3cb: {  	(xrf1) =	vsort.dscd.msk.f32 $0xffff, v2, v2  }
0x3cc: {  	(xrf1) =	vsort.ascd.msk.f32 $0xffff, v0, v0;
	_ =	sdelay $0xb  }
0x3cd: {  	v0 =	vld [tilespmem:s29+$0xC0]  }
0x3ce: {  	v2, _, _ =	vpop (xrf1)  }
0x3cf: {  	v3, _, _ =	vpop (xrf1)  }
0x3d0: {  	v2 =	vmax.f32 v2, v3  }
0x3d1: {  	(xrf1) =	vsort.dscd.msk.f32 $0xffff, v2, v2  }
0x3d2: {  	(xrf1) =	vsort.ascd.msk.f32 $0xffff, v0, v0;
	_ =	sdelay $0xb  }
0x3d3: {  	v0 =	vld [tilespmem:s29+$0xD0]  }
0x3d4: {  	v2, _, _ =	vpop (xrf1)  }
0x3d5: {  	v3, _, _ =	vpop (xrf1)  }
0x3d6: {  	v2 =	vmax.f32 v2, v3  }
0x3d7: {  	(xrf1) =	vsort.dscd.msk.f32 $0xffff, v2, v2  }
0x3d8: {  	(xrf1) =	vsort.ascd.msk.f32 $0xffff, v0, v0;
	_ =	sdelay $0xb  }
0x3d9: {  	v0 =	vld [tilespmem:s29+$0xE0]  }
0x3da: {  	v2, _, _ =	vpop (xrf1)  }
0x3db: {  	v3, _, _ =	vpop (xrf1)  }
0x3dc: {  	v2 =	vmax.f32 v2, v3  }
0x3dd: {  	(xrf1) =	vsort.dscd.msk.f32 $0xffff, v2, v2  }
0x3de: {  	(xrf1) =	vsort.ascd.msk.f32 $0xffff, v0, v0;
	_ =	sdelay $0xb  }
0x3df: {  	v0 =	vld [tilespmem:s29+$0xF0]  }
0x3e0: {  	v2, _, _ =	vpop (xrf1)  }
0x3e1: {  	v3, _, _ =	vpop (xrf1)  }
0x3e2: {  	v2 =	vmax.f32 v2, v3  }
0x3e3: {  	(xrf1) =	vsort.dscd.msk.f32 $0xffff, v2, v2  }
0x3e4: {  	(xrf1) =	vsort.ascd.msk.f32 $0xffff, v0, v0;
	_ =	sdelay $0xc  }
0x3e5: {  	v0, _, _ =	vpop (xrf1)  }
0x3e6: {  	v2, _, _ =	vpop (xrf1)  }
0x3e7: {  	v0 =	vmax.f32 v0, v2  }
0x3e8: {  	(xrf1) =	vsort.dscd.msk.f32 $0xffff, v0, v0;
	_ =	sdelay $0xd  }
0x3e9: {  	v2, _, _ =	vpop (xrf1)  }
.LBB2_12:
0x3ea: {  	v0 =	vld [tilespmem:s30+$0x10];
	_ =	sdelay $0x4  }
0x3eb: {  	vm0 =	vge.f32 v0, v1  }
0x3ec: {  	v0 =	vsel vm0, $0x3F800000, v4  }
0x3ed: {  	(xrf0) =	vmax.scan.msk.f32 $0xffff, v0;
	_ =	sdelay $0x5  }
0x3ee: {  	v0, _, _ =	vpop (xrf0)  }
0x3ef: {  	(v2sf) =	vpush v0, $0xF;
	_ =	sdelay $0xe  }
0x3f0: {  	s31 =	spop (v2sf)  }
0x3f1: {  	p0 =	sgt.f32 s31, $0.0e+00  }
.Ltmp11:
0x3f2: {  	_ = 	snop;
	(pc) =	sbr.rel @!p0 .LBB2_14-.Ltmp11, $1  }
0x3f3: {  	_ =	sdelay $0x3  }
0x3f4: {  	v0 =	vld [tilespmem:s29+$0x100];
	_ =	sdelay $0x4  }
0x3f5: {  	(xrf1) =	vsort.ascd.msk.f32 $0xffff, v0, v0;
	_ =	sdelay $0xb  }
0x3f6: {  	v0 =	vld [tilespmem:s29+$0x110];
	_ =	sdelay $0x1  }
0x3f7: {  	v3, _, _ =	vpop (xrf1)  }
0x3f8: {  	v2 =	vmax.f32 v2, v3  }
0x3f9: {  	(xrf1) =	vsort.dscd.msk.f32 $0xffff, v2, v2  }
0x3fa: {  	(xrf1) =	vsort.ascd.msk.f32 $0xffff, v0, v0;
	_ =	sdelay $0xb  }
0x3fb: {  	v0 =	vld [tilespmem:s29+$0x120]  }
0x3fc: {  	v2, _, _ =	vpop (xrf1)  }
0x3fd: {  	v3, _, _ =	vpop (xrf1)  }
0x3fe: {  	v2 =	vmax.f32 v2, v3  }
0x3ff: {  	(xrf1) =	vsort.dscd.msk.f32 $0xffff, v2, v2  }
0x400: {  	(xrf1) =	vsort.ascd.msk.f32 $0xffff, v0, v0;
	_ =	sdelay $0xb  }
0x401: {  	v0 =	vld [tilespmem:s29+$0x130]  }
0x402: {  	v2, _, _ =	vpop (xrf1)  }
0x403: {  	v3, _, _ =	vpop (xrf1)  }
0x404: {  	v2 =	vmax.f32 v2, v3  }
0x405: {  	(xrf1) =	vsort.dscd.msk.f32 $0xffff, v2, v2  }
0x406: {  	(xrf1) =	vsort.ascd.msk.f32 $0xffff, v0, v0;
	_ =	sdelay $0xb  }
0x407: {  	v0 =	vld [tilespmem:s29+$0x140]  }
0x408: {  	v2, _, _ =	vpop (xrf1)  }
0x409: {  	v3, _, _ =	vpop (xrf1)  }
0x40a: {  	v2 =	vmax.f32 v2, v3  }
0x40b: {  	(xrf1) =	vsort.dscd.msk.f32 $0xffff, v2, v2  }
0x40c: {  	(xrf1) =	vsort.ascd.msk.f32 $0xffff, v0, v0;
	_ =	sdelay $0xb  }
0x40d: {  	v0 =	vld [tilespmem:s29+$0x150]  }
0x40e: {  	v2, _, _ =	vpop (xrf1)  }
0x40f: {  	v3, _, _ =	vpop (xrf1)  }
0x410: {  	v2 =	vmax.f32 v2, v3  }
0x411: {  	(xrf1) =	vsort.dscd.msk.f32 $0xffff, v2, v2  }
0x412: {  	(xrf1) =	vsort.ascd.msk.f32 $0xffff, v0, v0;
	_ =	sdelay $0xb  }
0x413: {  	v0 =	vld [tilespmem:s29+$0x160]  }
0x414: {  	v2, _, _ =	vpop (xrf1)  }
0x415: {  	v3, _, _ =	vpop (xrf1)  }
0x416: {  	v2 =	vmax.f32 v2, v3  }
0x417: {  	(xrf1) =	vsort.dscd.msk.f32 $0xffff, v2, v2  }
0x418: {  	(xrf1) =	vsort.ascd.msk.f32 $0xffff, v0, v0;
	_ =	sdelay $0xb  }
0x419: {  	v0 =	vld [tilespmem:s29+$0x170]  }
0x41a: {  	v2, _, _ =	vpop (xrf1)  }
0x41b: {  	v3, _, _ =	vpop (xrf1)  }
0x41c: {  	v2 =	vmax.f32 v2, v3  }
0x41d: {  	(xrf1) =	vsort.dscd.msk.f32 $0xffff, v2, v2  }
0x41e: {  	(xrf1) =	vsort.ascd.msk.f32 $0xffff, v0, v0;
	_ =	sdelay $0xb  }
0x41f: {  	v0 =	vld [tilespmem:s29+$0x180]  }
0x420: {  	v2, _, _ =	vpop (xrf1)  }
0x421: {  	v3, _, _ =	vpop (xrf1)  }
0x422: {  	v2 =	vmax.f32 v2, v3  }
0x423: {  	(xrf1) =	vsort.dscd.msk.f32 $0xffff, v2, v2  }
0x424: {  	(xrf1) =	vsort.ascd.msk.f32 $0xffff, v0, v0;
	_ =	sdelay $0xb  }
0x425: {  	v0 =	vld [tilespmem:s29+$0x190]  }
0x426: {  	v2, _, _ =	vpop (xrf1)  }
0x427: {  	v3, _, _ =	vpop (xrf1)  }
0x428: {  	v2 =	vmax.f32 v2, v3  }
0x429: {  	(xrf1) =	vsort.dscd.msk.f32 $0xffff, v2, v2  }
0x42a: {  	(xrf1) =	vsort.ascd.msk.f32 $0xffff, v0, v0;
	_ =	sdelay $0xb  }
0x42b: {  	v0 =	vld [tilespmem:s29+$0x1A0]  }
0x42c: {  	v2, _, _ =	vpop (xrf1)  }
0x42d: {  	v3, _, _ =	vpop (xrf1)  }
0x42e: {  	v2 =	vmax.f32 v2, v3  }
0x42f: {  	(xrf1) =	vsort.dscd.msk.f32 $0xffff, v2, v2  }
0x430: {  	(xrf1) =	vsort.ascd.msk.f32 $0xffff, v0, v0;
	_ =	sdelay $0xb  }
0x431: {  	v0 =	vld [tilespmem:s29+$0x1B0]  }
0x432: {  	v2, _, _ =	vpop (xrf1)  }
0x433: {  	v3, _, _ =	vpop (xrf1)  }
0x434: {  	v2 =	vmax.f32 v2, v3  }
0x435: {  	(xrf1) =	vsort.dscd.msk.f32 $0xffff, v2, v2  }
0x436: {  	(xrf1) =	vsort.ascd.msk.f32 $0xffff, v0, v0;
	_ =	sdelay $0xb  }
0x437: {  	v0 =	vld [tilespmem:s29+$0x1C0]  }
0x438: {  	v2, _, _ =	vpop (xrf1)  }
0x439: {  	v3, _, _ =	vpop (xrf1)  }
0x43a: {  	v2 =	vmax.f32 v2, v3  }
0x43b: {  	(xrf1) =	vsort.dscd.msk.f32 $0xffff, v2, v2  }
0x43c: {  	(xrf1) =	vsort.ascd.msk.f32 $0xffff, v0, v0;
	_ =	sdelay $0xb  }
0x43d: {  	v0 =	vld [tilespmem:s29+$0x1D0]  }
0x43e: {  	v2, _, _ =	vpop (xrf1)  }
0x43f: {  	v3, _, _ =	vpop (xrf1)  }
0x440: {  	v2 =	vmax.f32 v2, v3  }
0x441: {  	(xrf1) =	vsort.dscd.msk.f32 $0xffff, v2, v2  }
0x442: {  	(xrf1) =	vsort.ascd.msk.f32 $0xffff, v0, v0;
	_ =	sdelay $0xb  }
0x443: {  	v0 =	vld [tilespmem:s29+$0x1E0]  }
0x444: {  	v2, _, _ =	vpop (xrf1)  }
0x445: {  	v3, _, _ =	vpop (xrf1)  }
0x446: {  	v2 =	vmax.f32 v2, v3  }
0x447: {  	(xrf1) =	vsort.dscd.msk.f32 $0xffff, v2, v2  }
0x448: {  	(xrf1) =	vsort.ascd.msk.f32 $0xffff, v0, v0;
	_ =	sdelay $0xb  }
0x449: {  	v0 =	vld [tilespmem:s29+$0x1F0]  }
0x44a: {  	v2, _, _ =	vpop (xrf1)  }
0x44b: {  	v3, _, _ =	vpop (xrf1)  }
0x44c: {  	v2 =	vmax.f32 v2, v3  }
0x44d: {  	(xrf1) =	vsort.dscd.msk.f32 $0xffff, v2, v2  }
0x44e: {  	(xrf1) =	vsort.ascd.msk.f32 $0xffff, v0, v0;
	_ =	sdelay $0xc  }
0x44f: {  	v0, _, _ =	vpop (xrf1)  }
0x450: {  	v2, _, _ =	vpop (xrf1)  }
0x451: {  	v0 =	vmax.f32 v0, v2  }
0x452: {  	(xrf1) =	vsort.dscd.msk.f32 $0xffff, v0, v0;
	_ =	sdelay $0x9  }
.Ltmp12:
0x453: {  	_ = 	snop;
	(pc) =	sbr.rel .LBB2_14-.Ltmp12, $2  }
0x454: {  	_ =	sdelay $0x2  }
0x455: {  	v2, _, _ =	vpop (xrf1)  }
.LBB2_15:
0x456: {  	p0 =	seq.s32 s24, $0x17  }
0x457: {  	s26 =	sadd.s32 @!p0 s26, s9  }
0x458: {  	s26 =	smul.u32 @!p0 $0xC400, s26  }
0x459: {  	s28 =	sshll.u32 s24, $0x5  }
0x45a: {  	s28 =	sand.u32 $0x3FFFFFE0, s28;
	s26 =	sshrl.u32 @!p0 s26, $0x3  }
0x45b: {  	[tilespmem:s28+$0x19800] =	vst v2;
	s28 =	simm.s32 @!p0 $0x0;
	s26 =	sadd.s32 @!p0 s3, s26  }
0x45c: {  	[tilespmem:s28], [sflag:$0x1] =	stream.linear.gather @!p0 [hbm4b:s26+s28], $0x3100, $0x38;
	[tilespmem:$0x19B00] =	vst v63  }
0x45d: {  	s30 =	simm.s32 @!p0 $0x3100;
	s29 =	sadd.s32 @!p0 $0x620, s26  }
0x45e: {  	[tilespmem:s30], [sflag:$0x1] =	stream.linear.gather @!p0 [hbm4b:s29+s28], $0x3100, $0x38;
	[tilespmem:$0x19B00] =	vst v63  }
0x45f: {  	s29 =	sadd.s32 @!p0 $0xC40, s26;
	s30 =	simm.s32 @!p0 $0x6200  }
0x460: {  	[tilespmem:s30], [sflag:$0x1] =	stream.linear.gather @!p0 [hbm4b:s29+s28], $0x3100, $0x38;
	[tilespmem:$0x19B00] =	vst v63  }
0x461: {  	s26 =	sadd.s32 @!p0 $0x1260, s26;
	s29 =	simm.s32 @!p0 $0x9300  }
0x462: {  	[tilespmem:s29], [sflag:$0x1] =	stream.linear.gather @!p0 [hbm4b:s26+s28], $0x3100, $0x38;
	[tilespmem:$0x19B00] =	vst v63  }
0x463: {  	_ =	swait.ge [sflag:s20], $0x3100  }
0x464: {  	[sflag:s20] =	ssyncset.done $0x0  }
0x465: {  	[sflag:s20] =	ssyncadd.s32 $0xFFFFCF00  }
0x466: {  	_ =	swait.ge [sflag:s20], $0x3100  }
0x467: {  	[sflag:s20] =	ssyncset.done $0x0  }
0x468: {  	[sflag:s20] =	ssyncadd.s32 $0xFFFFCF00  }
0x469: {  	_ =	swait.ge [sflag:s20], $0x3100  }
0x46a: {  	[sflag:s20] =	ssyncset.done $0x0  }
0x46b: {  	[sflag:s20] =	ssyncadd.s32 $0xFFFFCF00  }
0x46c: {  	_ =	swait.ge [sflag:s20], $0x3100  }
0x46d: {  	[sflag:s20] =	ssyncset.done $0x0  }
0x46e: {  	s31 =	simm.s32 $0xC800;
	[sflag:s20] =	ssyncadd.s32 $0xFFFFCF00  }
0x46f: {  	v0 =	vld [tilespmem:s31+$0xFFFFFC00]  }
0x470: {  	v1 =	vld [tilespmem:s31+$0xFFFFFC10]  }
0x471: {  	v2 =	vld [tilespmem:s31+$0xFFFFFC20]  }
0x472: {  	v3 =	vld [tilespmem:s31+$0xFFFFFC30]  }
0x473: {  	v4 =	vld [tilespmem:s31+$0xFFFFFC40]  }
0x474: {  	v5 =	vld [tilespmem:s31+$0xFFFFFC50]  }
0x475: {  	v6 =	vld [tilespmem:s31+$0xFFFFFC60]  }
0x476: {  	v7 =	vld [tilespmem:s31+$0xFFFFFC70]  }
0x477: {  	v8 =	vld [tilespmem:s31+$0xFFFFFC80]  }
0x478: {  	v9 =	vld [tilespmem:s31+$0xFFFFFC90]  }
0x479: {  	v10 =	vld [tilespmem:s31+$0xFFFFFCA0]  }
0x47a: {  	v11 =	vld [tilespmem:s31+$0xFFFFFCB0]  }
0x47b: {  	v12 =	vld [tilespmem:s31+$0xFFFFFCC0]  }
0x47c: {  	v13 =	vld [tilespmem:s31+$0xFFFFFCD0]  }
0x47d: {  	v14 =	vld [tilespmem:s31+$0xFFFFFCE0]  }
0x47e: {  	v15 =	vld [tilespmem:s31+$0xFFFFFCF0]  }
0x47f: {  	v16 =	vld [tilespmem:s31+$0x0]  }
0x480: {  	v17 =	vld [tilespmem:s31+$0x10]  }
0x481: {  	v18 =	vld [tilespmem:s31+$0x20]  }
0x482: {  	v19 =	vld [tilespmem:s31+$0x30]  }
0x483: {  	v20 =	vld [tilespmem:s31+$0x40]  }
0x484: {  	v21 =	vld [tilespmem:s31+$0x50]  }
0x485: {  	v22 =	vld [tilespmem:s31+$0x60]  }
0x486: {  	v23 =	vld [tilespmem:s31+$0x70]  }
0x487: {  	v24 =	vld [tilespmem:s31+$0x80];
	v0 =	vmax.f32 v0, v1;
	v1 =	vmax.f32 v2, v3  }
0x488: {  	v2 =	vmax.f32 v4, v5;
	v3 =	vld [tilespmem:s31+$0x90];
	v4 =	vmax.f32 v6, v7;
	v5 =	vmax.f32 v8, v9  }
0x489: {  	v6 =	vmax.f32 v10, v11;
	v7 =	vld [tilespmem:s31+$0xA0];
	v52 =	vmax.f32 v0, v1;
	v2 =	vmax.f32 v2, v4  }
0x48a: {  	v8 =	vld [tilespmem:s31+$0xB0];
	v0 =	vmax.f32 v12, v13;
	v1 =	vmax.f32 v14, v15;
	v4 =	vmax.f32 v5, v6;
	[tilespmem:$0x1FA60] =	vst v2  }
0x48b: {  	[tilespmem:$0x1FA70] =	vst v4;
	v5 =	vmax.f32 v0, v1  }
0x48c: {  	[tilespmem:$0x1FA80] =	vst v5  }
0x48d: {  	v0 =	vld [tilespmem:s31+$0xC0]  }
0x48e: {  	v1 =	vmax.f32 v52, v2;
	v2 =	vmax.f32 v4, v5;
	v4 =	vld [tilespmem:s31+$0xD0]  }
0x48f: {  	s28 =	simm.s32 $0x18840;
	v39 =	vmax.f32 v1, v2;
	v1 =	vld [tilespmem:s31+$0xE0]  }
0x490: {  	v2 =	vld [tilespmem:s31+$0xF0];
	[tilespmem:s28+$0xFFFFFFC0] =	vst v39  }
0x491: {  	v5 =	vld [tilespmem:s31+$0xFFFFFD00]  }
0x492: {  	v6 =	vld [tilespmem:s31+$0xFFFFFD10]  }
0x493: {  	v9 =	vld [tilespmem:s31+$0xFFFFFD20]  }
0x494: {  	v10 =	vld [tilespmem:s31+$0xFFFFFD30]  }
0x495: {  	v11 =	vld [tilespmem:s31+$0xFFFFFD40]  }
0x496: {  	v12 =	vld [tilespmem:s31+$0xFFFFFD50]  }
0x497: {  	v13 =	vld [tilespmem:s31+$0xFFFFFD60]  }
0x498: {  	v14 =	vld [tilespmem:s31+$0xFFFFFD70]  }
0x499: {  	v15 =	vld [tilespmem:s31+$0xFFFFFD80]  }
0x49a: {  	v16 =	vmax.f32 v16, v17;
	v25 =	vld [tilespmem:s31+$0xFFFFFD90]  }
0x49b: {  	v17 =	vmax.f32 v18, v19;
	v3 =	vmax.f32 v24, v3;
	v7 =	vmax.f32 v7, v8;
	v19 =	vld [tilespmem:s31+$0xFFFFFDA0]  }
0x49c: {  	v18 =	vmax.f32 v20, v21;
	v20 =	vmax.f32 v22, v23;
	v8 =	vld [tilespmem:s31+$0xFFFFFDB0];
	v7 =	vmax.f32 v3, v7  }
0x49d: {  	v0 =	vmax.f32 v0, v4;
	v1 =	vmax.f32 v1, v2;
	v2 =	vld [tilespmem:s31+$0xFFFFFDC0];
	v4 =	vmax.f32 v18, v20;
	[tilespmem:$0x1FB00] =	vst v7  }
0x49e: {  	[tilespmem:$0x1FAF0] =	vst v4;
	v3 =	vmax.f32 v0, v1  }
0x49f: {  	v53 =	vmax.f32 v16, v17;
	[tilespmem:$0x1FB10] =	vst v3  }
0x4a0: {  	v1 =	vmax.f32 v53, v4;
	v3 =	vmax.f32 v7, v3;
	v0 =	vld [tilespmem:s31+$0xFFFFFDD0]  }
0x4a1: {  	v4 =	vld [tilespmem:s31+$0xFFFFFDE0];
	v40 =	vmax.f32 v1, v3  }
0x4a2: {  	v1 =	vld [tilespmem:s31+$0xFFFFFDF0];
	[tilespmem:s28+$0x0] =	vst v40  }
0x4a3: {  	v3 =	vld [tilespmem:s31+$0x100]  }
0x4a4: {  	v7 =	vld [tilespmem:s31+$0x110]  }
0x4a5: {  	v16 =	vld [tilespmem:s31+$0x120]  }
0x4a6: {  	v17 =	vld [tilespmem:s31+$0x130]  }
0x4a7: {  	v18 =	vld [tilespmem:s31+$0x140]  }
0x4a8: {  	v20 =	vld [tilespmem:s31+$0x150]  }
0x4a9: {  	v21 =	vld [tilespmem:s31+$0x160]  }
0x4aa: {  	v22 =	vld [tilespmem:s31+$0x170]  }
0x4ab: {  	v5 =	vmax.f32 v5, v6;
	v6 =	vmax.f32 v9, v10;
	v23 =	vld [tilespmem:s31+$0x180]  }
0x4ac: {  	v9 =	vmax.f32 v11, v12;
	v12 =	vmax.f32 v15, v25;
	v8 =	vmax.f32 v19, v8;
	v10 =	vld [tilespmem:s31+$0x190]  }
0x4ad: {  	v11 =	vmax.f32 v13, v14;
	v56 =	vmax.f32 v5, v6;
	v5 =	vmax.f32 v12, v8;
	v13 =	vld [tilespmem:s31+$0x1A0]  }
0x4ae: {  	v0 =	vmax.f32 v2, v0;
	v1 =	vmax.f32 v4, v1;
	v2 =	vld [tilespmem:s31+$0x1B0];
	v4 =	vmax.f32 v9, v11;
	[tilespmem:$0x1FAA0] =	vst v5  }
0x4af: {  	[tilespmem:$0x1FA90] =	vst v4;
	v6 =	vmax.f32 v0, v1  }
0x4b0: {  	[tilespmem:$0x1FAB0] =	vst v6  }
0x4b1: {  	v0 =	vld [tilespmem:s31+$0x1C0]  }
0x4b2: {  	v1 =	vmax.f32 v56, v4;
	v4 =	vmax.f32 v5, v6;
	v5 =	vld [tilespmem:s31+$0x1D0]  }
0x4b3: {  	v34 =	vmax.f32 v1, v4;
	v1 =	vld [tilespmem:s31+$0x1E0]  }
0x4b4: {  	v4 =	vld [tilespmem:s31+$0x1F0];
	[tilespmem:s28+$0xFFFFFFD0] =	vst v34  }
0x4b5: {  	v6 =	vld [tilespmem:s31+$0xFFFFFE00]  }
0x4b6: {  	v8 =	vld [tilespmem:s31+$0xFFFFFE10]  }
0x4b7: {  	v9 =	vld [tilespmem:s31+$0xFFFFFE20]  }
0x4b8: {  	v11 =	vld [tilespmem:s31+$0xFFFFFE30]  }
0x4b9: {  	v12 =	vld [tilespmem:s31+$0xFFFFFE40]  }
0x4ba: {  	v14 =	vld [tilespmem:s31+$0xFFFFFE50]  }
0x4bb: {  	v15 =	vld [tilespmem:s31+$0xFFFFFE60]  }
0x4bc: {  	v19 =	vld [tilespmem:s31+$0xFFFFFE70]  }
0x4bd: {  	v24 =	vld [tilespmem:s31+$0xFFFFFE80]  }
0x4be: {  	v3 =	vmax.f32 v3, v7;
	v7 =	vmax.f32 v16, v17;
	v25 =	vld [tilespmem:s31+$0xFFFFFE90]  }
0x4bf: {  	v16 =	vmax.f32 v18, v20;
	v18 =	vmax.f32 v21, v22;
	v10 =	vmax.f32 v23, v10;
	v17 =	vld [tilespmem:s31+$0xFFFFFEA0]  }
0x4c0: {  	v2 =	vmax.f32 v13, v2;
	v13 =	vld [tilespmem:s31+$0xFFFFFEB0];
	v1 =	vmax.f32 v1, v4;
	v4 =	vmax.f32 v16, v18  }
0x4c1: {  	v54 =	vmax.f32 v3, v7;
	v3 =	vld [tilespmem:s31+$0xFFFFFEC0];
	v0 =	vmax.f32 v0, v5;
	v5 =	vmax.f32 v10, v2;
	[tilespmem:$0x1FB20] =	vst v4  }
0x4c2: {  	[tilespmem:$0x1FB30] =	vst v5;
	v2 =	vmax.f32 v0, v1  }
0x4c3: {  	[tilespmem:$0x1FB40] =	vst v2  }
0x4c4: {  	v1 =	vmax.f32 v54, v4;
	v2 =	vmax.f32 v5, v2;
	v0 =	vld [tilespmem:s31+$0xFFFFFED0]  }
0x4c5: {  	v4 =	vld [tilespmem:s31+$0xFFFFFEE0];
	v36 =	vmax.f32 v1, v2  }
0x4c6: {  	v1 =	vld [tilespmem:s31+$0xFFFFFEF0];
	[tilespmem:s28+$0x10] =	vst v36  }
0x4c7: {  	v2 =	vld [tilespmem:s31+$0x200]  }
0x4c8: {  	v5 =	vld [tilespmem:s31+$0x210]  }
0x4c9: {  	v7 =	vld [tilespmem:s31+$0x220]  }
0x4ca: {  	v10 =	vld [tilespmem:s31+$0x230]  }
0x4cb: {  	v16 =	vld [tilespmem:s31+$0x240]  }
0x4cc: {  	v18 =	vld [tilespmem:s31+$0x250]  }
0x4cd: {  	v20 =	vld [tilespmem:s31+$0x260]  }
0x4ce: {  	v21 =	vld [tilespmem:s31+$0x270]  }
0x4cf: {  	v6 =	vmax.f32 v6, v8;
	v8 =	vmax.f32 v9, v11;
	v22 =	vld [tilespmem:s31+$0x280]  }
0x4d0: {  	v9 =	vmax.f32 v12, v14;
	v14 =	vmax.f32 v24, v25;
	v13 =	vmax.f32 v17, v13;
	v11 =	vld [tilespmem:s31+$0x290]  }
0x4d1: {  	v12 =	vmax.f32 v15, v19;
	v63 =	vmax.f32 v6, v8;
	v6 =	vmax.f32 v14, v13;
	v15 =	vld [tilespmem:s31+$0x2A0]  }
0x4d2: {  	v0 =	vmax.f32 v3, v0;
	v1 =	vmax.f32 v4, v1;
	v3 =	vld [tilespmem:s31+$0x2B0];
	v4 =	vmax.f32 v9, v12;
	[tilespmem:$0x1FAD0] =	vst v6  }
0x4d3: {  	[tilespmem:$0x1FAC0] =	vst v4;
	v8 =	vmax.f32 v0, v1  }
0x4d4: {  	v0 =	vmax.f32 v63, v4;
	[tilespmem:$0x1FAE0] =	vst v8;
	v4 =	vmax.f32 v6, v8  }
0x4d5: {  	v1 =	vld [tilespmem:s31+$0x2C0];
	v0 =	vmax.f32 v0, v4  }
0x4d6: {  	v6 =	vld [tilespmem:s31+$0x2D0];
	[tilespmem:$0x1FB90] =	vst v0  }
0x4d7: {  	v4 =	vld [tilespmem:s31+$0x2E0]  }
0x4d8: {  	[tilespmem:s28+$0xFFFFFFE0] =	vst v0;
	v8 =	vld [tilespmem:s31+$0x2F0]  }
0x4d9: {  	v0 =	vld [tilespmem:s31+$0xFFFFFF50]  }
0x4da: {  	v57 =	vld [tilespmem:s31+$0xFFFFFF00]  }
0x4db: {  	v59 =	vld [tilespmem:s31+$0xFFFFFF10]  }
0x4dc: {  	v60 =	vld [tilespmem:s31+$0xFFFFFF20]  }
0x4dd: {  	v62 =	vld [tilespmem:s31+$0xFFFFFF30]  }
0x4de: {  	v61 =	vld [tilespmem:s31+$0xFFFFFF40];
	[tilespmem:$0x1F8A0] =	vst v0  }
0x4df: {  	v0 =	vld [tilespmem:s31+$0xFFFFFF60];
	_ =	sdelay $0x4  }
0x4e0: {  	[tilespmem:$0x1F8B0] =	vst v0  }
0x4e1: {  	v0 =	vld [tilespmem:s31+$0xFFFFFF70];
	_ =	sdelay $0x4  }
0x4e2: {  	[tilespmem:$0x1F8C0] =	vst v0  }
0x4e3: {  	v0 =	vld [tilespmem:s31+$0xFFFFFF80];
	_ =	sdelay $0x4  }
0x4e4: {  	[tilespmem:$0x1F8D0] =	vst v0  }
0x4e5: {  	v0 =	vld [tilespmem:s31+$0xFFFFFF90];
	_ =	sdelay $0x4  }
0x4e6: {  	[tilespmem:$0x1F8E0] =	vst v0  }
0x4e7: {  	v0 =	vld [tilespmem:s31+$0xFFFFFFA0];
	_ =	sdelay $0x4  }
0x4e8: {  	[tilespmem:$0x1F8F0] =	vst v0  }
0x4e9: {  	v0 =	vld [tilespmem:s31+$0xFFFFFFB0];
	_ =	sdelay $0x1  }
0x4ea: {  	v2 =	vmax.f32 v2, v5;
	v5 =	vmax.f32 v7, v10  }
0x4eb: {  	v5 =	vmax.f32 v2, v5  }
0x4ec: {  	[tilespmem:$0x1FA50] =	vst v5  }
0x4ed: {  	[tilespmem:$0x1F900] =	vst v0  }
0x4ee: {  	v0 =	vld [tilespmem:s31+$0xFFFFFFC0]  }
0x4ef: {  	v10 =	vmax.f32 v22, v11;
	v3 =	vmax.f32 v15, v3  }
0x4f0: {  	v3 =	vmax.f32 v10, v3;
	v1 =	vmax.f32 v1, v6;
	v2 =	vmax.f32 v4, v8  }
0x4f1: {  	v2 =	vmax.f32 v1, v2;
	[tilespmem:$0x1FB60] =	vst v3  }
0x4f2: {  	v7 =	vmax.f32 v16, v18;
	v9 =	vmax.f32 v20, v21;
	[tilespmem:$0x1FB70] =	vst v2  }
0x4f3: {  	[tilespmem:$0x1F910] =	vst v0;
	v0 =	vmax.f32 v7, v9  }
0x4f4: {  	[tilespmem:$0x1FB50] =	vst v0  }
0x4f5: {  	v1 =	vld [tilespmem:s31+$0xFFFFFFD0];
	_ =	sdelay $0x4  }
0x4f6: {  	[tilespmem:$0x1F920] =	vst v1  }
0x4f7: {  	v1 =	vmax.f32 v5, v0;
	v0 =	vld [tilespmem:s31+$0xFFFFFFE0];
	_ =	sdelay $0x3  }
0x4f8: {  	v2 =	vmax.f32 v3, v2  }
0x4f9: {  	[tilespmem:$0x1F930] =	vst v0;
	v0 =	vmax.f32 v1, v2  }
0x4fa: {  	[tilespmem:$0x1FBA0] =	vst v0  }
0x4fb: {  	v1 =	vld [tilespmem:s31+$0xFFFFFFF0];
	_ =	sdelay $0x4  }
0x4fc: {  	[tilespmem:$0x1F940] =	vst v1  }
0x4fd: {  	[tilespmem:s28+$0x20] =	vst v0  }
0x4fe: {  	v0 =	vld [tilespmem:s31+$0x300];
	_ =	sdelay $0x4  }
0x4ff: {  	[tilespmem:$0x1F950] =	vst v0  }
0x500: {  	v0 =	vld [tilespmem:s31+$0x310];
	_ =	sdelay $0x4  }
0x501: {  	[tilespmem:$0x1F960] =	vst v0  }
0x502: {  	v0 =	vld [tilespmem:s31+$0x320];
	_ =	sdelay $0x4  }
0x503: {  	[tilespmem:$0x1F970] =	vst v0  }
0x504: {  	v0 =	vld [tilespmem:s31+$0x330];
	_ =	sdelay $0x4  }
0x505: {  	[tilespmem:$0x1F980] =	vst v0  }
0x506: {  	v0 =	vld [tilespmem:s31+$0x340];
	_ =	sdelay $0x4  }
0x507: {  	[tilespmem:$0x1F990] =	vst v0  }
0x508: {  	v0 =	vld [tilespmem:s31+$0x350];
	_ =	sdelay $0x4  }
0x509: {  	[tilespmem:$0x1F9A0] =	vst v0  }
0x50a: {  	v0 =	vld [tilespmem:s31+$0x360];
	_ =	sdelay $0x4  }
0x50b: {  	[tilespmem:$0x1F9B0] =	vst v0  }
0x50c: {  	v0 =	vld [tilespmem:s31+$0x370];
	_ =	sdelay $0x4  }
0x50d: {  	[tilespmem:$0x1F9C0] =	vst v0  }
0x50e: {  	v0 =	vld [tilespmem:s31+$0x380];
	_ =	sdelay $0x4  }
0x50f: {  	[tilespmem:$0x1F9D0] =	vst v0  }
0x510: {  	v0 =	vld [tilespmem:s31+$0x390];
	_ =	sdelay $0x4  }
0x511: {  	[tilespmem:$0x1F9E0] =	vst v0  }
0x512: {  	v0 =	vld [tilespmem:s31+$0x3A0];
	_ =	sdelay $0x4  }
0x513: {  	[tilespmem:$0x1F9F0] =	vst v0  }
0x514: {  	v0 =	vld [tilespmem:s31+$0x3B0];
	_ =	sdelay $0x4  }
0x515: {  	[tilespmem:$0x1FA00] =	vst v0  }
0x516: {  	v0 =	vld [tilespmem:s31+$0x3C0];
	_ =	sdelay $0x4  }
0x517: {  	[tilespmem:$0x1FA10] =	vst v0  }
0x518: {  	v0 =	vld [tilespmem:s31+$0x3D0];
	_ =	sdelay $0x4  }
0x519: {  	[tilespmem:$0x1FA20] =	vst v0  }
0x51a: {  	v0 =	vld [tilespmem:s31+$0x3E0];
	_ =	sdelay $0x4  }
0x51b: {  	[tilespmem:$0x1FA30] =	vst v0  }
0x51c: {  	v0 =	vld [tilespmem:s31+$0x3F0];
	_ =	sdelay $0x4  }
0x51d: {  	s30 =	simm.s32 $0xD000;
	[tilespmem:$0x1FA40] =	vst v0  }
0x51e: {  	v1 =	vld [tilespmem:s30+$0xFFFFFC00]  }
0x51f: {  	v2 =	vld [tilespmem:s30+$0xFFFFFC10]  }
0x520: {  	v3 =	vld [tilespmem:s30+$0xFFFFFC20]  }
0x521: {  	v4 =	vld [tilespmem:s30+$0xFFFFFC30]  }
0x522: {  	v5 =	vld [tilespmem:s30+$0xFFFFFC40]  }
0x523: {  	v6 =	vld [tilespmem:s30+$0xFFFFFC50]  }
0x524: {  	v7 =	vld [tilespmem:s30+$0xFFFFFC60]  }
0x525: {  	v8 =	vld [tilespmem:s30+$0xFFFFFC70]  }
0x526: {  	v10 =	vld [tilespmem:s30+$0xFFFFFC80]  }
0x527: {  	v11 =	vld [tilespmem:s30+$0xFFFFFC90]  }
0x528: {  	v12 =	vld [tilespmem:s30+$0xFFFFFCA0]  }
0x529: {  	v14 =	vld [tilespmem:s30+$0xFFFFFCB0]  }
0x52a: {  	v15 =	vld [tilespmem:s30+$0xFFFFFCC0]  }
0x52b: {  	v17 =	vld [tilespmem:s30+$0xFFFFFCD0]  }
0x52c: {  	v19 =	vld [tilespmem:s30+$0xFFFFFCE0]  }
0x52d: {  	v20 =	vld [tilespmem:s30+$0xFFFFFCF0]  }
0x52e: {  	v21 =	vld [tilespmem:s30+$0x0]  }
0x52f: {  	v22 =	vld [tilespmem:s30+$0x10]  }
0x530: {  	v23 =	vld [tilespmem:s30+$0x20]  }
0x531: {  	v24 =	vld [tilespmem:s30+$0x30]  }
0x532: {  	v26 =	vld [tilespmem:s30+$0x40]  }
0x533: {  	v30 =	vld [tilespmem:s30+$0x50]  }
0x534: {  	v35 =	vld [tilespmem:s30+$0x60]  }
0x535: {  	v37 =	vld [tilespmem:s30+$0x70];
	v1 =	vmax.f32 v1, v2;
	v2 =	vmax.f32 v3, v4;
	v3 =	vmax.f32 v5, v6  }
0x536: {  	v58 =	vld [tilespmem:s30+$0x80];
	v5 =	vmax.f32 v7, v8;
	v7 =	vmax.f32 v10, v11;
	v8 =	vmax.f32 v12, v14  }
0x537: {  	v4 =	vld [tilespmem:s30+$0x90];
	v11 =	vmax.f32 v19, v20;
	v6 =	vmax.f32 v1, v2;
	v1 =	vmax.f32 v15, v17  }
0x538: {  	v10 =	vld [tilespmem:s30+$0xA0];
	v5 =	vmax.f32 v3, v5;
	v2 =	vmax.f32 v7, v8;
	v0 =	vmax.f32 v1, v11  }
0x539: {  	v12 =	vld [tilespmem:s30+$0xB0];
	v7 =	vmax.f32 v6, v5;
	v8 =	vmax.f32 v2, v0  }
0x53a: {  	v3 =	vld [tilespmem:s30+$0xC0];
	[tilespmem:$0x1F890] =	vst v0;
	v0 =	vmax.f32 v7, v8  }
0x53b: {  	v11 =	vld [tilespmem:s30+$0xD0];
	[tilespmem:$0x1FBD0] =	vst v0  }
0x53c: {  	s26 =	simm.s32 $0x188C0;
	v7 =	vld [tilespmem:s30+$0xE0]  }
0x53d: {  	[tilespmem:s26+$0xFFFFFFC0] =	vst v0;
	v8 =	vld [tilespmem:s30+$0xF0]  }
0x53e: {  	v28 =	vld [tilespmem:s30+$0xFFFFFD00]  }
0x53f: {  	v27 =	vld [tilespmem:s30+$0xFFFFFD10]  }
0x540: {  	v17 =	vld [tilespmem:s30+$0xFFFFFD20]  }
0x541: {  	v19 =	vld [tilespmem:s30+$0xFFFFFD30]  }
0x542: {  	v20 =	vld [tilespmem:s30+$0xFFFFFD40]  }
0x543: {  	v0 =	vld [tilespmem:s30+$0xFFFFFD50]  }
0x544: {  	v15 =	vld [tilespmem:s30+$0xFFFFFD60]  }
0x545: {  	v21 =	vmax.f32 v21, v22;
	v22 =	vmax.f32 v23, v24;
	v23 =	vmax.f32 v26, v30;
	v9 =	vld [tilespmem:s30+$0xFFFFFD70]  }
0x546: {  	v26 =	vmax.f32 v35, v37;
	v4 =	vmax.f32 v58, v4;
	v12 =	vmax.f32 v10, v12;
	v13 =	vld [tilespmem:s30+$0xFFFFFD80]  }
0x547: {  	v10 =	vmax.f32 v21, v22;
	v24 =	vld [tilespmem:s30+$0xFFFFFD90];
	v3 =	vmax.f32 v3, v11;
	v7 =	vmax.f32 v7, v8  }
0x548: {  	v4 =	vmax.f32 v4, v12;
	v30 =	vld [tilespmem:s30+$0xFFFFFDA0];
	v8 =	vmax.f32 v23, v26;
	v3 =	vmax.f32 v3, v7  }
0x549: {  	v12 =	vld [tilespmem:s30+$0xFFFFFDD0];
	v21 =	vmax.f32 v10, v8;
	v22 =	vmax.f32 v4, v3  }
0x54a: {  	v11 =	vld [tilespmem:s30+$0xFFFFFDB0];
	v1 =	vmax.f32 v21, v22  }
0x54b: {  	v7 =	vld [tilespmem:s30+$0xFFFFFDC0];
	[tilespmem:$0x1FBF0] =	vst v1  }
0x54c: {  	v21 =	vld [tilespmem:s30+$0xFFFFFDE0]  }
0x54d: {  	[tilespmem:s26+$0x0] =	vst v1;
	v22 =	vld [tilespmem:s30+$0xFFFFFDF0]  }
0x54e: {  	v50 =	vld [tilespmem:s30+$0x100]  }
0x54f: {  	v51 =	vld [tilespmem:s30+$0x110]  }
0x550: {  	v55 =	vld [tilespmem:s30+$0x120]  }
0x551: {  	v29 =	vld [tilespmem:s30+$0x130]  }
0x552: {  	v25 =	vld [tilespmem:s30+$0x140]  }
0x553: {  	v14 =	vld [tilespmem:s30+$0x150]  }
0x554: {  	v26 =	vld [tilespmem:s30+$0x160]  }
0x555: {  	v27 =	vmax.f32 v28, v27;
	v17 =	vmax.f32 v17, v19;
	v0 =	vmax.f32 v20, v0;
	v16 =	vld [tilespmem:s30+$0x170]  }
0x556: {  	v9 =	vmax.f32 v15, v9;
	v13 =	vmax.f32 v13, v24;
	v17 =	vmax.f32 v27, v17;
	v18 =	vld [tilespmem:s30+$0x180]  }
0x557: {  	v11 =	vmax.f32 v30, v11;
	v19 =	vld [tilespmem:s30+$0x190];
	v7 =	vmax.f32 v7, v12;
	v12 =	vmax.f32 v21, v22  }
0x558: {  	v15 =	vmax.f32 v0, v9;
	v11 =	vmax.f32 v13, v11;
	v20 =	vld [tilespmem:s30+$0x1A0];
	v7 =	vmax.f32 v7, v12  }
0x559: {  	v0 =	vmax.f32 v17, v15;
	v9 =	vld [tilespmem:s30+$0x1C0];
	v12 =	vmax.f32 v11, v7  }
0x55a: {  	v13 =	vld [tilespmem:s30+$0x1D0];
	v0 =	vmax.f32 v0, v12  }
0x55b: {  	v21 =	vld [tilespmem:s30+$0x1B0];
	[tilespmem:$0x1FBE0] =	vst v0  }
0x55c: {  	v12 =	vld [tilespmem:s30+$0x1E0]  }
0x55d: {  	[tilespmem:s26+$0xFFFFFFD0] =	vst v0;
	v22 =	vld [tilespmem:s30+$0x1F0]  }
0x55e: {  	v33 =	vld [tilespmem:s30+$0xFFFFFE00]  }
0x55f: {  	v31 =	vld [tilespmem:s30+$0xFFFFFE10]  }
0x560: {  	v32 =	vld [tilespmem:s30+$0xFFFFFE20]  }
0x561: {  	v27 =	vld [tilespmem:s30+$0xFFFFFE30]  }
0x562: {  	v30 =	vld [tilespmem:s30+$0xFFFFFE40]  }
0x563: {  	v0 =	vld [tilespmem:s30+$0xFFFFFE50]  }
0x564: {  	v28 =	vld [tilespmem:s30+$0xFFFFFE60]  }
0x565: {  	v23 =	vld [tilespmem:s30+$0xFFFFFE70]  }
0x566: {  	v24 =	vld [tilespmem:s30+$0xFFFFFE80]  }
0x567: {  	v35 =	vmax.f32 v50, v51;
	v29 =	vmax.f32 v55, v29;
	v14 =	vmax.f32 v25, v14;
	v25 =	vld [tilespmem:s30+$0xFFFFFE90]  }
0x568: {  	v16 =	vmax.f32 v26, v16;
	v18 =	vmax.f32 v18, v19;
	v9 =	vmax.f32 v9, v13;
	v37 =	vld [tilespmem:s30+$0xFFFFFEA0]  }
0x569: {  	v19 =	vmax.f32 v20, v21;
	v21 =	vmax.f32 v35, v29;
	v13 =	vld [tilespmem:s30+$0xFFFFFEB0];
	v12 =	vmax.f32 v12, v22  }
0x56a: {  	v20 =	vmax.f32 v14, v16;
	v14 =	vmax.f32 v18, v19;
	v16 =	vld [tilespmem:s30+$0xFFFFFED0];
	v12 =	vmax.f32 v9, v12  }
0x56b: {  	v18 =	vmax.f32 v21, v20;
	v9 =	vld [tilespmem:s30+$0xFFFFFEC0];
	v19 =	vmax.f32 v14, v12  }
0x56c: {  	v55 =	vmax.f32 v18, v19;
	v18 =	vld [tilespmem:s30+$0xFFFFFEE0]  }
0x56d: {  	v19 =	vld [tilespmem:s30+$0xFFFFFEF0];
	[tilespmem:s26+$0x10] =	vst v55  }
0x56e: {  	v51 =	vld [tilespmem:s30+$0x200]  }
0x56f: {  	v58 =	vld [tilespmem:s30+$0x210]  }
0x570: {  	v50 =	vld [tilespmem:s30+$0x220]  }
0x571: {  	v48 =	vld [tilespmem:s30+$0x230]  }
0x572: {  	v47 =	vld [tilespmem:s30+$0x240]  }
0x573: {  	v46 =	vld [tilespmem:s30+$0x250]  }
0x574: {  	v49 =	vld [tilespmem:s30+$0x260]  }
0x575: {  	v44 =	vld [tilespmem:s30+$0x270]  }
0x576: {  	v22 =	vmax.f32 v33, v31;
	v27 =	vmax.f32 v32, v27;
	v0 =	vmax.f32 v30, v0;
	v45 =	vld [tilespmem:s30+$0x280]  }
0x577: {  	v23 =	vmax.f32 v28, v23;
	v24 =	vmax.f32 v24, v25;
	v13 =	vmax.f32 v37, v13;
	v43 =	vld [tilespmem:s30+$0x290]  }
0x578: {  	v37 =	vmax.f32 v22, v27;
	v42 =	vld [tilespmem:s30+$0x2A0];
	v9 =	vmax.f32 v9, v16;
	v16 =	vmax.f32 v18, v19  }
0x579: {  	v30 =	vmax.f32 v0, v23;
	v22 =	vmax.f32 v24, v13;
	v38 =	vld [tilespmem:s30+$0x2B0];
	v19 =	vmax.f32 v9, v16  }
0x57a: {  	v41 =	vld [tilespmem:s30+$0x2C0];
	v9 =	vmax.f32 v37, v30;
	v13 =	vmax.f32 v22, v19  }
0x57b: {  	v31 =	vld [tilespmem:s30+$0x2D0];
	v35 =	vmax.f32 v9, v13  }
0x57c: {  	v0 =	vmax.f32 v39, v34;
	v29 =	vld [tilespmem:s30+$0x2E0];
	[tilespmem:s26+$0xFFFFFFE0] =	vst v35  }
0x57d: {  	v25 =	vld [tilespmem:s30+$0x2F0];
	[tilespmem:$0x1FBB0] =	vst v0  }
0x57e: {  	v0 =	vld [tilespmem:s30+$0xFFFFFF00];
	_ =	sdelay $0x4  }
0x57f: {  	[tilespmem:$0x1FC00] =	vst v0;
	v0 =	vmax.f32 v40, v36  }
0x580: {  	[tilespmem:$0x1FBC0] =	vst v0  }
0x581: {  	v0 =	vld [tilespmem:s30+$0xFFFFFF10];
	_ =	sdelay $0x4  }
0x582: {  	[tilespmem:$0x1FC10] =	vst v0;
	v0 =	vld [tilespmem:$0x1F8A0];
	_ =	sdelay $0x3  }
0x583: {  	v1 =	vld [tilespmem:$0x1F8C0]  }
0x584: {  	v27 =	vmax.f32 v57, v59;
	v57 =	vmax.f32 v61, v0;
	v0 =	vld [tilespmem:$0x1F8B0];
	_ =	sdelay $0x4  }
0x585: {  	v59 =	vmax.f32 v0, v1;
	v0 =	vld [tilespmem:$0x1F8D0]  }
0x586: {  	v1 =	vld [tilespmem:$0x1F8E0];
	_ =	sdelay $0x4  }
0x587: {  	v39 =	vmax.f32 v0, v1;
	v0 =	vld [tilespmem:s30+$0xFFFFFF20];
	_ =	sdelay $0x3  }
0x588: {  	v1 =	vld [tilespmem:$0x1F900]  }
0x589: {  	[tilespmem:$0x1FC20] =	vst v0;
	v0 =	vld [tilespmem:$0x1F8F0];
	_ =	sdelay $0x4  }
0x58a: {  	v26 =	vmax.f32 v0, v1;
	v0 =	vld [tilespmem:$0x1F910]  }
0x58b: {  	v1 =	vld [tilespmem:$0x1F920];
	_ =	sdelay $0x4  }
0x58c: {  	v40 =	vmax.f32 v0, v1;
	v0 =	vld [tilespmem:s30+$0xFFFFFF30];
	_ =	sdelay $0x3  }
0x58d: {  	v1 =	vld [tilespmem:$0x1F940]  }
0x58e: {  	[tilespmem:$0x1FC30] =	vst v0;
	v0 =	vld [tilespmem:$0x1F930];
	_ =	sdelay $0x4  }
0x58f: {  	v34 =	vmax.f32 v0, v1;
	v0 =	vld [tilespmem:$0x1F950]  }
0x590: {  	v1 =	vld [tilespmem:$0x1F960];
	_ =	sdelay $0x4  }
0x591: {  	v36 =	vmax.f32 v0, v1;
	v1 =	vld [tilespmem:s30+$0xFFFFFF40];
	_ =	sdelay $0x3  }
0x592: {  	v9 =	vld [tilespmem:$0x1F980]  }
0x593: {  	[tilespmem:$0x1FC40] =	vst v1;
	v1 =	vld [tilespmem:$0x1F970];
	_ =	sdelay $0x4  }
0x594: {  	v23 =	vmax.f32 v1, v9;
	v1 =	vld [tilespmem:$0x1F990]  }
0x595: {  	v9 =	vld [tilespmem:$0x1F9A0];
	_ =	sdelay $0x4  }
0x596: {  	v24 =	vmax.f32 v1, v9;
	v1 =	vld [tilespmem:$0x1F9B0]  }
0x597: {  	v9 =	vld [tilespmem:$0x1F9C0];
	_ =	sdelay $0x4  }
0x598: {  	v18 =	vmax.f32 v1, v9;
	v1 =	vld [tilespmem:$0x1F9D0]  }
0x599: {  	v9 =	vld [tilespmem:$0x1F9E0];
	_ =	sdelay $0x1  }
0x59a: {  	v16 =	vimm.f32 $-Inf  }
0x59b: {  	v0 =	vmax.f32 v16, v52  }
0x59c: {  	v28 =	vmax.f32 v60, v62;
	v0 =	vmax.f32 v0, v56  }
0x59d: {  	v0 =	vmax.f32 v0, v63;
	v63 =	vmax.f32 v27, v28;
	v27 =	vmax.f32 v1, v9;
	v1 =	vld [tilespmem:$0x1F9F0]  }
0x59e: {  	v9 =	vld [tilespmem:$0x1FA00];
	_ =	sdelay $0x4  }
0x59f: {  	v28 =	vmax.f32 v1, v9;
	v1 =	vld [tilespmem:$0x1FA10]  }
0x5a0: {  	v9 =	vld [tilespmem:$0x1FA20];
	_ =	sdelay $0x2  }
0x5a1: {  	v46 =	vmax.f32 v47, v46;
	v44 =	vmax.f32 v49, v44  }
0x5a2: {  	v43 =	vmax.f32 v45, v43;
	v45 =	vmax.f32 v41, v31;
	v31 =	vmax.f32 v46, v44;
	v46 =	vld [tilespmem:$0x1FA40]  }
0x5a3: {  	v13 =	vmax.f32 v1, v9;
	v1 =	vld [tilespmem:$0x1FA30];
	_ =	sdelay $0x2  }
0x5a4: {  	v42 =	vmax.f32 v42, v38  }
0x5a5: {  	v25 =	vmax.f32 v29, v25;
	v52 =	vmax.f32 v51, v58;
	v0 =	vmax.f32 v0, v63  }
0x5a6: {  	v0 =	vmax.f32 v0, v53;
	v53 =	vmax.f32 v50, v48;
	v32 =	vmax.f32 v1, v46;
	v1 =	vld [tilespmem:$0x1FA50]  }
0x5a7: {  	v29 =	vmax.f32 v43, v42;
	v25 =	vmax.f32 v45, v25;
	v38 =	vmax.f32 v52, v53  }
0x5a8: {  	v47 =	vmax.f32 v29, v25;
	v33 =	vmax.f32 v38, v31  }
0x5a9: {  	v26 =	vmax.f32 v39, v26;
	v39 =	vmax.f32 v33, v47  }
0x5aa: {  	v0 =	vmax.f32 v0, v54;
	[tilespmem:s26+$0x20] =	vst v39  }
0x5ab: {  	v0 =	vmax.f32 v0, v1;
	v1 =	vld [tilespmem:$0x1FA60];
	_ =	sdelay $0x4  }
0x5ac: {  	v48 =	vmax.f32 v13, v32;
	v13 =	vmax.f32 v16, v1;
	v1 =	vld [tilespmem:$0x1FA70];
	_ =	sdelay $0x4  }
0x5ad: {  	v24 =	vmax.f32 v24, v18;
	v18 =	vmax.f32 v16, v1;
	v1 =	vld [tilespmem:$0x1FA80];
	_ =	sdelay $0x4  }
0x5ae: {  	v16 =	vmax.f32 v16, v1;
	v1 =	vld [tilespmem:$0x1FA90];
	_ =	sdelay $0x4  }
0x5af: {  	v13 =	vmax.f32 v13, v1;
	v1 =	vld [tilespmem:$0x1FAA0];
	_ =	sdelay $0x4  }
0x5b0: {  	v18 =	vmax.f32 v18, v1;
	v1 =	vld [tilespmem:$0x1FAB0];
	_ =	sdelay $0x4  }
0x5b1: {  	v16 =	vmax.f32 v16, v1;
	v1 =	vld [tilespmem:$0x1FAC0];
	_ =	sdelay $0x4  }
0x5b2: {  	v13 =	vmax.f32 v13, v1;
	v1 =	vld [tilespmem:$0x1FAD0];
	_ =	sdelay $0x4  }
0x5b3: {  	v18 =	vmax.f32 v18, v1;
	v1 =	vld [tilespmem:$0x1FAE0];
	_ =	sdelay $0x4  }
0x5b4: {  	v16 =	vmax.f32 v16, v1;
	v1 =	vld [tilespmem:$0x1FAF0];
	_ =	sdelay $0x2  }
0x5b5: {  	v9 =	vmax.f32 v57, v59  }
0x5b6: {  	v13 =	vmax.f32 v13, v9  }
0x5b7: {  	v13 =	vmax.f32 v13, v1;
	v1 =	vld [tilespmem:$0x1FB00];
	_ =	sdelay $0x3  }
0x5b8: {  	v18 =	vmax.f32 v18, v26  }
0x5b9: {  	v18 =	vmax.f32 v18, v1;
	v1 =	vld [tilespmem:$0x1FB10];
	_ =	sdelay $0x2  }
0x5ba: {  	v41 =	vmax.f32 v40, v34  }
0x5bb: {  	v16 =	vmax.f32 v16, v41  }
0x5bc: {  	v16 =	vmax.f32 v16, v1;
	v1 =	vld [tilespmem:$0x1FB20];
	_ =	sdelay $0x4  }
0x5bd: {  	v13 =	vmax.f32 v13, v1;
	v1 =	vld [tilespmem:$0x1FB30]  }
0x5be: {  	v62 =	vld [tilespmem:s30+$0xFFFFFF50]  }
0x5bf: {  	v61 =	vld [tilespmem:s30+$0xFFFFFF60]  }
0x5c0: {  	v60 =	vld [tilespmem:s30+$0xFFFFFF70]  }
0x5c1: {  	v50 =	vld [tilespmem:s30+$0xFFFFFF90]  }
0x5c2: {  	v18 =	vmax.f32 v18, v1;
	v1 =	vld [tilespmem:$0x1FB40]  }
0x5c3: {  	v58 =	vld [tilespmem:s30+$0xFFFFFFA0]  }
0x5c4: {  	v52 =	vld [tilespmem:s30+$0xFFFFFFB0]  }
0x5c5: {  	v53 =	vld [tilespmem:s30+$0xFFFFFFD0]  }
0x5c6: {  	v56 =	vld [tilespmem:s30+$0xFFFFFFE0]  }
0x5c7: {  	v16 =	vmax.f32 v16, v1;
	v1 =	vld [tilespmem:$0x1FB50]  }
0x5c8: {  	v54 =	vld [tilespmem:s30+$0xFFFFFFF0]  }
0x5c9: {  	v59 =	vld [tilespmem:s30+$0xFFFFFF80]  }
0x5ca: {  	v57 =	vld [tilespmem:s30+$0xFFFFFFC0]  }
0x5cb: {  	v44 =	vmax.f32 v27, v28;
	v27 =	vld [tilespmem:s30+$0x300]  }
0x5cc: {  	v13 =	vmax.f32 v13, v1;
	v1 =	vld [tilespmem:$0x1FB60]  }
0x5cd: {  	v28 =	vld [tilespmem:s30+$0x310]  }
0x5ce: {  	v32 =	vld [tilespmem:s30+$0x320]  }
0x5cf: {  	v33 =	vld [tilespmem:s30+$0x330]  }
0x5d0: {  	v34 =	vld [tilespmem:s30+$0x340]  }
0x5d1: {  	v49 =	vmax.f32 v18, v1;
	v1 =	vld [tilespmem:$0x1FB70]  }
0x5d2: {  	v23 =	vmax.f32 v36, v23;
	v36 =	vld [tilespmem:s30+$0x350]  }
0x5d3: {  	v40 =	vld [tilespmem:s30+$0x360]  }
0x5d4: {  	v42 =	vld [tilespmem:s30+$0x370]  }
0x5d5: {  	v43 =	vld [tilespmem:s30+$0x390]  }
0x5d6: {  	v45 =	vld [tilespmem:s30+$0x3A0];
	v51 =	vmax.f32 v16, v1  }
0x5d7: {  	v26 =	vmax.f32 v26, v41;
	v41 =	vld [tilespmem:s30+$0x380];
	v1 =	vmax.f32 v51, v48  }
0x5d8: {  	[tilespmem:$0x1FB80] =	vst v1;
	v1 =	vld [tilespmem:$0x1FB90];
	_ =	sdelay $0x2  }
0x5d9: {  	v9 =	vmax.f32 v63, v9;
	v18 =	vmax.f32 v0, v23;
	v0 =	vmax.f32 v23, v24  }
0x5da: {  	v23 =	vmax.f32 v44, v48;
	v16 =	vmax.f32 v13, v24;
	v24 =	vmax.f32 v9, v26  }
0x5db: {  	v0 =	vmax.f32 v0, v23;
	v23 =	vmax.f32 v1, v24;
	v1 =	vld [tilespmem:$0x1FBA0];
	_ =	sdelay $0x3  }
0x5dc: {  	[tilespmem:s28+$0xFFFFFFF0] =	vst v24  }
0x5dd: {  	v26 =	vmax.f32 v1, v0;
	v1 =	vld [tilespmem:$0x1FBB0];
	_ =	sdelay $0x4  }
0x5de: {  	v48 =	vmax.f32 v1, v23;
	v1 =	vld [tilespmem:$0x1FBC0];
	_ =	sdelay $0x3  }
0x5df: {  	v9 =	vld [tilespmem:$0x1FBE0]  }
0x5e0: {  	v63 =	vmax.f32 v1, v26;
	v1 =	vld [tilespmem:$0x1FBD0];
	[tilespmem:s28+$0x30] =	vst v0  }
0x5e1: {  	v0 =	vld [tilespmem:$0x1FBF0];
	_ =	sdelay $0x3  }
0x5e2: {  	v23 =	vmax.f32 v1, v9;
	v1 =	vld [tilespmem:$0x1FC10]  }
0x5e3: {  	v24 =	vmax.f32 v0, v55;
	v0 =	vld [tilespmem:$0x1FC00];
	_ =	sdelay $0x4  }
0x5e4: {  	v51 =	vmax.f32 v0, v1;
	v0 =	vld [tilespmem:$0x1FC20]  }
0x5e5: {  	v1 =	vld [tilespmem:$0x1FC30];
	_ =	sdelay $0x2  }
0x5e6: {  	s28 =	simm.s32 $0x19490  }
0x5e7: {  	[tilespmem:s28+$0xFFFFFFF0] =	vst v48  }
0x5e8: {  	v55 =	vmax.f32 v0, v1;
	v0 =	vld [tilespmem:$0x1FC40]  }
0x5e9: {  	v13 =	vmax.f32 v49, v44;
	v44 =	vld [tilespmem:s30+$0x3B0]  }
0x5ea: {  	v46 =	vld [tilespmem:s30+$0x3C0]  }
0x5eb: {  	v47 =	vld [tilespmem:s30+$0x3D0]  }
0x5ec: {  	v52 =	vmax.f32 v58, v52;
	v54 =	vmax.f32 v56, v54;
	v53 =	vmax.f32 v57, v53;
	v56 =	vld [tilespmem:s30+$0x3F0]  }
0x5ed: {  	s29 =	simm.s32 $0x2;
	v49 =	vmax.f32 v61, v60;
	v26 =	vmax.f32 v59, v50;
	v50 =	vld [tilespmem:s30+$0x3E0];
	s30 =	simm.s32 $0xD800;
	[tilespmem:s28+$0x0] =	vst v63;
	v48 =	vmax.f32 v0, v62  }
.LBB2_16:
0x5ee: {  	v0 =	vld [tilespmem:s30+$0xFFFFFC00]  }
0x5ef: {  	v59 =	vld [tilespmem:s30+$0xFFFFFC40]  }
0x5f0: {  	v6 =	vmax.f32 v18, v6;
	v60 =	vmax.f32 v48, v49;
	v61 =	vld [tilespmem:s30+$0xFFFFFC50]  }
0x5f1: {  	v26 =	vmax.f32 v26, v52;
	v5 =	vmax.f32 v16, v5;
	v2 =	vmax.f32 v13, v2;
	v1 =	vld [tilespmem:$0x1F890]  }
0x5f2: {  	v62 =	vmax.f32 v53, v54;
	v9 =	vld [tilespmem:$0x1FB80];
	v5 =	vmax.f32 v5, v15;
	v2 =	vmax.f32 v2, v11  }
0x5f3: {  	v6 =	vmax.f32 v6, v17;
	v11 =	vld [tilespmem:s30+$0xFFFFFCB0];
	v5 =	vmax.f32 v5, v30;
	v2 =	vmax.f32 v2, v22  }
0x5f4: {  	v15 =	vld [tilespmem:s30+$0xFFFFFCC0];
	v6 =	vmax.f32 v6, v37;
	v5 =	vmax.f32 v5, v60;
	v2 =	vmax.f32 v2, v26  }
0x5f5: {  	v18 =	vmax.f32 v27, v28;
	v27 =	vmax.f32 v32, v33;
	v28 =	vld [tilespmem:s30+$0xFFFFFC10];
	v17 =	vmax.f32 v34, v36  }
0x5f6: {  	v63 =	vmax.f32 v40, v42;
	v33 =	vld [tilespmem:s30+$0xFFFFFC20];
	v34 =	vmax.f32 v51, v55;
	v51 =	vmax.f32 v41, v43  }
0x5f7: {  	v55 =	vld [tilespmem:s30+$0xFFFFFC30];
	v57 =	vmax.f32 v45, v44;
	v58 =	vmax.f32 v46, v47;
	v5 =	vmax.f32 v5, v8  }
0x5f8: {  	v41 =	vld [tilespmem:s30+$0xFFFFFC90];
	v2 =	vmax.f32 v2, v4;
	v6 =	vmax.f32 v6, v34;
	v1 =	vmax.f32 v9, v1  }
0x5f9: {  	v8 =	vld [tilespmem:s30+$0xFFFFFCF0];
	v27 =	vmax.f32 v18, v27;
	v17 =	vmax.f32 v17, v63;
	v1 =	vmax.f32 v1, v7  }
0x5fa: {  	v63 =	vld [tilespmem:s30+$0xFFFFFC70];
	v36 =	vmax.f32 v51, v57;
	v4 =	vmax.f32 v5, v20;
	v1 =	vmax.f32 v1, v19  }
0x5fb: {  	v2 =	vmax.f32 v2, v14;
	v5 =	vld [tilespmem:s30+$0xFFFFFCE0];
	v6 =	vmax.f32 v6, v10;
	v1 =	vmax.f32 v1, v62  }
0x5fc: {  	v14 =	vld [tilespmem:s30+$0x10];
	v10 =	vmax.f32 v50, v56;
	v4 =	vmax.f32 v4, v31;
	v1 =	vmax.f32 v1, v3  }
0x5fd: {  	v7 =	vld [tilespmem:s30+$0xFFFFFCA0];
	v2 =	vmax.f32 v2, v29;
	v6 =	vmax.f32 v6, v21;
	v1 =	vmax.f32 v1, v12  }
0x5fe: {  	v21 =	vld [tilespmem:s30+$0xFFFFFC60];
	v10 =	vmax.f32 v58, v10;
	v16 =	vmax.f32 v4, v17;
	v1 =	vmax.f32 v1, v25  }
0x5ff: {  	v13 =	vmax.f32 v2, v36;
	v4 =	vld [tilespmem:s30+$0x0];
	v6 =	vmax.f32 v6, v38;
	v1 =	vmax.f32 v1, v10  }
0x600: {  	v2 =	vmax.f32 v26, v62;
	v18 =	vmax.f32 v6, v27;
	v6 =	vld [tilespmem:s30+$0xFFFFFC80];
	[tilespmem:$0x1FB80] =	vst v1;
	v1 =	vmax.f32 v34, v60  }
0x601: {  	v3 =	vld [tilespmem:s30+$0xFFFFFCD0];
	v12 =	vmax.f32 v27, v17;
	v1 =	vmax.f32 v1, v2;
	v2 =	vmax.f32 v36, v10  }
0x602: {  	v10 =	vld [tilespmem:s30+$0x20];
	[tilespmem:s26+$0xFFFFFFF0] =	vst v1;
	v1 =	vmax.f32 v35, v1;
	v2 =	vmax.f32 v12, v2  }
0x603: {  	s28 =	sadd.s32 $0x20, s28;
	v12 =	vld [tilespmem:s30+$0x30];
	v1 =	vmax.f32 v23, v1;
	[tilespmem:s26+$0x30] =	vst v2;
	v2 =	vmax.f32 v39, v2  }
0x604: {  	v17 =	vld [tilespmem:s30+$0x40];
	[tilespmem:s28+$0xFFFFFFF0] =	vst v1;
	v1 =	vmax.f32 v24, v2  }
0x605: {  	v19 =	vld [tilespmem:s30+$0x50];
	[tilespmem:s28+$0x0] =	vst v1  }
0x606: {  	v20 =	vld [tilespmem:s30+$0x60]  }
0x607: {  	v22 =	vld [tilespmem:s30+$0x70]  }
0x608: {  	v23 =	vld [tilespmem:s30+$0x80]  }
0x609: {  	v0 =	vmax.f32 v0, v28;
	v7 =	vmax.f32 v7, v11;
	v21 =	vmax.f32 v21, v63;
	v24 =	vld [tilespmem:s30+$0x90]  }
0x60a: {  	v25 =	vmax.f32 v6, v41;
	v2 =	vmax.f32 v59, v61;
	v1 =	vmax.f32 v33, v55;
	v11 =	vld [tilespmem:s30+$0xA0]  }
0x60b: {  	v6 =	vmax.f32 v0, v1;
	v0 =	vmax.f32 v15, v3;
	v1 =	vmax.f32 v5, v8;
	v3 =	vld [tilespmem:s30+$0xB0]  }
0x60c: {  	v5 =	vmax.f32 v2, v21;
	v2 =	vmax.f32 v25, v7;
	v15 =	vld [tilespmem:s30+$0xD0];
	v1 =	vmax.f32 v0, v1  }
0x60d: {  	v0 =	vld [tilespmem:s30+$0xC0];
	v7 =	vmax.f32 v6, v5;
	v8 =	vmax.f32 v2, v1  }
0x60e: {  	s26 =	sadd.s32 $0x80, s26;
	v21 =	vmax.f32 v7, v8;
	v7 =	vld [tilespmem:s30+$0xE0]  }
0x60f: {  	v8 =	vld [tilespmem:s30+$0xF0];
	[tilespmem:s26+$0xFFFFFFC0] =	vst v21  }
0x610: {  	v25 =	vld [tilespmem:s30+$0xFFFFFD00]  }
0x611: {  	v26 =	vld [tilespmem:s30+$0xFFFFFD10]  }
0x612: {  	v27 =	vld [tilespmem:s30+$0xFFFFFD20]  }
0x613: {  	v28 =	vld [tilespmem:s30+$0xFFFFFD30]  }
0x614: {  	v29 =	vld [tilespmem:s30+$0xFFFFFD40]  }
0x615: {  	v30 =	vld [tilespmem:s30+$0xFFFFFD50]  }
0x616: {  	v31 =	vld [tilespmem:s30+$0xFFFFFD60]  }
0x617: {  	v46 =	vld [tilespmem:s30+$0xFFFFFD70]  }
0x618: {  	v4 =	vmax.f32 v4, v14;
	v10 =	vmax.f32 v10, v12;
	v47 =	vld [tilespmem:s30+$0xFFFFFD80]  }
0x619: {  	v10 =	vmax.f32 v4, v10;
	v48 =	vld [tilespmem:s30+$0xFFFFFD90]  }
0x61a: {  	v12 =	vmax.f32 v17, v19;
	v14 =	vld [tilespmem:s30+$0xFFFFFDA0];
	v17 =	vmax.f32 v20, v22;
	v19 =	vmax.f32 v23, v24  }
0x61b: {  	v3 =	vmax.f32 v11, v3;
	v11 =	vld [tilespmem:s30+$0xFFFFFDB0];
	v0 =	vmax.f32 v0, v15;
	v7 =	vmax.f32 v7, v8  }
0x61c: {  	v15 =	vld [tilespmem:s30+$0xFFFFFDC0];
	v4 =	vmax.f32 v19, v3;
	v8 =	vmax.f32 v12, v17;
	v3 =	vmax.f32 v0, v7  }
0x61d: {  	v19 =	vld [tilespmem:s30+$0xFFFFFDE0];
	v7 =	vmax.f32 v10, v8;
	v12 =	vmax.f32 v4, v3  }
0x61e: {  	v0 =	vld [tilespmem:s30+$0xFFFFFDD0];
	v22 =	vmax.f32 v7, v12  }
0x61f: {  	v7 =	vld [tilespmem:s30+$0xFFFFFDF0];
	[tilespmem:s26+$0x0] =	vst v22  }
0x620: {  	v12 =	vld [tilespmem:s30+$0x100]  }
0x621: {  	v20 =	vld [tilespmem:s30+$0x110]  }
0x622: {  	v24 =	vld [tilespmem:s30+$0x120]  }
0x623: {  	v49 =	vld [tilespmem:s30+$0x130]  }
0x624: {  	v50 =	vld [tilespmem:s30+$0x140]  }
0x625: {  	v51 =	vld [tilespmem:s30+$0x150]  }
0x626: {  	v52 =	vld [tilespmem:s30+$0x160]  }
0x627: {  	v53 =	vld [tilespmem:s30+$0x170]  }
0x628: {  	v54 =	vld [tilespmem:s30+$0x180]  }
0x629: {  	v17 =	vmax.f32 v25, v26;
	v23 =	vmax.f32 v27, v28;
	v25 =	vmax.f32 v29, v30;
	v26 =	vld [tilespmem:s30+$0x190]  }
0x62a: {  	v27 =	vmax.f32 v31, v46;
	v28 =	vmax.f32 v47, v48;
	v11 =	vmax.f32 v14, v11;
	v14 =	vld [tilespmem:s30+$0x1A0]  }
0x62b: {  	v11 =	vmax.f32 v28, v11;
	v28 =	vld [tilespmem:s30+$0x1F0];
	v0 =	vmax.f32 v15, v0;
	v7 =	vmax.f32 v19, v7  }
0x62c: {  	v17 =	vmax.f32 v17, v23;
	v15 =	vmax.f32 v25, v27;
	v27 =	vld [tilespmem:s30+$0x1D0];
	v7 =	vmax.f32 v0, v7  }
0x62d: {  	v23 =	vmax.f32 v17, v15;
	v19 =	vld [tilespmem:s30+$0x1B0];
	v25 =	vmax.f32 v11, v7  }
0x62e: {  	v0 =	vld [tilespmem:s30+$0x1C0];
	v23 =	vmax.f32 v23, v25  }
0x62f: {  	v25 =	vld [tilespmem:s30+$0x1E0];
	[tilespmem:s26+$0xFFFFFFD0] =	vst v23  }
0x630: {  	v29 =	vld [tilespmem:s30+$0xFFFFFE00]  }
0x631: {  	v30 =	vld [tilespmem:s30+$0xFFFFFE10]  }
0x632: {  	v31 =	vld [tilespmem:s30+$0xFFFFFE20]  }
0x633: {  	v55 =	vld [tilespmem:s30+$0xFFFFFE30]  }
0x634: {  	v56 =	vld [tilespmem:s30+$0xFFFFFE40]  }
0x635: {  	v57 =	vld [tilespmem:s30+$0xFFFFFE50]  }
0x636: {  	v58 =	vld [tilespmem:s30+$0xFFFFFE60]  }
0x637: {  	v59 =	vld [tilespmem:s30+$0xFFFFFE70]  }
0x638: {  	v12 =	vmax.f32 v12, v20;
	v60 =	vld [tilespmem:s30+$0xFFFFFE80]  }
0x639: {  	v20 =	vmax.f32 v24, v49;
	v24 =	vmax.f32 v50, v51;
	v63 =	vmax.f32 v52, v53;
	v61 =	vld [tilespmem:s30+$0xFFFFFE90]  }
0x63a: {  	v26 =	vmax.f32 v54, v26;
	v23 =	vmax.f32 v21, v23;
	v21 =	vmax.f32 v12, v20;
	v62 =	vld [tilespmem:s30+$0xFFFFFEA0]  }
0x63b: {  	v14 =	vmax.f32 v14, v19;
	v19 =	vld [tilespmem:s30+$0xFFFFFEB0];
	v0 =	vmax.f32 v0, v27;
	v12 =	vmax.f32 v25, v28  }
0x63c: {  	v20 =	vmax.f32 v24, v63;
	v14 =	vmax.f32 v26, v14;
	v27 =	vld [tilespmem:s30+$0xFFFFFEE0];
	v12 =	vmax.f32 v0, v12  }
0x63d: {  	v24 =	vmax.f32 v21, v20;
	v25 =	vld [tilespmem:s30+$0xFFFFFEC0];
	v26 =	vmax.f32 v14, v12  }
0x63e: {  	v0 =	vld [tilespmem:s30+$0xFFFFFED0];
	v24 =	vmax.f32 v24, v26  }
0x63f: {  	v26 =	vld [tilespmem:s30+$0xFFFFFEF0];
	[tilespmem:s26+$0x10] =	vst v24  }
0x640: {  	v28 =	vld [tilespmem:s30+$0x200]  }
0x641: {  	v36 =	vld [tilespmem:s30+$0x210]  }
0x642: {  	v38 =	vld [tilespmem:s30+$0x220]  }
0x643: {  	v39 =	vld [tilespmem:s30+$0x230]  }
0x644: {  	v40 =	vld [tilespmem:s30+$0x240]  }
0x645: {  	v45 =	vld [tilespmem:s30+$0x250]  }
0x646: {  	v46 =	vld [tilespmem:s30+$0x260]  }
0x647: {  	v47 =	vld [tilespmem:s30+$0x270]  }
0x648: {  	v41 =	vmax.f32 v58, v59;
	v48 =	vld [tilespmem:s30+$0x280]  }
0x649: {  	v24 =	vmax.f32 v22, v24;
	v22 =	vmax.f32 v29, v30;
	v29 =	vmax.f32 v31, v55;
	v31 =	vld [tilespmem:s30+$0x290]  }
0x64a: {  	v42 =	vmax.f32 v60, v61;
	v19 =	vmax.f32 v62, v19;
	v30 =	vmax.f32 v56, v57;
	v43 =	vld [tilespmem:s30+$0x2A0]  }
0x64b: {  	v37 =	vmax.f32 v22, v29;
	v29 =	vld [tilespmem:s30+$0x2D0];
	v0 =	vmax.f32 v25, v0;
	v25 =	vmax.f32 v27, v26  }
0x64c: {  	v30 =	vmax.f32 v30, v41;
	v22 =	vmax.f32 v42, v19;
	v26 =	vld [tilespmem:s30+$0x2B0];
	v19 =	vmax.f32 v0, v25  }
0x64d: {  	v0 =	vld [tilespmem:s30+$0x2C0];
	v25 =	vmax.f32 v37, v30;
	v27 =	vmax.f32 v22, v19  }
0x64e: {  	v35 =	vmax.f32 v25, v27;
	v25 =	vld [tilespmem:s30+$0x2E0]  }
0x64f: {  	v27 =	vld [tilespmem:s30+$0x2F0];
	[tilespmem:s26+$0xFFFFFFE0] =	vst v35  }
0x650: {  	v49 =	vld [tilespmem:s30+$0xFFFFFF00]  }
0x651: {  	v50 =	vld [tilespmem:s30+$0xFFFFFF10]  }
0x652: {  	v52 =	vld [tilespmem:s30+$0xFFFFFF20]  }
0x653: {  	v53 =	vld [tilespmem:s30+$0xFFFFFF30]  }
0x654: {  	v54 =	vld [tilespmem:s30+$0xFFFFFF40]  }
0x655: {  	v56 =	vld [tilespmem:s30+$0xFFFFFF50]  }
0x656: {  	v57 =	vld [tilespmem:s30+$0xFFFFFF60]  }
0x657: {  	v58 =	vld [tilespmem:s30+$0xFFFFFF70]  }
0x658: {  	v59 =	vld [tilespmem:s30+$0xFFFFFF80]  }
0x659: {  	v28 =	vmax.f32 v28, v36;
	v44 =	vmax.f32 v38, v39;
	v45 =	vmax.f32 v40, v45;
	v60 =	vld [tilespmem:s30+$0xFFFFFF90]  }
0x65a: {  	v51 =	vmax.f32 v46, v47;
	v55 =	vmax.f32 v48, v31;
	v38 =	vmax.f32 v28, v44;
	v61 =	vld [tilespmem:s30+$0xFFFFFFA0]  }
0x65b: {  	v26 =	vmax.f32 v43, v26;
	v62 =	vld [tilespmem:s30+$0xFFFFFFB0];
	v0 =	vmax.f32 v0, v29;
	v25 =	vmax.f32 v25, v27  }
0x65c: {  	v31 =	vmax.f32 v45, v51;
	v63 =	vld [tilespmem:s30+$0xFFFFFFC0];
	v29 =	vmax.f32 v55, v26;
	v25 =	vmax.f32 v0, v25  }
0x65d: {  	[tilespmem:$0x1F890] =	vst v1;
	v1 =	vld [tilespmem:s30+$0xFFFFFFE0];
	v26 =	vmax.f32 v38, v31;
	v27 =	vmax.f32 v29, v25  }
0x65e: {  	v9 =	vld [tilespmem:s30+$0xFFFFFFF0];
	v39 =	vmax.f32 v26, v27  }
0x65f: {  	v0 =	vld [tilespmem:s30+$0xFFFFFFD0];
	[tilespmem:s26+$0x20] =	vst v39  }
0x660: {  	v27 =	vld [tilespmem:s30+$0x300]  }
0x661: {  	v28 =	vld [tilespmem:s30+$0x310]  }
0x662: {  	v32 =	vld [tilespmem:s30+$0x320]  }
0x663: {  	v33 =	vld [tilespmem:s30+$0x330]  }
0x664: {  	v34 =	vld [tilespmem:s30+$0x340]  }
0x665: {  	v36 =	vld [tilespmem:s30+$0x350]  }
0x666: {  	v40 =	vld [tilespmem:s30+$0x360]  }
0x667: {  	v42 =	vld [tilespmem:s30+$0x370]  }
0x668: {  	v41 =	vld [tilespmem:s30+$0x380]  }
0x669: {  	s29 =	sadd.s32 $0x2, s29;
	v43 =	vld [tilespmem:s30+$0x390]  }
0x66a: {  	p0 =	slt.u32 s29, $0x2E;
	v45 =	vld [tilespmem:s30+$0x3A0]  }
.Ltmp13:
0x66b: {  	v44 =	vld [tilespmem:s30+$0x3B0];
	(pc) =	sbr.rel @p0 .LBB2_16-.Ltmp13, $4  }
0x66c: {  	v46 =	vld [tilespmem:s30+$0x3C0]  }
0x66d: {  	v51 =	vmax.f32 v49, v50;
	v55 =	vmax.f32 v52, v53;
	v47 =	vld [tilespmem:s30+$0x3D0]  }
0x66e: {  	v48 =	vmax.f32 v54, v56;
	v49 =	vmax.f32 v57, v58;
	v52 =	vmax.f32 v61, v62;
	v50 =	vld [tilespmem:s30+$0x3E0]  }
0x66f: {  	v54 =	vmax.f32 v1, v9;
	v26 =	vmax.f32 v59, v60;
	v56 =	vld [tilespmem:s30+$0x3F0];
	s30 =	sadd.s32 $0x800, s30;
	v53 =	vmax.f32 v63, v0  }
0x670: {  	v0 =	vmax.f32 v27, v28;
	v1 =	vmax.f32 v32, v33;
	v9 =	vmax.f32 v34, v36  }
0x671: {  	v62 =	vmax.f32 v40, v42;
	v32 =	vmax.f32 v51, v55;
	v63 =	vmax.f32 v41, v43  }
0x672: {  	v45 =	vmax.f32 v45, v44;
	v40 =	vmax.f32 v48, v49;
	v42 =	vmax.f32 v26, v52  }
0x673: {  	v27 =	vmax.f32 v53, v54;
	v0 =	vmax.f32 v0, v1;
	v1 =	vmax.f32 v9, v62  }
0x674: {  	v9 =	vmax.f32 v63, v45;
	v51 =	vmax.f32 v46, v47;
	v55 =	vmax.f32 v50, v56  }
0x675: {  	v57 =	vmax.f32 v42, v27;
	v56 =	vmax.f32 v32, v40;
	v26 =	vmax.f32 v51, v55  }
0x676: {  	v58 =	vmax.f32 v0, v1;
	v28 =	vmax.f32 v56, v57;
	v59 =	vmax.f32 v9, v26  }
0x677: {  	[tilespmem:s26+$0xFFFFFFF0] =	vst v28;
	v28 =	vmax.f32 v35, v28;
	v33 =	vmax.f32 v58, v59  }
0x678: {  	s31 =	sadd.s32 $0x20, s28;
	v23 =	vmax.f32 v23, v28;
	[tilespmem:s26+$0x30] =	vst v33;
	v60 =	vmax.f32 v39, v33  }
0x679: {  	[tilespmem:s31+$0xFFFFFFF0] =	vst v23;
	v61 =	vmax.f32 v24, v60  }
0x67a: {  	[tilespmem:s31+$0x0] =	vst v61  }
0x67b: {  	v23 =	vld [tilespmem:$0x18400]  }
0x67c: {  	v24 =	vld [tilespmem:$0x18410]  }
0x67d: {  	v62 =	vld [tilespmem:$0x18420]  }
0x67e: {  	v63 =	vld [tilespmem:$0x18430]  }
0x67f: {  	v34 =	vld [tilespmem:$0x18440]  }
0x680: {  	v35 =	vld [tilespmem:$0x18450]  }
0x681: {  	v36 =	vld [tilespmem:$0x18460]  }
0x682: {  	v39 =	vld [tilespmem:$0x18470]  }
0x683: {  	v41 =	vld [tilespmem:$0x18500]  }
0x684: {  	v43 =	vld [tilespmem:$0x18510]  }
0x685: {  	v44 =	vld [tilespmem:$0x18520]  }
0x686: {  	v45 =	vld [tilespmem:$0x18530]  }
0x687: {  	v46 =	vld [tilespmem:$0x18540]  }
0x688: {  	v47 =	vld [tilespmem:$0x18550]  }
0x689: {  	v48 =	vld [tilespmem:$0x18560]  }
0x68a: {  	v49 =	vld [tilespmem:$0x18570]  }
0x68b: {  	v50 =	vld [tilespmem:$0x18600]  }
0x68c: {  	v51 =	vld [tilespmem:$0x18610]  }
0x68d: {  	v52 =	vld [tilespmem:$0x18620]  }
0x68e: {  	v6 =	vmax.f32 v18, v6;
	v55 =	vld [tilespmem:$0x18630]  }
0x68f: {  	v5 =	vmax.f32 v16, v5;
	v6 =	vmax.f32 v6, v17;
	v56 =	vld [tilespmem:$0x18640]  }
0x690: {  	v5 =	vmax.f32 v5, v15;
	v6 =	vmax.f32 v6, v37;
	v57 =	vld [tilespmem:$0x18650]  }
0x691: {  	v5 =	vmax.f32 v5, v30;
	v6 =	vmax.f32 v6, v32;
	v58 =	vld [tilespmem:$0x18660]  }
0x692: {  	v2 =	vmax.f32 v13, v2;
	v5 =	vmax.f32 v5, v40;
	v6 =	vmax.f32 v6, v10;
	v59 =	vld [tilespmem:$0x18670]  }
0x693: {  	v2 =	vmax.f32 v2, v11;
	v5 =	vmax.f32 v5, v8;
	v6 =	vmax.f32 v6, v21;
	v60 =	vld [tilespmem:$0x18700]  }
0x694: {  	v2 =	vmax.f32 v2, v22;
	v5 =	vmax.f32 v5, v20;
	v6 =	vmax.f32 v6, v38;
	v61 =	vld [tilespmem:$0x18710]  }
0x695: {  	v2 =	vmax.f32 v2, v42;
	v20 =	vmax.f32 v5, v31;
	v0 =	vmax.f32 v6, v0;
	v6 =	vld [tilespmem:$0x18720]  }
0x696: {  	v2 =	vmax.f32 v2, v4;
	v1 =	vmax.f32 v20, v1;
	v40 =	vld [tilespmem:$0x18750];
	v5 =	vmax.f32 v23, v24  }
0x697: {  	v62 =	vmax.f32 v62, v63;
	v63 =	vld [tilespmem:$0x18730];
	v37 =	vmax.f32 v34, v35;
	v38 =	vmax.f32 v36, v39  }
0x698: {  	v39 =	vld [tilespmem:$0x18740];
	v43 =	vmax.f32 v41, v43;
	v44 =	vmax.f32 v44, v45;
	v47 =	vmax.f32 v46, v47  }
0x699: {  	v45 =	vld [tilespmem:$0x18760];
	v48 =	vmax.f32 v48, v49;
	v50 =	vmax.f32 v50, v51;
	v18 =	vmax.f32 v52, v55  }
0x69a: {  	v49 =	vld [tilespmem:$0x18770];
	v16 =	vmax.f32 v56, v57;
	v10 =	vmax.f32 v58, v59;
	v8 =	vmax.f32 v60, v61  }
0x69b: {  	v53 =	vld [tilespmem:$0x184A0];
	v5 =	vmax.f32 v5, v62;
	v20 =	vmax.f32 v37, v38;
	v28 =	vmax.f32 v43, v44  }
0x69c: {  	v54 =	vld [tilespmem:$0x184B0];
	v31 =	vmax.f32 v47, v48;
	v17 =	vmax.f32 v50, v18;
	v0 =	vmax.f32 v0, v5  }
0x69d: {  	v4 =	vld [tilespmem:$0x18790];
	v10 =	vmax.f32 v16, v10;
	v1 =	vmax.f32 v1, v20;
	v0 =	vmax.f32 v0, v28  }
0x69e: {  	v33 =	vld [tilespmem:$0x187A0];
	v1 =	vmax.f32 v1, v31;
	v0 =	vmax.f32 v0, v17;
	v6 =	vmax.f32 v6, v63  }
0x69f: {  	v42 =	vld [tilespmem:$0x184F0];
	v55 =	vmax.f32 v39, v40;
	v56 =	vmax.f32 v45, v49;
	v6 =	vmax.f32 v8, v6  }
0x6a0: {  	v51 =	vld [tilespmem:$0x18480];
	v1 =	vmax.f32 v1, v10;
	v8 =	vmax.f32 v55, v56;
	v0 =	vmax.f32 v0, v6  }
0x6a1: {  	v52 =	vld [tilespmem:$0x18490];
	v1 =	vmax.f32 v1, v8;
	(xrf1) =	vsort.dscd.msk.f32 $0xffff, v0, v0  }
0x6a2: {  	v57 =	vld [tilespmem:$0x18580];
	(xrf1) =	vsort.ascd.msk.f32 $0xffff, v1, v1  }
0x6a3: {  	v58 =	vld [tilespmem:$0x18590]  }
0x6a4: {  	v59 =	vld [tilespmem:$0x18680]  }
0x6a5: {  	v60 =	vld [tilespmem:$0x18690]  }
0x6a6: {  	v61 =	vld [tilespmem:$0x186A0]  }
0x6a7: {  	v34 =	vld [tilespmem:$0x187B0]  }
0x6a8: {  	v0 =	vld [tilespmem:$0x185A0]  }
0x6a9: {  	v1 =	vld [tilespmem:$0x185B0]  }
0x6aa: {  	v2 =	vmax.f32 v2, v14;
	v62 =	vld [tilespmem:$0x186B0]  }
0x6ab: {  	v2 =	vmax.f32 v2, v29;
	v63 =	vld [tilespmem:$0x18780]  }
0x6ac: {  	v2 =	vmax.f32 v2, v9;
	v37 =	vmax.f32 v53, v54;
	v38 =	vld [tilespmem:$0x184C0]  }
0x6ad: {  	v47 =	vld [tilespmem:$0x185D0];
	v36 =	vmax.f32 v51, v52;
	v39 =	vmax.f32 v57, v58;
	v13 =	vmax.f32 v59, v60  }
0x6ae: {  	v48 =	vld [tilespmem:$0x185E0];
	v43 =	vmax.f32 v33, v34;
	v9 =	vmax.f32 v36, v37;
	v0 =	vmax.f32 v0, v1  }
0x6af: {  	v50 =	vld [tilespmem:$0x1F890];
	v11 =	vmax.f32 v61, v62;
	v2 =	vmax.f32 v2, v9;
	v0 =	vmax.f32 v39, v0;
	v41, _, _ =	vpop (xrf1)  }
0x6b0: {  	v53 =	vld [tilespmem:$0x186E0];
	v11 =	vmax.f32 v13, v11;
	v4 =	vmax.f32 v63, v4;
	v2 =	vmax.f32 v2, v0;
	v44, _, _ =	vpop (xrf1)  }
0x6b1: {  	v54 =	vld [tilespmem:$0x186F0];
	v4 =	vmax.f32 v4, v43;
	v2 =	vmax.f32 v2, v11;
	v46 =	vmax.f32 v41, v44  }
0x6b2: {  	v40 =	vld [tilespmem:$0x184E0];
	v2 =	vmax.f32 v2, v4;
	(xrf1) =	vsort.dscd.msk.f32 $0xffff, v46, v46  }
0x6b3: {  	v51 =	vld [tilespmem:$0x1FB80];
	(xrf1) =	vsort.ascd.msk.f32 $0xffff, v2, v2  }
0x6b4: {  	v45 =	vld [tilespmem:$0x185C0]  }
0x6b5: {  	v49 =	vld [tilespmem:$0x186C0]  }
0x6b6: {  	v52 =	vld [tilespmem:$0x186D0]  }
0x6b7: {  	v57 =	vld [tilespmem:$0x187F0]  }
0x6b8: {  	v55 =	vld [tilespmem:$0x187C0];
	v23 =	vmax.f32 v51, v50  }
0x6b9: {  	v7 =	vmax.f32 v23, v7;
	v1 =	vld [tilespmem:$0x184D0]  }
0x6ba: {  	v7 =	vmax.f32 v7, v19;
	v2 =	vld [tilespmem:$0x185F0]  }
0x6bb: {  	v56 =	vld [tilespmem:$0x187E0];
	v7 =	vmax.f32 v7, v27  }
0x6bc: {  	v59 =	vmax.f32 v53, v54;
	v3 =	vmax.f32 v7, v3;
	v7 =	vld [tilespmem:$0x187D0]  }
0x6bd: {  	v15 =	vmax.f32 v40, v42;
	v14 =	vmax.f32 v45, v47;
	v3 =	vmax.f32 v3, v12  }
0x6be: {  	v58 =	vmax.f32 v49, v52;
	v3 =	vmax.f32 v3, v25;
	v1 =	vmax.f32 v38, v1  }
0x6bf: {  	v3 =	vmax.f32 v3, v26;
	v1 =	vmax.f32 v1, v15;
	v2 =	vmax.f32 v48, v2  }
0x6c0: {  	v13 =	vmax.f32 v58, v59;
	v3 =	vmax.f32 v3, v1;
	v2 =	vmax.f32 v14, v2;
	v60, _, _ =	vpop (xrf1)  }
0x6c1: {  	v12 =	vmax.f32 v56, v57;
	v7 =	vmax.f32 v55, v7;
	v3 =	vmax.f32 v3, v2;
	v61, _, _ =	vpop (xrf1)  }
0x6c2: {  	v7 =	vmax.f32 v7, v12;
	v3 =	vmax.f32 v3, v13;
	v62 =	vmax.f32 v60, v61  }
0x6c3: {  	v3 =	vmax.f32 v3, v7;
	(xrf1) =	vsort.dscd.msk.f32 $0xffff, v62, v62  }
0x6c4: {  	(xrf1) =	vsort.ascd.msk.f32 $0xffff, v3, v3;
	_ =	sdelay $0xc  }
0x6c5: {  	v3, _, _ =	vpop (xrf1)  }
0x6c6: {  	v63, _, _ =	vpop (xrf1)  }
0x6c7: {  	v3 =	vmax.f32 v3, v63  }
0x6c8: {  	(xrf1) =	vsort.dscd.msk.f32 $0xffff, v3, v3;
	_ =	sdelay $0xc  }
0x6c9: {  	v5 =	vmax.f32 v5, v20;
	v1 =	vmax.f32 v9, v1  }
0x6ca: {  	v4 =	vmax.f32 v4, v7;
	v1 =	vmax.f32 v5, v1;
	v3, _, _ =	vpop (xrf1)  }
0x6cb: {  	v5 =	vmax.f32 v6, v8;
	v0 =	vmax.f32 v0, v2;
	(xrf0) =	vmin.scan.msk.f32 $0xffff, v3;
	v3 =	vmax.f32 v28, v31  }
0x6cc: {  	v2 =	vmax.f32 v17, v10;
	v0 =	vmax.f32 v3, v0;
	v3 =	vmax.f32 v11, v13  }
0x6cd: {  	[tilespmem:$0x19400] =	vst v1;
	v2 =	vmax.f32 v2, v3;
	v3 =	vmax.f32 v5, v4  }
.Ltmp14:
0x6ce: {  	[tilespmem:$0x19410] =	vst v0;
	v0 =	vmax.f32 v1, v0;
	v1 =	vmax.f32 v2, v3;
	(pc) =	sbr.rel .LBB2_18-.Ltmp14, $4  }
0x6cf: {  	_ = 	snop  }
0x6d0: {  	[tilespmem:$0x19420] =	vst v2  }
0x6d1: {  	[tilespmem:$0x19430] =	vst v3;
	v0 =	vmax.f32 v0, v1;
	v1, _, _ =	vpop (xrf0)  }
0x6d2: {  	s28 =	simm.s32 $0xC600;
	s29 =	simm.s32 $0x18820;
	s26 =	simm.s32 $0x0;
	v4 =	vimm.f32 $0.0e+00;
	v2 =	vimm.f32 $-Inf;
	[tilespmem:$0x19780] =	vst v0;
	v1 =	vbroadcast v1, $0xF  }
.LBB2_27:
0x6d3: {  	s26 =	sadd.s32 $0x40, s26  }
0x6d4: {  	p0 =	sne.s32 s26, $0xC40  }
.Ltmp15:
0x6d5: {  	_ = 	snop;
	(pc) =	sbr.rel @!p0 .LBB2_28-.Ltmp15, $2  }
0x6d6: {  	_ =	sdelay $0x2  }
0x6d7: {  	s28 =	sadd.s32 $0x400, s28;
	s29 =	sadd.s32 $0x40, s29  }
.LBB2_18:
0x6d8: {  	s30 =	sshra.s32 s26, $0x2  }
0x6d9: {  	v0 =	vld [tilespmem:s30+$0x19480];
	_ =	sdelay $0x4  }
0x6da: {  	vm0 =	vge.f32 v0, v1  }
0x6db: {  	v0 =	vsel vm0, $0x3F800000, v4  }
0x6dc: {  	(xrf0) =	vmax.scan.msk.f32 $0xffff, v0;
	_ =	sdelay $0x5  }
0x6dd: {  	v0, _, _ =	vpop (xrf0)  }
0x6de: {  	(v2sf) =	vpush v0, $0xF;
	_ =	sdelay $0xe  }
0x6df: {  	s31 =	spop (v2sf)  }
0x6e0: {  	p0 =	sgt.f32 s31, $0.0e+00  }
.Ltmp16:
0x6e1: {  	_ = 	snop;
	(pc) =	sbr.rel @!p0 .LBB2_27-.Ltmp16, $1  }
0x6e2: {  	_ =	sdelay $0x3  }
0x6e3: {  	v0 =	vld [tilespmem:s29+$0xFFFFFFE0];
	_ =	sdelay $0x4  }
0x6e4: {  	vm0 =	vge.f32 v0, v1  }
0x6e5: {  	v0 =	vsel vm0, $0x3F800000, v4  }
0x6e6: {  	(xrf0) =	vmax.scan.msk.f32 $0xffff, v0;
	_ =	sdelay $0x5  }
0x6e7: {  	v0, _, _ =	vpop (xrf0)  }
0x6e8: {  	(v2sf) =	vpush v0, $0xF;
	_ =	sdelay $0xe  }
0x6e9: {  	s30 =	spop (v2sf)  }
0x6ea: {  	p0 =	sgt.f32 s30, $0.0e+00  }
.Ltmp17:
0x6eb: {  	_ = 	snop;
	(pc) =	sbr.rel @!p0 .LBB2_21-.Ltmp17, $1  }
0x6ec: {  	_ =	sdelay $0x3  }
0x6ed: {  	v0 =	vld [tilespmem:s28+$0xFFFFFE00];
	_ =	sdelay $0x4  }
0x6ee: {  	(xrf1) =	vsort.ascd.msk.f32 $0xffff, v0, v0;
	_ =	sdelay $0xb  }
0x6ef: {  	v0 =	vld [tilespmem:s28+$0xFFFFFE10];
	_ =	sdelay $0x1  }
0x6f0: {  	v3, _, _ =	vpop (xrf1)  }
0x6f1: {  	v2 =	vmax.f32 v2, v3  }
0x6f2: {  	(xrf1) =	vsort.dscd.msk.f32 $0xffff, v2, v2  }
0x6f3: {  	(xrf1) =	vsort.ascd.msk.f32 $0xffff, v0, v0;
	_ =	sdelay $0xb  }
0x6f4: {  	v0 =	vld [tilespmem:s28+$0xFFFFFE20]  }
0x6f5: {  	v2, _, _ =	vpop (xrf1)  }
0x6f6: {  	v3, _, _ =	vpop (xrf1)  }
0x6f7: {  	v2 =	vmax.f32 v2, v3  }
0x6f8: {  	(xrf1) =	vsort.dscd.msk.f32 $0xffff, v2, v2  }
0x6f9: {  	(xrf1) =	vsort.ascd.msk.f32 $0xffff, v0, v0;
	_ =	sdelay $0xb  }
0x6fa: {  	v0 =	vld [tilespmem:s28+$0xFFFFFE30]  }
0x6fb: {  	v2, _, _ =	vpop (xrf1)  }
0x6fc: {  	v3, _, _ =	vpop (xrf1)  }
0x6fd: {  	v2 =	vmax.f32 v2, v3  }
0x6fe: {  	(xrf1) =	vsort.dscd.msk.f32 $0xffff, v2, v2  }
0x6ff: {  	(xrf1) =	vsort.ascd.msk.f32 $0xffff, v0, v0;
	_ =	sdelay $0xb  }
0x700: {  	v0 =	vld [tilespmem:s28+$0xFFFFFE40]  }
0x701: {  	v2, _, _ =	vpop (xrf1)  }
0x702: {  	v3, _, _ =	vpop (xrf1)  }
0x703: {  	v2 =	vmax.f32 v2, v3  }
0x704: {  	(xrf1) =	vsort.dscd.msk.f32 $0xffff, v2, v2  }
0x705: {  	(xrf1) =	vsort.ascd.msk.f32 $0xffff, v0, v0;
	_ =	sdelay $0xb  }
0x706: {  	v0 =	vld [tilespmem:s28+$0xFFFFFE50]  }
0x707: {  	v2, _, _ =	vpop (xrf1)  }
0x708: {  	v3, _, _ =	vpop (xrf1)  }
0x709: {  	v2 =	vmax.f32 v2, v3  }
0x70a: {  	(xrf1) =	vsort.dscd.msk.f32 $0xffff, v2, v2  }
0x70b: {  	(xrf1) =	vsort.ascd.msk.f32 $0xffff, v0, v0;
	_ =	sdelay $0xb  }
0x70c: {  	v0 =	vld [tilespmem:s28+$0xFFFFFE60]  }
0x70d: {  	v2, _, _ =	vpop (xrf1)  }
0x70e: {  	v3, _, _ =	vpop (xrf1)  }
0x70f: {  	v2 =	vmax.f32 v2, v3  }
0x710: {  	(xrf1) =	vsort.dscd.msk.f32 $0xffff, v2, v2  }
0x711: {  	(xrf1) =	vsort.ascd.msk.f32 $0xffff, v0, v0;
	_ =	sdelay $0xb  }
0x712: {  	v0 =	vld [tilespmem:s28+$0xFFFFFE70]  }
0x713: {  	v2, _, _ =	vpop (xrf1)  }
0x714: {  	v3, _, _ =	vpop (xrf1)  }
0x715: {  	v2 =	vmax.f32 v2, v3  }
0x716: {  	(xrf1) =	vsort.dscd.msk.f32 $0xffff, v2, v2  }
0x717: {  	(xrf1) =	vsort.ascd.msk.f32 $0xffff, v0, v0;
	_ =	sdelay $0xb  }
0x718: {  	v0 =	vld [tilespmem:s28+$0xFFFFFE80]  }
0x719: {  	v2, _, _ =	vpop (xrf1)  }
0x71a: {  	v3, _, _ =	vpop (xrf1)  }
0x71b: {  	v2 =	vmax.f32 v2, v3  }
0x71c: {  	(xrf1) =	vsort.dscd.msk.f32 $0xffff, v2, v2  }
0x71d: {  	(xrf1) =	vsort.ascd.msk.f32 $0xffff, v0, v0;
	_ =	sdelay $0xb  }
0x71e: {  	v0 =	vld [tilespmem:s28+$0xFFFFFE90]  }
0x71f: {  	v2, _, _ =	vpop (xrf1)  }
0x720: {  	v3, _, _ =	vpop (xrf1)  }
0x721: {  	v2 =	vmax.f32 v2, v3  }
0x722: {  	(xrf1) =	vsort.dscd.msk.f32 $0xffff, v2, v2  }
0x723: {  	(xrf1) =	vsort.ascd.msk.f32 $0xffff, v0, v0;
	_ =	sdelay $0xb  }
0x724: {  	v0 =	vld [tilespmem:s28+$0xFFFFFEA0]  }
0x725: {  	v2, _, _ =	vpop (xrf1)  }
0x726: {  	v3, _, _ =	vpop (xrf1)  }
0x727: {  	v2 =	vmax.f32 v2, v3  }
0x728: {  	(xrf1) =	vsort.dscd.msk.f32 $0xffff, v2, v2  }
0x729: {  	(xrf1) =	vsort.ascd.msk.f32 $0xffff, v0, v0;
	_ =	sdelay $0xb  }
0x72a: {  	v0 =	vld [tilespmem:s28+$0xFFFFFEB0]  }
0x72b: {  	v2, _, _ =	vpop (xrf1)  }
0x72c: {  	v3, _, _ =	vpop (xrf1)  }
0x72d: {  	v2 =	vmax.f32 v2, v3  }
0x72e: {  	(xrf1) =	vsort.dscd.msk.f32 $0xffff, v2, v2  }
0x72f: {  	(xrf1) =	vsort.ascd.msk.f32 $0xffff, v0, v0;
	_ =	sdelay $0xb  }
0x730: {  	v0 =	vld [tilespmem:s28+$0xFFFFFEC0]  }
0x731: {  	v2, _, _ =	vpop (xrf1)  }
0x732: {  	v3, _, _ =	vpop (xrf1)  }
0x733: {  	v2 =	vmax.f32 v2, v3  }
0x734: {  	(xrf1) =	vsort.dscd.msk.f32 $0xffff, v2, v2  }
0x735: {  	(xrf1) =	vsort.ascd.msk.f32 $0xffff, v0, v0;
	_ =	sdelay $0xb  }
0x736: {  	v0 =	vld [tilespmem:s28+$0xFFFFFED0]  }
0x737: {  	v2, _, _ =	vpop (xrf1)  }
0x738: {  	v3, _, _ =	vpop (xrf1)  }
0x739: {  	v2 =	vmax.f32 v2, v3  }
0x73a: {  	(xrf1) =	vsort.dscd.msk.f32 $0xffff, v2, v2  }
0x73b: {  	(xrf1) =	vsort.ascd.msk.f32 $0xffff, v0, v0;
	_ =	sdelay $0xb  }
0x73c: {  	v0 =	vld [tilespmem:s28+$0xFFFFFEE0]  }
0x73d: {  	v2, _, _ =	vpop (xrf1)  }
0x73e: {  	v3, _, _ =	vpop (xrf1)  }
0x73f: {  	v2 =	vmax.f32 v2, v3  }
0x740: {  	(xrf1) =	vsort.dscd.msk.f32 $0xffff, v2, v2  }
0x741: {  	(xrf1) =	vsort.ascd.msk.f32 $0xffff, v0, v0;
	_ =	sdelay $0xb  }
0x742: {  	v0 =	vld [tilespmem:s28+$0xFFFFFEF0]  }
0x743: {  	v2, _, _ =	vpop (xrf1)  }
0x744: {  	v3, _, _ =	vpop (xrf1)  }
0x745: {  	v2 =	vmax.f32 v2, v3  }
0x746: {  	(xrf1) =	vsort.dscd.msk.f32 $0xffff, v2, v2  }
0x747: {  	(xrf1) =	vsort.ascd.msk.f32 $0xffff, v0, v0;
	_ =	sdelay $0xc  }
0x748: {  	v0, _, _ =	vpop (xrf1)  }
0x749: {  	v2, _, _ =	vpop (xrf1)  }
0x74a: {  	v0 =	vmax.f32 v0, v2  }
0x74b: {  	(xrf1) =	vsort.dscd.msk.f32 $0xffff, v0, v0;
	_ =	sdelay $0xd  }
0x74c: {  	v2, _, _ =	vpop (xrf1)  }
.LBB2_21:
0x74d: {  	v0 =	vld [tilespmem:s29+$0xFFFFFFF0];
	_ =	sdelay $0x4  }
0x74e: {  	vm0 =	vge.f32 v0, v1  }
0x74f: {  	v0 =	vsel vm0, $0x3F800000, v4  }
0x750: {  	(xrf0) =	vmax.scan.msk.f32 $0xffff, v0;
	_ =	sdelay $0x5  }
0x751: {  	v0, _, _ =	vpop (xrf0)  }
0x752: {  	(v2sf) =	vpush v0, $0xF;
	_ =	sdelay $0xe  }
0x753: {  	s30 =	spop (v2sf)  }
0x754: {  	p0 =	sgt.f32 s30, $0.0e+00  }
.Ltmp18:
0x755: {  	_ = 	snop;
	(pc) =	sbr.rel @!p0 .LBB2_23-.Ltmp18, $1  }
0x756: {  	_ =	sdelay $0x3  }
0x757: {  	v0 =	vld [tilespmem:s28+$0xFFFFFF00];
	_ =	sdelay $0x4  }
0x758: {  	(xrf1) =	vsort.ascd.msk.f32 $0xffff, v0, v0;
	_ =	sdelay $0xb  }
0x759: {  	v0 =	vld [tilespmem:s28+$0xFFFFFF10];
	_ =	sdelay $0x1  }
0x75a: {  	v3, _, _ =	vpop (xrf1)  }
0x75b: {  	v2 =	vmax.f32 v2, v3  }
0x75c: {  	(xrf1) =	vsort.dscd.msk.f32 $0xffff, v2, v2  }
0x75d: {  	(xrf1) =	vsort.ascd.msk.f32 $0xffff, v0, v0;
	_ =	sdelay $0xb  }
0x75e: {  	v0 =	vld [tilespmem:s28+$0xFFFFFF20]  }
0x75f: {  	v2, _, _ =	vpop (xrf1)  }
0x760: {  	v3, _, _ =	vpop (xrf1)  }
0x761: {  	v2 =	vmax.f32 v2, v3  }
0x762: {  	(xrf1) =	vsort.dscd.msk.f32 $0xffff, v2, v2  }
0x763: {  	(xrf1) =	vsort.ascd.msk.f32 $0xffff, v0, v0;
	_ =	sdelay $0xb  }
0x764: {  	v0 =	vld [tilespmem:s28+$0xFFFFFF30]  }
0x765: {  	v2, _, _ =	vpop (xrf1)  }
0x766: {  	v3, _, _ =	vpop (xrf1)  }
0x767: {  	v2 =	vmax.f32 v2, v3  }
0x768: {  	(xrf1) =	vsort.dscd.msk.f32 $0xffff, v2, v2  }
0x769: {  	(xrf1) =	vsort.ascd.msk.f32 $0xffff, v0, v0;
	_ =	sdelay $0xb  }
0x76a: {  	v0 =	vld [tilespmem:s28+$0xFFFFFF40]  }
0x76b: {  	v2, _, _ =	vpop (xrf1)  }
0x76c: {  	v3, _, _ =	vpop (xrf1)  }
0x76d: {  	v2 =	vmax.f32 v2, v3  }
0x76e: {  	(xrf1) =	vsort.dscd.msk.f32 $0xffff, v2, v2  }
0x76f: {  	(xrf1) =	vsort.ascd.msk.f32 $0xffff, v0, v0;
	_ =	sdelay $0xb  }
0x770: {  	v0 =	vld [tilespmem:s28+$0xFFFFFF50]  }
0x771: {  	v2, _, _ =	vpop (xrf1)  }
0x772: {  	v3, _, _ =	vpop (xrf1)  }
0x773: {  	v2 =	vmax.f32 v2, v3  }
0x774: {  	(xrf1) =	vsort.dscd.msk.f32 $0xffff, v2, v2  }
0x775: {  	(xrf1) =	vsort.ascd.msk.f32 $0xffff, v0, v0;
	_ =	sdelay $0xb  }
0x776: {  	v0 =	vld [tilespmem:s28+$0xFFFFFF60]  }
0x777: {  	v2, _, _ =	vpop (xrf1)  }
0x778: {  	v3, _, _ =	vpop (xrf1)  }
0x779: {  	v2 =	vmax.f32 v2, v3  }
0x77a: {  	(xrf1) =	vsort.dscd.msk.f32 $0xffff, v2, v2  }
0x77b: {  	(xrf1) =	vsort.ascd.msk.f32 $0xffff, v0, v0;
	_ =	sdelay $0xb  }
0x77c: {  	v0 =	vld [tilespmem:s28+$0xFFFFFF70]  }
0x77d: {  	v2, _, _ =	vpop (xrf1)  }
0x77e: {  	v3, _, _ =	vpop (xrf1)  }
0x77f: {  	v2 =	vmax.f32 v2, v3  }
0x780: {  	(xrf1) =	vsort.dscd.msk.f32 $0xffff, v2, v2  }
0x781: {  	(xrf1) =	vsort.ascd.msk.f32 $0xffff, v0, v0;
	_ =	sdelay $0xb  }
0x782: {  	v0 =	vld [tilespmem:s28+$0xFFFFFF80]  }
0x783: {  	v2, _, _ =	vpop (xrf1)  }
0x784: {  	v3, _, _ =	vpop (xrf1)  }
0x785: {  	v2 =	vmax.f32 v2, v3  }
0x786: {  	(xrf1) =	vsort.dscd.msk.f32 $0xffff, v2, v2  }
0x787: {  	(xrf1) =	vsort.ascd.msk.f32 $0xffff, v0, v0;
	_ =	sdelay $0xb  }
0x788: {  	v0 =	vld [tilespmem:s28+$0xFFFFFF90]  }
0x789: {  	v2, _, _ =	vpop (xrf1)  }
0x78a: {  	v3, _, _ =	vpop (xrf1)  }
0x78b: {  	v2 =	vmax.f32 v2, v3  }
0x78c: {  	(xrf1) =	vsort.dscd.msk.f32 $0xffff, v2, v2  }
0x78d: {  	(xrf1) =	vsort.ascd.msk.f32 $0xffff, v0, v0;
	_ =	sdelay $0xb  }
0x78e: {  	v0 =	vld [tilespmem:s28+$0xFFFFFFA0]  }
0x78f: {  	v2, _, _ =	vpop (xrf1)  }
0x790: {  	v3, _, _ =	vpop (xrf1)  }
0x791: {  	v2 =	vmax.f32 v2, v3  }
0x792: {  	(xrf1) =	vsort.dscd.msk.f32 $0xffff, v2, v2  }
0x793: {  	(xrf1) =	vsort.ascd.msk.f32 $0xffff, v0, v0;
	_ =	sdelay $0xb  }
0x794: {  	v0 =	vld [tilespmem:s28+$0xFFFFFFB0]  }
0x795: {  	v2, _, _ =	vpop (xrf1)  }
0x796: {  	v3, _, _ =	vpop (xrf1)  }
0x797: {  	v2 =	vmax.f32 v2, v3  }
0x798: {  	(xrf1) =	vsort.dscd.msk.f32 $0xffff, v2, v2  }
0x799: {  	(xrf1) =	vsort.ascd.msk.f32 $0xffff, v0, v0;
	_ =	sdelay $0xb  }
0x79a: {  	v0 =	vld [tilespmem:s28+$0xFFFFFFC0]  }
0x79b: {  	v2, _, _ =	vpop (xrf1)  }
0x79c: {  	v3, _, _ =	vpop (xrf1)  }
0x79d: {  	v2 =	vmax.f32 v2, v3  }
0x79e: {  	(xrf1) =	vsort.dscd.msk.f32 $0xffff, v2, v2  }
0x79f: {  	(xrf1) =	vsort.ascd.msk.f32 $0xffff, v0, v0;
	_ =	sdelay $0xb  }
0x7a0: {  	v0 =	vld [tilespmem:s28+$0xFFFFFFD0]  }
0x7a1: {  	v2, _, _ =	vpop (xrf1)  }
0x7a2: {  	v3, _, _ =	vpop (xrf1)  }
0x7a3: {  	v2 =	vmax.f32 v2, v3  }
0x7a4: {  	(xrf1) =	vsort.dscd.msk.f32 $0xffff, v2, v2  }
0x7a5: {  	(xrf1) =	vsort.ascd.msk.f32 $0xffff, v0, v0;
	_ =	sdelay $0xb  }
0x7a6: {  	v0 =	vld [tilespmem:s28+$0xFFFFFFE0]  }
0x7a7: {  	v2, _, _ =	vpop (xrf1)  }
0x7a8: {  	v3, _, _ =	vpop (xrf1)  }
0x7a9: {  	v2 =	vmax.f32 v2, v3  }
0x7aa: {  	(xrf1) =	vsort.dscd.msk.f32 $0xffff, v2, v2  }
0x7ab: {  	(xrf1) =	vsort.ascd.msk.f32 $0xffff, v0, v0;
	_ =	sdelay $0xb  }
0x7ac: {  	v0 =	vld [tilespmem:s28+$0xFFFFFFF0]  }
0x7ad: {  	v2, _, _ =	vpop (xrf1)  }
0x7ae: {  	v3, _, _ =	vpop (xrf1)  }
0x7af: {  	v2 =	vmax.f32 v2, v3  }
0x7b0: {  	(xrf1) =	vsort.dscd.msk.f32 $0xffff, v2, v2  }
0x7b1: {  	(xrf1) =	vsort.ascd.msk.f32 $0xffff, v0, v0;
	_ =	sdelay $0xc  }
0x7b2: {  	v0, _, _ =	vpop (xrf1)  }
0x7b3: {  	v2, _, _ =	vpop (xrf1)  }
0x7b4: {  	v0 =	vmax.f32 v0, v2  }
0x7b5: {  	(xrf1) =	vsort.dscd.msk.f32 $0xffff, v0, v0;
	_ =	sdelay $0xd  }
0x7b6: {  	v2, _, _ =	vpop (xrf1)  }
.LBB2_23:
0x7b7: {  	v0 =	vld [tilespmem:s29+$0x0];
	_ =	sdelay $0x4  }
0x7b8: {  	vm0 =	vge.f32 v0, v1  }
0x7b9: {  	v0 =	vsel vm0, $0x3F800000, v4  }
0x7ba: {  	(xrf0) =	vmax.scan.msk.f32 $0xffff, v0;
	_ =	sdelay $0x5  }
0x7bb: {  	v0, _, _ =	vpop (xrf0)  }
0x7bc: {  	(v2sf) =	vpush v0, $0xF;
	_ =	sdelay $0xe  }
0x7bd: {  	s30 =	spop (v2sf)  }
0x7be: {  	p0 =	sgt.f32 s30, $0.0e+00  }
.Ltmp19:
0x7bf: {  	_ = 	snop;
	(pc) =	sbr.rel @!p0 .LBB2_25-.Ltmp19, $1  }
0x7c0: {  	_ =	sdelay $0x3  }
0x7c1: {  	v0 =	vld [tilespmem:s28+$0x0];
	_ =	sdelay $0x4  }
0x7c2: {  	(xrf1) =	vsort.ascd.msk.f32 $0xffff, v0, v0;
	_ =	sdelay $0xb  }
0x7c3: {  	v0 =	vld [tilespmem:s28+$0x10];
	_ =	sdelay $0x1  }
0x7c4: {  	v3, _, _ =	vpop (xrf1)  }
0x7c5: {  	v2 =	vmax.f32 v2, v3  }
0x7c6: {  	(xrf1) =	vsort.dscd.msk.f32 $0xffff, v2, v2  }
0x7c7: {  	(xrf1) =	vsort.ascd.msk.f32 $0xffff, v0, v0;
	_ =	sdelay $0xb  }
0x7c8: {  	v0 =	vld [tilespmem:s28+$0x20]  }
0x7c9: {  	v2, _, _ =	vpop (xrf1)  }
0x7ca: {  	v3, _, _ =	vpop (xrf1)  }
0x7cb: {  	v2 =	vmax.f32 v2, v3  }
0x7cc: {  	(xrf1) =	vsort.dscd.msk.f32 $0xffff, v2, v2  }
0x7cd: {  	(xrf1) =	vsort.ascd.msk.f32 $0xffff, v0, v0;
	_ =	sdelay $0xb  }
0x7ce: {  	v0 =	vld [tilespmem:s28+$0x30]  }
0x7cf: {  	v2, _, _ =	vpop (xrf1)  }
0x7d0: {  	v3, _, _ =	vpop (xrf1)  }
0x7d1: {  	v2 =	vmax.f32 v2, v3  }
0x7d2: {  	(xrf1) =	vsort.dscd.msk.f32 $0xffff, v2, v2  }
0x7d3: {  	(xrf1) =	vsort.ascd.msk.f32 $0xffff, v0, v0;
	_ =	sdelay $0xb  }
0x7d4: {  	v0 =	vld [tilespmem:s28+$0x40]  }
0x7d5: {  	v2, _, _ =	vpop (xrf1)  }
0x7d6: {  	v3, _, _ =	vpop (xrf1)  }
0x7d7: {  	v2 =	vmax.f32 v2, v3  }
0x7d8: {  	(xrf1) =	vsort.dscd.msk.f32 $0xffff, v2, v2  }
0x7d9: {  	(xrf1) =	vsort.ascd.msk.f32 $0xffff, v0, v0;
	_ =	sdelay $0xb  }
0x7da: {  	v0 =	vld [tilespmem:s28+$0x50]  }
0x7db: {  	v2, _, _ =	vpop (xrf1)  }
0x7dc: {  	v3, _, _ =	vpop (xrf1)  }
0x7dd: {  	v2 =	vmax.f32 v2, v3  }
0x7de: {  	(xrf1) =	vsort.dscd.msk.f32 $0xffff, v2, v2  }
0x7df: {  	(xrf1) =	vsort.ascd.msk.f32 $0xffff, v0, v0;
	_ =	sdelay $0xb  }
0x7e0: {  	v0 =	vld [tilespmem:s28+$0x60]  }
0x7e1: {  	v2, _, _ =	vpop (xrf1)  }
0x7e2: {  	v3, _, _ =	vpop (xrf1)  }
0x7e3: {  	v2 =	vmax.f32 v2, v3  }
0x7e4: {  	(xrf1) =	vsort.dscd.msk.f32 $0xffff, v2, v2  }
0x7e5: {  	(xrf1) =	vsort.ascd.msk.f32 $0xffff, v0, v0;
	_ =	sdelay $0xb  }
0x7e6: {  	v0 =	vld [tilespmem:s28+$0x70]  }
0x7e7: {  	v2, _, _ =	vpop (xrf1)  }
0x7e8: {  	v3, _, _ =	vpop (xrf1)  }
0x7e9: {  	v2 =	vmax.f32 v2, v3  }
0x7ea: {  	(xrf1) =	vsort.dscd.msk.f32 $0xffff, v2, v2  }
0x7eb: {  	(xrf1) =	vsort.ascd.msk.f32 $0xffff, v0, v0;
	_ =	sdelay $0xb  }
0x7ec: {  	v0 =	vld [tilespmem:s28+$0x80]  }
0x7ed: {  	v2, _, _ =	vpop (xrf1)  }
0x7ee: {  	v3, _, _ =	vpop (xrf1)  }
0x7ef: {  	v2 =	vmax.f32 v2, v3  }
0x7f0: {  	(xrf1) =	vsort.dscd.msk.f32 $0xffff, v2, v2  }
0x7f1: {  	(xrf1) =	vsort.ascd.msk.f32 $0xffff, v0, v0;
	_ =	sdelay $0xb  }
0x7f2: {  	v0 =	vld [tilespmem:s28+$0x90]  }
0x7f3: {  	v2, _, _ =	vpop (xrf1)  }
0x7f4: {  	v3, _, _ =	vpop (xrf1)  }
0x7f5: {  	v2 =	vmax.f32 v2, v3  }
0x7f6: {  	(xrf1) =	vsort.dscd.msk.f32 $0xffff, v2, v2  }
0x7f7: {  	(xrf1) =	vsort.ascd.msk.f32 $0xffff, v0, v0;
	_ =	sdelay $0xb  }
0x7f8: {  	v0 =	vld [tilespmem:s28+$0xA0]  }
0x7f9: {  	v2, _, _ =	vpop (xrf1)  }
0x7fa: {  	v3, _, _ =	vpop (xrf1)  }
0x7fb: {  	v2 =	vmax.f32 v2, v3  }
0x7fc: {  	(xrf1) =	vsort.dscd.msk.f32 $0xffff, v2, v2  }
0x7fd: {  	(xrf1) =	vsort.ascd.msk.f32 $0xffff, v0, v0;
	_ =	sdelay $0xb  }
0x7fe: {  	v0 =	vld [tilespmem:s28+$0xB0]  }
0x7ff: {  	v2, _, _ =	vpop (xrf1)  }
0x800: {  	v3, _, _ =	vpop (xrf1)  }
0x801: {  	v2 =	vmax.f32 v2, v3  }
0x802: {  	(xrf1) =	vsort.dscd.msk.f32 $0xffff, v2, v2  }
0x803: {  	(xrf1) =	vsort.ascd.msk.f32 $0xffff, v0, v0;
	_ =	sdelay $0xb  }
0x804: {  	v0 =	vld [tilespmem:s28+$0xC0]  }
0x805: {  	v2, _, _ =	vpop (xrf1)  }
0x806: {  	v3, _, _ =	vpop (xrf1)  }
0x807: {  	v2 =	vmax.f32 v2, v3  }
0x808: {  	(xrf1) =	vsort.dscd.msk.f32 $0xffff, v2, v2  }
0x809: {  	(xrf1) =	vsort.ascd.msk.f32 $0xffff, v0, v0;
	_ =	sdelay $0xb  }
0x80a: {  	v0 =	vld [tilespmem:s28+$0xD0]  }
0x80b: {  	v2, _, _ =	vpop (xrf1)  }
0x80c: {  	v3, _, _ =	vpop (xrf1)  }
0x80d: {  	v2 =	vmax.f32 v2, v3  }
0x80e: {  	(xrf1) =	vsort.dscd.msk.f32 $0xffff, v2, v2  }
0x80f: {  	(xrf1) =	vsort.ascd.msk.f32 $0xffff, v0, v0;
	_ =	sdelay $0xb  }
0x810: {  	v0 =	vld [tilespmem:s28+$0xE0]  }
0x811: {  	v2, _, _ =	vpop (xrf1)  }
0x812: {  	v3, _, _ =	vpop (xrf1)  }
0x813: {  	v2 =	vmax.f32 v2, v3  }
0x814: {  	(xrf1) =	vsort.dscd.msk.f32 $0xffff, v2, v2  }
0x815: {  	(xrf1) =	vsort.ascd.msk.f32 $0xffff, v0, v0;
	_ =	sdelay $0xb  }
0x816: {  	v0 =	vld [tilespmem:s28+$0xF0]  }
0x817: {  	v2, _, _ =	vpop (xrf1)  }
0x818: {  	v3, _, _ =	vpop (xrf1)  }
0x819: {  	v2 =	vmax.f32 v2, v3  }
0x81a: {  	(xrf1) =	vsort.dscd.msk.f32 $0xffff, v2, v2  }
0x81b: {  	(xrf1) =	vsort.ascd.msk.f32 $0xffff, v0, v0;
	_ =	sdelay $0xc  }
0x81c: {  	v0, _, _ =	vpop (xrf1)  }
0x81d: {  	v2, _, _ =	vpop (xrf1)  }
0x81e: {  	v0 =	vmax.f32 v0, v2  }
0x81f: {  	(xrf1) =	vsort.dscd.msk.f32 $0xffff, v0, v0;
	_ =	sdelay $0xd  }
0x820: {  	v2, _, _ =	vpop (xrf1)  }
.LBB2_25:
0x821: {  	v0 =	vld [tilespmem:s29+$0x10];
	_ =	sdelay $0x4  }
0x822: {  	vm0 =	vge.f32 v0, v1  }
0x823: {  	v0 =	vsel vm0, $0x3F800000, v4  }
0x824: {  	(xrf0) =	vmax.scan.msk.f32 $0xffff, v0;
	_ =	sdelay $0x5  }
0x825: {  	v0, _, _ =	vpop (xrf0)  }
0x826: {  	(v2sf) =	vpush v0, $0xF;
	_ =	sdelay $0xe  }
0x827: {  	s30 =	spop (v2sf)  }
0x828: {  	p0 =	sgt.f32 s30, $0.0e+00  }
.Ltmp20:
0x829: {  	_ = 	snop;
	(pc) =	sbr.rel @!p0 .LBB2_27-.Ltmp20, $1  }
0x82a: {  	_ =	sdelay $0x3  }
0x82b: {  	v0 =	vld [tilespmem:s28+$0x100];
	_ =	sdelay $0x4  }
0x82c: {  	(xrf1) =	vsort.ascd.msk.f32 $0xffff, v0, v0;
	_ =	sdelay $0xb  }
0x82d: {  	v0 =	vld [tilespmem:s28+$0x110];
	_ =	sdelay $0x1  }
0x82e: {  	v3, _, _ =	vpop (xrf1)  }
0x82f: {  	v2 =	vmax.f32 v2, v3  }
0x830: {  	(xrf1) =	vsort.dscd.msk.f32 $0xffff, v2, v2  }
0x831: {  	(xrf1) =	vsort.ascd.msk.f32 $0xffff, v0, v0;
	_ =	sdelay $0xb  }
0x832: {  	v0 =	vld [tilespmem:s28+$0x120]  }
0x833: {  	v2, _, _ =	vpop (xrf1)  }
0x834: {  	v3, _, _ =	vpop (xrf1)  }
0x835: {  	v2 =	vmax.f32 v2, v3  }
0x836: {  	(xrf1) =	vsort.dscd.msk.f32 $0xffff, v2, v2  }
0x837: {  	(xrf1) =	vsort.ascd.msk.f32 $0xffff, v0, v0;
	_ =	sdelay $0xb  }
0x838: {  	v0 =	vld [tilespmem:s28+$0x130]  }
0x839: {  	v2, _, _ =	vpop (xrf1)  }
0x83a: {  	v3, _, _ =	vpop (xrf1)  }
0x83b: {  	v2 =	vmax.f32 v2, v3  }
0x83c: {  	(xrf1) =	vsort.dscd.msk.f32 $0xffff, v2, v2  }
0x83d: {  	(xrf1) =	vsort.ascd.msk.f32 $0xffff, v0, v0;
	_ =	sdelay $0xb  }
0x83e: {  	v0 =	vld [tilespmem:s28+$0x140]  }
0x83f: {  	v2, _, _ =	vpop (xrf1)  }
0x840: {  	v3, _, _ =	vpop (xrf1)  }
0x841: {  	v2 =	vmax.f32 v2, v3  }
0x842: {  	(xrf1) =	vsort.dscd.msk.f32 $0xffff, v2, v2  }
0x843: {  	(xrf1) =	vsort.ascd.msk.f32 $0xffff, v0, v0;
	_ =	sdelay $0xb  }
0x844: {  	v0 =	vld [tilespmem:s28+$0x150]  }
0x845: {  	v2, _, _ =	vpop (xrf1)  }
0x846: {  	v3, _, _ =	vpop (xrf1)  }
0x847: {  	v2 =	vmax.f32 v2, v3  }
0x848: {  	(xrf1) =	vsort.dscd.msk.f32 $0xffff, v2, v2  }
0x849: {  	(xrf1) =	vsort.ascd.msk.f32 $0xffff, v0, v0;
	_ =	sdelay $0xb  }
0x84a: {  	v0 =	vld [tilespmem:s28+$0x160]  }
0x84b: {  	v2, _, _ =	vpop (xrf1)  }
0x84c: {  	v3, _, _ =	vpop (xrf1)  }
0x84d: {  	v2 =	vmax.f32 v2, v3  }
0x84e: {  	(xrf1) =	vsort.dscd.msk.f32 $0xffff, v2, v2  }
0x84f: {  	(xrf1) =	vsort.ascd.msk.f32 $0xffff, v0, v0;
	_ =	sdelay $0xb  }
0x850: {  	v0 =	vld [tilespmem:s28+$0x170]  }
0x851: {  	v2, _, _ =	vpop (xrf1)  }
0x852: {  	v3, _, _ =	vpop (xrf1)  }
0x853: {  	v2 =	vmax.f32 v2, v3  }
0x854: {  	(xrf1) =	vsort.dscd.msk.f32 $0xffff, v2, v2  }
0x855: {  	(xrf1) =	vsort.ascd.msk.f32 $0xffff, v0, v0;
	_ =	sdelay $0xb  }
0x856: {  	v0 =	vld [tilespmem:s28+$0x180]  }
0x857: {  	v2, _, _ =	vpop (xrf1)  }
0x858: {  	v3, _, _ =	vpop (xrf1)  }
0x859: {  	v2 =	vmax.f32 v2, v3  }
0x85a: {  	(xrf1) =	vsort.dscd.msk.f32 $0xffff, v2, v2  }
0x85b: {  	(xrf1) =	vsort.ascd.msk.f32 $0xffff, v0, v0;
	_ =	sdelay $0xb  }
0x85c: {  	v0 =	vld [tilespmem:s28+$0x190]  }
0x85d: {  	v2, _, _ =	vpop (xrf1)  }
0x85e: {  	v3, _, _ =	vpop (xrf1)  }
0x85f: {  	v2 =	vmax.f32 v2, v3  }
0x860: {  	(xrf1) =	vsort.dscd.msk.f32 $0xffff, v2, v2  }
0x861: {  	(xrf1) =	vsort.ascd.msk.f32 $0xffff, v0, v0;
	_ =	sdelay $0xb  }
0x862: {  	v0 =	vld [tilespmem:s28+$0x1A0]  }
0x863: {  	v2, _, _ =	vpop (xrf1)  }
0x864: {  	v3, _, _ =	vpop (xrf1)  }
0x865: {  	v2 =	vmax.f32 v2, v3  }
0x866: {  	(xrf1) =	vsort.dscd.msk.f32 $0xffff, v2, v2  }
0x867: {  	(xrf1) =	vsort.ascd.msk.f32 $0xffff, v0, v0;
	_ =	sdelay $0xb  }
0x868: {  	v0 =	vld [tilespmem:s28+$0x1B0]  }
0x869: {  	v2, _, _ =	vpop (xrf1)  }
0x86a: {  	v3, _, _ =	vpop (xrf1)  }
0x86b: {  	v2 =	vmax.f32 v2, v3  }
0x86c: {  	(xrf1) =	vsort.dscd.msk.f32 $0xffff, v2, v2  }
0x86d: {  	(xrf1) =	vsort.ascd.msk.f32 $0xffff, v0, v0;
	_ =	sdelay $0xb  }
0x86e: {  	v0 =	vld [tilespmem:s28+$0x1C0]  }
0x86f: {  	v2, _, _ =	vpop (xrf1)  }
0x870: {  	v3, _, _ =	vpop (xrf1)  }
0x871: {  	v2 =	vmax.f32 v2, v3  }
0x872: {  	(xrf1) =	vsort.dscd.msk.f32 $0xffff, v2, v2  }
0x873: {  	(xrf1) =	vsort.ascd.msk.f32 $0xffff, v0, v0;
	_ =	sdelay $0xb  }
0x874: {  	v0 =	vld [tilespmem:s28+$0x1D0]  }
0x875: {  	v2, _, _ =	vpop (xrf1)  }
0x876: {  	v3, _, _ =	vpop (xrf1)  }
0x877: {  	v2 =	vmax.f32 v2, v3  }
0x878: {  	(xrf1) =	vsort.dscd.msk.f32 $0xffff, v2, v2  }
0x879: {  	(xrf1) =	vsort.ascd.msk.f32 $0xffff, v0, v0;
	_ =	sdelay $0xb  }
0x87a: {  	v0 =	vld [tilespmem:s28+$0x1E0]  }
0x87b: {  	v2, _, _ =	vpop (xrf1)  }
0x87c: {  	v3, _, _ =	vpop (xrf1)  }
0x87d: {  	v2 =	vmax.f32 v2, v3  }
0x87e: {  	(xrf1) =	vsort.dscd.msk.f32 $0xffff, v2, v2  }
0x87f: {  	(xrf1) =	vsort.ascd.msk.f32 $0xffff, v0, v0;
	_ =	sdelay $0xb  }
0x880: {  	v0 =	vld [tilespmem:s28+$0x1F0]  }
0x881: {  	v2, _, _ =	vpop (xrf1)  }
0x882: {  	v3, _, _ =	vpop (xrf1)  }
0x883: {  	v2 =	vmax.f32 v2, v3  }
0x884: {  	(xrf1) =	vsort.dscd.msk.f32 $0xffff, v2, v2  }
0x885: {  	(xrf1) =	vsort.ascd.msk.f32 $0xffff, v0, v0;
	_ =	sdelay $0xc  }
0x886: {  	v0, _, _ =	vpop (xrf1)  }
0x887: {  	v2, _, _ =	vpop (xrf1)  }
0x888: {  	v0 =	vmax.f32 v0, v2  }
0x889: {  	(xrf1) =	vsort.dscd.msk.f32 $0xffff, v0, v0;
	_ =	sdelay $0x9  }
.Ltmp21:
0x88a: {  	_ = 	snop;
	(pc) =	sbr.rel .LBB2_27-.Ltmp21, $2  }
0x88b: {  	_ =	sdelay $0x2  }
0x88c: {  	v2, _, _ =	vpop (xrf1)  }
.LBB2_30:
0x88d: {  	_ =	sfence.sel $0x180000  }
0x88e: {  	[bflag:$0x0] =	sbarrier.arrive $0xFFFF  }
0x88f: {  	p0 =	sne.s32 s0, $0x0;
	_ =	strace $0x90000047  }
0x890: {  	s0 =	sadd.s32 @!p0 $0x100000, s1;
	[bflag:$0x2] =	sbarrier.arrive $0xFFFF  }
0x891: {  	[sflag:s0] =	ssyncadd.tile.s32 @!p0 $0x1;
	_ =	shalt  }
.Lfunc_end2:
_tile_overlayer_lowered:
.L_overlay_start_2:
0x892: {  	(tag) =	ssettag $0x2  }
0x893: {  	s0 =	rddreg [dreg:$0x0];
	s2 =	stileid.u32  }
0x894: {  	s1 =	rddreg [dreg:$0x1];
	p0 =	sne.s32 s2, $0x0  }
0x895: {  	s3 =	rddreg [dreg:$0x2];
	[bflag:$0x3] =	sbarrier.arrive $0xFFFF;
	s2 =	simm.s32 @!p0 $0x1C03  }
0x896: {  	[timem:s3], [sflag:s2] =	dma.local @!p0 [hbm:s0], s1  }
0x897: {  	s0 =	simm.s32 @!p0 $0x3  }
0x898: {  	_ =	swait.ge @!p0 [sflag:s0], s1  }
0x899: {  	s1 =	ssub.s32 @!p0 $0x0, s1;
	[sflag:s0] =	ssyncset.done @!p0 $0x0  }
0x89a: {  	[sflag:s0] =	ssyncadd.s32 @!p0 s1  }
0x89b: {  	[bflag:$0x3] =	sbarrier.arrive $0xFFFF  }
0x89c: {  	_ =	shalt  }

</sc_bundles>
